<compile_context>
chip_gen: v7x
topology: tpu7x:2x2x1
jax: 0.10.2.dev20260603
libtpu: 0.0.44.dev20260713+nightly
codegen_flags: <defaults>
</compile_context>

<pallas_src>
import functools

import jax
import jax.numpy as jnp
from jax import lax
from jax.experimental import pallas as pl
from jax.experimental.pallas import tpu as pltpu
from jax.experimental.pallas import tpu_sc as plsc

H = 256
F32 = jnp.float32

_NCORES = 2
_NSUB = 16
_NW = _NCORES * _NSUB


def _dot(a, b):
    return jax.lax.dot_general(a, b, (((1,), (0,)), ((), ())),
                               preferred_element_type=F32)


def _leaky(x):
    return jnp.where(x >= 0, x, 0.2 * x)



def _node_pre_body(nfgc, nfgn, nfgc1, nfgn1,
                   wc, bc, wn, bn,
                   wca, bca, wcb, bcb, wna, bna, wnb, bnb,
                   xgc1_o, xgn1_o, xgc_o, xgn_o):
    xgc1_o[...] = _dot(nfgc1[...], wc[...]) + bc[...]
    xgn1_o[...] = _dot(nfgn1[...], wn[...]) + bn[...]
    x = nfgc[...]
    xgc_o[...] = _dot(_dot(x, wca[...]) + bca[...], wcb[...]) + bcb[...] + x
    x = nfgn[...]
    xgn_o[...] = _dot(_dot(x, wna[...]) + bna[...], wnb[...]) + bnb[...] + x


def _node_pre(nfgc, nfgn, nfgc1, nfgn1, ws, N):
    B = 1000
    row = pl.BlockSpec((B, H), lambda i: (i, 0))
    wsp = pl.BlockSpec((H, H), lambda i: (0, 0))
    bsp = pl.BlockSpec((1, H), lambda i: (0, 0))
    n_w = len(ws)
    return pl.pallas_call(
        _node_pre_body,
        grid=(N // B,),
        in_specs=[row] * 4 + [wsp, bsp] * (n_w // 2),
        out_specs=[row] * 4,
        out_shape=[jax.ShapeDtypeStruct((N, H), F32)] * 4,
    )(nfgc, nfgn, nfgc1, nfgn1, *ws)



@functools.lru_cache(maxsize=None)
def _make_gather(E):
    epw = E // _NW
    C = 200
    nch = epw // C
    mesh = plsc.VectorSubcoreMesh(core_axis_name="c", subcore_axis_name="s")

    @functools.partial(
        pl.kernel, mesh=mesh,
        out_type=(jax.ShapeDtypeStruct((E, H), F32),
                  jax.ShapeDtypeStruct((E, H), F32)),
        scratch_types=[
            pltpu.VMEM((epw,), jnp.int32),
            pltpu.VMEM((epw,), jnp.int32),
            pltpu.VMEM((C, H), F32),
            pltpu.VMEM((C, H), F32),
            pltpu.SemaphoreType.DMA,
            pltpu.SemaphoreType.DMA,
        ],
    )
    def k(xsrc, xdst, sidx, didx, osrc, odst, siv, div, bufs, bufd, sem1, sem2):
        wid = lax.axis_index("s") * _NCORES + lax.axis_index("c")
        base = wid * epw
        pltpu.sync_copy(sidx.at[pl.ds(base, epw)], siv)
        pltpu.sync_copy(didx.at[pl.ds(base, epw)], div)

        def body(i, carry):
            off = i * C
            cs = pltpu.async_copy(xsrc.at[siv.at[pl.ds(off, C)]], bufs, sem1)
            cd = pltpu.async_copy(xdst.at[div.at[pl.ds(off, C)]], bufd, sem2)
            cs.wait()
            pltpu.sync_copy(bufs, osrc.at[pl.ds(base + off, C)])
            cd.wait()
            pltpu.sync_copy(bufd, odst.at[pl.ds(base + off, C)])
            return carry

        lax.fori_loop(0, nch, body, 0)

    return k



def _dot_t(a, b):
    return jax.lax.dot_general(a, b, (((0,), (0,)), ((), ())),
                               preferred_element_type=F32)


def _edge_mlp_body(src, dst, w1s, w1d, b1, wk2, bk, w2a, b2a, w2b, b2bc,
                   f1_o, f2t_o):
    h = _dot(src[...], w1s[...]) + _dot(dst[...], w1d[...]) + b1[...]
    h = _leaky(h)
    kv = jax.nn.sigmoid(_dot(h, wk2[...]) + bk[...])
    f1_o[...] = (_dot(h, w2a[...]) + b2a[...]) * kv
    kv_row = jax.nn.sigmoid(
        jax.lax.dot_general(wk2[...], h, (((0,), (1,)), ((), ())))
        + bk[...])
    f2t_o[...] = (jax.lax.dot_general(w2b[...], h, (((1,), (1,)), ((), ())))
                  + b2bc[...]) * kv_row


def _edge_mlp(src_g, dst_g, mp, E):
    B = 1280
    W1, b1 = mp['l1']
    W2, b2 = mp['l2']
    w1s = W1[:, :H].T
    w1d = W1[:, H:].T
    wk2 = W2[0].reshape(2 * H, 1)
    bk = b2[0].reshape(1, 1)
    w2a = W2[1:1 + H].T
    b2a = b2[1:1 + H].reshape(1, H)
    w2b = W2[1 + H:]
    b2bc = b2[1 + H:].reshape(H, 1)

    row = pl.BlockSpec((B, H), lambda i: (i, 0))
    colt = pl.BlockSpec((H, B), lambda i: (0, i))
    c = lambda shape: pl.BlockSpec(shape, lambda i: (0,) * len(shape))
    return pl.pallas_call(
        _edge_mlp_body,
        grid=(E // B,),
        in_specs=[row, row,
                  c((H, 2 * H)), c((H, 2 * H)), c((1, 2 * H)),
                  c((2 * H, 1)), c((1, 1)),
                  c((2 * H, H)), c((1, H)), c((H, 2 * H)), c((H, 1))],
        out_specs=[row, colt],
        out_shape=[jax.ShapeDtypeStruct((E, H), F32),
                   jax.ShapeDtypeStruct((H, E), F32)],
    )(src_g, dst_g, w1s, w1d, b1.reshape(1, 2 * H), wk2, bk,
      w2a, b2a, w2b, b2bc)



@functools.lru_cache(maxsize=None)
def _make_segsum(E, N):
    eps = E // _NSUB
    C = 200
    nch = eps // C
    NPAD = 10240
    ZR = NPAD // _NSUB
    RO = (N // _NSUB) // 8 * 8
    HH = H // 2
    mesh = plsc.VectorSubcoreMesh(core_axis_name="c", subcore_axis_name="s")

    @functools.partial(
        pl.kernel, mesh=mesh,
        out_type=jax.ShapeDtypeStruct((N, H), F32),
        scratch_types=[
            pltpu.VMEM_SHARED((NPAD, HH), F32),
            pltpu.VMEM((128, HH), F32),
            pltpu.VMEM((C,), jnp.int32),
            pltpu.VMEM((C, HH), F32),
        ],
    )
    def k(vals, didx, out, acc, zbuf, idxv, buf):
        ci = lax.axis_index("c")
        s = lax.axis_index("s")

        def zrow(i, carry):
            for j in range(HH // 16):
                zbuf[i, pl.ds(j * 16, 16)] = jnp.zeros((16,), F32)
            return carry
        lax.fori_loop(0, 128, zrow, 0)

        for t in range(ZR // 128):
            pltpu.sync_copy(zbuf, acc.at[pl.ds(s * ZR + t * 128, 128)])
        plsc.subcore_barrier()

        def body(i, carry):
            off = s * eps + i * C
            pltpu.sync_copy(didx.at[pl.ds(off, C)], idxv)
            pltpu.sync_copy(vals.at[pl.ds(off, C), pl.ds(ci * HH, HH)], buf)
            pltpu.sync_copy(buf, acc.at[idxv], add=True)
            return carry
        lax.fori_loop(0, nch, body, 0)

        plsc.subcore_barrier()
        pltpu.sync_copy(acc.at[pl.ds(s * RO, RO)],
                        out.at[pl.ds(s * RO, RO), pl.ds(ci * HH, HH)])

        @pl.when(s == 0)
        def _():
            pltpu.sync_copy(acc.at[pl.ds(_NSUB * RO, N - _NSUB * RO)],
                            out.at[pl.ds(_NSUB * RO, N - _NSUB * RO),
                                   pl.ds(ci * HH, HH)])

    return k



@functools.lru_cache(maxsize=None)
def _make_segmax(E, N, NPADT):
    NH = NPADT // 2
    C = 1280
    nch = E // C
    mesh = plsc.VectorSubcoreMesh(core_axis_name="c", subcore_axis_name="s")

    @functools.partial(
        pl.kernel, mesh=mesh,
        out_type=jax.ShapeDtypeStruct((H, NPADT), F32),
        compiler_params=pltpu.CompilerParams(needs_layout_passes=False),
        scratch_types=[
            pltpu.VMEM((16, NH), F32),
            pltpu.VMEM((C,), jnp.int32),
            pltpu.VMEM((16, C), F32),
        ],
    )
    def k(valst, didx, out, acc, idxv, buf):
        ci = lax.axis_index("c")
        s = lax.axis_index("s")
        lo = ci * NH
        l16 = lax.iota(jnp.int32, 16)

        neg = jnp.full((16,), -jnp.inf, F32)

        def init(i, carry):
            for r in range(16):
                acc[r, pl.ds(i * 16, 16)] = neg
            return carry
        lax.fori_loop(0, NH // 16, init, 0)

        def chunk(i, carry):
            off = i * C
            pltpu.sync_copy(didx.at[pl.ds(off, C)], idxv)
            pltpu.sync_copy(valst.at[pl.ds(s * 16, 16), pl.ds(off, C)], buf)

            def grp(j, c2):
                dl = idxv[pl.ds(j * 16, 16)] - lo
                for kk in range(16):
                    dk = dl[kk]

                    @pl.when((dk >= 0) & (dk < NH))
                    def _():
                        col = jnp.full((16,), dk, jnp.int32)
                        v = plsc.load_gather(
                            buf, [l16, jnp.full((16,), j * 16 + kk,
                                                jnp.int32)])
                        a = plsc.load_gather(acc, [l16, col])
                        plsc.store_scatter(acc, [l16, col],
                                           jnp.maximum(a, v))
                return c2
            lax.fori_loop(0, C // 16, grp, 0)
            return carry
        lax.fori_loop(0, nch, chunk, 0)

        pltpu.sync_copy(acc, out.at[pl.ds(s * 16, 16), pl.ds(lo, NH)])

    return k



def _fix_t_body(mt_in, m_out):
    mxt = mt_in[...]
    m_out[...] = jnp.where(mxt == -jnp.inf, 0.0, mxt).T


def _fix_t(mt, NPADT):
    B = 1280
    return pl.pallas_call(
        _fix_t_body,
        grid=(NPADT // B,),
        in_specs=[pl.BlockSpec((H, B), lambda i: (0, i))],
        out_specs=pl.BlockSpec((B, H), lambda i: (i, 0)),
        out_shape=jax.ShapeDtypeStruct((NPADT, H), F32),
    )(mt)


def _node_mid_body(xgn, ssum, smax, xgn1, xgc,
                   wr1, wr2, wr3, br, wg, bg, wp1, wp2, bp,
                   wna, bna, wnb, bnb, wca, bca, wcb, bcb,
                   xgn_o, xgc_o):
    x = xgn[...]
    nx = (_dot(x, wr1[...]) + _dot(ssum[...], wr2[...])
          + _dot(smax[...], wr3[...]) + br[...])
    nx = _dot(nx, wg[...]) + bg[...]
    x = x + _dot(nx, wp1[...]) + _dot(xgn1[...], wp2[...]) + bp[...]
    xgn_o[...] = _dot(_dot(x, wna[...]) + bna[...], wnb[...]) + bnb[...] + x
    x = xgc[...]
    xgc_o[...] = _dot(_dot(x, wca[...]) + bca[...], wcb[...]) + bcb[...] + x


def _node_mid(xgn, ssum, smax, xgn1, xgc, ws, N):
    B = 1000
    row = pl.BlockSpec((B, H), lambda i: (i, 0))
    specs = []
    for w in ws:
        specs.append(pl.BlockSpec(w.shape, lambda i: (0, 0)))
    return pl.pallas_call(
        _node_mid_body,
        grid=(N // B,),
        in_specs=[row] * 5 + specs,
        out_specs=[row, row],
        out_shape=[jax.ShapeDtypeStruct((N, H), F32)] * 2,
    )(xgn, ssum, smax, xgn1, xgc, *ws)



def _node_post_body(xgc, ssum, smax, xgc1,
                    wr1, wr2, wr3, br, wg, bg, wp1, wp2, bp,
                    xgc_o):
    x = xgc[...]
    nx = (_dot(x, wr1[...]) + _dot(ssum[...], wr2[...])
          + _dot(smax[...], wr3[...]) + br[...])
    nx = _dot(nx, wg[...]) + bg[...]
    xgc_o[...] = x + _dot(nx, wp1[...]) + _dot(xgc1[...], wp2[...]) + bp[...]


def _node_post(xgc, ssum, smax, xgc1, ws, N):
    B = 1000
    row = pl.BlockSpec((B, H), lambda i: (i, 0))
    specs = [pl.BlockSpec(w.shape, lambda i: (0, 0)) for w in ws]
    return pl.pallas_call(
        _node_post_body,
        grid=(N // B,),
        in_specs=[row] * 4 + specs,
        out_specs=row,
        out_shape=jax.ShapeDtypeStruct((N, H), F32),
    )(xgc, ssum, smax, xgc1, *ws)




def _lin_t(p):
    return p[0].T, p[1].reshape(1, -1)


def kernel(nf_gc, nf_gn, nf_gc_in1, nf_gn_in1, edge_c2n, edge_n2c, params):
    p = params
    NC = nf_gc.shape[0]
    NN = nf_gn.shape[0]
    E = edge_c2n.shape[1]

    wc, bc = _lin_t(p['gc_in1'])
    wn, bn = _lin_t(p['gn_in1'])
    wca, bca = _lin_t(p['res_gc_1']['l1'])
    wcb, bcb = _lin_t(p['res_gc_1']['l2'])
    wna, bna = _lin_t(p['res_gn_1']['l1'])
    wnb, bnb = _lin_t(p['res_gn_1']['l2'])
    xgc1, xgn1, xgc, xgn = _node_pre(
        nf_gc, nf_gn, nf_gc_in1, nf_gn_in1,
        (wc, bc, wn, bn, wca, bca, wcb, bcb, wna, bna, wnb, bnb), NC)

    NPADT = 10240
    src_g, dst_g = _make_gather(E)(xgc, xgn, edge_c2n[0], edge_c2n[1])
    f1, f2t = _edge_mlp(src_g, dst_g, p['msg_c2n'], E)
    s1 = _make_segsum(E, NN)(f1, edge_c2n[1])
    m1 = _fix_t(_make_segmax(E, NN, NPADT)(f2t, edge_c2n[1]), NPADT)

    Wr, br = p['red_c2n']
    wg, bg = _lin_t(p['Gcn'])
    Wp, bp = p['postCatGcn']
    w2na, b2na = _lin_t(p['res_gn_2']['l1'])
    w2nb, b2nb = _lin_t(p['res_gn_2']['l2'])
    w2ca, b2ca = _lin_t(p['res_gc_2']['l1'])
    w2cb, b2cb = _lin_t(p['res_gc_2']['l2'])
    mid_ws = (Wr[:, :H].T, Wr[:, H:2 * H].T, Wr[:, 2 * H:].T,
              br.reshape(1, H), wg, bg,
              Wp[:, :H].T, Wp[:, H:].T, bp.reshape(1, H),
              w2na, b2na, w2nb, b2nb, w2ca, b2ca, w2cb, b2cb)
    xgn2, xgc2 = _node_mid(xgn, s1, m1, xgn1, xgc, mid_ws, NN)

    src_g2, dst_g2 = _make_gather(E)(xgn2, xgc2, edge_n2c[0], edge_n2c[1])
    f1b, f2tb = _edge_mlp(src_g2, dst_g2, p['msg_n2c'], E)
    s2 = _make_segsum(E, NC)(f1b, edge_n2c[1])
    m2 = _fix_t(_make_segmax(E, NC, NPADT)(f2tb, edge_n2c[1]), NPADT)

    Wr2, br2 = p['red_n2c']
    wg2, bg2 = _lin_t(p['Gnc'])
    Wp2, bp2 = p['postCatGnc']
    post_ws = (Wr2[:, :H].T, Wr2[:, H:2 * H].T, Wr2[:, 2 * H:].T,
               br2.reshape(1, H), wg2, bg2,
               Wp2[:, :H].T, Wp2[:, H:].T, bp2.reshape(1, H))
    xgc_out = _node_post(xgc2, s2, m2, xgc1, post_ws, NC)

    return (xgc_out, xgn2)

# --- scband reference (transcript-rebuilt; emitter-appended) ---
"""Pipeline reference for scband-hyper-mp-block-4879082848673 (READ-ONLY COPY).

The authoritative reference and input builder live on the scoring server;
editing this copy changes nothing except your own understanding.
"""

import jax, jax.numpy as jnp
import numpy as np

H = 256
NC = 10000
NN = 10000
E = 160000


def _mk_lin(key, din, dout):
    kw, kb = jax.random.split(key)
    W = jax.random.normal(kw, (dout, din), jnp.float32) * 0.02
    b = jnp.zeros((dout,), jnp.float32)
    return (W, b)


def _lin(p, x):
    return x @ p[0].T + p[1]


def _res(p, x):
    return _lin(p['l2'], _lin(p['l1'], x)) + x


def _mlp_msg(p, x):
    h = jax.nn.leaky_relu(_lin(p['l1'], x), negative_slope=0.2)
    return _lin(p['l2'], h)


def _seg_max0(data, ids, n):
    m = jax.ops.segment_max(data, ids, num_segments=n)
    return jnp.where(jnp.isneginf(m), 0.0, m)


def setup_inputs(seed: int = 0) -> dict:
    key = jax.random.key(seed)
    ks = jax.random.split(key, 32)
    params = {
        'gc_in1': _mk_lin(ks[0], H, H),
        'gn_in1': _mk_lin(ks[1], H, H),
        'Gcn': _mk_lin(ks[2], H, H),
        'postCatGcn': _mk_lin(ks[3], 2 * H, H),
        'Gnc': _mk_lin(ks[4], H, H),
        'postCatGnc': _mk_lin(ks[5], 2 * H, H),
        'res_gc_1': {'l1': _mk_lin(ks[6], H, H), 'l2': _mk_lin(ks[7], H, H)},
        'res_gn_1': {'l1': _mk_lin(ks[8], H, H), 'l2': _mk_lin(ks[9], H, H)},
        'res_gc_2': {'l1': _mk_lin(ks[10], H, H), 'l2': _mk_lin(ks[11], H, H)},
        'res_gn_2': {'l1': _mk_lin(ks[12], H, H), 'l2': _mk_lin(ks[13], H, H)},
        'msg_c2n': {'l1': _mk_lin(ks[14], 2 * H, 2 * H), 'l2': _mk_lin(ks[15], 2 * H, 2 * H + 1)},
        'red_c2n': _mk_lin(ks[16], 3 * H, H),
        'msg_n2c': {'l1': _mk_lin(ks[17], 2 * H, 2 * H), 'l2': _mk_lin(ks[18], 2 * H, 2 * H + 1)},
        'red_n2c': _mk_lin(ks[19], 3 * H, H),
    }
    return {
        'nf_gc': jax.random.normal(ks[20], (NC, H), jnp.float32),
        'nf_gn': jax.random.normal(ks[21], (NN, H), jnp.float32),
        'nf_gc_in1': jax.random.normal(ks[22], (NC, H), jnp.float32),
        'nf_gn_in1': jax.random.normal(ks[23], (NN, H), jnp.float32),
        'edge_c2n': jax.random.randint(ks[24], (2, E), 0, NC, dtype=jnp.int32),
        'edge_n2c': jax.random.randint(ks[25], (2, E), 0, NN, dtype=jnp.int32),
        'params': params,
    }


def reference(nf_gc, nf_gn, nf_gc_in1, nf_gn_in1, edge_c2n, edge_n2c, params):
    x_gc_in1 = _lin(params['gc_in1'], nf_gc_in1)
    x_gn_in1 = _lin(params['gn_in1'], nf_gn_in1)
    x_gc = _res(params['res_gc_1'], nf_gc)
    x_gn = _res(params['res_gn_1'], nf_gn)
    # c2n message passing: gc (src) -> gn (dst)
    src = x_gc[edge_c2n[0]]
    dst = x_gn[edge_c2n[1]]
    m = _mlp_msg(params['msg_c2n'], jnp.concatenate([src, dst], axis=1))
    k = jax.nn.sigmoid(m[:, :1])
    f1 = m[:, 1:1 + H] * k
    f2 = m[:, 1 + H:] * k
    nfno1 = jax.ops.segment_sum(f1, edge_c2n[1], num_segments=NN)
    nfno2 = _seg_max0(f2, edge_c2n[1], NN)
    new_x = _lin(params['red_c2n'], jnp.concatenate([x_gn, nfno1, nfno2], axis=1))
    new_x = _lin(params['Gcn'], new_x)
    x_gn = x_gn + _lin(params['postCatGcn'], jnp.concatenate([new_x, x_gn_in1], axis=1))
    x_gn = _res(params['res_gn_2'], x_gn)
    x_gc = _res(params['res_gc_2'], x_gc)
    # n2c message passing: gn (src) -> gc (dst)
    src = x_gn[edge_n2c[0]]
    dst = x_gc[edge_n2c[1]]
    m = _mlp_msg(params['msg_n2c'], jnp.concatenate([src, dst], axis=1))
    k = jax.nn.sigmoid(m[:, :1])
    f1 = m[:, 1:1 + H] * k
    f2 = m[:, 1 + H:] * k
    nfco1 = jax.ops.segment_sum(f1, edge_n2c[1], num_segments=NC)
    nfco2 = _seg_max0(f2, edge_n2c[1], NC)
    new_x = _lin(params['red_n2c'], jnp.concatenate([x_gc, nfco1, nfco2], axis=1))
    new_x = _lin(params['Gnc'], new_x)
    x_gc = x_gc + _lin(params['postCatGnc'], jnp.concatenate([new_x, x_gc_in1], axis=1))
    return (x_gc, x_gn)

if __name__ == "__main__":
    import jax
    _d = setup_inputs()
    print(jax.jit(kernel)(*tuple(_d.values())))

</pallas_src>

<mosaic_0001>
#map = affine_map<(d0, d1) -> (0, 0)>
#map1 = affine_map<(d0, d1) -> (0)>
module attributes {stable_mosaic.version = 14 : i64} {
  func.func @k(%arg0: i32, %arg1: i32, %arg2: memref<10000x256xf32, #tpu.memory_space<hbm>>, %arg3: memref<10000x256xf32, #tpu.memory_space<hbm>>, %arg4: memref<160000xi32, #tpu.memory_space<hbm>>, %arg5: memref<160000xi32, #tpu.memory_space<hbm>>, %arg6: memref<160000x256xf32, #tpu.memory_space<hbm>>, %arg7: memref<160000x256xf32, #tpu.memory_space<hbm>>, %arg8: memref<5000xi32, #tpu.memory_space<vmem>>, %arg9: memref<5000xi32, #tpu.memory_space<vmem>>, %arg10: memref<200x256xf32, #tpu.memory_space<vmem>>, %arg11: memref<200x256xf32, #tpu.memory_space<vmem>>, %arg12: memref<!tpu.dma_semaphore, #tpu.memory_space<semaphore_mem>>, %arg13: memref<!tpu.dma_semaphore, #tpu.memory_space<semaphore_mem>>) attributes {dimension_semantics = [#tpu.dimension_semantics<core_parallel>, #tpu.dimension_semantics<subcore_parallel>], iteration_bounds = array<i64: 2, 16>, scalar_prefetch = 0 : i64, scratch_operands = 6 : i64, tpu.core_type = #tpu.core_type<sc_vector_subcore>, window_params = [{transform_indices = #map}, {transform_indices = #map}, {transform_indices = #map1}, {transform_indices = #map1}, {transform_indices = #map}, {transform_indices = #map}]} {
    %mul3A = arith.constant 2 : i32
    %mul3A_0 = arith.muli %arg1, %mul3A : i32
    %add3A = arith.addi %mul3A_0, %arg0 : i32
    %mul3A_1 = arith.constant 5000 : i32
    %mul3A_2 = arith.muli %add3A, %mul3A_1 : i32
    "tpu.region"() ({
      %run_scoped3A = tpu.sem_alloc : memref<!tpu.dma_semaphore, #tpu.memory_space<semaphore_mem>>
      %dma_start3A = tpu.memref_slice %arg4[%mul3A_2] : memref<160000xi32, #tpu.memory_space<hbm>> -> memref<5000xi32, #tpu.memory_space<hbm>>
      %dma_start3A_8 = tpu.memref_slice %arg4[%mul3A_2] : memref<160000xi32, #tpu.memory_space<hbm>> -> memref<5000xi32, #tpu.memory_space<hbm>>
      tpu.enqueue_dma source(%dma_start3A_8 : memref<5000xi32, #tpu.memory_space<hbm>>) target(%arg8 : memref<5000xi32, #tpu.memory_space<vmem>>) target_semaphore(%run_scoped3A : memref<!tpu.dma_semaphore, #tpu.memory_space<semaphore_mem>>)
      %dma_wait3A = tpu.memref_slice %arg4[%mul3A_2] : memref<160000xi32, #tpu.memory_space<hbm>> -> memref<5000xi32, #tpu.memory_space<hbm>>
      %dma_wait3A_9 = tpu.memref_slice %arg4[%mul3A_2] : memref<160000xi32, #tpu.memory_space<hbm>> -> memref<5000xi32, #tpu.memory_space<hbm>>
      tpu.wait_dma2 semaphore(%run_scoped3A : memref<!tpu.dma_semaphore, #tpu.memory_space<semaphore_mem>>) src(%dma_wait3A_9 : memref<5000xi32, #tpu.memory_space<hbm>>) dst(%arg8 : memref<5000xi32, #tpu.memory_space<vmem>>)
      tpu.yield
    }) : () -> ()
    "tpu.region"() ({
      %run_scoped3A = tpu.sem_alloc : memref<!tpu.dma_semaphore, #tpu.memory_space<semaphore_mem>>
      %dma_start3A = tpu.memref_slice %arg5[%mul3A_2] : memref<160000xi32, #tpu.memory_space<hbm>> -> memref<5000xi32, #tpu.memory_space<hbm>>
      %dma_start3A_8 = tpu.memref_slice %arg5[%mul3A_2] : memref<160000xi32, #tpu.memory_space<hbm>> -> memref<5000xi32, #tpu.memory_space<hbm>>
      tpu.enqueue_dma source(%dma_start3A_8 : memref<5000xi32, #tpu.memory_space<hbm>>) target(%arg9 : memref<5000xi32, #tpu.memory_space<vmem>>) target_semaphore(%run_scoped3A : memref<!tpu.dma_semaphore, #tpu.memory_space<semaphore_mem>>)
      %dma_wait3A = tpu.memref_slice %arg5[%mul3A_2] : memref<160000xi32, #tpu.memory_space<hbm>> -> memref<5000xi32, #tpu.memory_space<hbm>>
      %dma_wait3A_9 = tpu.memref_slice %arg5[%mul3A_2] : memref<160000xi32, #tpu.memory_space<hbm>> -> memref<5000xi32, #tpu.memory_space<hbm>>
      tpu.wait_dma2 semaphore(%run_scoped3A : memref<!tpu.dma_semaphore, #tpu.memory_space<semaphore_mem>>) src(%dma_wait3A_9 : memref<5000xi32, #tpu.memory_space<hbm>>) dst(%arg9 : memref<5000xi32, #tpu.memory_space<vmem>>)
      tpu.yield
    }) : () -> ()
    %scan3A = arith.constant 0 : i32
    %scan3A_3 = arith.constant 0 : i32
    %scan3A_4 = arith.constant 25 : i32
    %scan3A_5 = arith.addi %scan3A_3, %scan3A_4 : i32
    %scan3A_6 = arith.constant 1 : i32
    scf.for %scan3A_8 = %scan3A_3 to %scan3A_5 step %scan3A_6  : i32 {
      %mul3A_9 = arith.constant 200 : i32
      %mul3A_10 = arith.muli %scan3A_8, %mul3A_9 : i32
      %dma_start3A = tpu.memref_slice %arg8[%mul3A_10] : memref<5000xi32, #tpu.memory_space<vmem>> -> memref<200xi32, #tpu.memory_space<vmem>>
      %dma_start3A_11 = arith.constant 0 : i32
      %dma_start3A_12 = arith.constant 0 : i32
      %dma_start3A_13 = tpu.memref_slice %arg2[%dma_start3A_11, %dma_start3A_12] : memref<10000x256xf32, #tpu.memory_space<hbm>> -> memref<10000x256xf32, #tpu.memory_space<hbm>>
      tpu.enqueue_indirect_dma source(%dma_start3A_13 : memref<10000x256xf32, #tpu.memory_space<hbm>>) target(%arg10 : memref<200x256xf32, #tpu.memory_space<vmem>>) offsets(%dma_start3A : memref<200xi32, #tpu.memory_space<vmem>>) semaphore(%arg12 : memref<!tpu.dma_semaphore, #tpu.memory_space<semaphore_mem>>)
      %dma_start3A_14 = tpu.memref_slice %arg9[%mul3A_10] : memref<5000xi32, #tpu.memory_space<vmem>> -> memref<200xi32, #tpu.memory_space<vmem>>
      %dma_start3A_15 = arith.constant 0 : i32
      %dma_start3A_16 = arith.constant 0 : i32
      %dma_start3A_17 = tpu.memref_slice %arg3[%dma_start3A_15, %dma_start3A_16] : memref<10000x256xf32, #tpu.memory_space<hbm>> -> memref<10000x256xf32, #tpu.memory_space<hbm>>
      tpu.enqueue_indirect_dma source(%dma_start3A_17 : memref<10000x256xf32, #tpu.memory_space<hbm>>) target(%arg11 : memref<200x256xf32, #tpu.memory_space<vmem>>) offsets(%dma_start3A_14 : memref<200xi32, #tpu.memory_space<vmem>>) semaphore(%arg13 : memref<!tpu.dma_semaphore, #tpu.memory_space<semaphore_mem>>)
      %dma_wait3A = tpu.memref_slice %arg8[%mul3A_10] : memref<5000xi32, #tpu.memory_space<vmem>> -> memref<200xi32, #tpu.memory_space<vmem>>
      %dma_wait3A_18 = arith.constant 0 : i32
      %dma_wait3A_19 = arith.constant 0 : i32
      %dma_wait3A_20 = tpu.memref_slice %arg2[%dma_wait3A_18, %dma_wait3A_19] : memref<10000x256xf32, #tpu.memory_space<hbm>> -> memref<10000x256xf32, #tpu.memory_space<hbm>>
      tpu.wait_indirect_dma semaphore(%arg12 : memref<!tpu.dma_semaphore, #tpu.memory_space<semaphore_mem>>) src(%dma_wait3A_20 : memref<10000x256xf32, #tpu.memory_space<hbm>>) dst(%arg10 : memref<200x256xf32, #tpu.memory_space<vmem>>)
      %add3A_21 = arith.addi %mul3A_2, %mul3A_10 : i32
      "tpu.region"() ({
        %run_scoped3A = tpu.sem_alloc : memref<!tpu.dma_semaphore, #tpu.memory_space<semaphore_mem>>
        %dma_start3A_27 = arith.constant 0 : i32
        %dma_start3A_28 = tpu.memref_slice %arg6[%add3A_21, %dma_start3A_27] : memref<160000x256xf32, #tpu.memory_space<hbm>> -> memref<200x256xf32, #tpu.memory_space<hbm>>
        %dma_start3A_29 = arith.constant 0 : i32
        %dma_start3A_30 = tpu.memref_slice %arg6[%add3A_21, %dma_start3A_29] : memref<160000x256xf32, #tpu.memory_space<hbm>> -> memref<200x256xf32, #tpu.memory_space<hbm>>
        tpu.enqueue_dma source(%arg10 : memref<200x256xf32, #tpu.memory_space<vmem>>) target(%dma_start3A_30 : memref<200x256xf32, #tpu.memory_space<hbm>>) target_semaphore(%run_scoped3A : memref<!tpu.dma_semaphore, #tpu.memory_space<semaphore_mem>>)
        %dma_wait3A_31 = arith.constant 0 : i32
        %dma_wait3A_32 = tpu.memref_slice %arg6[%add3A_21, %dma_wait3A_31] : memref<160000x256xf32, #tpu.memory_space<hbm>> -> memref<200x256xf32, #tpu.memory_space<hbm>>
        %dma_wait3A_33 = arith.constant 0 : i32
        %dma_wait3A_34 = tpu.memref_slice %arg6[%add3A_21, %dma_wait3A_33] : memref<160000x256xf32, #tpu.memory_space<hbm>> -> memref<200x256xf32, #tpu.memory_space<hbm>>
        tpu.wait_dma2 semaphore(%run_scoped3A : memref<!tpu.dma_semaphore, #tpu.memory_space<semaphore_mem>>) src(%arg10 : memref<200x256xf32, #tpu.memory_space<vmem>>) dst(%dma_wait3A_34 : memref<200x256xf32, #tpu.memory_space<hbm>>)
        tpu.yield
      }) : () -> ()
      %dma_wait3A_22 = tpu.memref_slice %arg9[%mul3A_10] : memref<5000xi32, #tpu.memory_space<vmem>> -> memref<200xi32, #tpu.memory_space<vmem>>
      %dma_wait3A_23 = arith.constant 0 : i32
      %dma_wait3A_24 = arith.constant 0 : i32
      %dma_wait3A_25 = tpu.memref_slice %arg3[%dma_wait3A_23, %dma_wait3A_24] : memref<10000x256xf32, #tpu.memory_space<hbm>> -> memref<10000x256xf32, #tpu.memory_space<hbm>>
      tpu.wait_indirect_dma semaphore(%arg13 : memref<!tpu.dma_semaphore, #tpu.memory_space<semaphore_mem>>) src(%dma_wait3A_25 : memref<10000x256xf32, #tpu.memory_space<hbm>>) dst(%arg11 : memref<200x256xf32, #tpu.memory_space<vmem>>)
      %add3A_26 = arith.addi %mul3A_2, %mul3A_10 : i32
      "tpu.region"() ({
        %run_scoped3A = tpu.sem_alloc : memref<!tpu.dma_semaphore, #tpu.memory_space<semaphore_mem>>
        %dma_start3A_27 = arith.constant 0 : i32
        %dma_start3A_28 = tpu.memref_slice %arg7[%add3A_26, %dma_start3A_27] : memref<160000x256xf32, #tpu.memory_space<hbm>> -> memref<200x256xf32, #tpu.memory_space<hbm>>
        %dma_start3A_29 = arith.constant 0 : i32
        %dma_start3A_30 = tpu.memref_slice %arg7[%add3A_26, %dma_start3A_29] : memref<160000x256xf32, #tpu.memory_space<hbm>> -> memref<200x256xf32, #tpu.memory_space<hbm>>
        tpu.enqueue_dma source(%arg11 : memref<200x256xf32, #tpu.memory_space<vmem>>) target(%dma_start3A_30 : memref<200x256xf32, #tpu.memory_space<hbm>>) target_semaphore(%run_scoped3A : memref<!tpu.dma_semaphore, #tpu.memory_space<semaphore_mem>>)
        %dma_wait3A_31 = arith.constant 0 : i32
        %dma_wait3A_32 = tpu.memref_slice %arg7[%add3A_26, %dma_wait3A_31] : memref<160000x256xf32, #tpu.memory_space<hbm>> -> memref<200x256xf32, #tpu.memory_space<hbm>>
        %dma_wait3A_33 = arith.constant 0 : i32
        %dma_wait3A_34 = tpu.memref_slice %arg7[%add3A_26, %dma_wait3A_33] : memref<160000x256xf32, #tpu.memory_space<hbm>> -> memref<200x256xf32, #tpu.memory_space<hbm>>
        tpu.wait_dma2 semaphore(%run_scoped3A : memref<!tpu.dma_semaphore, #tpu.memory_space<semaphore_mem>>) src(%arg11 : memref<200x256xf32, #tpu.memory_space<vmem>>) dst(%dma_wait3A_34 : memref<200x256xf32, #tpu.memory_space<hbm>>)
        tpu.yield
      }) : () -> ()
    }
    %scan3A_7 = arith.constant 25 : i32
    return
  }
}

#map = affine_map<(d0, d1) -> (0, 0)>
#map1 = affine_map<(d0, d1) -> (0)>
module attributes {stable_mosaic.version = 14 : i64} {
  func.func @k(%arg0: i32, %arg1: i32, %arg2: memref<160000x256xf32, #tpu.memory_space<hbm>>, %arg3: memref<160000xi32, #tpu.memory_space<hbm>>, %arg4: memref<10000x256xf32, #tpu.memory_space<hbm>>, %arg5: memref<10240x128xf32, #tpu.memory_space<vmem_shared>>, %arg6: memref<128x128xf32, #tpu.memory_space<vmem>>, %arg7: memref<200xi32, #tpu.memory_space<vmem>>, %arg8: memref<200x128xf32, #tpu.memory_space<vmem>>) attributes {dimension_semantics = [#tpu.dimension_semantics<core_parallel>, #tpu.dimension_semantics<subcore_parallel>], iteration_bounds = array<i64: 2, 16>, scalar_prefetch = 0 : i64, scratch_operands = 4 : i64, tpu.core_type = #tpu.core_type<sc_vector_subcore>, window_params = [{transform_indices = #map}, {transform_indices = #map1}, {transform_indices = #map}]} {
    %scan3A = arith.constant 0 : i32
    %scan3A_0 = arith.constant 0 : i32
    %scan3A_1 = arith.constant 128 : i32
    %scan3A_2 = arith.addi %scan3A_0, %scan3A_1 : i32
    %scan3A_3 = arith.constant 1 : i32
    scf.for %scan3A_38 = %scan3A_0 to %scan3A_2 step %scan3A_3  : i32 {
      %broadcast_in_dim3A = arith.constant 0.000000e+00 : f32
      %broadcast_in_dim3A_39 = vector.broadcast %broadcast_in_dim3A : f32 to vector<16xf32>
      %swap3A = arith.index_cast %scan3A_38 : i32 to index
      %swap3A_40 = arith.constant 0 : index
      %swap3A_41 = tpu.vector_load %arg6[%swap3A, %swap3A_40] {strides = array<i32>} : memref<128x128xf32, #tpu.memory_space<vmem>>, vector<1x16xf32>,
      %swap3A_42 = vector.shape_cast %swap3A_41 : vector<1x16xf32> to vector<16xf32>
      %swap3A_43 = vector.shape_cast %broadcast_in_dim3A_39 : vector<16xf32> to vector<1x16xf32>
      tpu.vector_store %arg6[%swap3A, %swap3A_40], %swap3A_43 {strides = array<i32>} : memref<128x128xf32, #tpu.memory_space<vmem>>, vector<1x16xf32>,
      %broadcast_in_dim3A_44 = arith.constant 0.000000e+00 : f32
      %broadcast_in_dim3A_45 = vector.broadcast %broadcast_in_dim3A_44 : f32 to vector<16xf32>
      %swap3A_46 = arith.index_cast %scan3A_38 : i32 to index
      %swap3A_47 = arith.constant 16 : index
      %swap3A_48 = tpu.vector_load %arg6[%swap3A_46, %swap3A_47] {strides = array<i32>} : memref<128x128xf32, #tpu.memory_space<vmem>>, vector<1x16xf32>,
      %swap3A_49 = vector.shape_cast %swap3A_48 : vector<1x16xf32> to vector<16xf32>
      %swap3A_50 = vector.shape_cast %broadcast_in_dim3A_45 : vector<16xf32> to vector<1x16xf32>
      tpu.vector_store %arg6[%swap3A_46, %swap3A_47], %swap3A_50 {strides = array<i32>} : memref<128x128xf32, #tpu.memory_space<vmem>>, vector<1x16xf32>,
      %broadcast_in_dim3A_51 = arith.constant 0.000000e+00 : f32
      %broadcast_in_dim3A_52 = vector.broadcast %broadcast_in_dim3A_51 : f32 to vector<16xf32>
      %swap3A_53 = arith.index_cast %scan3A_38 : i32 to index
      %swap3A_54 = arith.constant 32 : index
      %swap3A_55 = tpu.vector_load %arg6[%swap3A_53, %swap3A_54] {strides = array<i32>} : memref<128x128xf32, #tpu.memory_space<vmem>>, vector<1x16xf32>,
      %swap3A_56 = vector.shape_cast %swap3A_55 : vector<1x16xf32> to vector<16xf32>
      %swap3A_57 = vector.shape_cast %broadcast_in_dim3A_52 : vector<16xf32> to vector<1x16xf32>
      tpu.vector_store %arg6[%swap3A_53, %swap3A_54], %swap3A_57 {strides = array<i32>} : memref<128x128xf32, #tpu.memory_space<vmem>>, vector<1x16xf32>,
      %broadcast_in_dim3A_58 = arith.constant 0.000000e+00 : f32
      %broadcast_in_dim3A_59 = vector.broadcast %broadcast_in_dim3A_58 : f32 to vector<16xf32>
      %swap3A_60 = arith.index_cast %scan3A_38 : i32 to index
      %swap3A_61 = arith.constant 48 : index
      %swap3A_62 = tpu.vector_load %arg6[%swap3A_60, %swap3A_61] {strides = array<i32>} : memref<128x128xf32, #tpu.memory_space<vmem>>, vector<1x16xf32>,
      %swap3A_63 = vector.shape_cast %swap3A_62 : vector<1x16xf32> to vector<16xf32>
      %swap3A_64 = vector.shape_cast %broadcast_in_dim3A_59 : vector<16xf32> to vector<1x16xf32>
      tpu.vector_store %arg6[%swap3A_60, %swap3A_61], %swap3A_64 {strides = array<i32>} : memref<128x128xf32, #tpu.memory_space<vmem>>, vector<1x16xf32>,
      %broadcast_in_dim3A_65 = arith.constant 0.000000e+00 : f32
      %broadcast_in_dim3A_66 = vector.broadcast %broadcast_in_dim3A_65 : f32 to vector<16xf32>
      %swap3A_67 = arith.index_cast %scan3A_38 : i32 to index
      %swap3A_68 = arith.constant 64 : index
      %swap3A_69 = tpu.vector_load %arg6[%swap3A_67, %swap3A_68] {strides = array<i32>} : memref<128x128xf32, #tpu.memory_space<vmem>>, vector<1x16xf32>,
      %swap3A_70 = vector.shape_cast %swap3A_69 : vector<1x16xf32> to vector<16xf32>
      %swap3A_71 = vector.shape_cast %broadcast_in_dim3A_66 : vector<16xf32> to vector<1x16xf32>
      tpu.vector_store %arg6[%swap3A_67, %swap3A_68], %swap3A_71 {strides = array<i32>} : memref<128x128xf32, #tpu.memory_space<vmem>>, vector<1x16xf32>,
      %broadcast_in_dim3A_72 = arith.constant 0.000000e+00 : f32
      %broadcast_in_dim3A_73 = vector.broadcast %broadcast_in_dim3A_72 : f32 to vector<16xf32>
      %swap3A_74 = arith.index_cast %scan3A_38 : i32 to index
      %swap3A_75 = arith.constant 80 : index
      %swap3A_76 = tpu.vector_load %arg6[%swap3A_74, %swap3A_75] {strides = array<i32>} : memref<128x128xf32, #tpu.memory_space<vmem>>, vector<1x16xf32>,
      %swap3A_77 = vector.shape_cast %swap3A_76 : vector<1x16xf32> to vector<16xf32>
      %swap3A_78 = vector.shape_cast %broadcast_in_dim3A_73 : vector<16xf32> to vector<1x16xf32>
      tpu.vector_store %arg6[%swap3A_74, %swap3A_75], %swap3A_78 {strides = array<i32>} : memref<128x128xf32, #tpu.memory_space<vmem>>, vector<1x16xf32>,
      %broadcast_in_dim3A_79 = arith.constant 0.000000e+00 : f32
      %broadcast_in_dim3A_80 = vector.broadcast %broadcast_in_dim3A_79 : f32 to vector<16xf32>
      %swap3A_81 = arith.index_cast %scan3A_38 : i32 to index
      %swap3A_82 = arith.constant 96 : index
      %swap3A_83 = tpu.vector_load %arg6[%swap3A_81, %swap3A_82] {strides = array<i32>} : memref<128x128xf32, #tpu.memory_space<vmem>>, vector<1x16xf32>,
      %swap3A_84 = vector.shape_cast %swap3A_83 : vector<1x16xf32> to vector<16xf32>
      %swap3A_85 = vector.shape_cast %broadcast_in_dim3A_80 : vector<16xf32> to vector<1x16xf32>
      tpu.vector_store %arg6[%swap3A_81, %swap3A_82], %swap3A_85 {strides = array<i32>} : memref<128x128xf32, #tpu.memory_space<vmem>>, vector<1x16xf32>,
      %broadcast_in_dim3A_86 = arith.constant 0.000000e+00 : f32
      %broadcast_in_dim3A_87 = vector.broadcast %broadcast_in_dim3A_86 : f32 to vector<16xf32>
      %swap3A_88 = arith.index_cast %scan3A_38 : i32 to index
      %swap3A_89 = arith.constant 112 : index
      %swap3A_90 = tpu.vector_load %arg6[%swap3A_88, %swap3A_89] {strides = array<i32>} : memref<128x128xf32, #tpu.memory_space<vmem>>, vector<1x16xf32>,
      %swap3A_91 = vector.shape_cast %swap3A_90 : vector<1x16xf32> to vector<16xf32>
      %swap3A_92 = vector.shape_cast %broadcast_in_dim3A_87 : vector<16xf32> to vector<1x16xf32>
      tpu.vector_store %arg6[%swap3A_88, %swap3A_89], %swap3A_92 {strides = array<i32>} : memref<128x128xf32, #tpu.memory_space<vmem>>, vector<1x16xf32>,
    }
    %scan3A_4 = arith.constant 128 : i32
    %mul3A = arith.constant 640 : i32
    %mul3A_5 = arith.muli %arg1, %mul3A : i32
    %add3A = arith.constant 0 : i32
    %add3A_6 = arith.addi %mul3A_5, %add3A : i32
    "tpu.region"() ({
      %run_scoped3A = tpu.sem_alloc : memref<!tpu.dma_semaphore, #tpu.memory_space<semaphore_mem>>
      %dma_start3A = arith.constant 0 : i32
      %dma_start3A_38 = tpu.memref_slice %arg5[%add3A_6, %dma_start3A] : memref<10240x128xf32, #tpu.memory_space<vmem_shared>> -> memref<128x128xf32, #tpu.memory_space<vmem_shared>>
      %dma_start3A_39 = arith.constant 0 : i32
      %dma_start3A_40 = tpu.memref_slice %arg5[%add3A_6, %dma_start3A_39] : memref<10240x128xf32, #tpu.memory_space<vmem_shared>> -> memref<128x128xf32, #tpu.memory_space<vmem_shared>>
      tpu.enqueue_dma source(%arg6 : memref<128x128xf32, #tpu.memory_space<vmem>>) target(%dma_start3A_40 : memref<128x128xf32, #tpu.memory_space<vmem_shared>>) target_semaphore(%run_scoped3A : memref<!tpu.dma_semaphore, #tpu.memory_space<semaphore_mem>>)
      %dma_wait3A = arith.constant 0 : i32
      %dma_wait3A_41 = tpu.memref_slice %arg5[%add3A_6, %dma_wait3A] : memref<10240x128xf32, #tpu.memory_space<vmem_shared>> -> memref<128x128xf32, #tpu.memory_space<vmem_shared>>
      %dma_wait3A_42 = arith.constant 0 : i32
      %dma_wait3A_43 = tpu.memref_slice %arg5[%add3A_6, %dma_wait3A_42] : memref<10240x128xf32, #tpu.memory_space<vmem_shared>> -> memref<128x128xf32, #tpu.memory_space<vmem_shared>>
      tpu.wait_dma2 semaphore(%run_scoped3A : memref<!tpu.dma_semaphore, #tpu.memory_space<semaphore_mem>>) src(%arg6 : memref<128x128xf32, #tpu.memory_space<vmem>>) dst(%dma_wait3A_43 : memref<128x128xf32, #tpu.memory_space<vmem_shared>>)
      tpu.yield
    }) : () -> ()
    %mul3A_7 = arith.constant 640 : i32
    %mul3A_8 = arith.muli %arg1, %mul3A_7 : i32
    %add3A_9 = arith.constant 128 : i32
    %add3A_10 = arith.addi %mul3A_8, %add3A_9 : i32
    "tpu.region"() ({
      %run_scoped3A = tpu.sem_alloc : memref<!tpu.dma_semaphore, #tpu.memory_space<semaphore_mem>>
      %dma_start3A = arith.constant 0 : i32
      %dma_start3A_38 = tpu.memref_slice %arg5[%add3A_10, %dma_start3A] : memref<10240x128xf32, #tpu.memory_space<vmem_shared>> -> memref<128x128xf32, #tpu.memory_space<vmem_shared>>
      %dma_start3A_39 = arith.constant 0 : i32
      %dma_start3A_40 = tpu.memref_slice %arg5[%add3A_10, %dma_start3A_39] : memref<10240x128xf32, #tpu.memory_space<vmem_shared>> -> memref<128x128xf32, #tpu.memory_space<vmem_shared>>
      tpu.enqueue_dma source(%arg6 : memref<128x128xf32, #tpu.memory_space<vmem>>) target(%dma_start3A_40 : memref<128x128xf32, #tpu.memory_space<vmem_shared>>) target_semaphore(%run_scoped3A : memref<!tpu.dma_semaphore, #tpu.memory_space<semaphore_mem>>)
      %dma_wait3A = arith.constant 0 : i32
      %dma_wait3A_41 = tpu.memref_slice %arg5[%add3A_10, %dma_wait3A] : memref<10240x128xf32, #tpu.memory_space<vmem_shared>> -> memref<128x128xf32, #tpu.memory_space<vmem_shared>>
      %dma_wait3A_42 = arith.constant 0 : i32
      %dma_wait3A_43 = tpu.memref_slice %arg5[%add3A_10, %dma_wait3A_42] : memref<10240x128xf32, #tpu.memory_space<vmem_shared>> -> memref<128x128xf32, #tpu.memory_space<vmem_shared>>
      tpu.wait_dma2 semaphore(%run_scoped3A : memref<!tpu.dma_semaphore, #tpu.memory_space<semaphore_mem>>) src(%arg6 : memref<128x128xf32, #tpu.memory_space<vmem>>) dst(%dma_wait3A_43 : memref<128x128xf32, #tpu.memory_space<vmem_shared>>)
      tpu.yield
    }) : () -> ()
    %mul3A_11 = arith.constant 640 : i32
    %mul3A_12 = arith.muli %arg1, %mul3A_11 : i32
    %add3A_13 = arith.constant 256 : i32
    %add3A_14 = arith.addi %mul3A_12, %add3A_13 : i32
    "tpu.region"() ({
      %run_scoped3A = tpu.sem_alloc : memref<!tpu.dma_semaphore, #tpu.memory_space<semaphore_mem>>
      %dma_start3A = arith.constant 0 : i32
      %dma_start3A_38 = tpu.memref_slice %arg5[%add3A_14, %dma_start3A] : memref<10240x128xf32, #tpu.memory_space<vmem_shared>> -> memref<128x128xf32, #tpu.memory_space<vmem_shared>>
      %dma_start3A_39 = arith.constant 0 : i32
      %dma_start3A_40 = tpu.memref_slice %arg5[%add3A_14, %dma_start3A_39] : memref<10240x128xf32, #tpu.memory_space<vmem_shared>> -> memref<128x128xf32, #tpu.memory_space<vmem_shared>>
      tpu.enqueue_dma source(%arg6 : memref<128x128xf32, #tpu.memory_space<vmem>>) target(%dma_start3A_40 : memref<128x128xf32, #tpu.memory_space<vmem_shared>>) target_semaphore(%run_scoped3A : memref<!tpu.dma_semaphore, #tpu.memory_space<semaphore_mem>>)
      %dma_wait3A = arith.constant 0 : i32
      %dma_wait3A_41 = tpu.memref_slice %arg5[%add3A_14, %dma_wait3A] : memref<10240x128xf32, #tpu.memory_space<vmem_shared>> -> memref<128x128xf32, #tpu.memory_space<vmem_shared>>
      %dma_wait3A_42 = arith.constant 0 : i32
      %dma_wait3A_43 = tpu.memref_slice %arg5[%add3A_14, %dma_wait3A_42] : memref<10240x128xf32, #tpu.memory_space<vmem_shared>> -> memref<128x128xf32, #tpu.memory_space<vmem_shared>>
      tpu.wait_dma2 semaphore(%run_scoped3A : memref<!tpu.dma_semaphore, #tpu.memory_space<semaphore_mem>>) src(%arg6 : memref<128x128xf32, #tpu.memory_space<vmem>>) dst(%dma_wait3A_43 : memref<128x128xf32, #tpu.memory_space<vmem_shared>>)
      tpu.yield
    }) : () -> ()
    %mul3A_15 = arith.constant 640 : i32
    %mul3A_16 = arith.muli %arg1, %mul3A_15 : i32
    %add3A_17 = arith.constant 384 : i32
    %add3A_18 = arith.addi %mul3A_16, %add3A_17 : i32
    "tpu.region"() ({
      %run_scoped3A = tpu.sem_alloc : memref<!tpu.dma_semaphore, #tpu.memory_space<semaphore_mem>>
      %dma_start3A = arith.constant 0 : i32
      %dma_start3A_38 = tpu.memref_slice %arg5[%add3A_18, %dma_start3A] : memref<10240x128xf32, #tpu.memory_space<vmem_shared>> -> memref<128x128xf32, #tpu.memory_space<vmem_shared>>
      %dma_start3A_39 = arith.constant 0 : i32
      %dma_start3A_40 = tpu.memref_slice %arg5[%add3A_18, %dma_start3A_39] : memref<10240x128xf32, #tpu.memory_space<vmem_shared>> -> memref<128x128xf32, #tpu.memory_space<vmem_shared>>
      tpu.enqueue_dma source(%arg6 : memref<128x128xf32, #tpu.memory_space<vmem>>) target(%dma_start3A_40 : memref<128x128xf32, #tpu.memory_space<vmem_shared>>) target_semaphore(%run_scoped3A : memref<!tpu.dma_semaphore, #tpu.memory_space<semaphore_mem>>)
      %dma_wait3A = arith.constant 0 : i32
      %dma_wait3A_41 = tpu.memref_slice %arg5[%add3A_18, %dma_wait3A] : memref<10240x128xf32, #tpu.memory_space<vmem_shared>> -> memref<128x128xf32, #tpu.memory_space<vmem_shared>>
      %dma_wait3A_42 = arith.constant 0 : i32
      %dma_wait3A_43 = tpu.memref_slice %arg5[%add3A_18, %dma_wait3A_42] : memref<10240x128xf32, #tpu.memory_space<vmem_shared>> -> memref<128x128xf32, #tpu.memory_space<vmem_shared>>
      tpu.wait_dma2 semaphore(%run_scoped3A : memref<!tpu.dma_semaphore, #tpu.memory_space<semaphore_mem>>) src(%arg6 : memref<128x128xf32, #tpu.memory_space<vmem>>) dst(%dma_wait3A_43 : memref<128x128xf32, #tpu.memory_space<vmem_shared>>)
      tpu.yield
    }) : () -> ()
    %mul3A_19 = arith.constant 640 : i32
    %mul3A_20 = arith.muli %arg1, %mul3A_19 : i32
    %add3A_21 = arith.constant 512 : i32
    %add3A_22 = arith.addi %mul3A_20, %add3A_21 : i32
    "tpu.region"() ({
      %run_scoped3A = tpu.sem_alloc : memref<!tpu.dma_semaphore, #tpu.memory_space<semaphore_mem>>
      %dma_start3A = arith.constant 0 : i32
      %dma_start3A_38 = tpu.memref_slice %arg5[%add3A_22, %dma_start3A] : memref<10240x128xf32, #tpu.memory_space<vmem_shared>> -> memref<128x128xf32, #tpu.memory_space<vmem_shared>>
      %dma_start3A_39 = arith.constant 0 : i32
      %dma_start3A_40 = tpu.memref_slice %arg5[%add3A_22, %dma_start3A_39] : memref<10240x128xf32, #tpu.memory_space<vmem_shared>> -> memref<128x128xf32, #tpu.memory_space<vmem_shared>>
      tpu.enqueue_dma source(%arg6 : memref<128x128xf32, #tpu.memory_space<vmem>>) target(%dma_start3A_40 : memref<128x128xf32, #tpu.memory_space<vmem_shared>>) target_semaphore(%run_scoped3A : memref<!tpu.dma_semaphore, #tpu.memory_space<semaphore_mem>>)
      %dma_wait3A = arith.constant 0 : i32
      %dma_wait3A_41 = tpu.memref_slice %arg5[%add3A_22, %dma_wait3A] : memref<10240x128xf32, #tpu.memory_space<vmem_shared>> -> memref<128x128xf32, #tpu.memory_space<vmem_shared>>
      %dma_wait3A_42 = arith.constant 0 : i32
      %dma_wait3A_43 = tpu.memref_slice %arg5[%add3A_22, %dma_wait3A_42] : memref<10240x128xf32, #tpu.memory_space<vmem_shared>> -> memref<128x128xf32, #tpu.memory_space<vmem_shared>>
      tpu.wait_dma2 semaphore(%run_scoped3A : memref<!tpu.dma_semaphore, #tpu.memory_space<semaphore_mem>>) src(%arg6 : memref<128x128xf32, #tpu.memory_space<vmem>>) dst(%dma_wait3A_43 : memref<128x128xf32, #tpu.memory_space<vmem_shared>>)
      tpu.yield
    }) : () -> ()
    %barrier3A = arith.constant 0 : index
    tpu.barrier barrier_id(%barrier3A)
    %scan3A_23 = arith.constant 0 : i32
    %scan3A_24 = arith.constant 0 : i32
    %scan3A_25 = arith.constant 50 : i32
    %scan3A_26 = arith.addi %scan3A_24, %scan3A_25 : i32
    %scan3A_27 = arith.constant 1 : i32
    scf.for %scan3A_38 = %scan3A_24 to %scan3A_26 step %scan3A_27  : i32 {
      %mul3A_39 = arith.constant 10000 : i32
      %mul3A_40 = arith.muli %arg1, %mul3A_39 : i32
      %mul3A_41 = arith.constant 200 : i32
      %mul3A_42 = arith.muli %scan3A_38, %mul3A_41 : i32
      %add3A_43 = arith.addi %mul3A_40, %mul3A_42 : i32
      "tpu.region"() ({
        %run_scoped3A = tpu.sem_alloc : memref<!tpu.dma_semaphore, #tpu.memory_space<semaphore_mem>>
        %dma_start3A = tpu.memref_slice %arg3[%add3A_43] : memref<160000xi32, #tpu.memory_space<hbm>> -> memref<200xi32, #tpu.memory_space<hbm>>
        %dma_start3A_46 = tpu.memref_slice %arg3[%add3A_43] : memref<160000xi32, #tpu.memory_space<hbm>> -> memref<200xi32, #tpu.memory_space<hbm>>
        tpu.enqueue_dma source(%dma_start3A_46 : memref<200xi32, #tpu.memory_space<hbm>>) target(%arg7 : memref<200xi32, #tpu.memory_space<vmem>>) target_semaphore(%run_scoped3A : memref<!tpu.dma_semaphore, #tpu.memory_space<semaphore_mem>>)
        %dma_wait3A = tpu.memref_slice %arg3[%add3A_43] : memref<160000xi32, #tpu.memory_space<hbm>> -> memref<200xi32, #tpu.memory_space<hbm>>
        %dma_wait3A_47 = tpu.memref_slice %arg3[%add3A_43] : memref<160000xi32, #tpu.memory_space<hbm>> -> memref<200xi32, #tpu.memory_space<hbm>>
        tpu.wait_dma2 semaphore(%run_scoped3A : memref<!tpu.dma_semaphore, #tpu.memory_space<semaphore_mem>>) src(%dma_wait3A_47 : memref<200xi32, #tpu.memory_space<hbm>>) dst(%arg7 : memref<200xi32, #tpu.memory_space<vmem>>)
        tpu.yield
      }) : () -> ()
      %mul3A_44 = arith.constant 128 : i32
      %mul3A_45 = arith.muli %arg0, %mul3A_44 : i32
      "tpu.region"() ({
        %run_scoped3A = tpu.sem_alloc : memref<!tpu.dma_semaphore, #tpu.memory_space<semaphore_mem>>
        %dma_start3A = tpu.memref_slice %arg2[%add3A_43, %mul3A_45] : memref<160000x256xf32, #tpu.memory_space<hbm>> -> memref<200x128xf32, #tpu.memory_space<hbm>>
        %dma_start3A_46 = tpu.memref_slice %arg2[%add3A_43, %mul3A_45] : memref<160000x256xf32, #tpu.memory_space<hbm>> -> memref<200x128xf32, #tpu.memory_space<hbm>>
        tpu.enqueue_dma source(%dma_start3A_46 : memref<200x128xf32, #tpu.memory_space<hbm>>) target(%arg8 : memref<200x128xf32, #tpu.memory_space<vmem>>) target_semaphore(%run_scoped3A : memref<!tpu.dma_semaphore, #tpu.memory_space<semaphore_mem>>)
        %dma_wait3A = tpu.memref_slice %arg2[%add3A_43, %mul3A_45] : memref<160000x256xf32, #tpu.memory_space<hbm>> -> memref<200x128xf32, #tpu.memory_space<hbm>>
        %dma_wait3A_47 = tpu.memref_slice %arg2[%add3A_43, %mul3A_45] : memref<160000x256xf32, #tpu.memory_space<hbm>> -> memref<200x128xf32, #tpu.memory_space<hbm>>
        tpu.wait_dma2 semaphore(%run_scoped3A : memref<!tpu.dma_semaphore, #tpu.memory_space<semaphore_mem>>) src(%dma_wait3A_47 : memref<200x128xf32, #tpu.memory_space<hbm>>) dst(%arg8 : memref<200x128xf32, #tpu.memory_space<vmem>>)
        tpu.yield
      }) : () -> ()
      "tpu.region"() ({
        %run_scoped3A = tpu.sem_alloc : memref<!tpu.dma_semaphore, #tpu.memory_space<semaphore_mem>>
        %dma_start3A = arith.constant 0 : i32
        %dma_start3A_46 = arith.constant 0 : i32
        %dma_start3A_47 = tpu.memref_slice %arg5[%dma_start3A, %dma_start3A_46] : memref<10240x128xf32, #tpu.memory_space<vmem_shared>> -> memref<10240x128xf32, #tpu.memory_space<vmem_shared>>
        tpu.enqueue_indirect_dma source(%arg8 : memref<200x128xf32, #tpu.memory_space<vmem>>) target(%dma_start3A_47 : memref<10240x128xf32, #tpu.memory_space<vmem_shared>>) offsets(%arg7 : memref<200xi32, #tpu.memory_space<vmem>>) semaphore(%run_scoped3A : memref<!tpu.dma_semaphore, #tpu.memory_space<semaphore_mem>>) {add = true}
        %dma_wait3A = arith.constant 0 : i32
        %dma_wait3A_48 = arith.constant 0 : i32
        %dma_wait3A_49 = tpu.memref_slice %arg5[%dma_wait3A, %dma_wait3A_48] : memref<10240x128xf32, #tpu.memory_space<vmem_shared>> -> memref<10240x128xf32, #tpu.memory_space<vmem_shared>>
        tpu.wait_indirect_dma semaphore(%run_scoped3A : memref<!tpu.dma_semaphore, #tpu.memory_space<semaphore_mem>>) src(%arg8 : memref<200x128xf32, #tpu.memory_space<vmem>>) dst(%dma_wait3A_49 : memref<10240x128xf32, #tpu.memory_space<vmem_shared>>)
        tpu.yield
      }) : () -> ()
    }
    %scan3A_28 = arith.constant 50 : i32
    %barrier3A_29 = arith.constant 0 : index
    tpu.barrier barrier_id(%barrier3A_29)
    %mul3A_30 = arith.constant 624 : i32
    %mul3A_31 = arith.muli %arg1, %mul3A_30 : i32
    %mul3A_32 = arith.constant 624 : i32
    %mul3A_33 = arith.muli %arg1, %mul3A_32 : i32
    %mul3A_34 = arith.constant 128 : i32
    %mul3A_35 = arith.muli %arg0, %mul3A_34 : i32
    "tpu.region"() ({
      %run_scoped3A = tpu.sem_alloc : memref<!tpu.dma_semaphore, #tpu.memory_space<semaphore_mem>>
      %dma_start3A = tpu.memref_slice %arg4[%mul3A_33, %mul3A_35] : memref<10000x256xf32, #tpu.memory_space<hbm>> -> memref<624x128xf32, #tpu.memory_space<hbm>>
      %dma_start3A_38 = arith.constant 0 : i32
      %dma_start3A_39 = tpu.memref_slice %arg5[%mul3A_31, %dma_start3A_38] : memref<10240x128xf32, #tpu.memory_space<vmem_shared>> -> memref<624x128xf32, #tpu.memory_space<vmem_shared>>
      tpu.enqueue_dma source(%dma_start3A_39 : memref<624x128xf32, #tpu.memory_space<vmem_shared>>) target(%dma_start3A : memref<624x128xf32, #tpu.memory_space<hbm>>) target_semaphore(%run_scoped3A : memref<!tpu.dma_semaphore, #tpu.memory_space<semaphore_mem>>)
      %dma_wait3A = tpu.memref_slice %arg4[%mul3A_33, %mul3A_35] : memref<10000x256xf32, #tpu.memory_space<hbm>> -> memref<624x128xf32, #tpu.memory_space<hbm>>
      %dma_wait3A_40 = arith.constant 0 : i32
      %dma_wait3A_41 = tpu.memref_slice %arg5[%mul3A_31, %dma_wait3A_40] : memref<10240x128xf32, #tpu.memory_space<vmem_shared>> -> memref<624x128xf32, #tpu.memory_space<vmem_shared>>
      tpu.wait_dma2 semaphore(%run_scoped3A : memref<!tpu.dma_semaphore, #tpu.memory_space<semaphore_mem>>) src(%dma_wait3A_41 : memref<624x128xf32, #tpu.memory_space<vmem_shared>>) dst(%dma_wait3A : memref<624x128xf32, #tpu.memory_space<hbm>>)
      tpu.yield
    }) : () -> ()
    %eq3A = arith.constant 0 : i32
    %eq3A_36 = arith.cmpi eq, %arg1, %eq3A : i32
    %convert_element_type3A = arith.extui %eq3A_36 : i1 to i32
    %cond3A = arith.constant 0 : i32
    %cond3A_37 = arith.cmpi ne, %convert_element_type3A, %cond3A : i32
    scf.if %cond3A_37 {
      %mul3A_38 = arith.constant 128 : i32
      %mul3A_39 = arith.muli %arg0, %mul3A_38 : i32
      "tpu.region"() ({
        %run_scoped3A = tpu.sem_alloc : memref<!tpu.dma_semaphore, #tpu.memory_space<semaphore_mem>>
        %dma_start3A = arith.constant 9984 : i32
        %dma_start3A_40 = tpu.memref_slice %arg4[%dma_start3A, %mul3A_39] : memref<10000x256xf32, #tpu.memory_space<hbm>> -> memref<16x128xf32, #tpu.memory_space<hbm>>
        %dma_start3A_41 = arith.constant 9984 : i32
        %dma_start3A_42 = arith.constant 0 : i32
        %dma_start3A_43 = tpu.memref_slice %arg5[%dma_start3A_41, %dma_start3A_42] : memref<10240x128xf32, #tpu.memory_space<vmem_shared>> -> memref<16x128xf32, #tpu.memory_space<vmem_shared>>
        tpu.enqueue_dma source(%dma_start3A_43 : memref<16x128xf32, #tpu.memory_space<vmem_shared>>) target(%dma_start3A_40 : memref<16x128xf32, #tpu.memory_space<hbm>>) target_semaphore(%run_scoped3A : memref<!tpu.dma_semaphore, #tpu.memory_space<semaphore_mem>>)
        %dma_wait3A = arith.constant 9984 : i32
        %dma_wait3A_44 = tpu.memref_slice %arg4[%dma_wait3A, %mul3A_39] : memref<10000x256xf32, #tpu.memory_space<hbm>> -> memref<16x128xf32, #tpu.memory_space<hbm>>
        %dma_wait3A_45 = arith.constant 9984 : i32
        %dma_wait3A_46 = arith.constant 0 : i32
        %dma_wait3A_47 = tpu.memref_slice %arg5[%dma_wait3A_45, %dma_wait3A_46] : memref<10240x128xf32, #tpu.memory_space<vmem_shared>> -> memref<16x128xf32, #tpu.memory_space<vmem_shared>>
        tpu.wait_dma2 semaphore(%run_scoped3A : memref<!tpu.dma_semaphore, #tpu.memory_space<semaphore_mem>>) src(%dma_wait3A_47 : memref<16x128xf32, #tpu.memory_space<vmem_shared>>) dst(%dma_wait3A_44 : memref<16x128xf32, #tpu.memory_space<hbm>>)
        tpu.yield
      }) : () -> ()
    } else {
    }
    return
  }
}

#map = affine_map<(d0, d1) -> (0, 0)>
#map1 = affine_map<(d0, d1) -> (0)>
module attributes {stable_mosaic.version = 14 : i64} {
  func.func @k(%arg0: i32, %arg1: i32, %arg2: memref<10000x256xf32, #tpu.memory_space<hbm>>, %arg3: memref<10000x256xf32, #tpu.memory_space<hbm>>, %arg4: memref<160000xi32, #tpu.memory_space<hbm>>, %arg5: memref<160000xi32, #tpu.memory_space<hbm>>, %arg6: memref<160000x256xf32, #tpu.memory_space<hbm>>, %arg7: memref<160000x256xf32, #tpu.memory_space<hbm>>, %arg8: memref<5000xi32, #tpu.memory_space<vmem>>, %arg9: memref<5000xi32, #tpu.memory_space<vmem>>, %arg10: memref<200x256xf32, #tpu.memory_space<vmem>>, %arg11: memref<200x256xf32, #tpu.memory_space<vmem>>, %arg12: memref<!tpu.dma_semaphore, #tpu.memory_space<semaphore_mem>>, %arg13: memref<!tpu.dma_semaphore, #tpu.memory_space<semaphore_mem>>) attributes {dimension_semantics = [#tpu.dimension_semantics<core_parallel>, #tpu.dimension_semantics<subcore_parallel>], iteration_bounds = array<i64: 2, 16>, scalar_prefetch = 0 : i64, scratch_operands = 6 : i64, tpu.core_type = #tpu.core_type<sc_vector_subcore>, window_params = [{transform_indices = #map}, {transform_indices = #map}, {transform_indices = #map1}, {transform_indices = #map1}, {transform_indices = #map}, {transform_indices = #map}]} {
    %mul3A = arith.constant 2 : i32
    %mul3A_0 = arith.muli %arg1, %mul3A : i32
    %add3A = arith.addi %mul3A_0, %arg0 : i32
    %mul3A_1 = arith.constant 5000 : i32
    %mul3A_2 = arith.muli %add3A, %mul3A_1 : i32
    "tpu.region"() ({
      %run_scoped3A = tpu.sem_alloc : memref<!tpu.dma_semaphore, #tpu.memory_space<semaphore_mem>>
      %dma_start3A = tpu.memref_slice %arg4[%mul3A_2] : memref<160000xi32, #tpu.memory_space<hbm>> -> memref<5000xi32, #tpu.memory_space<hbm>>
      %dma_start3A_8 = tpu.memref_slice %arg4[%mul3A_2] : memref<160000xi32, #tpu.memory_space<hbm>> -> memref<5000xi32, #tpu.memory_space<hbm>>
      tpu.enqueue_dma source(%dma_start3A_8 : memref<5000xi32, #tpu.memory_space<hbm>>) target(%arg8 : memref<5000xi32, #tpu.memory_space<vmem>>) target_semaphore(%run_scoped3A : memref<!tpu.dma_semaphore, #tpu.memory_space<semaphore_mem>>)
      %dma_wait3A = tpu.memref_slice %arg4[%mul3A_2] : memref<160000xi32, #tpu.memory_space<hbm>> -> memref<5000xi32, #tpu.memory_space<hbm>>
      %dma_wait3A_9 = tpu.memref_slice %arg4[%mul3A_2] : memref<160000xi32, #tpu.memory_space<hbm>> -> memref<5000xi32, #tpu.memory_space<hbm>>
      tpu.wait_dma2 semaphore(%run_scoped3A : memref<!tpu.dma_semaphore, #tpu.memory_space<semaphore_mem>>) src(%dma_wait3A_9 : memref<5000xi32, #tpu.memory_space<hbm>>) dst(%arg8 : memref<5000xi32, #tpu.memory_space<vmem>>)
      tpu.yield
    }) : () -> ()
    "tpu.region"() ({
      %run_scoped3A = tpu.sem_alloc : memref<!tpu.dma_semaphore, #tpu.memory_space<semaphore_mem>>
      %dma_start3A = tpu.memref_slice %arg5[%mul3A_2] : memref<160000xi32, #tpu.memory_space<hbm>> -> memref<5000xi32, #tpu.memory_space<hbm>>
      %dma_start3A_8 = tpu.memref_slice %arg5[%mul3A_2] : memref<160000xi32, #tpu.memory_space<hbm>> -> memref<5000xi32, #tpu.memory_space<hbm>>
      tpu.enqueue_dma source(%dma_start3A_8 : memref<5000xi32, #tpu.memory_space<hbm>>) target(%arg9 : memref<5000xi32, #tpu.memory_space<vmem>>) target_semaphore(%run_scoped3A : memref<!tpu.dma_semaphore, #tpu.memory_space<semaphore_mem>>)
      %dma_wait3A = tpu.memref_slice %arg5[%mul3A_2] : memref<160000xi32, #tpu.memory_space<hbm>> -> memref<5000xi32, #tpu.memory_space<hbm>>
      %dma_wait3A_9 = tpu.memref_slice %arg5[%mul3A_2] : memref<160000xi32, #tpu.memory_space<hbm>> -> memref<5000xi32, #tpu.memory_space<hbm>>
      tpu.wait_dma2 semaphore(%run_scoped3A : memref<!tpu.dma_semaphore, #tpu.memory_space<semaphore_mem>>) src(%dma_wait3A_9 : memref<5000xi32, #tpu.memory_space<hbm>>) dst(%arg9 : memref<5000xi32, #tpu.memory_space<vmem>>)
      tpu.yield
    }) : () -> ()
    %scan3A = arith.constant 0 : i32
    %scan3A_3 = arith.constant 0 : i32
    %scan3A_4 = arith.constant 25 : i32
    %scan3A_5 = arith.addi %scan3A_3, %scan3A_4 : i32
    %scan3A_6 = arith.constant 1 : i32
    scf.for %scan3A_8 = %scan3A_3 to %scan3A_5 step %scan3A_6  : i32 {
      %mul3A_9 = arith.constant 200 : i32
      %mul3A_10 = arith.muli %scan3A_8, %mul3A_9 : i32
      %dma_start3A = tpu.memref_slice %arg8[%mul3A_10] : memref<5000xi32, #tpu.memory_space<vmem>> -> memref<200xi32, #tpu.memory_space<vmem>>
      %dma_start3A_11 = arith.constant 0 : i32
      %dma_start3A_12 = arith.constant 0 : i32
      %dma_start3A_13 = tpu.memref_slice %arg2[%dma_start3A_11, %dma_start3A_12] : memref<10000x256xf32, #tpu.memory_space<hbm>> -> memref<10000x256xf32, #tpu.memory_space<hbm>>
      tpu.enqueue_indirect_dma source(%dma_start3A_13 : memref<10000x256xf32, #tpu.memory_space<hbm>>) target(%arg10 : memref<200x256xf32, #tpu.memory_space<vmem>>) offsets(%dma_start3A : memref<200xi32, #tpu.memory_space<vmem>>) semaphore(%arg12 : memref<!tpu.dma_semaphore, #tpu.memory_space<semaphore_mem>>)
      %dma_start3A_14 = tpu.memref_slice %arg9[%mul3A_10] : memref<5000xi32, #tpu.memory_space<vmem>> -> memref<200xi32, #tpu.memory_space<vmem>>
      %dma_start3A_15 = arith.constant 0 : i32
      %dma_start3A_16 = arith.constant 0 : i32
      %dma_start3A_17 = tpu.memref_slice %arg3[%dma_start3A_15, %dma_start3A_16] : memref<10000x256xf32, #tpu.memory_space<hbm>> -> memref<10000x256xf32, #tpu.memory_space<hbm>>
      tpu.enqueue_indirect_dma source(%dma_start3A_17 : memref<10000x256xf32, #tpu.memory_space<hbm>>) target(%arg11 : memref<200x256xf32, #tpu.memory_space<vmem>>) offsets(%dma_start3A_14 : memref<200xi32, #tpu.memory_space<vmem>>) semaphore(%arg13 : memref<!tpu.dma_semaphore, #tpu.memory_space<semaphore_mem>>)
      %dma_wait3A = tpu.memref_slice %arg8[%mul3A_10] : memref<5000xi32, #tpu.memory_space<vmem>> -> memref<200xi32, #tpu.memory_space<vmem>>
      %dma_wait3A_18 = arith.constant 0 : i32
      %dma_wait3A_19 = arith.constant 0 : i32
      %dma_wait3A_20 = tpu.memref_slice %arg2[%dma_wait3A_18, %dma_wait3A_19] : memref<10000x256xf32, #tpu.memory_space<hbm>> -> memref<10000x256xf32, #tpu.memory_space<hbm>>
      tpu.wait_indirect_dma semaphore(%arg12 : memref<!tpu.dma_semaphore, #tpu.memory_space<semaphore_mem>>) src(%dma_wait3A_20 : memref<10000x256xf32, #tpu.memory_space<hbm>>) dst(%arg10 : memref<200x256xf32, #tpu.memory_space<vmem>>)
      %add3A_21 = arith.addi %mul3A_2, %mul3A_10 : i32
      "tpu.region"() ({
        %run_scoped3A = tpu.sem_alloc : memref<!tpu.dma_semaphore, #tpu.memory_space<semaphore_mem>>
        %dma_start3A_27 = arith.constant 0 : i32
        %dma_start3A_28 = tpu.memref_slice %arg6[%add3A_21, %dma_start3A_27] : memref<160000x256xf32, #tpu.memory_space<hbm>> -> memref<200x256xf32, #tpu.memory_space<hbm>>
        %dma_start3A_29 = arith.constant 0 : i32
        %dma_start3A_30 = tpu.memref_slice %arg6[%add3A_21, %dma_start3A_29] : memref<160000x256xf32, #tpu.memory_space<hbm>> -> memref<200x256xf32, #tpu.memory_space<hbm>>
        tpu.enqueue_dma source(%arg10 : memref<200x256xf32, #tpu.memory_space<vmem>>) target(%dma_start3A_30 : memref<200x256xf32, #tpu.memory_space<hbm>>) target_semaphore(%run_scoped3A : memref<!tpu.dma_semaphore, #tpu.memory_space<semaphore_mem>>)
        %dma_wait3A_31 = arith.constant 0 : i32
        %dma_wait3A_32 = tpu.memref_slice %arg6[%add3A_21, %dma_wait3A_31] : memref<160000x256xf32, #tpu.memory_space<hbm>> -> memref<200x256xf32, #tpu.memory_space<hbm>>
        %dma_wait3A_33 = arith.constant 0 : i32
        %dma_wait3A_34 = tpu.memref_slice %arg6[%add3A_21, %dma_wait3A_33] : memref<160000x256xf32, #tpu.memory_space<hbm>> -> memref<200x256xf32, #tpu.memory_space<hbm>>
        tpu.wait_dma2 semaphore(%run_scoped3A : memref<!tpu.dma_semaphore, #tpu.memory_space<semaphore_mem>>) src(%arg10 : memref<200x256xf32, #tpu.memory_space<vmem>>) dst(%dma_wait3A_34 : memref<200x256xf32, #tpu.memory_space<hbm>>)
        tpu.yield
      }) : () -> ()
      %dma_wait3A_22 = tpu.memref_slice %arg9[%mul3A_10] : memref<5000xi32, #tpu.memory_space<vmem>> -> memref<200xi32, #tpu.memory_space<vmem>>
      %dma_wait3A_23 = arith.constant 0 : i32
      %dma_wait3A_24 = arith.constant 0 : i32
      %dma_wait3A_25 = tpu.memref_slice %arg3[%dma_wait3A_23, %dma_wait3A_24] : memref<10000x256xf32, #tpu.memory_space<hbm>> -> memref<10000x256xf32, #tpu.memory_space<hbm>>
      tpu.wait_indirect_dma semaphore(%arg13 : memref<!tpu.dma_semaphore, #tpu.memory_space<semaphore_mem>>) src(%dma_wait3A_25 : memref<10000x256xf32, #tpu.memory_space<hbm>>) dst(%arg11 : memref<200x256xf32, #tpu.memory_space<vmem>>)
      %add3A_26 = arith.addi %mul3A_2, %mul3A_10 : i32
      "tpu.region"() ({
        %run_scoped3A = tpu.sem_alloc : memref<!tpu.dma_semaphore, #tpu.memory_space<semaphore_mem>>
        %dma_start3A_27 = arith.constant 0 : i32
        %dma_start3A_28 = tpu.memref_slice %arg7[%add3A_26, %dma_start3A_27] : memref<160000x256xf32, #tpu.memory_space<hbm>> -> memref<200x256xf32, #tpu.memory_space<hbm>>
        %dma_start3A_29 = arith.constant 0 : i32
        %dma_start3A_30 = tpu.memref_slice %arg7[%add3A_26, %dma_start3A_29] : memref<160000x256xf32, #tpu.memory_space<hbm>> -> memref<200x256xf32, #tpu.memory_space<hbm>>
        tpu.enqueue_dma source(%arg11 : memref<200x256xf32, #tpu.memory_space<vmem>>) target(%dma_start3A_30 : memref<200x256xf32, #tpu.memory_space<hbm>>) target_semaphore(%run_scoped3A : memref<!tpu.dma_semaphore, #tpu.memory_space<semaphore_mem>>)
        %dma_wait3A_31 = arith.constant 0 : i32
        %dma_wait3A_32 = tpu.memref_slice %arg7[%add3A_26, %dma_wait3A_31] : memref<160000x256xf32, #tpu.memory_space<hbm>> -> memref<200x256xf32, #tpu.memory_space<hbm>>
        %dma_wait3A_33 = arith.constant 0 : i32
        %dma_wait3A_34 = tpu.memref_slice %arg7[%add3A_26, %dma_wait3A_33] : memref<160000x256xf32, #tpu.memory_space<hbm>> -> memref<200x256xf32, #tpu.memory_space<hbm>>
        tpu.wait_dma2 semaphore(%run_scoped3A : memref<!tpu.dma_semaphore, #tpu.memory_space<semaphore_mem>>) src(%arg11 : memref<200x256xf32, #tpu.memory_space<vmem>>) dst(%dma_wait3A_34 : memref<200x256xf32, #tpu.memory_space<hbm>>)
        tpu.yield
      }) : () -> ()
    }
    %scan3A_7 = arith.constant 25 : i32
    return
  }
}

#map = affine_map<(d0, d1) -> (0, 0)>
#map1 = affine_map<(d0, d1) -> (0)>
module attributes {stable_mosaic.version = 14 : i64} {
  func.func @k(%arg0: i32, %arg1: i32, %arg2: memref<256x160000xf32, #tpu.memory_space<hbm>>, %arg3: memref<160000xi32, #tpu.memory_space<hbm>>, %arg4: memref<256x10240xf32, #tpu.memory_space<hbm>>, %arg5: memref<16x5120xf32, #tpu.memory_space<vmem>>, %arg6: memref<1280xi32, #tpu.memory_space<vmem>>, %arg7: memref<16x1280xf32, #tpu.memory_space<vmem>>) attributes {dimension_semantics = [#tpu.dimension_semantics<core_parallel>, #tpu.dimension_semantics<subcore_parallel>], iteration_bounds = array<i64: 2, 16>, scalar_prefetch = 0 : i64, scratch_operands = 3 : i64, tpu.core_type = #tpu.core_type<sc_vector_subcore>, window_params = [{transform_indices = #map}, {transform_indices = #map1}, {transform_indices = #map}]} {
    %mul3A = arith.constant 5120 : i32
    %mul3A_0 = arith.muli %arg0, %mul3A : i32
    %iota3A = tpu.iota {dimensions = array<i32: 0>} : vector<16xi32>
    %broadcast_in_dim3A = arith.constant 0xFF800000 : f32
    %broadcast_in_dim3A_1 = vector.broadcast %broadcast_in_dim3A : f32 to vector<16xf32>
    %scan3A = arith.constant 0 : i32
    %scan3A_2 = arith.constant 0 : i32
    %scan3A_3 = arith.constant 320 : i32
    %scan3A_4 = arith.addi %scan3A_2, %scan3A_3 : i32
    %scan3A_5 = arith.constant 1 : i32
    scf.for %scan3A_15 = %scan3A_2 to %scan3A_4 step %scan3A_5  : i32 {
      %mul3A_16 = arith.constant 16 : i32
      %mul3A_17 = arith.muli %scan3A_15, %mul3A_16 : i32
      %swap3A = arith.constant 0 : i32
      %swap3A_18 = arith.index_cast %swap3A : i32 to index
      %swap3A_19 = arith.index_cast %mul3A_17 : i32 to index
      %swap3A_20 = tpu.vector_load %arg5[%swap3A_18, %swap3A_19] {strides = array<i32>} : memref<16x5120xf32, #tpu.memory_space<vmem>>, vector<16xf32>,
      tpu.vector_store %arg5[%swap3A_18, %swap3A_19], %broadcast_in_dim3A_1 {strides = array<i32>} : memref<16x5120xf32, #tpu.memory_space<vmem>>, vector<16xf32>,
      %mul3A_21 = arith.constant 16 : i32
      %mul3A_22 = arith.muli %scan3A_15, %mul3A_21 : i32
      %swap3A_23 = arith.constant 1 : i32
      %swap3A_24 = arith.index_cast %swap3A_23 : i32 to index
      %swap3A_25 = arith.index_cast %mul3A_22 : i32 to index
      %swap3A_26 = tpu.vector_load %arg5[%swap3A_24, %swap3A_25] {strides = array<i32>} : memref<16x5120xf32, #tpu.memory_space<vmem>>, vector<16xf32>,
      tpu.vector_store %arg5[%swap3A_24, %swap3A_25], %broadcast_in_dim3A_1 {strides = array<i32>} : memref<16x5120xf32, #tpu.memory_space<vmem>>, vector<16xf32>,
      %mul3A_27 = arith.constant 16 : i32
      %mul3A_28 = arith.muli %scan3A_15, %mul3A_27 : i32
      %swap3A_29 = arith.constant 2 : i32
      %swap3A_30 = arith.index_cast %swap3A_29 : i32 to index
      %swap3A_31 = arith.index_cast %mul3A_28 : i32 to index
      %swap3A_32 = tpu.vector_load %arg5[%swap3A_30, %swap3A_31] {strides = array<i32>} : memref<16x5120xf32, #tpu.memory_space<vmem>>, vector<16xf32>,
      tpu.vector_store %arg5[%swap3A_30, %swap3A_31], %broadcast_in_dim3A_1 {strides = array<i32>} : memref<16x5120xf32, #tpu.memory_space<vmem>>, vector<16xf32>,
      %mul3A_33 = arith.constant 16 : i32
      %mul3A_34 = arith.muli %scan3A_15, %mul3A_33 : i32
      %swap3A_35 = arith.constant 3 : i32
      %swap3A_36 = arith.index_cast %swap3A_35 : i32 to index
      %swap3A_37 = arith.index_cast %mul3A_34 : i32 to index
      %swap3A_38 = tpu.vector_load %arg5[%swap3A_36, %swap3A_37] {strides = array<i32>} : memref<16x5120xf32, #tpu.memory_space<vmem>>, vector<16xf32>,
      tpu.vector_store %arg5[%swap3A_36, %swap3A_37], %broadcast_in_dim3A_1 {strides = array<i32>} : memref<16x5120xf32, #tpu.memory_space<vmem>>, vector<16xf32>,
      %mul3A_39 = arith.constant 16 : i32
      %mul3A_40 = arith.muli %scan3A_15, %mul3A_39 : i32
      %swap3A_41 = arith.constant 4 : i32
      %swap3A_42 = arith.index_cast %swap3A_41 : i32 to index
      %swap3A_43 = arith.index_cast %mul3A_40 : i32 to index
      %swap3A_44 = tpu.vector_load %arg5[%swap3A_42, %swap3A_43] {strides = array<i32>} : memref<16x5120xf32, #tpu.memory_space<vmem>>, vector<16xf32>,
      tpu.vector_store %arg5[%swap3A_42, %swap3A_43], %broadcast_in_dim3A_1 {strides = array<i32>} : memref<16x5120xf32, #tpu.memory_space<vmem>>, vector<16xf32>,
      %mul3A_45 = arith.constant 16 : i32
      %mul3A_46 = arith.muli %scan3A_15, %mul3A_45 : i32
      %swap3A_47 = arith.constant 5 : i32
      %swap3A_48 = arith.index_cast %swap3A_47 : i32 to index
      %swap3A_49 = arith.index_cast %mul3A_46 : i32 to index
      %swap3A_50 = tpu.vector_load %arg5[%swap3A_48, %swap3A_49] {strides = array<i32>} : memref<16x5120xf32, #tpu.memory_space<vmem>>, vector<16xf32>,
      tpu.vector_store %arg5[%swap3A_48, %swap3A_49], %broadcast_in_dim3A_1 {strides = array<i32>} : memref<16x5120xf32, #tpu.memory_space<vmem>>, vector<16xf32>,
      %mul3A_51 = arith.constant 16 : i32
      %mul3A_52 = arith.muli %scan3A_15, %mul3A_51 : i32
      %swap3A_53 = arith.constant 6 : i32
      %swap3A_54 = arith.index_cast %swap3A_53 : i32 to index
      %swap3A_55 = arith.index_cast %mul3A_52 : i32 to index
      %swap3A_56 = tpu.vector_load %arg5[%swap3A_54, %swap3A_55] {strides = array<i32>} : memref<16x5120xf32, #tpu.memory_space<vmem>>, vector<16xf32>,
      tpu.vector_store %arg5[%swap3A_54, %swap3A_55], %broadcast_in_dim3A_1 {strides = array<i32>} : memref<16x5120xf32, #tpu.memory_space<vmem>>, vector<16xf32>,
      %mul3A_57 = arith.constant 16 : i32
      %mul3A_58 = arith.muli %scan3A_15, %mul3A_57 : i32
      %swap3A_59 = arith.constant 7 : i32
      %swap3A_60 = arith.index_cast %swap3A_59 : i32 to index
      %swap3A_61 = arith.index_cast %mul3A_58 : i32 to index
      %swap3A_62 = tpu.vector_load %arg5[%swap3A_60, %swap3A_61] {strides = array<i32>} : memref<16x5120xf32, #tpu.memory_space<vmem>>, vector<16xf32>,
      tpu.vector_store %arg5[%swap3A_60, %swap3A_61], %broadcast_in_dim3A_1 {strides = array<i32>} : memref<16x5120xf32, #tpu.memory_space<vmem>>, vector<16xf32>,
      %mul3A_63 = arith.constant 16 : i32
      %mul3A_64 = arith.muli %scan3A_15, %mul3A_63 : i32
      %swap3A_65 = arith.constant 8 : i32
      %swap3A_66 = arith.index_cast %swap3A_65 : i32 to index
      %swap3A_67 = arith.index_cast %mul3A_64 : i32 to index
      %swap3A_68 = tpu.vector_load %arg5[%swap3A_66, %swap3A_67] {strides = array<i32>} : memref<16x5120xf32, #tpu.memory_space<vmem>>, vector<16xf32>,
      tpu.vector_store %arg5[%swap3A_66, %swap3A_67], %broadcast_in_dim3A_1 {strides = array<i32>} : memref<16x5120xf32, #tpu.memory_space<vmem>>, vector<16xf32>,
      %mul3A_69 = arith.constant 16 : i32
      %mul3A_70 = arith.muli %scan3A_15, %mul3A_69 : i32
      %swap3A_71 = arith.constant 9 : i32
      %swap3A_72 = arith.index_cast %swap3A_71 : i32 to index
      %swap3A_73 = arith.index_cast %mul3A_70 : i32 to index
      %swap3A_74 = tpu.vector_load %arg5[%swap3A_72, %swap3A_73] {strides = array<i32>} : memref<16x5120xf32, #tpu.memory_space<vmem>>, vector<16xf32>,
      tpu.vector_store %arg5[%swap3A_72, %swap3A_73], %broadcast_in_dim3A_1 {strides = array<i32>} : memref<16x5120xf32, #tpu.memory_space<vmem>>, vector<16xf32>,
      %mul3A_75 = arith.constant 16 : i32
      %mul3A_76 = arith.muli %scan3A_15, %mul3A_75 : i32
      %swap3A_77 = arith.constant 10 : i32
      %swap3A_78 = arith.index_cast %swap3A_77 : i32 to index
      %swap3A_79 = arith.index_cast %mul3A_76 : i32 to index
      %swap3A_80 = tpu.vector_load %arg5[%swap3A_78, %swap3A_79] {strides = array<i32>} : memref<16x5120xf32, #tpu.memory_space<vmem>>, vector<16xf32>,
      tpu.vector_store %arg5[%swap3A_78, %swap3A_79], %broadcast_in_dim3A_1 {strides = array<i32>} : memref<16x5120xf32, #tpu.memory_space<vmem>>, vector<16xf32>,
      %mul3A_81 = arith.constant 16 : i32
      %mul3A_82 = arith.muli %scan3A_15, %mul3A_81 : i32
      %swap3A_83 = arith.constant 11 : i32
      %swap3A_84 = arith.index_cast %swap3A_83 : i32 to index
      %swap3A_85 = arith.index_cast %mul3A_82 : i32 to index
      %swap3A_86 = tpu.vector_load %arg5[%swap3A_84, %swap3A_85] {strides = array<i32>} : memref<16x5120xf32, #tpu.memory_space<vmem>>, vector<16xf32>,
      tpu.vector_store %arg5[%swap3A_84, %swap3A_85], %broadcast_in_dim3A_1 {strides = array<i32>} : memref<16x5120xf32, #tpu.memory_space<vmem>>, vector<16xf32>,
      %mul3A_87 = arith.constant 16 : i32
      %mul3A_88 = arith.muli %scan3A_15, %mul3A_87 : i32
      %swap3A_89 = arith.constant 12 : i32
      %swap3A_90 = arith.index_cast %swap3A_89 : i32 to index
      %swap3A_91 = arith.index_cast %mul3A_88 : i32 to index
      %swap3A_92 = tpu.vector_load %arg5[%swap3A_90, %swap3A_91] {strides = array<i32>} : memref<16x5120xf32, #tpu.memory_space<vmem>>, vector<16xf32>,
      tpu.vector_store %arg5[%swap3A_90, %swap3A_91], %broadcast_in_dim3A_1 {strides = array<i32>} : memref<16x5120xf32, #tpu.memory_space<vmem>>, vector<16xf32>,
      %mul3A_93 = arith.constant 16 : i32
      %mul3A_94 = arith.muli %scan3A_15, %mul3A_93 : i32
      %swap3A_95 = arith.constant 13 : i32
      %swap3A_96 = arith.index_cast %swap3A_95 : i32 to index
      %swap3A_97 = arith.index_cast %mul3A_94 : i32 to index
      %swap3A_98 = tpu.vector_load %arg5[%swap3A_96, %swap3A_97] {strides = array<i32>} : memref<16x5120xf32, #tpu.memory_space<vmem>>, vector<16xf32>,
      tpu.vector_store %arg5[%swap3A_96, %swap3A_97], %broadcast_in_dim3A_1 {strides = array<i32>} : memref<16x5120xf32, #tpu.memory_space<vmem>>, vector<16xf32>,
      %mul3A_99 = arith.constant 16 : i32
      %mul3A_100 = arith.muli %scan3A_15, %mul3A_99 : i32
      %swap3A_101 = arith.constant 14 : i32
      %swap3A_102 = arith.index_cast %swap3A_101 : i32 to index
      %swap3A_103 = arith.index_cast %mul3A_100 : i32 to index
      %swap3A_104 = tpu.vector_load %arg5[%swap3A_102, %swap3A_103] {strides = array<i32>} : memref<16x5120xf32, #tpu.memory_space<vmem>>, vector<16xf32>,
      tpu.vector_store %arg5[%swap3A_102, %swap3A_103], %broadcast_in_dim3A_1 {strides = array<i32>} : memref<16x5120xf32, #tpu.memory_space<vmem>>, vector<16xf32>,
      %mul3A_105 = arith.constant 16 : i32
      %mul3A_106 = arith.muli %scan3A_15, %mul3A_105 : i32
      %swap3A_107 = arith.constant 15 : i32
      %swap3A_108 = arith.index_cast %swap3A_107 : i32 to index
      %swap3A_109 = arith.index_cast %mul3A_106 : i32 to index
      %swap3A_110 = tpu.vector_load %arg5[%swap3A_108, %swap3A_109] {strides = array<i32>} : memref<16x5120xf32, #tpu.memory_space<vmem>>, vector<16xf32>,
      tpu.vector_store %arg5[%swap3A_108, %swap3A_109], %broadcast_in_dim3A_1 {strides = array<i32>} : memref<16x5120xf32, #tpu.memory_space<vmem>>, vector<16xf32>,
    }
    %scan3A_6 = arith.constant 320 : i32
    %scan3A_7 = arith.constant 0 : i32
    %scan3A_8 = arith.constant 0 : i32
    %scan3A_9 = arith.constant 125 : i32
    %scan3A_10 = arith.addi %scan3A_8, %scan3A_9 : i32
    %scan3A_11 = arith.constant 1 : i32
    scf.for %scan3A_15 = %scan3A_8 to %scan3A_10 step %scan3A_11  : i32 {
      %mul3A_16 = arith.constant 1280 : i32
      %mul3A_17 = arith.muli %scan3A_15, %mul3A_16 : i32
      "tpu.region"() ({
        %run_scoped3A = tpu.sem_alloc : memref<!tpu.dma_semaphore, #tpu.memory_space<semaphore_mem>>
        %dma_start3A = tpu.memref_slice %arg3[%mul3A_17] : memref<160000xi32, #tpu.memory_space<hbm>> -> memref<1280xi32, #tpu.memory_space<hbm>>
        %dma_start3A_26 = tpu.memref_slice %arg3[%mul3A_17] : memref<160000xi32, #tpu.memory_space<hbm>> -> memref<1280xi32, #tpu.memory_space<hbm>>
        tpu.enqueue_dma source(%dma_start3A_26 : memref<1280xi32, #tpu.memory_space<hbm>>) target(%arg6 : memref<1280xi32, #tpu.memory_space<vmem>>) target_semaphore(%run_scoped3A : memref<!tpu.dma_semaphore, #tpu.memory_space<semaphore_mem>>)
        %dma_wait3A = tpu.memref_slice %arg3[%mul3A_17] : memref<160000xi32, #tpu.memory_space<hbm>> -> memref<1280xi32, #tpu.memory_space<hbm>>
        %dma_wait3A_27 = tpu.memref_slice %arg3[%mul3A_17] : memref<160000xi32, #tpu.memory_space<hbm>> -> memref<1280xi32, #tpu.memory_space<hbm>>
        tpu.wait_dma2 semaphore(%run_scoped3A : memref<!tpu.dma_semaphore, #tpu.memory_space<semaphore_mem>>) src(%dma_wait3A_27 : memref<1280xi32, #tpu.memory_space<hbm>>) dst(%arg6 : memref<1280xi32, #tpu.memory_space<vmem>>)
        tpu.yield
      }) : () -> ()
      %mul3A_18 = arith.constant 16 : i32
      %mul3A_19 = arith.muli %arg1, %mul3A_18 : i32
      "tpu.region"() ({
        %run_scoped3A = tpu.sem_alloc : memref<!tpu.dma_semaphore, #tpu.memory_space<semaphore_mem>>
        %dma_start3A = tpu.memref_slice %arg2[%mul3A_19, %mul3A_17] : memref<256x160000xf32, #tpu.memory_space<hbm>> -> memref<16x1280xf32, #tpu.memory_space<hbm>>
        %dma_start3A_26 = tpu.memref_slice %arg2[%mul3A_19, %mul3A_17] : memref<256x160000xf32, #tpu.memory_space<hbm>> -> memref<16x1280xf32, #tpu.memory_space<hbm>>
        tpu.enqueue_dma source(%dma_start3A_26 : memref<16x1280xf32, #tpu.memory_space<hbm>>) target(%arg7 : memref<16x1280xf32, #tpu.memory_space<vmem>>) target_semaphore(%run_scoped3A : memref<!tpu.dma_semaphore, #tpu.memory_space<semaphore_mem>>)
        %dma_wait3A = tpu.memref_slice %arg2[%mul3A_19, %mul3A_17] : memref<256x160000xf32, #tpu.memory_space<hbm>> -> memref<16x1280xf32, #tpu.memory_space<hbm>>
        %dma_wait3A_27 = tpu.memref_slice %arg2[%mul3A_19, %mul3A_17] : memref<256x160000xf32, #tpu.memory_space<hbm>> -> memref<16x1280xf32, #tpu.memory_space<hbm>>
        tpu.wait_dma2 semaphore(%run_scoped3A : memref<!tpu.dma_semaphore, #tpu.memory_space<semaphore_mem>>) src(%dma_wait3A_27 : memref<16x1280xf32, #tpu.memory_space<hbm>>) dst(%arg7 : memref<16x1280xf32, #tpu.memory_space<vmem>>)
        tpu.yield
      }) : () -> ()
      %scan3A_20 = arith.constant 0 : i32
      %scan3A_21 = arith.constant 0 : i32
      %scan3A_22 = arith.constant 80 : i32
      %scan3A_23 = arith.addi %scan3A_21, %scan3A_22 : i32
      %scan3A_24 = arith.constant 1 : i32
      scf.for %scan3A_26 = %scan3A_21 to %scan3A_23 step %scan3A_24  : i32 {
        %mul3A_27 = arith.constant 16 : i32
        %mul3A_28 = arith.muli %scan3A_26, %mul3A_27 : i32
        %get3A = arith.index_cast %mul3A_28 : i32 to index
        %get3A_29 = tpu.vector_load %arg6[%get3A] {strides = array<i32>} : memref<1280xi32, #tpu.memory_space<vmem>>, vector<16xi32>,
        %sub3A = vector.broadcast %mul3A_0 : i32 to vector<16xi32>
        %sub3A_30 = arith.subi %get3A_29, %sub3A : vector<16xi32>
        %slice3A = vector.extract_strided_slice %sub3A_30 {offsets = [0], sizes = [1], strides = [1]} : vector<16xi32> to vector<1xi32>
        %squeeze3A = vector.extract %slice3A[0] : i32 from vector<1xi32>
        %ge3A = arith.constant 0 : i32
        %ge3A_31 = arith.cmpi sge, %squeeze3A, %ge3A : i32
        %lt3A = arith.constant 5120 : i32
        %lt3A_32 = arith.cmpi slt, %squeeze3A, %lt3A : i32
        %and3A = arith.andi %ge3A_31, %lt3A_32 : i1
        %convert_element_type3A = arith.extui %and3A : i1 to i32
        %cond3A = arith.constant 0 : i32
        %cond3A_33 = arith.cmpi ne, %convert_element_type3A, %cond3A : i32
        scf.if %cond3A_33 {
          %broadcast_in_dim3A_184 = vector.broadcast %squeeze3A : i32 to vector<16xi32>
          %mul3A_185 = arith.constant 16 : i32
          %mul3A_186 = arith.muli %scan3A_26, %mul3A_185 : i32
          %add3A = arith.constant 0 : i32
          %add3A_187 = arith.addi %mul3A_186, %add3A : i32
          %broadcast_in_dim3A_188 = vector.broadcast %add3A_187 : i32 to vector<16xi32>
          %gather3A = tpu.vector_load_idx %arg7[%iota3A, %broadcast_in_dim3A_188] : memref<16x1280xf32, #tpu.memory_space<vmem>>[vector<16xi32>, vector<16xi32>], vector<16xf32>,
          %gather3A_189 = tpu.vector_load_idx %arg5[%iota3A, %broadcast_in_dim3A_184] : memref<16x5120xf32, #tpu.memory_space<vmem>>[vector<16xi32>, vector<16xi32>], vector<16xf32>,
          %max3A = arith.maximumf %gather3A_189, %gather3A : vector<16xf32>
          tpu.vector_store_idx %arg5[%iota3A, %broadcast_in_dim3A_184], %max3A : memref<16x5120xf32, #tpu.memory_space<vmem>>[vector<16xi32>, vector<16xi32>], vector<16xf32>,
        } else {
        }
        %slice3A_34 = vector.extract_strided_slice %sub3A_30 {offsets = [1], sizes = [1], strides = [1]} : vector<16xi32> to vector<1xi32>
        %squeeze3A_35 = vector.extract %slice3A_34[0] : i32 from vector<1xi32>
        %ge3A_36 = arith.constant 0 : i32
        %ge3A_37 = arith.cmpi sge, %squeeze3A_35, %ge3A_36 : i32
        %lt3A_38 = arith.constant 5120 : i32
        %lt3A_39 = arith.cmpi slt, %squeeze3A_35, %lt3A_38 : i32
        %and3A_40 = arith.andi %ge3A_37, %lt3A_39 : i1
        %convert_element_type3A_41 = arith.extui %and3A_40 : i1 to i32
        %cond3A_42 = arith.constant 0 : i32
        %cond3A_43 = arith.cmpi ne, %convert_element_type3A_41, %cond3A_42 : i32
        scf.if %cond3A_43 {
          %broadcast_in_dim3A_184 = vector.broadcast %squeeze3A_35 : i32 to vector<16xi32>
          %mul3A_185 = arith.constant 16 : i32
          %mul3A_186 = arith.muli %scan3A_26, %mul3A_185 : i32
          %add3A = arith.constant 1 : i32
          %add3A_187 = arith.addi %mul3A_186, %add3A : i32
          %broadcast_in_dim3A_188 = vector.broadcast %add3A_187 : i32 to vector<16xi32>
          %gather3A = tpu.vector_load_idx %arg7[%iota3A, %broadcast_in_dim3A_188] : memref<16x1280xf32, #tpu.memory_space<vmem>>[vector<16xi32>, vector<16xi32>], vector<16xf32>,
          %gather3A_189 = tpu.vector_load_idx %arg5[%iota3A, %broadcast_in_dim3A_184] : memref<16x5120xf32, #tpu.memory_space<vmem>>[vector<16xi32>, vector<16xi32>], vector<16xf32>,
          %max3A = arith.maximumf %gather3A_189, %gather3A : vector<16xf32>
          tpu.vector_store_idx %arg5[%iota3A, %broadcast_in_dim3A_184], %max3A : memref<16x5120xf32, #tpu.memory_space<vmem>>[vector<16xi32>, vector<16xi32>], vector<16xf32>,
        } else {
        }
        %slice3A_44 = vector.extract_strided_slice %sub3A_30 {offsets = [2], sizes = [1], strides = [1]} : vector<16xi32> to vector<1xi32>
        %squeeze3A_45 = vector.extract %slice3A_44[0] : i32 from vector<1xi32>
        %ge3A_46 = arith.constant 0 : i32
        %ge3A_47 = arith.cmpi sge, %squeeze3A_45, %ge3A_46 : i32
        %lt3A_48 = arith.constant 5120 : i32
        %lt3A_49 = arith.cmpi slt, %squeeze3A_45, %lt3A_48 : i32
        %and3A_50 = arith.andi %ge3A_47, %lt3A_49 : i1
        %convert_element_type3A_51 = arith.extui %and3A_50 : i1 to i32
        %cond3A_52 = arith.constant 0 : i32
        %cond3A_53 = arith.cmpi ne, %convert_element_type3A_51, %cond3A_52 : i32
        scf.if %cond3A_53 {
          %broadcast_in_dim3A_184 = vector.broadcast %squeeze3A_45 : i32 to vector<16xi32>
          %mul3A_185 = arith.constant 16 : i32
          %mul3A_186 = arith.muli %scan3A_26, %mul3A_185 : i32
          %add3A = arith.constant 2 : i32
          %add3A_187 = arith.addi %mul3A_186, %add3A : i32
          %broadcast_in_dim3A_188 = vector.broadcast %add3A_187 : i32 to vector<16xi32>
          %gather3A = tpu.vector_load_idx %arg7[%iota3A, %broadcast_in_dim3A_188] : memref<16x1280xf32, #tpu.memory_space<vmem>>[vector<16xi32>, vector<16xi32>], vector<16xf32>,
          %gather3A_189 = tpu.vector_load_idx %arg5[%iota3A, %broadcast_in_dim3A_184] : memref<16x5120xf32, #tpu.memory_space<vmem>>[vector<16xi32>, vector<16xi32>], vector<16xf32>,
          %max3A = arith.maximumf %gather3A_189, %gather3A : vector<16xf32>
          tpu.vector_store_idx %arg5[%iota3A, %broadcast_in_dim3A_184], %max3A : memref<16x5120xf32, #tpu.memory_space<vmem>>[vector<16xi32>, vector<16xi32>], vector<16xf32>,
        } else {
        }
        %slice3A_54 = vector.extract_strided_slice %sub3A_30 {offsets = [3], sizes = [1], strides = [1]} : vector<16xi32> to vector<1xi32>
        %squeeze3A_55 = vector.extract %slice3A_54[0] : i32 from vector<1xi32>
        %ge3A_56 = arith.constant 0 : i32
        %ge3A_57 = arith.cmpi sge, %squeeze3A_55, %ge3A_56 : i32
        %lt3A_58 = arith.constant 5120 : i32
        %lt3A_59 = arith.cmpi slt, %squeeze3A_55, %lt3A_58 : i32
        %and3A_60 = arith.andi %ge3A_57, %lt3A_59 : i1
        %convert_element_type3A_61 = arith.extui %and3A_60 : i1 to i32
        %cond3A_62 = arith.constant 0 : i32
        %cond3A_63 = arith.cmpi ne, %convert_element_type3A_61, %cond3A_62 : i32
        scf.if %cond3A_63 {
          %broadcast_in_dim3A_184 = vector.broadcast %squeeze3A_55 : i32 to vector<16xi32>
          %mul3A_185 = arith.constant 16 : i32
          %mul3A_186 = arith.muli %scan3A_26, %mul3A_185 : i32
          %add3A = arith.constant 3 : i32
          %add3A_187 = arith.addi %mul3A_186, %add3A : i32
          %broadcast_in_dim3A_188 = vector.broadcast %add3A_187 : i32 to vector<16xi32>
          %gather3A = tpu.vector_load_idx %arg7[%iota3A, %broadcast_in_dim3A_188] : memref<16x1280xf32, #tpu.memory_space<vmem>>[vector<16xi32>, vector<16xi32>], vector<16xf32>,
          %gather3A_189 = tpu.vector_load_idx %arg5[%iota3A, %broadcast_in_dim3A_184] : memref<16x5120xf32, #tpu.memory_space<vmem>>[vector<16xi32>, vector<16xi32>], vector<16xf32>,
          %max3A = arith.maximumf %gather3A_189, %gather3A : vector<16xf32>
          tpu.vector_store_idx %arg5[%iota3A, %broadcast_in_dim3A_184], %max3A : memref<16x5120xf32, #tpu.memory_space<vmem>>[vector<16xi32>, vector<16xi32>], vector<16xf32>,
        } else {
        }
        %slice3A_64 = vector.extract_strided_slice %sub3A_30 {offsets = [4], sizes = [1], strides = [1]} : vector<16xi32> to vector<1xi32>
        %squeeze3A_65 = vector.extract %slice3A_64[0] : i32 from vector<1xi32>
        %ge3A_66 = arith.constant 0 : i32
        %ge3A_67 = arith.cmpi sge, %squeeze3A_65, %ge3A_66 : i32
        %lt3A_68 = arith.constant 5120 : i32
        %lt3A_69 = arith.cmpi slt, %squeeze3A_65, %lt3A_68 : i32
        %and3A_70 = arith.andi %ge3A_67, %lt3A_69 : i1
        %convert_element_type3A_71 = arith.extui %and3A_70 : i1 to i32
        %cond3A_72 = arith.constant 0 : i32
        %cond3A_73 = arith.cmpi ne, %convert_element_type3A_71, %cond3A_72 : i32
        scf.if %cond3A_73 {
          %broadcast_in_dim3A_184 = vector.broadcast %squeeze3A_65 : i32 to vector<16xi32>
          %mul3A_185 = arith.constant 16 : i32
          %mul3A_186 = arith.muli %scan3A_26, %mul3A_185 : i32
          %add3A = arith.constant 4 : i32
          %add3A_187 = arith.addi %mul3A_186, %add3A : i32
          %broadcast_in_dim3A_188 = vector.broadcast %add3A_187 : i32 to vector<16xi32>
          %gather3A = tpu.vector_load_idx %arg7[%iota3A, %broadcast_in_dim3A_188] : memref<16x1280xf32, #tpu.memory_space<vmem>>[vector<16xi32>, vector<16xi32>], vector<16xf32>,
          %gather3A_189 = tpu.vector_load_idx %arg5[%iota3A, %broadcast_in_dim3A_184] : memref<16x5120xf32, #tpu.memory_space<vmem>>[vector<16xi32>, vector<16xi32>], vector<16xf32>,
          %max3A = arith.maximumf %gather3A_189, %gather3A : vector<16xf32>
          tpu.vector_store_idx %arg5[%iota3A, %broadcast_in_dim3A_184], %max3A : memref<16x5120xf32, #tpu.memory_space<vmem>>[vector<16xi32>, vector<16xi32>], vector<16xf32>,
        } else {
        }
        %slice3A_74 = vector.extract_strided_slice %sub3A_30 {offsets = [5], sizes = [1], strides = [1]} : vector<16xi32> to vector<1xi32>
        %squeeze3A_75 = vector.extract %slice3A_74[0] : i32 from vector<1xi32>
        %ge3A_76 = arith.constant 0 : i32
        %ge3A_77 = arith.cmpi sge, %squeeze3A_75, %ge3A_76 : i32
        %lt3A_78 = arith.constant 5120 : i32
        %lt3A_79 = arith.cmpi slt, %squeeze3A_75, %lt3A_78 : i32
        %and3A_80 = arith.andi %ge3A_77, %lt3A_79 : i1
        %convert_element_type3A_81 = arith.extui %and3A_80 : i1 to i32
        %cond3A_82 = arith.constant 0 : i32
        %cond3A_83 = arith.cmpi ne, %convert_element_type3A_81, %cond3A_82 : i32
        scf.if %cond3A_83 {
          %broadcast_in_dim3A_184 = vector.broadcast %squeeze3A_75 : i32 to vector<16xi32>
          %mul3A_185 = arith.constant 16 : i32
          %mul3A_186 = arith.muli %scan3A_26, %mul3A_185 : i32
          %add3A = arith.constant 5 : i32
          %add3A_187 = arith.addi %mul3A_186, %add3A : i32
          %broadcast_in_dim3A_188 = vector.broadcast %add3A_187 : i32 to vector<16xi32>
          %gather3A = tpu.vector_load_idx %arg7[%iota3A, %broadcast_in_dim3A_188] : memref<16x1280xf32, #tpu.memory_space<vmem>>[vector<16xi32>, vector<16xi32>], vector<16xf32>,
          %gather3A_189 = tpu.vector_load_idx %arg5[%iota3A, %broadcast_in_dim3A_184] : memref<16x5120xf32, #tpu.memory_space<vmem>>[vector<16xi32>, vector<16xi32>], vector<16xf32>,
          %max3A = arith.maximumf %gather3A_189, %gather3A : vector<16xf32>
          tpu.vector_store_idx %arg5[%iota3A, %broadcast_in_dim3A_184], %max3A : memref<16x5120xf32, #tpu.memory_space<vmem>>[vector<16xi32>, vector<16xi32>], vector<16xf32>,
        } else {
        }
        %slice3A_84 = vector.extract_strided_slice %sub3A_30 {offsets = [6], sizes = [1], strides = [1]} : vector<16xi32> to vector<1xi32>
        %squeeze3A_85 = vector.extract %slice3A_84[0] : i32 from vector<1xi32>
        %ge3A_86 = arith.constant 0 : i32
        %ge3A_87 = arith.cmpi sge, %squeeze3A_85, %ge3A_86 : i32
        %lt3A_88 = arith.constant 5120 : i32
        %lt3A_89 = arith.cmpi slt, %squeeze3A_85, %lt3A_88 : i32
        %and3A_90 = arith.andi %ge3A_87, %lt3A_89 : i1
        %convert_element_type3A_91 = arith.extui %and3A_90 : i1 to i32
        %cond3A_92 = arith.constant 0 : i32
        %cond3A_93 = arith.cmpi ne, %convert_element_type3A_91, %cond3A_92 : i32
        scf.if %cond3A_93 {
          %broadcast_in_dim3A_184 = vector.broadcast %squeeze3A_85 : i32 to vector<16xi32>
          %mul3A_185 = arith.constant 16 : i32
          %mul3A_186 = arith.muli %scan3A_26, %mul3A_185 : i32
          %add3A = arith.constant 6 : i32
          %add3A_187 = arith.addi %mul3A_186, %add3A : i32
          %broadcast_in_dim3A_188 = vector.broadcast %add3A_187 : i32 to vector<16xi32>
          %gather3A = tpu.vector_load_idx %arg7[%iota3A, %broadcast_in_dim3A_188] : memref<16x1280xf32, #tpu.memory_space<vmem>>[vector<16xi32>, vector<16xi32>], vector<16xf32>,
          %gather3A_189 = tpu.vector_load_idx %arg5[%iota3A, %broadcast_in_dim3A_184] : memref<16x5120xf32, #tpu.memory_space<vmem>>[vector<16xi32>, vector<16xi32>], vector<16xf32>,
          %max3A = arith.maximumf %gather3A_189, %gather3A : vector<16xf32>
          tpu.vector_store_idx %arg5[%iota3A, %broadcast_in_dim3A_184], %max3A : memref<16x5120xf32, #tpu.memory_space<vmem>>[vector<16xi32>, vector<16xi32>], vector<16xf32>,
        } else {
        }
        %slice3A_94 = vector.extract_strided_slice %sub3A_30 {offsets = [7], sizes = [1], strides = [1]} : vector<16xi32> to vector<1xi32>
        %squeeze3A_95 = vector.extract %slice3A_94[0] : i32 from vector<1xi32>
        %ge3A_96 = arith.constant 0 : i32
        %ge3A_97 = arith.cmpi sge, %squeeze3A_95, %ge3A_96 : i32
        %lt3A_98 = arith.constant 5120 : i32
        %lt3A_99 = arith.cmpi slt, %squeeze3A_95, %lt3A_98 : i32
        %and3A_100 = arith.andi %ge3A_97, %lt3A_99 : i1
        %convert_element_type3A_101 = arith.extui %and3A_100 : i1 to i32
        %cond3A_102 = arith.constant 0 : i32
        %cond3A_103 = arith.cmpi ne, %convert_element_type3A_101, %cond3A_102 : i32
        scf.if %cond3A_103 {
          %broadcast_in_dim3A_184 = vector.broadcast %squeeze3A_95 : i32 to vector<16xi32>
          %mul3A_185 = arith.constant 16 : i32
          %mul3A_186 = arith.muli %scan3A_26, %mul3A_185 : i32
          %add3A = arith.constant 7 : i32
          %add3A_187 = arith.addi %mul3A_186, %add3A : i32
          %broadcast_in_dim3A_188 = vector.broadcast %add3A_187 : i32 to vector<16xi32>
          %gather3A = tpu.vector_load_idx %arg7[%iota3A, %broadcast_in_dim3A_188] : memref<16x1280xf32, #tpu.memory_space<vmem>>[vector<16xi32>, vector<16xi32>], vector<16xf32>,
          %gather3A_189 = tpu.vector_load_idx %arg5[%iota3A, %broadcast_in_dim3A_184] : memref<16x5120xf32, #tpu.memory_space<vmem>>[vector<16xi32>, vector<16xi32>], vector<16xf32>,
          %max3A = arith.maximumf %gather3A_189, %gather3A : vector<16xf32>
          tpu.vector_store_idx %arg5[%iota3A, %broadcast_in_dim3A_184], %max3A : memref<16x5120xf32, #tpu.memory_space<vmem>>[vector<16xi32>, vector<16xi32>], vector<16xf32>,
        } else {
        }
        %slice3A_104 = vector.extract_strided_slice %sub3A_30 {offsets = [8], sizes = [1], strides = [1]} : vector<16xi32> to vector<1xi32>
        %squeeze3A_105 = vector.extract %slice3A_104[0] : i32 from vector<1xi32>
        %ge3A_106 = arith.constant 0 : i32
        %ge3A_107 = arith.cmpi sge, %squeeze3A_105, %ge3A_106 : i32
        %lt3A_108 = arith.constant 5120 : i32
        %lt3A_109 = arith.cmpi slt, %squeeze3A_105, %lt3A_108 : i32
        %and3A_110 = arith.andi %ge3A_107, %lt3A_109 : i1
        %convert_element_type3A_111 = arith.extui %and3A_110 : i1 to i32
        %cond3A_112 = arith.constant 0 : i32
        %cond3A_113 = arith.cmpi ne, %convert_element_type3A_111, %cond3A_112 : i32
        scf.if %cond3A_113 {
          %broadcast_in_dim3A_184 = vector.broadcast %squeeze3A_105 : i32 to vector<16xi32>
          %mul3A_185 = arith.constant 16 : i32
          %mul3A_186 = arith.muli %scan3A_26, %mul3A_185 : i32
          %add3A = arith.constant 8 : i32
          %add3A_187 = arith.addi %mul3A_186, %add3A : i32
          %broadcast_in_dim3A_188 = vector.broadcast %add3A_187 : i32 to vector<16xi32>
          %gather3A = tpu.vector_load_idx %arg7[%iota3A, %broadcast_in_dim3A_188] : memref<16x1280xf32, #tpu.memory_space<vmem>>[vector<16xi32>, vector<16xi32>], vector<16xf32>,
          %gather3A_189 = tpu.vector_load_idx %arg5[%iota3A, %broadcast_in_dim3A_184] : memref<16x5120xf32, #tpu.memory_space<vmem>>[vector<16xi32>, vector<16xi32>], vector<16xf32>,
          %max3A = arith.maximumf %gather3A_189, %gather3A : vector<16xf32>
          tpu.vector_store_idx %arg5[%iota3A, %broadcast_in_dim3A_184], %max3A : memref<16x5120xf32, #tpu.memory_space<vmem>>[vector<16xi32>, vector<16xi32>], vector<16xf32>,
        } else {
        }
        %slice3A_114 = vector.extract_strided_slice %sub3A_30 {offsets = [9], sizes = [1], strides = [1]} : vector<16xi32> to vector<1xi32>
        %squeeze3A_115 = vector.extract %slice3A_114[0] : i32 from vector<1xi32>
        %ge3A_116 = arith.constant 0 : i32
        %ge3A_117 = arith.cmpi sge, %squeeze3A_115, %ge3A_116 : i32
        %lt3A_118 = arith.constant 5120 : i32
        %lt3A_119 = arith.cmpi slt, %squeeze3A_115, %lt3A_118 : i32
        %and3A_120 = arith.andi %ge3A_117, %lt3A_119 : i1
        %convert_element_type3A_121 = arith.extui %and3A_120 : i1 to i32
        %cond3A_122 = arith.constant 0 : i32
        %cond3A_123 = arith.cmpi ne, %convert_element_type3A_121, %cond3A_122 : i32
        scf.if %cond3A_123 {
          %broadcast_in_dim3A_184 = vector.broadcast %squeeze3A_115 : i32 to vector<16xi32>
          %mul3A_185 = arith.constant 16 : i32
          %mul3A_186 = arith.muli %scan3A_26, %mul3A_185 : i32
          %add3A = arith.constant 9 : i32
          %add3A_187 = arith.addi %mul3A_186, %add3A : i32
          %broadcast_in_dim3A_188 = vector.broadcast %add3A_187 : i32 to vector<16xi32>
          %gather3A = tpu.vector_load_idx %arg7[%iota3A, %broadcast_in_dim3A_188] : memref<16x1280xf32, #tpu.memory_space<vmem>>[vector<16xi32>, vector<16xi32>], vector<16xf32>,
          %gather3A_189 = tpu.vector_load_idx %arg5[%iota3A, %broadcast_in_dim3A_184] : memref<16x5120xf32, #tpu.memory_space<vmem>>[vector<16xi32>, vector<16xi32>], vector<16xf32>,
          %max3A = arith.maximumf %gather3A_189, %gather3A : vector<16xf32>
          tpu.vector_store_idx %arg5[%iota3A, %broadcast_in_dim3A_184], %max3A : memref<16x5120xf32, #tpu.memory_space<vmem>>[vector<16xi32>, vector<16xi32>], vector<16xf32>,
        } else {
        }
        %slice3A_124 = vector.extract_strided_slice %sub3A_30 {offsets = [10], sizes = [1], strides = [1]} : vector<16xi32> to vector<1xi32>
        %squeeze3A_125 = vector.extract %slice3A_124[0] : i32 from vector<1xi32>
        %ge3A_126 = arith.constant 0 : i32
        %ge3A_127 = arith.cmpi sge, %squeeze3A_125, %ge3A_126 : i32
        %lt3A_128 = arith.constant 5120 : i32
        %lt3A_129 = arith.cmpi slt, %squeeze3A_125, %lt3A_128 : i32
        %and3A_130 = arith.andi %ge3A_127, %lt3A_129 : i1
        %convert_element_type3A_131 = arith.extui %and3A_130 : i1 to i32
        %cond3A_132 = arith.constant 0 : i32
        %cond3A_133 = arith.cmpi ne, %convert_element_type3A_131, %cond3A_132 : i32
        scf.if %cond3A_133 {
          %broadcast_in_dim3A_184 = vector.broadcast %squeeze3A_125 : i32 to vector<16xi32>
          %mul3A_185 = arith.constant 16 : i32
          %mul3A_186 = arith.muli %scan3A_26, %mul3A_185 : i32
          %add3A = arith.constant 10 : i32
          %add3A_187 = arith.addi %mul3A_186, %add3A : i32
          %broadcast_in_dim3A_188 = vector.broadcast %add3A_187 : i32 to vector<16xi32>
          %gather3A = tpu.vector_load_idx %arg7[%iota3A, %broadcast_in_dim3A_188] : memref<16x1280xf32, #tpu.memory_space<vmem>>[vector<16xi32>, vector<16xi32>], vector<16xf32>,
          %gather3A_189 = tpu.vector_load_idx %arg5[%iota3A, %broadcast_in_dim3A_184] : memref<16x5120xf32, #tpu.memory_space<vmem>>[vector<16xi32>, vector<16xi32>], vector<16xf32>,
          %max3A = arith.maximumf %gather3A_189, %gather3A : vector<16xf32>
          tpu.vector_store_idx %arg5[%iota3A, %broadcast_in_dim3A_184], %max3A : memref<16x5120xf32, #tpu.memory_space<vmem>>[vector<16xi32>, vector<16xi32>], vector<16xf32>,
        } else {
        }
        %slice3A_134 = vector.extract_strided_slice %sub3A_30 {offsets = [11], sizes = [1], strides = [1]} : vector<16xi32> to vector<1xi32>
        %squeeze3A_135 = vector.extract %slice3A_134[0] : i32 from vector<1xi32>
        %ge3A_136 = arith.constant 0 : i32
        %ge3A_137 = arith.cmpi sge, %squeeze3A_135, %ge3A_136 : i32
        %lt3A_138 = arith.constant 5120 : i32
        %lt3A_139 = arith.cmpi slt, %squeeze3A_135, %lt3A_138 : i32
        %and3A_140 = arith.andi %ge3A_137, %lt3A_139 : i1
        %convert_element_type3A_141 = arith.extui %and3A_140 : i1 to i32
        %cond3A_142 = arith.constant 0 : i32
        %cond3A_143 = arith.cmpi ne, %convert_element_type3A_141, %cond3A_142 : i32
        scf.if %cond3A_143 {
          %broadcast_in_dim3A_184 = vector.broadcast %squeeze3A_135 : i32 to vector<16xi32>
          %mul3A_185 = arith.constant 16 : i32
          %mul3A_186 = arith.muli %scan3A_26, %mul3A_185 : i32
          %add3A = arith.constant 11 : i32
          %add3A_187 = arith.addi %mul3A_186, %add3A : i32
          %broadcast_in_dim3A_188 = vector.broadcast %add3A_187 : i32 to vector<16xi32>
          %gather3A = tpu.vector_load_idx %arg7[%iota3A, %broadcast_in_dim3A_188] : memref<16x1280xf32, #tpu.memory_space<vmem>>[vector<16xi32>, vector<16xi32>], vector<16xf32>,
          %gather3A_189 = tpu.vector_load_idx %arg5[%iota3A, %broadcast_in_dim3A_184] : memref<16x5120xf32, #tpu.memory_space<vmem>>[vector<16xi32>, vector<16xi32>], vector<16xf32>,
          %max3A = arith.maximumf %gather3A_189, %gather3A : vector<16xf32>
          tpu.vector_store_idx %arg5[%iota3A, %broadcast_in_dim3A_184], %max3A : memref<16x5120xf32, #tpu.memory_space<vmem>>[vector<16xi32>, vector<16xi32>], vector<16xf32>,
        } else {
        }
        %slice3A_144 = vector.extract_strided_slice %sub3A_30 {offsets = [12], sizes = [1], strides = [1]} : vector<16xi32> to vector<1xi32>
        %squeeze3A_145 = vector.extract %slice3A_144[0] : i32 from vector<1xi32>
        %ge3A_146 = arith.constant 0 : i32
        %ge3A_147 = arith.cmpi sge, %squeeze3A_145, %ge3A_146 : i32
        %lt3A_148 = arith.constant 5120 : i32
        %lt3A_149 = arith.cmpi slt, %squeeze3A_145, %lt3A_148 : i32
        %and3A_150 = arith.andi %ge3A_147, %lt3A_149 : i1
        %convert_element_type3A_151 = arith.extui %and3A_150 : i1 to i32
        %cond3A_152 = arith.constant 0 : i32
        %cond3A_153 = arith.cmpi ne, %convert_element_type3A_151, %cond3A_152 : i32
        scf.if %cond3A_153 {
          %broadcast_in_dim3A_184 = vector.broadcast %squeeze3A_145 : i32 to vector<16xi32>
          %mul3A_185 = arith.constant 16 : i32
          %mul3A_186 = arith.muli %scan3A_26, %mul3A_185 : i32
          %add3A = arith.constant 12 : i32
          %add3A_187 = arith.addi %mul3A_186, %add3A : i32
          %broadcast_in_dim3A_188 = vector.broadcast %add3A_187 : i32 to vector<16xi32>
          %gather3A = tpu.vector_load_idx %arg7[%iota3A, %broadcast_in_dim3A_188] : memref<16x1280xf32, #tpu.memory_space<vmem>>[vector<16xi32>, vector<16xi32>], vector<16xf32>,
          %gather3A_189 = tpu.vector_load_idx %arg5[%iota3A, %broadcast_in_dim3A_184] : memref<16x5120xf32, #tpu.memory_space<vmem>>[vector<16xi32>, vector<16xi32>], vector<16xf32>,
          %max3A = arith.maximumf %gather3A_189, %gather3A : vector<16xf32>
          tpu.vector_store_idx %arg5[%iota3A, %broadcast_in_dim3A_184], %max3A : memref<16x5120xf32, #tpu.memory_space<vmem>>[vector<16xi32>, vector<16xi32>], vector<16xf32>,
        } else {
        }
        %slice3A_154 = vector.extract_strided_slice %sub3A_30 {offsets = [13], sizes = [1], strides = [1]} : vector<16xi32> to vector<1xi32>
        %squeeze3A_155 = vector.extract %slice3A_154[0] : i32 from vector<1xi32>
        %ge3A_156 = arith.constant 0 : i32
        %ge3A_157 = arith.cmpi sge, %squeeze3A_155, %ge3A_156 : i32
        %lt3A_158 = arith.constant 5120 : i32
        %lt3A_159 = arith.cmpi slt, %squeeze3A_155, %lt3A_158 : i32
        %and3A_160 = arith.andi %ge3A_157, %lt3A_159 : i1
        %convert_element_type3A_161 = arith.extui %and3A_160 : i1 to i32
        %cond3A_162 = arith.constant 0 : i32
        %cond3A_163 = arith.cmpi ne, %convert_element_type3A_161, %cond3A_162 : i32
        scf.if %cond3A_163 {
          %broadcast_in_dim3A_184 = vector.broadcast %squeeze3A_155 : i32 to vector<16xi32>
          %mul3A_185 = arith.constant 16 : i32
          %mul3A_186 = arith.muli %scan3A_26, %mul3A_185 : i32
          %add3A = arith.constant 13 : i32
          %add3A_187 = arith.addi %mul3A_186, %add3A : i32
          %broadcast_in_dim3A_188 = vector.broadcast %add3A_187 : i32 to vector<16xi32>
          %gather3A = tpu.vector_load_idx %arg7[%iota3A, %broadcast_in_dim3A_188] : memref<16x1280xf32, #tpu.memory_space<vmem>>[vector<16xi32>, vector<16xi32>], vector<16xf32>,
          %gather3A_189 = tpu.vector_load_idx %arg5[%iota3A, %broadcast_in_dim3A_184] : memref<16x5120xf32, #tpu.memory_space<vmem>>[vector<16xi32>, vector<16xi32>], vector<16xf32>,
          %max3A = arith.maximumf %gather3A_189, %gather3A : vector<16xf32>
          tpu.vector_store_idx %arg5[%iota3A, %broadcast_in_dim3A_184], %max3A : memref<16x5120xf32, #tpu.memory_space<vmem>>[vector<16xi32>, vector<16xi32>], vector<16xf32>,
        } else {
        }
        %slice3A_164 = vector.extract_strided_slice %sub3A_30 {offsets = [14], sizes = [1], strides = [1]} : vector<16xi32> to vector<1xi32>
        %squeeze3A_165 = vector.extract %slice3A_164[0] : i32 from vector<1xi32>
        %ge3A_166 = arith.constant 0 : i32
        %ge3A_167 = arith.cmpi sge, %squeeze3A_165, %ge3A_166 : i32
        %lt3A_168 = arith.constant 5120 : i32
        %lt3A_169 = arith.cmpi slt, %squeeze3A_165, %lt3A_168 : i32
        %and3A_170 = arith.andi %ge3A_167, %lt3A_169 : i1
        %convert_element_type3A_171 = arith.extui %and3A_170 : i1 to i32
        %cond3A_172 = arith.constant 0 : i32
        %cond3A_173 = arith.cmpi ne, %convert_element_type3A_171, %cond3A_172 : i32
        scf.if %cond3A_173 {
          %broadcast_in_dim3A_184 = vector.broadcast %squeeze3A_165 : i32 to vector<16xi32>
          %mul3A_185 = arith.constant 16 : i32
          %mul3A_186 = arith.muli %scan3A_26, %mul3A_185 : i32
          %add3A = arith.constant 14 : i32
          %add3A_187 = arith.addi %mul3A_186, %add3A : i32
          %broadcast_in_dim3A_188 = vector.broadcast %add3A_187 : i32 to vector<16xi32>
          %gather3A = tpu.vector_load_idx %arg7[%iota3A, %broadcast_in_dim3A_188] : memref<16x1280xf32, #tpu.memory_space<vmem>>[vector<16xi32>, vector<16xi32>], vector<16xf32>,
          %gather3A_189 = tpu.vector_load_idx %arg5[%iota3A, %broadcast_in_dim3A_184] : memref<16x5120xf32, #tpu.memory_space<vmem>>[vector<16xi32>, vector<16xi32>], vector<16xf32>,
          %max3A = arith.maximumf %gather3A_189, %gather3A : vector<16xf32>
          tpu.vector_store_idx %arg5[%iota3A, %broadcast_in_dim3A_184], %max3A : memref<16x5120xf32, #tpu.memory_space<vmem>>[vector<16xi32>, vector<16xi32>], vector<16xf32>,
        } else {
        }
        %slice3A_174 = vector.extract_strided_slice %sub3A_30 {offsets = [15], sizes = [1], strides = [1]} : vector<16xi32> to vector<1xi32>
        %squeeze3A_175 = vector.extract %slice3A_174[0] : i32 from vector<1xi32>
        %ge3A_176 = arith.constant 0 : i32
        %ge3A_177 = arith.cmpi sge, %squeeze3A_175, %ge3A_176 : i32
        %lt3A_178 = arith.constant 5120 : i32
        %lt3A_179 = arith.cmpi slt, %squeeze3A_175, %lt3A_178 : i32
        %and3A_180 = arith.andi %ge3A_177, %lt3A_179 : i1
        %convert_element_type3A_181 = arith.extui %and3A_180 : i1 to i32
        %cond3A_182 = arith.constant 0 : i32
        %cond3A_183 = arith.cmpi ne, %convert_element_type3A_181, %cond3A_182 : i32
        scf.if %cond3A_183 {
          %broadcast_in_dim3A_184 = vector.broadcast %squeeze3A_175 : i32 to vector<16xi32>
          %mul3A_185 = arith.constant 16 : i32
          %mul3A_186 = arith.muli %scan3A_26, %mul3A_185 : i32
          %add3A = arith.constant 15 : i32
          %add3A_187 = arith.addi %mul3A_186, %add3A : i32
          %broadcast_in_dim3A_188 = vector.broadcast %add3A_187 : i32 to vector<16xi32>
          %gather3A = tpu.vector_load_idx %arg7[%iota3A, %broadcast_in_dim3A_188] : memref<16x1280xf32, #tpu.memory_space<vmem>>[vector<16xi32>, vector<16xi32>], vector<16xf32>,
          %gather3A_189 = tpu.vector_load_idx %arg5[%iota3A, %broadcast_in_dim3A_184] : memref<16x5120xf32, #tpu.memory_space<vmem>>[vector<16xi32>, vector<16xi32>], vector<16xf32>,
          %max3A = arith.maximumf %gather3A_189, %gather3A : vector<16xf32>
          tpu.vector_store_idx %arg5[%iota3A, %broadcast_in_dim3A_184], %max3A : memref<16x5120xf32, #tpu.memory_space<vmem>>[vector<16xi32>, vector<16xi32>], vector<16xf32>,
        } else {
        }
      }
      %scan3A_25 = arith.constant 80 : i32
    }
    %scan3A_12 = arith.constant 125 : i32
    %mul3A_13 = arith.constant 16 : i32
    %mul3A_14 = arith.muli %arg1, %mul3A_13 : i32
    "tpu.region"() ({
      %run_scoped3A = tpu.sem_alloc : memref<!tpu.dma_semaphore, #tpu.memory_space<semaphore_mem>>
      %dma_start3A = tpu.memref_slice %arg4[%mul3A_14, %mul3A_0] : memref<256x10240xf32, #tpu.memory_space<hbm>> -> memref<16x5120xf32, #tpu.memory_space<hbm>>
      %dma_start3A_15 = tpu.memref_slice %arg4[%mul3A_14, %mul3A_0] : memref<256x10240xf32, #tpu.memory_space<hbm>> -> memref<16x5120xf32, #tpu.memory_space<hbm>>
      tpu.enqueue_dma source(%arg5 : memref<16x5120xf32, #tpu.memory_space<vmem>>) target(%dma_start3A_15 : memref<16x5120xf32, #tpu.memory_space<hbm>>) target_semaphore(%run_scoped3A : memref<!tpu.dma_semaphore, #tpu.memory_space<semaphore_mem>>)
      %dma_wait3A = tpu.memref_slice %arg4[%mul3A_14, %mul3A_0] : memref<256x10240xf32, #tpu.memory_space<hbm>> -> memref<16x5120xf32, #tpu.memory_space<hbm>>
      %dma_wait3A_16 = tpu.memref_slice %arg4[%mul3A_14, %mul3A_0] : memref<256x10240xf32, #tpu.memory_space<hbm>> -> memref<16x5120xf32, #tpu.memory_space<hbm>>
      tpu.wait_dma2 semaphore(%run_scoped3A : memref<!tpu.dma_semaphore, #tpu.memory_space<semaphore_mem>>) src(%arg5 : memref<16x5120xf32, #tpu.memory_space<vmem>>) dst(%dma_wait3A_16 : memref<16x5120xf32, #tpu.memory_space<hbm>>)
      tpu.yield
    }) : () -> ()
    return
  }
}

#map = affine_map<(d0, d1) -> (0, 0)>
#map1 = affine_map<(d0, d1) -> (0)>
module attributes {stable_mosaic.version = 14 : i64} {
  func.func @k(%arg0: i32, %arg1: i32, %arg2: memref<256x160000xf32, #tpu.memory_space<hbm>>, %arg3: memref<160000xi32, #tpu.memory_space<hbm>>, %arg4: memref<256x10240xf32, #tpu.memory_space<hbm>>, %arg5: memref<16x5120xf32, #tpu.memory_space<vmem>>, %arg6: memref<1280xi32, #tpu.memory_space<vmem>>, %arg7: memref<16x1280xf32, #tpu.memory_space<vmem>>) attributes {dimension_semantics = [#tpu.dimension_semantics<core_parallel>, #tpu.dimension_semantics<subcore_parallel>], iteration_bounds = array<i64: 2, 16>, scalar_prefetch = 0 : i64, scratch_operands = 3 : i64, tpu.core_type = #tpu.core_type<sc_vector_subcore>, window_params = [{transform_indices = #map}, {transform_indices = #map1}, {transform_indices = #map}]} {
    %mul3A = arith.constant 5120 : i32
    %mul3A_0 = arith.muli %arg0, %mul3A : i32
    %iota3A = tpu.iota {dimensions = array<i32: 0>} : vector<16xi32>
    %broadcast_in_dim3A = arith.constant 0xFF800000 : f32
    %broadcast_in_dim3A_1 = vector.broadcast %broadcast_in_dim3A : f32 to vector<16xf32>
    %scan3A = arith.constant 0 : i32
    %scan3A_2 = arith.constant 0 : i32
    %scan3A_3 = arith.constant 320 : i32
    %scan3A_4 = arith.addi %scan3A_2, %scan3A_3 : i32
    %scan3A_5 = arith.constant 1 : i32
    scf.for %scan3A_15 = %scan3A_2 to %scan3A_4 step %scan3A_5  : i32 {
      %mul3A_16 = arith.constant 16 : i32
      %mul3A_17 = arith.muli %scan3A_15, %mul3A_16 : i32
      %swap3A = arith.constant 0 : i32
      %swap3A_18 = arith.index_cast %swap3A : i32 to index
      %swap3A_19 = arith.index_cast %mul3A_17 : i32 to index
      %swap3A_20 = tpu.vector_load %arg5[%swap3A_18, %swap3A_19] {strides = array<i32>} : memref<16x5120xf32, #tpu.memory_space<vmem>>, vector<16xf32>,
      tpu.vector_store %arg5[%swap3A_18, %swap3A_19], %broadcast_in_dim3A_1 {strides = array<i32>} : memref<16x5120xf32, #tpu.memory_space<vmem>>, vector<16xf32>,
      %mul3A_21 = arith.constant 16 : i32
      %mul3A_22 = arith.muli %scan3A_15, %mul3A_21 : i32
      %swap3A_23 = arith.constant 1 : i32
      %swap3A_24 = arith.index_cast %swap3A_23 : i32 to index
      %swap3A_25 = arith.index_cast %mul3A_22 : i32 to index
      %swap3A_26 = tpu.vector_load %arg5[%swap3A_24, %swap3A_25] {strides = array<i32>} : memref<16x5120xf32, #tpu.memory_space<vmem>>, vector<16xf32>,
      tpu.vector_store %arg5[%swap3A_24, %swap3A_25], %broadcast_in_dim3A_1 {strides = array<i32>} : memref<16x5120xf32, #tpu.memory_space<vmem>>, vector<16xf32>,
      %mul3A_27 = arith.constant 16 : i32
      %mul3A_28 = arith.muli %scan3A_15, %mul3A_27 : i32
      %swap3A_29 = arith.constant 2 : i32
      %swap3A_30 = arith.index_cast %swap3A_29 : i32 to index
      %swap3A_31 = arith.index_cast %mul3A_28 : i32 to index
      %swap3A_32 = tpu.vector_load %arg5[%swap3A_30, %swap3A_31] {strides = array<i32>} : memref<16x5120xf32, #tpu.memory_space<vmem>>, vector<16xf32>,
      tpu.vector_store %arg5[%swap3A_30, %swap3A_31], %broadcast_in_dim3A_1 {strides = array<i32>} : memref<16x5120xf32, #tpu.memory_space<vmem>>, vector<16xf32>,
      %mul3A_33 = arith.constant 16 : i32
      %mul3A_34 = arith.muli %scan3A_15, %mul3A_33 : i32
      %swap3A_35 = arith.constant 3 : i32
      %swap3A_36 = arith.index_cast %swap3A_35 : i32 to index
      %swap3A_37 = arith.index_cast %mul3A_34 : i32 to index
      %swap3A_38 = tpu.vector_load %arg5[%swap3A_36, %swap3A_37] {strides = array<i32>} : memref<16x5120xf32, #tpu.memory_space<vmem>>, vector<16xf32>,
      tpu.vector_store %arg5[%swap3A_36, %swap3A_37], %broadcast_in_dim3A_1 {strides = array<i32>} : memref<16x5120xf32, #tpu.memory_space<vmem>>, vector<16xf32>,
      %mul3A_39 = arith.constant 16 : i32
      %mul3A_40 = arith.muli %scan3A_15, %mul3A_39 : i32
      %swap3A_41 = arith.constant 4 : i32
      %swap3A_42 = arith.index_cast %swap3A_41 : i32 to index
      %swap3A_43 = arith.index_cast %mul3A_40 : i32 to index
      %swap3A_44 = tpu.vector_load %arg5[%swap3A_42, %swap3A_43] {strides = array<i32>} : memref<16x5120xf32, #tpu.memory_space<vmem>>, vector<16xf32>,
      tpu.vector_store %arg5[%swap3A_42, %swap3A_43], %broadcast_in_dim3A_1 {strides = array<i32>} : memref<16x5120xf32, #tpu.memory_space<vmem>>, vector<16xf32>,
      %mul3A_45 = arith.constant 16 : i32
      %mul3A_46 = arith.muli %scan3A_15, %mul3A_45 : i32
      %swap3A_47 = arith.constant 5 : i32
      %swap3A_48 = arith.index_cast %swap3A_47 : i32 to index
      %swap3A_49 = arith.index_cast %mul3A_46 : i32 to index
      %swap3A_50 = tpu.vector_load %arg5[%swap3A_48, %swap3A_49] {strides = array<i32>} : memref<16x5120xf32, #tpu.memory_space<vmem>>, vector<16xf32>,
      tpu.vector_store %arg5[%swap3A_48, %swap3A_49], %broadcast_in_dim3A_1 {strides = array<i32>} : memref<16x5120xf32, #tpu.memory_space<vmem>>, vector<16xf32>,
      %mul3A_51 = arith.constant 16 : i32
      %mul3A_52 = arith.muli %scan3A_15, %mul3A_51 : i32
      %swap3A_53 = arith.constant 6 : i32
      %swap3A_54 = arith.index_cast %swap3A_53 : i32 to index
      %swap3A_55 = arith.index_cast %mul3A_52 : i32 to index
      %swap3A_56 = tpu.vector_load %arg5[%swap3A_54, %swap3A_55] {strides = array<i32>} : memref<16x5120xf32, #tpu.memory_space<vmem>>, vector<16xf32>,
      tpu.vector_store %arg5[%swap3A_54, %swap3A_55], %broadcast_in_dim3A_1 {strides = array<i32>} : memref<16x5120xf32, #tpu.memory_space<vmem>>, vector<16xf32>,
      %mul3A_57 = arith.constant 16 : i32
      %mul3A_58 = arith.muli %scan3A_15, %mul3A_57 : i32
      %swap3A_59 = arith.constant 7 : i32
      %swap3A_60 = arith.index_cast %swap3A_59 : i32 to index
      %swap3A_61 = arith.index_cast %mul3A_58 : i32 to index
      %swap3A_62 = tpu.vector_load %arg5[%swap3A_60, %swap3A_61] {strides = array<i32>} : memref<16x5120xf32, #tpu.memory_space<vmem>>, vector<16xf32>,
      tpu.vector_store %arg5[%swap3A_60, %swap3A_61], %broadcast_in_dim3A_1 {strides = array<i32>} : memref<16x5120xf32, #tpu.memory_space<vmem>>, vector<16xf32>,
      %mul3A_63 = arith.constant 16 : i32
      %mul3A_64 = arith.muli %scan3A_15, %mul3A_63 : i32
      %swap3A_65 = arith.constant 8 : i32
      %swap3A_66 = arith.index_cast %swap3A_65 : i32 to index
      %swap3A_67 = arith.index_cast %mul3A_64 : i32 to index
      %swap3A_68 = tpu.vector_load %arg5[%swap3A_66, %swap3A_67] {strides = array<i32>} : memref<16x5120xf32, #tpu.memory_space<vmem>>, vector<16xf32>,
      tpu.vector_store %arg5[%swap3A_66, %swap3A_67], %broadcast_in_dim3A_1 {strides = array<i32>} : memref<16x5120xf32, #tpu.memory_space<vmem>>, vector<16xf32>,
      %mul3A_69 = arith.constant 16 : i32
      %mul3A_70 = arith.muli %scan3A_15, %mul3A_69 : i32
      %swap3A_71 = arith.constant 9 : i32
      %swap3A_72 = arith.index_cast %swap3A_71 : i32 to index
      %swap3A_73 = arith.index_cast %mul3A_70 : i32 to index
      %swap3A_74 = tpu.vector_load %arg5[%swap3A_72, %swap3A_73] {strides = array<i32>} : memref<16x5120xf32, #tpu.memory_space<vmem>>, vector<16xf32>,
      tpu.vector_store %arg5[%swap3A_72, %swap3A_73], %broadcast_in_dim3A_1 {strides = array<i32>} : memref<16x5120xf32, #tpu.memory_space<vmem>>, vector<16xf32>,
      %mul3A_75 = arith.constant 16 : i32
      %mul3A_76 = arith.muli %scan3A_15, %mul3A_75 : i32
      %swap3A_77 = arith.constant 10 : i32
      %swap3A_78 = arith.index_cast %swap3A_77 : i32 to index
      %swap3A_79 = arith.index_cast %mul3A_76 : i32 to index
      %swap3A_80 = tpu.vector_load %arg5[%swap3A_78, %swap3A_79] {strides = array<i32>} : memref<16x5120xf32, #tpu.memory_space<vmem>>, vector<16xf32>,
      tpu.vector_store %arg5[%swap3A_78, %swap3A_79], %broadcast_in_dim3A_1 {strides = array<i32>} : memref<16x5120xf32, #tpu.memory_space<vmem>>, vector<16xf32>,
      %mul3A_81 = arith.constant 16 : i32
      %mul3A_82 = arith.muli %scan3A_15, %mul3A_81 : i32
      %swap3A_83 = arith.constant 11 : i32
      %swap3A_84 = arith.index_cast %swap3A_83 : i32 to index
      %swap3A_85 = arith.index_cast %mul3A_82 : i32 to index
      %swap3A_86 = tpu.vector_load %arg5[%swap3A_84, %swap3A_85] {strides = array<i32>} : memref<16x5120xf32, #tpu.memory_space<vmem>>, vector<16xf32>,
      tpu.vector_store %arg5[%swap3A_84, %swap3A_85], %broadcast_in_dim3A_1 {strides = array<i32>} : memref<16x5120xf32, #tpu.memory_space<vmem>>, vector<16xf32>,
      %mul3A_87 = arith.constant 16 : i32
      %mul3A_88 = arith.muli %scan3A_15, %mul3A_87 : i32
      %swap3A_89 = arith.constant 12 : i32
      %swap3A_90 = arith.index_cast %swap3A_89 : i32 to index
      %swap3A_91 = arith.index_cast %mul3A_88 : i32 to index
      %swap3A_92 = tpu.vector_load %arg5[%swap3A_90, %swap3A_91] {strides = array<i32>} : memref<16x5120xf32, #tpu.memory_space<vmem>>, vector<16xf32>,
      tpu.vector_store %arg5[%swap3A_90, %swap3A_91], %broadcast_in_dim3A_1 {strides = array<i32>} : memref<16x5120xf32, #tpu.memory_space<vmem>>, vector<16xf32>,
      %mul3A_93 = arith.constant 16 : i32
      %mul3A_94 = arith.muli %scan3A_15, %mul3A_93 : i32
      %swap3A_95 = arith.constant 13 : i32
      %swap3A_96 = arith.index_cast %swap3A_95 : i32 to index
      %swap3A_97 = arith.index_cast %mul3A_94 : i32 to index
      %swap3A_98 = tpu.vector_load %arg5[%swap3A_96, %swap3A_97] {strides = array<i32>} : memref<16x5120xf32, #tpu.memory_space<vmem>>, vector<16xf32>,
      tpu.vector_store %arg5[%swap3A_96, %swap3A_97], %broadcast_in_dim3A_1 {strides = array<i32>} : memref<16x5120xf32, #tpu.memory_space<vmem>>, vector<16xf32>,
      %mul3A_99 = arith.constant 16 : i32
      %mul3A_100 = arith.muli %scan3A_15, %mul3A_99 : i32
      %swap3A_101 = arith.constant 14 : i32
      %swap3A_102 = arith.index_cast %swap3A_101 : i32 to index
      %swap3A_103 = arith.index_cast %mul3A_100 : i32 to index
      %swap3A_104 = tpu.vector_load %arg5[%swap3A_102, %swap3A_103] {strides = array<i32>} : memref<16x5120xf32, #tpu.memory_space<vmem>>, vector<16xf32>,
      tpu.vector_store %arg5[%swap3A_102, %swap3A_103], %broadcast_in_dim3A_1 {strides = array<i32>} : memref<16x5120xf32, #tpu.memory_space<vmem>>, vector<16xf32>,
      %mul3A_105 = arith.constant 16 : i32
      %mul3A_106 = arith.muli %scan3A_15, %mul3A_105 : i32
      %swap3A_107 = arith.constant 15 : i32
      %swap3A_108 = arith.index_cast %swap3A_107 : i32 to index
      %swap3A_109 = arith.index_cast %mul3A_106 : i32 to index
      %swap3A_110 = tpu.vector_load %arg5[%swap3A_108, %swap3A_109] {strides = array<i32>} : memref<16x5120xf32, #tpu.memory_space<vmem>>, vector<16xf32>,
      tpu.vector_store %arg5[%swap3A_108, %swap3A_109], %broadcast_in_dim3A_1 {strides = array<i32>} : memref<16x5120xf32, #tpu.memory_space<vmem>>, vector<16xf32>,
    }
    %scan3A_6 = arith.constant 320 : i32
    %scan3A_7 = arith.constant 0 : i32
    %scan3A_8 = arith.constant 0 : i32
    %scan3A_9 = arith.constant 125 : i32
    %scan3A_10 = arith.addi %scan3A_8, %scan3A_9 : i32
    %scan3A_11 = arith.constant 1 : i32
    scf.for %scan3A_15 = %scan3A_8 to %scan3A_10 step %scan3A_11  : i32 {
      %mul3A_16 = arith.constant 1280 : i32
      %mul3A_17 = arith.muli %scan3A_15, %mul3A_16 : i32
      "tpu.region"() ({
        %run_scoped3A = tpu.sem_alloc : memref<!tpu.dma_semaphore, #tpu.memory_space<semaphore_mem>>
        %dma_start3A = tpu.memref_slice %arg3[%mul3A_17] : memref<160000xi32, #tpu.memory_space<hbm>> -> memref<1280xi32, #tpu.memory_space<hbm>>
        %dma_start3A_26 = tpu.memref_slice %arg3[%mul3A_17] : memref<160000xi32, #tpu.memory_space<hbm>> -> memref<1280xi32, #tpu.memory_space<hbm>>
        tpu.enqueue_dma source(%dma_start3A_26 : memref<1280xi32, #tpu.memory_space<hbm>>) target(%arg6 : memref<1280xi32, #tpu.memory_space<vmem>>) target_semaphore(%run_scoped3A : memref<!tpu.dma_semaphore, #tpu.memory_space<semaphore_mem>>)
        %dma_wait3A = tpu.memref_slice %arg3[%mul3A_17] : memref<160000xi32, #tpu.memory_space<hbm>> -> memref<1280xi32, #tpu.memory_space<hbm>>
        %dma_wait3A_27 = tpu.memref_slice %arg3[%mul3A_17] : memref<160000xi32, #tpu.memory_space<hbm>> -> memref<1280xi32, #tpu.memory_space<hbm>>
        tpu.wait_dma2 semaphore(%run_scoped3A : memref<!tpu.dma_semaphore, #tpu.memory_space<semaphore_mem>>) src(%dma_wait3A_27 : memref<1280xi32, #tpu.memory_space<hbm>>) dst(%arg6 : memref<1280xi32, #tpu.memory_space<vmem>>)
        tpu.yield
      }) : () -> ()
      %mul3A_18 = arith.constant 16 : i32
      %mul3A_19 = arith.muli %arg1, %mul3A_18 : i32
      "tpu.region"() ({
        %run_scoped3A = tpu.sem_alloc : memref<!tpu.dma_semaphore, #tpu.memory_space<semaphore_mem>>
        %dma_start3A = tpu.memref_slice %arg2[%mul3A_19, %mul3A_17] : memref<256x160000xf32, #tpu.memory_space<hbm>> -> memref<16x1280xf32, #tpu.memory_space<hbm>>
        %dma_start3A_26 = tpu.memref_slice %arg2[%mul3A_19, %mul3A_17] : memref<256x160000xf32, #tpu.memory_space<hbm>> -> memref<16x1280xf32, #tpu.memory_space<hbm>>
        tpu.enqueue_dma source(%dma_start3A_26 : memref<16x1280xf32, #tpu.memory_space<hbm>>) target(%arg7 : memref<16x1280xf32, #tpu.memory_space<vmem>>) target_semaphore(%run_scoped3A : memref<!tpu.dma_semaphore, #tpu.memory_space<semaphore_mem>>)
        %dma_wait3A = tpu.memref_slice %arg2[%mul3A_19, %mul3A_17] : memref<256x160000xf32, #tpu.memory_space<hbm>> -> memref<16x1280xf32, #tpu.memory_space<hbm>>
        %dma_wait3A_27 = tpu.memref_slice %arg2[%mul3A_19, %mul3A_17] : memref<256x160000xf32, #tpu.memory_space<hbm>> -> memref<16x1280xf32, #tpu.memory_space<hbm>>
        tpu.wait_dma2 semaphore(%run_scoped3A : memref<!tpu.dma_semaphore, #tpu.memory_space<semaphore_mem>>) src(%dma_wait3A_27 : memref<16x1280xf32, #tpu.memory_space<hbm>>) dst(%arg7 : memref<16x1280xf32, #tpu.memory_space<vmem>>)
        tpu.yield
      }) : () -> ()
      %scan3A_20 = arith.constant 0 : i32
      %scan3A_21 = arith.constant 0 : i32
      %scan3A_22 = arith.constant 80 : i32
      %scan3A_23 = arith.addi %scan3A_21, %scan3A_22 : i32
      %scan3A_24 = arith.constant 1 : i32
      scf.for %scan3A_26 = %scan3A_21 to %scan3A_23 step %scan3A_24  : i32 {
        %mul3A_27 = arith.constant 16 : i32
        %mul3A_28 = arith.muli %scan3A_26, %mul3A_27 : i32
        %get3A = arith.index_cast %mul3A_28 : i32 to index
        %get3A_29 = tpu.vector_load %arg6[%get3A] {strides = array<i32>} : memref<1280xi32, #tpu.memory_space<vmem>>, vector<16xi32>,
        %sub3A = vector.broadcast %mul3A_0 : i32 to vector<16xi32>
        %sub3A_30 = arith.subi %get3A_29, %sub3A : vector<16xi32>
        %slice3A = vector.extract_strided_slice %sub3A_30 {offsets = [0], sizes = [1], strides = [1]} : vector<16xi32> to vector<1xi32>
        %squeeze3A = vector.extract %slice3A[0] : i32 from vector<1xi32>
        %ge3A = arith.constant 0 : i32
        %ge3A_31 = arith.cmpi sge, %squeeze3A, %ge3A : i32
        %lt3A = arith.constant 5120 : i32
        %lt3A_32 = arith.cmpi slt, %squeeze3A, %lt3A : i32
        %and3A = arith.andi %ge3A_31, %lt3A_32 : i1
        %convert_element_type3A = arith.extui %and3A : i1 to i32
        %cond3A = arith.constant 0 : i32
        %cond3A_33 = arith.cmpi ne, %convert_element_type3A, %cond3A : i32
        scf.if %cond3A_33 {
          %broadcast_in_dim3A_184 = vector.broadcast %squeeze3A : i32 to vector<16xi32>
          %mul3A_185 = arith.constant 16 : i32
          %mul3A_186 = arith.muli %scan3A_26, %mul3A_185 : i32
          %add3A = arith.constant 0 : i32
          %add3A_187 = arith.addi %mul3A_186, %add3A : i32
          %broadcast_in_dim3A_188 = vector.broadcast %add3A_187 : i32 to vector<16xi32>
          %gather3A = tpu.vector_load_idx %arg7[%iota3A, %broadcast_in_dim3A_188] : memref<16x1280xf32, #tpu.memory_space<vmem>>[vector<16xi32>, vector<16xi32>], vector<16xf32>,
          %gather3A_189 = tpu.vector_load_idx %arg5[%iota3A, %broadcast_in_dim3A_184] : memref<16x5120xf32, #tpu.memory_space<vmem>>[vector<16xi32>, vector<16xi32>], vector<16xf32>,
          %max3A = arith.maximumf %gather3A_189, %gather3A : vector<16xf32>
          tpu.vector_store_idx %arg5[%iota3A, %broadcast_in_dim3A_184], %max3A : memref<16x5120xf32, #tpu.memory_space<vmem>>[vector<16xi32>, vector<16xi32>], vector<16xf32>,
        } else {
        }
        %slice3A_34 = vector.extract_strided_slice %sub3A_30 {offsets = [1], sizes = [1], strides = [1]} : vector<16xi32> to vector<1xi32>
        %squeeze3A_35 = vector.extract %slice3A_34[0] : i32 from vector<1xi32>
        %ge3A_36 = arith.constant 0 : i32
        %ge3A_37 = arith.cmpi sge, %squeeze3A_35, %ge3A_36 : i32
        %lt3A_38 = arith.constant 5120 : i32
        %lt3A_39 = arith.cmpi slt, %squeeze3A_35, %lt3A_38 : i32
        %and3A_40 = arith.andi %ge3A_37, %lt3A_39 : i1
        %convert_element_type3A_41 = arith.extui %and3A_40 : i1 to i32
        %cond3A_42 = arith.constant 0 : i32
        %cond3A_43 = arith.cmpi ne, %convert_element_type3A_41, %cond3A_42 : i32
        scf.if %cond3A_43 {
          %broadcast_in_dim3A_184 = vector.broadcast %squeeze3A_35 : i32 to vector<16xi32>
          %mul3A_185 = arith.constant 16 : i32
          %mul3A_186 = arith.muli %scan3A_26, %mul3A_185 : i32
          %add3A = arith.constant 1 : i32
          %add3A_187 = arith.addi %mul3A_186, %add3A : i32
          %broadcast_in_dim3A_188 = vector.broadcast %add3A_187 : i32 to vector<16xi32>
          %gather3A = tpu.vector_load_idx %arg7[%iota3A, %broadcast_in_dim3A_188] : memref<16x1280xf32, #tpu.memory_space<vmem>>[vector<16xi32>, vector<16xi32>], vector<16xf32>,
          %gather3A_189 = tpu.vector_load_idx %arg5[%iota3A, %broadcast_in_dim3A_184] : memref<16x5120xf32, #tpu.memory_space<vmem>>[vector<16xi32>, vector<16xi32>], vector<16xf32>,
          %max3A = arith.maximumf %gather3A_189, %gather3A : vector<16xf32>
          tpu.vector_store_idx %arg5[%iota3A, %broadcast_in_dim3A_184], %max3A : memref<16x5120xf32, #tpu.memory_space<vmem>>[vector<16xi32>, vector<16xi32>], vector<16xf32>,
        } else {
        }
        %slice3A_44 = vector.extract_strided_slice %sub3A_30 {offsets = [2], sizes = [1], strides = [1]} : vector<16xi32> to vector<1xi32>
        %squeeze3A_45 = vector.extract %slice3A_44[0] : i32 from vector<1xi32>
        %ge3A_46 = arith.constant 0 : i32
        %ge3A_47 = arith.cmpi sge, %squeeze3A_45, %ge3A_46 : i32
        %lt3A_48 = arith.constant 5120 : i32
        %lt3A_49 = arith.cmpi slt, %squeeze3A_45, %lt3A_48 : i32
        %and3A_50 = arith.andi %ge3A_47, %lt3A_49 : i1
        %convert_element_type3A_51 = arith.extui %and3A_50 : i1 to i32
        %cond3A_52 = arith.constant 0 : i32
        %cond3A_53 = arith.cmpi ne, %convert_element_type3A_51, %cond3A_52 : i32
        scf.if %cond3A_53 {
          %broadcast_in_dim3A_184 = vector.broadcast %squeeze3A_45 : i32 to vector<16xi32>
          %mul3A_185 = arith.constant 16 : i32
          %mul3A_186 = arith.muli %scan3A_26, %mul3A_185 : i32
          %add3A = arith.constant 2 : i32
          %add3A_187 = arith.addi %mul3A_186, %add3A : i32
          %broadcast_in_dim3A_188 = vector.broadcast %add3A_187 : i32 to vector<16xi32>
          %gather3A = tpu.vector_load_idx %arg7[%iota3A, %broadcast_in_dim3A_188] : memref<16x1280xf32, #tpu.memory_space<vmem>>[vector<16xi32>, vector<16xi32>], vector<16xf32>,
          %gather3A_189 = tpu.vector_load_idx %arg5[%iota3A, %broadcast_in_dim3A_184] : memref<16x5120xf32, #tpu.memory_space<vmem>>[vector<16xi32>, vector<16xi32>], vector<16xf32>,
          %max3A = arith.maximumf %gather3A_189, %gather3A : vector<16xf32>
          tpu.vector_store_idx %arg5[%iota3A, %broadcast_in_dim3A_184], %max3A : memref<16x5120xf32, #tpu.memory_space<vmem>>[vector<16xi32>, vector<16xi32>], vector<16xf32>,
        } else {
        }
        %slice3A_54 = vector.extract_strided_slice %sub3A_30 {offsets = [3], sizes = [1], strides = [1]} : vector<16xi32> to vector<1xi32>
        %squeeze3A_55 = vector.extract %slice3A_54[0] : i32 from vector<1xi32>
        %ge3A_56 = arith.constant 0 : i32
        %ge3A_57 = arith.cmpi sge, %squeeze3A_55, %ge3A_56 : i32
        %lt3A_58 = arith.constant 5120 : i32
        %lt3A_59 = arith.cmpi slt, %squeeze3A_55, %lt3A_58 : i32
        %and3A_60 = arith.andi %ge3A_57, %lt3A_59 : i1
        %convert_element_type3A_61 = arith.extui %and3A_60 : i1 to i32
        %cond3A_62 = arith.constant 0 : i32
        %cond3A_63 = arith.cmpi ne, %convert_element_type3A_61, %cond3A_62 : i32
        scf.if %cond3A_63 {
          %broadcast_in_dim3A_184 = vector.broadcast %squeeze3A_55 : i32 to vector<16xi32>
          %mul3A_185 = arith.constant 16 : i32
          %mul3A_186 = arith.muli %scan3A_26, %mul3A_185 : i32
          %add3A = arith.constant 3 : i32
          %add3A_187 = arith.addi %mul3A_186, %add3A : i32
          %broadcast_in_dim3A_188 = vector.broadcast %add3A_187 : i32 to vector<16xi32>
          %gather3A = tpu.vector_load_idx %arg7[%iota3A, %broadcast_in_dim3A_188] : memref<16x1280xf32, #tpu.memory_space<vmem>>[vector<16xi32>, vector<16xi32>], vector<16xf32>,
          %gather3A_189 = tpu.vector_load_idx %arg5[%iota3A, %broadcast_in_dim3A_184] : memref<16x5120xf32, #tpu.memory_space<vmem>>[vector<16xi32>, vector<16xi32>], vector<16xf32>,
          %max3A = arith.maximumf %gather3A_189, %gather3A : vector<16xf32>
          tpu.vector_store_idx %arg5[%iota3A, %broadcast_in_dim3A_184], %max3A : memref<16x5120xf32, #tpu.memory_space<vmem>>[vector<16xi32>, vector<16xi32>], vector<16xf32>,
        } else {
        }
        %slice3A_64 = vector.extract_strided_slice %sub3A_30 {offsets = [4], sizes = [1], strides = [1]} : vector<16xi32> to vector<1xi32>
        %squeeze3A_65 = vector.extract %slice3A_64[0] : i32 from vector<1xi32>
        %ge3A_66 = arith.constant 0 : i32
        %ge3A_67 = arith.cmpi sge, %squeeze3A_65, %ge3A_66 : i32
        %lt3A_68 = arith.constant 5120 : i32
        %lt3A_69 = arith.cmpi slt, %squeeze3A_65, %lt3A_68 : i32
        %and3A_70 = arith.andi %ge3A_67, %lt3A_69 : i1
        %convert_element_type3A_71 = arith.extui %and3A_70 : i1 to i32
        %cond3A_72 = arith.constant 0 : i32
        %cond3A_73 = arith.cmpi ne, %convert_element_type3A_71, %cond3A_72 : i32
        scf.if %cond3A_73 {
          %broadcast_in_dim3A_184 = vector.broadcast %squeeze3A_65 : i32 to vector<16xi32>
          %mul3A_185 = arith.constant 16 : i32
          %mul3A_186 = arith.muli %scan3A_26, %mul3A_185 : i32
          %add3A = arith.constant 4 : i32
          %add3A_187 = arith.addi %mul3A_186, %add3A : i32
          %broadcast_in_dim3A_188 = vector.broadcast %add3A_187 : i32 to vector<16xi32>
          %gather3A = tpu.vector_load_idx %arg7[%iota3A, %broadcast_in_dim3A_188] : memref<16x1280xf32, #tpu.memory_space<vmem>>[vector<16xi32>, vector<16xi32>], vector<16xf32>,
          %gather3A_189 = tpu.vector_load_idx %arg5[%iota3A, %broadcast_in_dim3A_184] : memref<16x5120xf32, #tpu.memory_space<vmem>>[vector<16xi32>, vector<16xi32>], vector<16xf32>,
          %max3A = arith.maximumf %gather3A_189, %gather3A : vector<16xf32>
          tpu.vector_store_idx %arg5[%iota3A, %broadcast_in_dim3A_184], %max3A : memref<16x5120xf32, #tpu.memory_space<vmem>>[vector<16xi32>, vector<16xi32>], vector<16xf32>,
        } else {
        }
        %slice3A_74 = vector.extract_strided_slice %sub3A_30 {offsets = [5], sizes = [1], strides = [1]} : vector<16xi32> to vector<1xi32>
        %squeeze3A_75 = vector.extract %slice3A_74[0] : i32 from vector<1xi32>
        %ge3A_76 = arith.constant 0 : i32
        %ge3A_77 = arith.cmpi sge, %squeeze3A_75, %ge3A_76 : i32
        %lt3A_78 = arith.constant 5120 : i32
        %lt3A_79 = arith.cmpi slt, %squeeze3A_75, %lt3A_78 : i32
        %and3A_80 = arith.andi %ge3A_77, %lt3A_79 : i1
        %convert_element_type3A_81 = arith.extui %and3A_80 : i1 to i32
        %cond3A_82 = arith.constant 0 : i32
        %cond3A_83 = arith.cmpi ne, %convert_element_type3A_81, %cond3A_82 : i32
        scf.if %cond3A_83 {
          %broadcast_in_dim3A_184 = vector.broadcast %squeeze3A_75 : i32 to vector<16xi32>
          %mul3A_185 = arith.constant 16 : i32
          %mul3A_186 = arith.muli %scan3A_26, %mul3A_185 : i32
          %add3A = arith.constant 5 : i32
          %add3A_187 = arith.addi %mul3A_186, %add3A : i32
          %broadcast_in_dim3A_188 = vector.broadcast %add3A_187 : i32 to vector<16xi32>
          %gather3A = tpu.vector_load_idx %arg7[%iota3A, %broadcast_in_dim3A_188] : memref<16x1280xf32, #tpu.memory_space<vmem>>[vector<16xi32>, vector<16xi32>], vector<16xf32>,
          %gather3A_189 = tpu.vector_load_idx %arg5[%iota3A, %broadcast_in_dim3A_184] : memref<16x5120xf32, #tpu.memory_space<vmem>>[vector<16xi32>, vector<16xi32>], vector<16xf32>,
          %max3A = arith.maximumf %gather3A_189, %gather3A : vector<16xf32>
          tpu.vector_store_idx %arg5[%iota3A, %broadcast_in_dim3A_184], %max3A : memref<16x5120xf32, #tpu.memory_space<vmem>>[vector<16xi32>, vector<16xi32>], vector<16xf32>,
        } else {
        }
        %slice3A_84 = vector.extract_strided_slice %sub3A_30 {offsets = [6], sizes = [1], strides = [1]} : vector<16xi32> to vector<1xi32>
        %squeeze3A_85 = vector.extract %slice3A_84[0] : i32 from vector<1xi32>
        %ge3A_86 = arith.constant 0 : i32
        %ge3A_87 = arith.cmpi sge, %squeeze3A_85, %ge3A_86 : i32
        %lt3A_88 = arith.constant 5120 : i32
        %lt3A_89 = arith.cmpi slt, %squeeze3A_85, %lt3A_88 : i32
        %and3A_90 = arith.andi %ge3A_87, %lt3A_89 : i1
        %convert_element_type3A_91 = arith.extui %and3A_90 : i1 to i32
        %cond3A_92 = arith.constant 0 : i32
        %cond3A_93 = arith.cmpi ne, %convert_element_type3A_91, %cond3A_92 : i32
        scf.if %cond3A_93 {
          %broadcast_in_dim3A_184 = vector.broadcast %squeeze3A_85 : i32 to vector<16xi32>
          %mul3A_185 = arith.constant 16 : i32
          %mul3A_186 = arith.muli %scan3A_26, %mul3A_185 : i32
          %add3A = arith.constant 6 : i32
          %add3A_187 = arith.addi %mul3A_186, %add3A : i32
          %broadcast_in_dim3A_188 = vector.broadcast %add3A_187 : i32 to vector<16xi32>
          %gather3A = tpu.vector_load_idx %arg7[%iota3A, %broadcast_in_dim3A_188] : memref<16x1280xf32, #tpu.memory_space<vmem>>[vector<16xi32>, vector<16xi32>], vector<16xf32>,
          %gather3A_189 = tpu.vector_load_idx %arg5[%iota3A, %broadcast_in_dim3A_184] : memref<16x5120xf32, #tpu.memory_space<vmem>>[vector<16xi32>, vector<16xi32>], vector<16xf32>,
          %max3A = arith.maximumf %gather3A_189, %gather3A : vector<16xf32>
          tpu.vector_store_idx %arg5[%iota3A, %broadcast_in_dim3A_184], %max3A : memref<16x5120xf32, #tpu.memory_space<vmem>>[vector<16xi32>, vector<16xi32>], vector<16xf32>,
        } else {
        }
        %slice3A_94 = vector.extract_strided_slice %sub3A_30 {offsets = [7], sizes = [1], strides = [1]} : vector<16xi32> to vector<1xi32>
        %squeeze3A_95 = vector.extract %slice3A_94[0] : i32 from vector<1xi32>
        %ge3A_96 = arith.constant 0 : i32
        %ge3A_97 = arith.cmpi sge, %squeeze3A_95, %ge3A_96 : i32
        %lt3A_98 = arith.constant 5120 : i32
        %lt3A_99 = arith.cmpi slt, %squeeze3A_95, %lt3A_98 : i32
        %and3A_100 = arith.andi %ge3A_97, %lt3A_99 : i1
        %convert_element_type3A_101 = arith.extui %and3A_100 : i1 to i32
        %cond3A_102 = arith.constant 0 : i32
        %cond3A_103 = arith.cmpi ne, %convert_element_type3A_101, %cond3A_102 : i32
        scf.if %cond3A_103 {
          %broadcast_in_dim3A_184 = vector.broadcast %squeeze3A_95 : i32 to vector<16xi32>
          %mul3A_185 = arith.constant 16 : i32
          %mul3A_186 = arith.muli %scan3A_26, %mul3A_185 : i32
          %add3A = arith.constant 7 : i32
          %add3A_187 = arith.addi %mul3A_186, %add3A : i32
          %broadcast_in_dim3A_188 = vector.broadcast %add3A_187 : i32 to vector<16xi32>
          %gather3A = tpu.vector_load_idx %arg7[%iota3A, %broadcast_in_dim3A_188] : memref<16x1280xf32, #tpu.memory_space<vmem>>[vector<16xi32>, vector<16xi32>], vector<16xf32>,
          %gather3A_189 = tpu.vector_load_idx %arg5[%iota3A, %broadcast_in_dim3A_184] : memref<16x5120xf32, #tpu.memory_space<vmem>>[vector<16xi32>, vector<16xi32>], vector<16xf32>,
          %max3A = arith.maximumf %gather3A_189, %gather3A : vector<16xf32>
          tpu.vector_store_idx %arg5[%iota3A, %broadcast_in_dim3A_184], %max3A : memref<16x5120xf32, #tpu.memory_space<vmem>>[vector<16xi32>, vector<16xi32>], vector<16xf32>,
        } else {
        }
        %slice3A_104 = vector.extract_strided_slice %sub3A_30 {offsets = [8], sizes = [1], strides = [1]} : vector<16xi32> to vector<1xi32>
        %squeeze3A_105 = vector.extract %slice3A_104[0] : i32 from vector<1xi32>
        %ge3A_106 = arith.constant 0 : i32
        %ge3A_107 = arith.cmpi sge, %squeeze3A_105, %ge3A_106 : i32
        %lt3A_108 = arith.constant 5120 : i32
        %lt3A_109 = arith.cmpi slt, %squeeze3A_105, %lt3A_108 : i32
        %and3A_110 = arith.andi %ge3A_107, %lt3A_109 : i1
        %convert_element_type3A_111 = arith.extui %and3A_110 : i1 to i32
        %cond3A_112 = arith.constant 0 : i32
        %cond3A_113 = arith.cmpi ne, %convert_element_type3A_111, %cond3A_112 : i32
        scf.if %cond3A_113 {
          %broadcast_in_dim3A_184 = vector.broadcast %squeeze3A_105 : i32 to vector<16xi32>
          %mul3A_185 = arith.constant 16 : i32
          %mul3A_186 = arith.muli %scan3A_26, %mul3A_185 : i32
          %add3A = arith.constant 8 : i32
          %add3A_187 = arith.addi %mul3A_186, %add3A : i32
          %broadcast_in_dim3A_188 = vector.broadcast %add3A_187 : i32 to vector<16xi32>
          %gather3A = tpu.vector_load_idx %arg7[%iota3A, %broadcast_in_dim3A_188] : memref<16x1280xf32, #tpu.memory_space<vmem>>[vector<16xi32>, vector<16xi32>], vector<16xf32>,
          %gather3A_189 = tpu.vector_load_idx %arg5[%iota3A, %broadcast_in_dim3A_184] : memref<16x5120xf32, #tpu.memory_space<vmem>>[vector<16xi32>, vector<16xi32>], vector<16xf32>,
          %max3A = arith.maximumf %gather3A_189, %gather3A : vector<16xf32>
          tpu.vector_store_idx %arg5[%iota3A, %broadcast_in_dim3A_184], %max3A : memref<16x5120xf32, #tpu.memory_space<vmem>>[vector<16xi32>, vector<16xi32>], vector<16xf32>,
        } else {
        }
        %slice3A_114 = vector.extract_strided_slice %sub3A_30 {offsets = [9], sizes = [1], strides = [1]} : vector<16xi32> to vector<1xi32>
        %squeeze3A_115 = vector.extract %slice3A_114[0] : i32 from vector<1xi32>
        %ge3A_116 = arith.constant 0 : i32
        %ge3A_117 = arith.cmpi sge, %squeeze3A_115, %ge3A_116 : i32
        %lt3A_118 = arith.constant 5120 : i32
        %lt3A_119 = arith.cmpi slt, %squeeze3A_115, %lt3A_118 : i32
        %and3A_120 = arith.andi %ge3A_117, %lt3A_119 : i1
        %convert_element_type3A_121 = arith.extui %and3A_120 : i1 to i32
        %cond3A_122 = arith.constant 0 : i32
        %cond3A_123 = arith.cmpi ne, %convert_element_type3A_121, %cond3A_122 : i32
        scf.if %cond3A_123 {
          %broadcast_in_dim3A_184 = vector.broadcast %squeeze3A_115 : i32 to vector<16xi32>
          %mul3A_185 = arith.constant 16 : i32
          %mul3A_186 = arith.muli %scan3A_26, %mul3A_185 : i32
          %add3A = arith.constant 9 : i32
          %add3A_187 = arith.addi %mul3A_186, %add3A : i32
          %broadcast_in_dim3A_188 = vector.broadcast %add3A_187 : i32 to vector<16xi32>
          %gather3A = tpu.vector_load_idx %arg7[%iota3A, %broadcast_in_dim3A_188] : memref<16x1280xf32, #tpu.memory_space<vmem>>[vector<16xi32>, vector<16xi32>], vector<16xf32>,
          %gather3A_189 = tpu.vector_load_idx %arg5[%iota3A, %broadcast_in_dim3A_184] : memref<16x5120xf32, #tpu.memory_space<vmem>>[vector<16xi32>, vector<16xi32>], vector<16xf32>,
          %max3A = arith.maximumf %gather3A_189, %gather3A : vector<16xf32>
          tpu.vector_store_idx %arg5[%iota3A, %broadcast_in_dim3A_184], %max3A : memref<16x5120xf32, #tpu.memory_space<vmem>>[vector<16xi32>, vector<16xi32>], vector<16xf32>,
        } else {
        }
        %slice3A_124 = vector.extract_strided_slice %sub3A_30 {offsets = [10], sizes = [1], strides = [1]} : vector<16xi32> to vector<1xi32>
        %squeeze3A_125 = vector.extract %slice3A_124[0] : i32 from vector<1xi32>
        %ge3A_126 = arith.constant 0 : i32
        %ge3A_127 = arith.cmpi sge, %squeeze3A_125, %ge3A_126 : i32
        %lt3A_128 = arith.constant 5120 : i32
        %lt3A_129 = arith.cmpi slt, %squeeze3A_125, %lt3A_128 : i32
        %and3A_130 = arith.andi %ge3A_127, %lt3A_129 : i1
        %convert_element_type3A_131 = arith.extui %and3A_130 : i1 to i32
        %cond3A_132 = arith.constant 0 : i32
        %cond3A_133 = arith.cmpi ne, %convert_element_type3A_131, %cond3A_132 : i32
        scf.if %cond3A_133 {
          %broadcast_in_dim3A_184 = vector.broadcast %squeeze3A_125 : i32 to vector<16xi32>
          %mul3A_185 = arith.constant 16 : i32
          %mul3A_186 = arith.muli %scan3A_26, %mul3A_185 : i32
          %add3A = arith.constant 10 : i32
          %add3A_187 = arith.addi %mul3A_186, %add3A : i32
          %broadcast_in_dim3A_188 = vector.broadcast %add3A_187 : i32 to vector<16xi32>
          %gather3A = tpu.vector_load_idx %arg7[%iota3A, %broadcast_in_dim3A_188] : memref<16x1280xf32, #tpu.memory_space<vmem>>[vector<16xi32>, vector<16xi32>], vector<16xf32>,
          %gather3A_189 = tpu.vector_load_idx %arg5[%iota3A, %broadcast_in_dim3A_184] : memref<16x5120xf32, #tpu.memory_space<vmem>>[vector<16xi32>, vector<16xi32>], vector<16xf32>,
          %max3A = arith.maximumf %gather3A_189, %gather3A : vector<16xf32>
          tpu.vector_store_idx %arg5[%iota3A, %broadcast_in_dim3A_184], %max3A : memref<16x5120xf32, #tpu.memory_space<vmem>>[vector<16xi32>, vector<16xi32>], vector<16xf32>,
        } else {
        }
        %slice3A_134 = vector.extract_strided_slice %sub3A_30 {offsets = [11], sizes = [1], strides = [1]} : vector<16xi32> to vector<1xi32>
        %squeeze3A_135 = vector.extract %slice3A_134[0] : i32 from vector<1xi32>
        %ge3A_136 = arith.constant 0 : i32
        %ge3A_137 = arith.cmpi sge, %squeeze3A_135, %ge3A_136 : i32
        %lt3A_138 = arith.constant 5120 : i32
        %lt3A_139 = arith.cmpi slt, %squeeze3A_135, %lt3A_138 : i32
        %and3A_140 = arith.andi %ge3A_137, %lt3A_139 : i1
        %convert_element_type3A_141 = arith.extui %and3A_140 : i1 to i32
        %cond3A_142 = arith.constant 0 : i32
        %cond3A_143 = arith.cmpi ne, %convert_element_type3A_141, %cond3A_142 : i32
        scf.if %cond3A_143 {
          %broadcast_in_dim3A_184 = vector.broadcast %squeeze3A_135 : i32 to vector<16xi32>
          %mul3A_185 = arith.constant 16 : i32
          %mul3A_186 = arith.muli %scan3A_26, %mul3A_185 : i32
          %add3A = arith.constant 11 : i32
          %add3A_187 = arith.addi %mul3A_186, %add3A : i32
          %broadcast_in_dim3A_188 = vector.broadcast %add3A_187 : i32 to vector<16xi32>
          %gather3A = tpu.vector_load_idx %arg7[%iota3A, %broadcast_in_dim3A_188] : memref<16x1280xf32, #tpu.memory_space<vmem>>[vector<16xi32>, vector<16xi32>], vector<16xf32>,
          %gather3A_189 = tpu.vector_load_idx %arg5[%iota3A, %broadcast_in_dim3A_184] : memref<16x5120xf32, #tpu.memory_space<vmem>>[vector<16xi32>, vector<16xi32>], vector<16xf32>,
          %max3A = arith.maximumf %gather3A_189, %gather3A : vector<16xf32>
          tpu.vector_store_idx %arg5[%iota3A, %broadcast_in_dim3A_184], %max3A : memref<16x5120xf32, #tpu.memory_space<vmem>>[vector<16xi32>, vector<16xi32>], vector<16xf32>,
        } else {
        }
        %slice3A_144 = vector.extract_strided_slice %sub3A_30 {offsets = [12], sizes = [1], strides = [1]} : vector<16xi32> to vector<1xi32>
        %squeeze3A_145 = vector.extract %slice3A_144[0] : i32 from vector<1xi32>
        %ge3A_146 = arith.constant 0 : i32
        %ge3A_147 = arith.cmpi sge, %squeeze3A_145, %ge3A_146 : i32
        %lt3A_148 = arith.constant 5120 : i32
        %lt3A_149 = arith.cmpi slt, %squeeze3A_145, %lt3A_148 : i32
        %and3A_150 = arith.andi %ge3A_147, %lt3A_149 : i1
        %convert_element_type3A_151 = arith.extui %and3A_150 : i1 to i32
        %cond3A_152 = arith.constant 0 : i32
        %cond3A_153 = arith.cmpi ne, %convert_element_type3A_151, %cond3A_152 : i32
        scf.if %cond3A_153 {
          %broadcast_in_dim3A_184 = vector.broadcast %squeeze3A_145 : i32 to vector<16xi32>
          %mul3A_185 = arith.constant 16 : i32
          %mul3A_186 = arith.muli %scan3A_26, %mul3A_185 : i32
          %add3A = arith.constant 12 : i32
          %add3A_187 = arith.addi %mul3A_186, %add3A : i32
          %broadcast_in_dim3A_188 = vector.broadcast %add3A_187 : i32 to vector<16xi32>
          %gather3A = tpu.vector_load_idx %arg7[%iota3A, %broadcast_in_dim3A_188] : memref<16x1280xf32, #tpu.memory_space<vmem>>[vector<16xi32>, vector<16xi32>], vector<16xf32>,
          %gather3A_189 = tpu.vector_load_idx %arg5[%iota3A, %broadcast_in_dim3A_184] : memref<16x5120xf32, #tpu.memory_space<vmem>>[vector<16xi32>, vector<16xi32>], vector<16xf32>,
          %max3A = arith.maximumf %gather3A_189, %gather3A : vector<16xf32>
          tpu.vector_store_idx %arg5[%iota3A, %broadcast_in_dim3A_184], %max3A : memref<16x5120xf32, #tpu.memory_space<vmem>>[vector<16xi32>, vector<16xi32>], vector<16xf32>,
        } else {
        }
        %slice3A_154 = vector.extract_strided_slice %sub3A_30 {offsets = [13], sizes = [1], strides = [1]} : vector<16xi32> to vector<1xi32>
        %squeeze3A_155 = vector.extract %slice3A_154[0] : i32 from vector<1xi32>
        %ge3A_156 = arith.constant 0 : i32
        %ge3A_157 = arith.cmpi sge, %squeeze3A_155, %ge3A_156 : i32
        %lt3A_158 = arith.constant 5120 : i32
        %lt3A_159 = arith.cmpi slt, %squeeze3A_155, %lt3A_158 : i32
        %and3A_160 = arith.andi %ge3A_157, %lt3A_159 : i1
        %convert_element_type3A_161 = arith.extui %and3A_160 : i1 to i32
        %cond3A_162 = arith.constant 0 : i32
        %cond3A_163 = arith.cmpi ne, %convert_element_type3A_161, %cond3A_162 : i32
        scf.if %cond3A_163 {
          %broadcast_in_dim3A_184 = vector.broadcast %squeeze3A_155 : i32 to vector<16xi32>
          %mul3A_185 = arith.constant 16 : i32
          %mul3A_186 = arith.muli %scan3A_26, %mul3A_185 : i32
          %add3A = arith.constant 13 : i32
          %add3A_187 = arith.addi %mul3A_186, %add3A : i32
          %broadcast_in_dim3A_188 = vector.broadcast %add3A_187 : i32 to vector<16xi32>
          %gather3A = tpu.vector_load_idx %arg7[%iota3A, %broadcast_in_dim3A_188] : memref<16x1280xf32, #tpu.memory_space<vmem>>[vector<16xi32>, vector<16xi32>], vector<16xf32>,
          %gather3A_189 = tpu.vector_load_idx %arg5[%iota3A, %broadcast_in_dim3A_184] : memref<16x5120xf32, #tpu.memory_space<vmem>>[vector<16xi32>, vector<16xi32>], vector<16xf32>,
          %max3A = arith.maximumf %gather3A_189, %gather3A : vector<16xf32>
          tpu.vector_store_idx %arg5[%iota3A, %broadcast_in_dim3A_184], %max3A : memref<16x5120xf32, #tpu.memory_space<vmem>>[vector<16xi32>, vector<16xi32>], vector<16xf32>,
        } else {
        }
        %slice3A_164 = vector.extract_strided_slice %sub3A_30 {offsets = [14], sizes = [1], strides = [1]} : vector<16xi32> to vector<1xi32>
        %squeeze3A_165 = vector.extract %slice3A_164[0] : i32 from vector<1xi32>
        %ge3A_166 = arith.constant 0 : i32
        %ge3A_167 = arith.cmpi sge, %squeeze3A_165, %ge3A_166 : i32
        %lt3A_168 = arith.constant 5120 : i32
        %lt3A_169 = arith.cmpi slt, %squeeze3A_165, %lt3A_168 : i32
        %and3A_170 = arith.andi %ge3A_167, %lt3A_169 : i1
        %convert_element_type3A_171 = arith.extui %and3A_170 : i1 to i32
        %cond3A_172 = arith.constant 0 : i32
        %cond3A_173 = arith.cmpi ne, %convert_element_type3A_171, %cond3A_172 : i32
        scf.if %cond3A_173 {
          %broadcast_in_dim3A_184 = vector.broadcast %squeeze3A_165 : i32 to vector<16xi32>
          %mul3A_185 = arith.constant 16 : i32
          %mul3A_186 = arith.muli %scan3A_26, %mul3A_185 : i32
          %add3A = arith.constant 14 : i32
          %add3A_187 = arith.addi %mul3A_186, %add3A : i32
          %broadcast_in_dim3A_188 = vector.broadcast %add3A_187 : i32 to vector<16xi32>
          %gather3A = tpu.vector_load_idx %arg7[%iota3A, %broadcast_in_dim3A_188] : memref<16x1280xf32, #tpu.memory_space<vmem>>[vector<16xi32>, vector<16xi32>], vector<16xf32>,
          %gather3A_189 = tpu.vector_load_idx %arg5[%iota3A, %broadcast_in_dim3A_184] : memref<16x5120xf32, #tpu.memory_space<vmem>>[vector<16xi32>, vector<16xi32>], vector<16xf32>,
          %max3A = arith.maximumf %gather3A_189, %gather3A : vector<16xf32>
          tpu.vector_store_idx %arg5[%iota3A, %broadcast_in_dim3A_184], %max3A : memref<16x5120xf32, #tpu.memory_space<vmem>>[vector<16xi32>, vector<16xi32>], vector<16xf32>,
        } else {
        }
        %slice3A_174 = vector.extract_strided_slice %sub3A_30 {offsets = [15], sizes = [1], strides = [1]} : vector<16xi32> to vector<1xi32>
        %squeeze3A_175 = vector.extract %slice3A_174[0] : i32 from vector<1xi32>
        %ge3A_176 = arith.constant 0 : i32
        %ge3A_177 = arith.cmpi sge, %squeeze3A_175, %ge3A_176 : i32
        %lt3A_178 = arith.constant 5120 : i32
        %lt3A_179 = arith.cmpi slt, %squeeze3A_175, %lt3A_178 : i32
        %and3A_180 = arith.andi %ge3A_177, %lt3A_179 : i1
        %convert_element_type3A_181 = arith.extui %and3A_180 : i1 to i32
        %cond3A_182 = arith.constant 0 : i32
        %cond3A_183 = arith.cmpi ne, %convert_element_type3A_181, %cond3A_182 : i32
        scf.if %cond3A_183 {
          %broadcast_in_dim3A_184 = vector.broadcast %squeeze3A_175 : i32 to vector<16xi32>
          %mul3A_185 = arith.constant 16 : i32
          %mul3A_186 = arith.muli %scan3A_26, %mul3A_185 : i32
          %add3A = arith.constant 15 : i32
          %add3A_187 = arith.addi %mul3A_186, %add3A : i32
          %broadcast_in_dim3A_188 = vector.broadcast %add3A_187 : i32 to vector<16xi32>
          %gather3A = tpu.vector_load_idx %arg7[%iota3A, %broadcast_in_dim3A_188] : memref<16x1280xf32, #tpu.memory_space<vmem>>[vector<16xi32>, vector<16xi32>], vector<16xf32>,
          %gather3A_189 = tpu.vector_load_idx %arg5[%iota3A, %broadcast_in_dim3A_184] : memref<16x5120xf32, #tpu.memory_space<vmem>>[vector<16xi32>, vector<16xi32>], vector<16xf32>,
          %max3A = arith.maximumf %gather3A_189, %gather3A : vector<16xf32>
          tpu.vector_store_idx %arg5[%iota3A, %broadcast_in_dim3A_184], %max3A : memref<16x5120xf32, #tpu.memory_space<vmem>>[vector<16xi32>, vector<16xi32>], vector<16xf32>,
        } else {
        }
      }
      %scan3A_25 = arith.constant 80 : i32
    }
    %scan3A_12 = arith.constant 125 : i32
    %mul3A_13 = arith.constant 16 : i32
    %mul3A_14 = arith.muli %arg1, %mul3A_13 : i32
    "tpu.region"() ({
      %run_scoped3A = tpu.sem_alloc : memref<!tpu.dma_semaphore, #tpu.memory_space<semaphore_mem>>
      %dma_start3A = tpu.memref_slice %arg4[%mul3A_14, %mul3A_0] : memref<256x10240xf32, #tpu.memory_space<hbm>> -> memref<16x5120xf32, #tpu.memory_space<hbm>>
      %dma_start3A_15 = tpu.memref_slice %arg4[%mul3A_14, %mul3A_0] : memref<256x10240xf32, #tpu.memory_space<hbm>> -> memref<16x5120xf32, #tpu.memory_space<hbm>>
      tpu.enqueue_dma source(%arg5 : memref<16x5120xf32, #tpu.memory_space<vmem>>) target(%dma_start3A_15 : memref<16x5120xf32, #tpu.memory_space<hbm>>) target_semaphore(%run_scoped3A : memref<!tpu.dma_semaphore, #tpu.memory_space<semaphore_mem>>)
      %dma_wait3A = tpu.memref_slice %arg4[%mul3A_14, %mul3A_0] : memref<256x10240xf32, #tpu.memory_space<hbm>> -> memref<16x5120xf32, #tpu.memory_space<hbm>>
      %dma_wait3A_16 = tpu.memref_slice %arg4[%mul3A_14, %mul3A_0] : memref<256x10240xf32, #tpu.memory_space<hbm>> -> memref<16x5120xf32, #tpu.memory_space<hbm>>
      tpu.wait_dma2 semaphore(%run_scoped3A : memref<!tpu.dma_semaphore, #tpu.memory_space<semaphore_mem>>) src(%arg5 : memref<16x5120xf32, #tpu.memory_space<vmem>>) dst(%dma_wait3A_16 : memref<16x5120xf32, #tpu.memory_space<hbm>>)
      tpu.yield
    }) : () -> ()
    return
  }
}

#map = affine_map<(d0, d1) -> (0, 0)>
#map1 = affine_map<(d0, d1) -> (0)>
module attributes {stable_mosaic.version = 14 : i64} {
  func.func @k(%arg0: i32, %arg1: i32, %arg2: memref<160000x256xf32, #tpu.memory_space<hbm>>, %arg3: memref<160000xi32, #tpu.memory_space<hbm>>, %arg4: memref<10000x256xf32, #tpu.memory_space<hbm>>, %arg5: memref<10240x128xf32, #tpu.memory_space<vmem_shared>>, %arg6: memref<128x128xf32, #tpu.memory_space<vmem>>, %arg7: memref<200xi32, #tpu.memory_space<vmem>>, %arg8: memref<200x128xf32, #tpu.memory_space<vmem>>) attributes {dimension_semantics = [#tpu.dimension_semantics<core_parallel>, #tpu.dimension_semantics<subcore_parallel>], iteration_bounds = array<i64: 2, 16>, scalar_prefetch = 0 : i64, scratch_operands = 4 : i64, tpu.core_type = #tpu.core_type<sc_vector_subcore>, window_params = [{transform_indices = #map}, {transform_indices = #map1}, {transform_indices = #map}]} {
    %scan3A = arith.constant 0 : i32
    %scan3A_0 = arith.constant 0 : i32
    %scan3A_1 = arith.constant 128 : i32
    %scan3A_2 = arith.addi %scan3A_0, %scan3A_1 : i32
    %scan3A_3 = arith.constant 1 : i32
    scf.for %scan3A_38 = %scan3A_0 to %scan3A_2 step %scan3A_3  : i32 {
      %broadcast_in_dim3A = arith.constant 0.000000e+00 : f32
      %broadcast_in_dim3A_39 = vector.broadcast %broadcast_in_dim3A : f32 to vector<16xf32>
      %swap3A = arith.index_cast %scan3A_38 : i32 to index
      %swap3A_40 = arith.constant 0 : index
      %swap3A_41 = tpu.vector_load %arg6[%swap3A, %swap3A_40] {strides = array<i32>} : memref<128x128xf32, #tpu.memory_space<vmem>>, vector<1x16xf32>,
      %swap3A_42 = vector.shape_cast %swap3A_41 : vector<1x16xf32> to vector<16xf32>
      %swap3A_43 = vector.shape_cast %broadcast_in_dim3A_39 : vector<16xf32> to vector<1x16xf32>
      tpu.vector_store %arg6[%swap3A, %swap3A_40], %swap3A_43 {strides = array<i32>} : memref<128x128xf32, #tpu.memory_space<vmem>>, vector<1x16xf32>,
      %broadcast_in_dim3A_44 = arith.constant 0.000000e+00 : f32
      %broadcast_in_dim3A_45 = vector.broadcast %broadcast_in_dim3A_44 : f32 to vector<16xf32>
      %swap3A_46 = arith.index_cast %scan3A_38 : i32 to index
      %swap3A_47 = arith.constant 16 : index
      %swap3A_48 = tpu.vector_load %arg6[%swap3A_46, %swap3A_47] {strides = array<i32>} : memref<128x128xf32, #tpu.memory_space<vmem>>, vector<1x16xf32>,
      %swap3A_49 = vector.shape_cast %swap3A_48 : vector<1x16xf32> to vector<16xf32>
      %swap3A_50 = vector.shape_cast %broadcast_in_dim3A_45 : vector<16xf32> to vector<1x16xf32>
      tpu.vector_store %arg6[%swap3A_46, %swap3A_47], %swap3A_50 {strides = array<i32>} : memref<128x128xf32, #tpu.memory_space<vmem>>, vector<1x16xf32>,
      %broadcast_in_dim3A_51 = arith.constant 0.000000e+00 : f32
      %broadcast_in_dim3A_52 = vector.broadcast %broadcast_in_dim3A_51 : f32 to vector<16xf32>
      %swap3A_53 = arith.index_cast %scan3A_38 : i32 to index
      %swap3A_54 = arith.constant 32 : index
      %swap3A_55 = tpu.vector_load %arg6[%swap3A_53, %swap3A_54] {strides = array<i32>} : memref<128x128xf32, #tpu.memory_space<vmem>>, vector<1x16xf32>,
      %swap3A_56 = vector.shape_cast %swap3A_55 : vector<1x16xf32> to vector<16xf32>
      %swap3A_57 = vector.shape_cast %broadcast_in_dim3A_52 : vector<16xf32> to vector<1x16xf32>
      tpu.vector_store %arg6[%swap3A_53, %swap3A_54], %swap3A_57 {strides = array<i32>} : memref<128x128xf32, #tpu.memory_space<vmem>>, vector<1x16xf32>,
      %broadcast_in_dim3A_58 = arith.constant 0.000000e+00 : f32
      %broadcast_in_dim3A_59 = vector.broadcast %broadcast_in_dim3A_58 : f32 to vector<16xf32>
      %swap3A_60 = arith.index_cast %scan3A_38 : i32 to index
      %swap3A_61 = arith.constant 48 : index
      %swap3A_62 = tpu.vector_load %arg6[%swap3A_60, %swap3A_61] {strides = array<i32>} : memref<128x128xf32, #tpu.memory_space<vmem>>, vector<1x16xf32>,
      %swap3A_63 = vector.shape_cast %swap3A_62 : vector<1x16xf32> to vector<16xf32>
      %swap3A_64 = vector.shape_cast %broadcast_in_dim3A_59 : vector<16xf32> to vector<1x16xf32>
      tpu.vector_store %arg6[%swap3A_60, %swap3A_61], %swap3A_64 {strides = array<i32>} : memref<128x128xf32, #tpu.memory_space<vmem>>, vector<1x16xf32>,
      %broadcast_in_dim3A_65 = arith.constant 0.000000e+00 : f32
      %broadcast_in_dim3A_66 = vector.broadcast %broadcast_in_dim3A_65 : f32 to vector<16xf32>
      %swap3A_67 = arith.index_cast %scan3A_38 : i32 to index
      %swap3A_68 = arith.constant 64 : index
      %swap3A_69 = tpu.vector_load %arg6[%swap3A_67, %swap3A_68] {strides = array<i32>} : memref<128x128xf32, #tpu.memory_space<vmem>>, vector<1x16xf32>,
      %swap3A_70 = vector.shape_cast %swap3A_69 : vector<1x16xf32> to vector<16xf32>
      %swap3A_71 = vector.shape_cast %broadcast_in_dim3A_66 : vector<16xf32> to vector<1x16xf32>
      tpu.vector_store %arg6[%swap3A_67, %swap3A_68], %swap3A_71 {strides = array<i32>} : memref<128x128xf32, #tpu.memory_space<vmem>>, vector<1x16xf32>,
      %broadcast_in_dim3A_72 = arith.constant 0.000000e+00 : f32
      %broadcast_in_dim3A_73 = vector.broadcast %broadcast_in_dim3A_72 : f32 to vector<16xf32>
      %swap3A_74 = arith.index_cast %scan3A_38 : i32 to index
      %swap3A_75 = arith.constant 80 : index
      %swap3A_76 = tpu.vector_load %arg6[%swap3A_74, %swap3A_75] {strides = array<i32>} : memref<128x128xf32, #tpu.memory_space<vmem>>, vector<1x16xf32>,
      %swap3A_77 = vector.shape_cast %swap3A_76 : vector<1x16xf32> to vector<16xf32>
      %swap3A_78 = vector.shape_cast %broadcast_in_dim3A_73 : vector<16xf32> to vector<1x16xf32>
      tpu.vector_store %arg6[%swap3A_74, %swap3A_75], %swap3A_78 {strides = array<i32>} : memref<128x128xf32, #tpu.memory_space<vmem>>, vector<1x16xf32>,
      %broadcast_in_dim3A_79 = arith.constant 0.000000e+00 : f32
      %broadcast_in_dim3A_80 = vector.broadcast %broadcast_in_dim3A_79 : f32 to vector<16xf32>
      %swap3A_81 = arith.index_cast %scan3A_38 : i32 to index
      %swap3A_82 = arith.constant 96 : index
      %swap3A_83 = tpu.vector_load %arg6[%swap3A_81, %swap3A_82] {strides = array<i32>} : memref<128x128xf32, #tpu.memory_space<vmem>>, vector<1x16xf32>,
      %swap3A_84 = vector.shape_cast %swap3A_83 : vector<1x16xf32> to vector<16xf32>
      %swap3A_85 = vector.shape_cast %broadcast_in_dim3A_80 : vector<16xf32> to vector<1x16xf32>
      tpu.vector_store %arg6[%swap3A_81, %swap3A_82], %swap3A_85 {strides = array<i32>} : memref<128x128xf32, #tpu.memory_space<vmem>>, vector<1x16xf32>,
      %broadcast_in_dim3A_86 = arith.constant 0.000000e+00 : f32
      %broadcast_in_dim3A_87 = vector.broadcast %broadcast_in_dim3A_86 : f32 to vector<16xf32>
      %swap3A_88 = arith.index_cast %scan3A_38 : i32 to index
      %swap3A_89 = arith.constant 112 : index
      %swap3A_90 = tpu.vector_load %arg6[%swap3A_88, %swap3A_89] {strides = array<i32>} : memref<128x128xf32, #tpu.memory_space<vmem>>, vector<1x16xf32>,
      %swap3A_91 = vector.shape_cast %swap3A_90 : vector<1x16xf32> to vector<16xf32>
      %swap3A_92 = vector.shape_cast %broadcast_in_dim3A_87 : vector<16xf32> to vector<1x16xf32>
      tpu.vector_store %arg6[%swap3A_88, %swap3A_89], %swap3A_92 {strides = array<i32>} : memref<128x128xf32, #tpu.memory_space<vmem>>, vector<1x16xf32>,
    }
    %scan3A_4 = arith.constant 128 : i32
    %mul3A = arith.constant 640 : i32
    %mul3A_5 = arith.muli %arg1, %mul3A : i32
    %add3A = arith.constant 0 : i32
    %add3A_6 = arith.addi %mul3A_5, %add3A : i32
    "tpu.region"() ({
      %run_scoped3A = tpu.sem_alloc : memref<!tpu.dma_semaphore, #tpu.memory_space<semaphore_mem>>
      %dma_start3A = arith.constant 0 : i32
      %dma_start3A_38 = tpu.memref_slice %arg5[%add3A_6, %dma_start3A] : memref<10240x128xf32, #tpu.memory_space<vmem_shared>> -> memref<128x128xf32, #tpu.memory_space<vmem_shared>>
      %dma_start3A_39 = arith.constant 0 : i32
      %dma_start3A_40 = tpu.memref_slice %arg5[%add3A_6, %dma_start3A_39] : memref<10240x128xf32, #tpu.memory_space<vmem_shared>> -> memref<128x128xf32, #tpu.memory_space<vmem_shared>>
      tpu.enqueue_dma source(%arg6 : memref<128x128xf32, #tpu.memory_space<vmem>>) target(%dma_start3A_40 : memref<128x128xf32, #tpu.memory_space<vmem_shared>>) target_semaphore(%run_scoped3A : memref<!tpu.dma_semaphore, #tpu.memory_space<semaphore_mem>>)
      %dma_wait3A = arith.constant 0 : i32
      %dma_wait3A_41 = tpu.memref_slice %arg5[%add3A_6, %dma_wait3A] : memref<10240x128xf32, #tpu.memory_space<vmem_shared>> -> memref<128x128xf32, #tpu.memory_space<vmem_shared>>
      %dma_wait3A_42 = arith.constant 0 : i32
      %dma_wait3A_43 = tpu.memref_slice %arg5[%add3A_6, %dma_wait3A_42] : memref<10240x128xf32, #tpu.memory_space<vmem_shared>> -> memref<128x128xf32, #tpu.memory_space<vmem_shared>>
      tpu.wait_dma2 semaphore(%run_scoped3A : memref<!tpu.dma_semaphore, #tpu.memory_space<semaphore_mem>>) src(%arg6 : memref<128x128xf32, #tpu.memory_space<vmem>>) dst(%dma_wait3A_43 : memref<128x128xf32, #tpu.memory_space<vmem_shared>>)
      tpu.yield
    }) : () -> ()
    %mul3A_7 = arith.constant 640 : i32
    %mul3A_8 = arith.muli %arg1, %mul3A_7 : i32
    %add3A_9 = arith.constant 128 : i32
    %add3A_10 = arith.addi %mul3A_8, %add3A_9 : i32
    "tpu.region"() ({
      %run_scoped3A = tpu.sem_alloc : memref<!tpu.dma_semaphore, #tpu.memory_space<semaphore_mem>>
      %dma_start3A = arith.constant 0 : i32
      %dma_start3A_38 = tpu.memref_slice %arg5[%add3A_10, %dma_start3A] : memref<10240x128xf32, #tpu.memory_space<vmem_shared>> -> memref<128x128xf32, #tpu.memory_space<vmem_shared>>
      %dma_start3A_39 = arith.constant 0 : i32
      %dma_start3A_40 = tpu.memref_slice %arg5[%add3A_10, %dma_start3A_39] : memref<10240x128xf32, #tpu.memory_space<vmem_shared>> -> memref<128x128xf32, #tpu.memory_space<vmem_shared>>
      tpu.enqueue_dma source(%arg6 : memref<128x128xf32, #tpu.memory_space<vmem>>) target(%dma_start3A_40 : memref<128x128xf32, #tpu.memory_space<vmem_shared>>) target_semaphore(%run_scoped3A : memref<!tpu.dma_semaphore, #tpu.memory_space<semaphore_mem>>)
      %dma_wait3A = arith.constant 0 : i32
      %dma_wait3A_41 = tpu.memref_slice %arg5[%add3A_10, %dma_wait3A] : memref<10240x128xf32, #tpu.memory_space<vmem_shared>> -> memref<128x128xf32, #tpu.memory_space<vmem_shared>>
      %dma_wait3A_42 = arith.constant 0 : i32
      %dma_wait3A_43 = tpu.memref_slice %arg5[%add3A_10, %dma_wait3A_42] : memref<10240x128xf32, #tpu.memory_space<vmem_shared>> -> memref<128x128xf32, #tpu.memory_space<vmem_shared>>
      tpu.wait_dma2 semaphore(%run_scoped3A : memref<!tpu.dma_semaphore, #tpu.memory_space<semaphore_mem>>) src(%arg6 : memref<128x128xf32, #tpu.memory_space<vmem>>) dst(%dma_wait3A_43 : memref<128x128xf32, #tpu.memory_space<vmem_shared>>)
      tpu.yield
    }) : () -> ()
    %mul3A_11 = arith.constant 640 : i32
    %mul3A_12 = arith.muli %arg1, %mul3A_11 : i32
    %add3A_13 = arith.constant 256 : i32
    %add3A_14 = arith.addi %mul3A_12, %add3A_13 : i32
    "tpu.region"() ({
      %run_scoped3A = tpu.sem_alloc : memref<!tpu.dma_semaphore, #tpu.memory_space<semaphore_mem>>
      %dma_start3A = arith.constant 0 : i32
      %dma_start3A_38 = tpu.memref_slice %arg5[%add3A_14, %dma_start3A] : memref<10240x128xf32, #tpu.memory_space<vmem_shared>> -> memref<128x128xf32, #tpu.memory_space<vmem_shared>>
      %dma_start3A_39 = arith.constant 0 : i32
      %dma_start3A_40 = tpu.memref_slice %arg5[%add3A_14, %dma_start3A_39] : memref<10240x128xf32, #tpu.memory_space<vmem_shared>> -> memref<128x128xf32, #tpu.memory_space<vmem_shared>>
      tpu.enqueue_dma source(%arg6 : memref<128x128xf32, #tpu.memory_space<vmem>>) target(%dma_start3A_40 : memref<128x128xf32, #tpu.memory_space<vmem_shared>>) target_semaphore(%run_scoped3A : memref<!tpu.dma_semaphore, #tpu.memory_space<semaphore_mem>>)
      %dma_wait3A = arith.constant 0 : i32
      %dma_wait3A_41 = tpu.memref_slice %arg5[%add3A_14, %dma_wait3A] : memref<10240x128xf32, #tpu.memory_space<vmem_shared>> -> memref<128x128xf32, #tpu.memory_space<vmem_shared>>
      %dma_wait3A_42 = arith.constant 0 : i32
      %dma_wait3A_43 = tpu.memref_slice %arg5[%add3A_14, %dma_wait3A_42] : memref<10240x128xf32, #tpu.memory_space<vmem_shared>> -> memref<128x128xf32, #tpu.memory_space<vmem_shared>>
      tpu.wait_dma2 semaphore(%run_scoped3A : memref<!tpu.dma_semaphore, #tpu.memory_space<semaphore_mem>>) src(%arg6 : memref<128x128xf32, #tpu.memory_space<vmem>>) dst(%dma_wait3A_43 : memref<128x128xf32, #tpu.memory_space<vmem_shared>>)
      tpu.yield
    }) : () -> ()
    %mul3A_15 = arith.constant 640 : i32
    %mul3A_16 = arith.muli %arg1, %mul3A_15 : i32
    %add3A_17 = arith.constant 384 : i32
    %add3A_18 = arith.addi %mul3A_16, %add3A_17 : i32
    "tpu.region"() ({
      %run_scoped3A = tpu.sem_alloc : memref<!tpu.dma_semaphore, #tpu.memory_space<semaphore_mem>>
      %dma_start3A = arith.constant 0 : i32
      %dma_start3A_38 = tpu.memref_slice %arg5[%add3A_18, %dma_start3A] : memref<10240x128xf32, #tpu.memory_space<vmem_shared>> -> memref<128x128xf32, #tpu.memory_space<vmem_shared>>
      %dma_start3A_39 = arith.constant 0 : i32
      %dma_start3A_40 = tpu.memref_slice %arg5[%add3A_18, %dma_start3A_39] : memref<10240x128xf32, #tpu.memory_space<vmem_shared>> -> memref<128x128xf32, #tpu.memory_space<vmem_shared>>
      tpu.enqueue_dma source(%arg6 : memref<128x128xf32, #tpu.memory_space<vmem>>) target(%dma_start3A_40 : memref<128x128xf32, #tpu.memory_space<vmem_shared>>) target_semaphore(%run_scoped3A : memref<!tpu.dma_semaphore, #tpu.memory_space<semaphore_mem>>)
      %dma_wait3A = arith.constant 0 : i32
      %dma_wait3A_41 = tpu.memref_slice %arg5[%add3A_18, %dma_wait3A] : memref<10240x128xf32, #tpu.memory_space<vmem_shared>> -> memref<128x128xf32, #tpu.memory_space<vmem_shared>>
      %dma_wait3A_42 = arith.constant 0 : i32
      %dma_wait3A_43 = tpu.memref_slice %arg5[%add3A_18, %dma_wait3A_42] : memref<10240x128xf32, #tpu.memory_space<vmem_shared>> -> memref<128x128xf32, #tpu.memory_space<vmem_shared>>
      tpu.wait_dma2 semaphore(%run_scoped3A : memref<!tpu.dma_semaphore, #tpu.memory_space<semaphore_mem>>) src(%arg6 : memref<128x128xf32, #tpu.memory_space<vmem>>) dst(%dma_wait3A_43 : memref<128x128xf32, #tpu.memory_space<vmem_shared>>)
      tpu.yield
    }) : () -> ()
    %mul3A_19 = arith.constant 640 : i32
    %mul3A_20 = arith.muli %arg1, %mul3A_19 : i32
    %add3A_21 = arith.constant 512 : i32
    %add3A_22 = arith.addi %mul3A_20, %add3A_21 : i32
    "tpu.region"() ({
      %run_scoped3A = tpu.sem_alloc : memref<!tpu.dma_semaphore, #tpu.memory_space<semaphore_mem>>
      %dma_start3A = arith.constant 0 : i32
      %dma_start3A_38 = tpu.memref_slice %arg5[%add3A_22, %dma_start3A] : memref<10240x128xf32, #tpu.memory_space<vmem_shared>> -> memref<128x128xf32, #tpu.memory_space<vmem_shared>>
      %dma_start3A_39 = arith.constant 0 : i32
      %dma_start3A_40 = tpu.memref_slice %arg5[%add3A_22, %dma_start3A_39] : memref<10240x128xf32, #tpu.memory_space<vmem_shared>> -> memref<128x128xf32, #tpu.memory_space<vmem_shared>>
      tpu.enqueue_dma source(%arg6 : memref<128x128xf32, #tpu.memory_space<vmem>>) target(%dma_start3A_40 : memref<128x128xf32, #tpu.memory_space<vmem_shared>>) target_semaphore(%run_scoped3A : memref<!tpu.dma_semaphore, #tpu.memory_space<semaphore_mem>>)
      %dma_wait3A = arith.constant 0 : i32
      %dma_wait3A_41 = tpu.memref_slice %arg5[%add3A_22, %dma_wait3A] : memref<10240x128xf32, #tpu.memory_space<vmem_shared>> -> memref<128x128xf32, #tpu.memory_space<vmem_shared>>
      %dma_wait3A_42 = arith.constant 0 : i32
      %dma_wait3A_43 = tpu.memref_slice %arg5[%add3A_22, %dma_wait3A_42] : memref<10240x128xf32, #tpu.memory_space<vmem_shared>> -> memref<128x128xf32, #tpu.memory_space<vmem_shared>>
      tpu.wait_dma2 semaphore(%run_scoped3A : memref<!tpu.dma_semaphore, #tpu.memory_space<semaphore_mem>>) src(%arg6 : memref<128x128xf32, #tpu.memory_space<vmem>>) dst(%dma_wait3A_43 : memref<128x128xf32, #tpu.memory_space<vmem_shared>>)
      tpu.yield
    }) : () -> ()
    %barrier3A = arith.constant 0 : index
    tpu.barrier barrier_id(%barrier3A)
    %scan3A_23 = arith.constant 0 : i32
    %scan3A_24 = arith.constant 0 : i32
    %scan3A_25 = arith.constant 50 : i32
    %scan3A_26 = arith.addi %scan3A_24, %scan3A_25 : i32
    %scan3A_27 = arith.constant 1 : i32
    scf.for %scan3A_38 = %scan3A_24 to %scan3A_26 step %scan3A_27  : i32 {
      %mul3A_39 = arith.constant 10000 : i32
      %mul3A_40 = arith.muli %arg1, %mul3A_39 : i32
      %mul3A_41 = arith.constant 200 : i32
      %mul3A_42 = arith.muli %scan3A_38, %mul3A_41 : i32
      %add3A_43 = arith.addi %mul3A_40, %mul3A_42 : i32
      "tpu.region"() ({
        %run_scoped3A = tpu.sem_alloc : memref<!tpu.dma_semaphore, #tpu.memory_space<semaphore_mem>>
        %dma_start3A = tpu.memref_slice %arg3[%add3A_43] : memref<160000xi32, #tpu.memory_space<hbm>> -> memref<200xi32, #tpu.memory_space<hbm>>
        %dma_start3A_46 = tpu.memref_slice %arg3[%add3A_43] : memref<160000xi32, #tpu.memory_space<hbm>> -> memref<200xi32, #tpu.memory_space<hbm>>
        tpu.enqueue_dma source(%dma_start3A_46 : memref<200xi32, #tpu.memory_space<hbm>>) target(%arg7 : memref<200xi32, #tpu.memory_space<vmem>>) target_semaphore(%run_scoped3A : memref<!tpu.dma_semaphore, #tpu.memory_space<semaphore_mem>>)
        %dma_wait3A = tpu.memref_slice %arg3[%add3A_43] : memref<160000xi32, #tpu.memory_space<hbm>> -> memref<200xi32, #tpu.memory_space<hbm>>
        %dma_wait3A_47 = tpu.memref_slice %arg3[%add3A_43] : memref<160000xi32, #tpu.memory_space<hbm>> -> memref<200xi32, #tpu.memory_space<hbm>>
        tpu.wait_dma2 semaphore(%run_scoped3A : memref<!tpu.dma_semaphore, #tpu.memory_space<semaphore_mem>>) src(%dma_wait3A_47 : memref<200xi32, #tpu.memory_space<hbm>>) dst(%arg7 : memref<200xi32, #tpu.memory_space<vmem>>)
        tpu.yield
      }) : () -> ()
      %mul3A_44 = arith.constant 128 : i32
      %mul3A_45 = arith.muli %arg0, %mul3A_44 : i32
      "tpu.region"() ({
        %run_scoped3A = tpu.sem_alloc : memref<!tpu.dma_semaphore, #tpu.memory_space<semaphore_mem>>
        %dma_start3A = tpu.memref_slice %arg2[%add3A_43, %mul3A_45] : memref<160000x256xf32, #tpu.memory_space<hbm>> -> memref<200x128xf32, #tpu.memory_space<hbm>>
        %dma_start3A_46 = tpu.memref_slice %arg2[%add3A_43, %mul3A_45] : memref<160000x256xf32, #tpu.memory_space<hbm>> -> memref<200x128xf32, #tpu.memory_space<hbm>>
        tpu.enqueue_dma source(%dma_start3A_46 : memref<200x128xf32, #tpu.memory_space<hbm>>) target(%arg8 : memref<200x128xf32, #tpu.memory_space<vmem>>) target_semaphore(%run_scoped3A : memref<!tpu.dma_semaphore, #tpu.memory_space<semaphore_mem>>)
        %dma_wait3A = tpu.memref_slice %arg2[%add3A_43, %mul3A_45] : memref<160000x256xf32, #tpu.memory_space<hbm>> -> memref<200x128xf32, #tpu.memory_space<hbm>>
        %dma_wait3A_47 = tpu.memref_slice %arg2[%add3A_43, %mul3A_45] : memref<160000x256xf32, #tpu.memory_space<hbm>> -> memref<200x128xf32, #tpu.memory_space<hbm>>
        tpu.wait_dma2 semaphore(%run_scoped3A : memref<!tpu.dma_semaphore, #tpu.memory_space<semaphore_mem>>) src(%dma_wait3A_47 : memref<200x128xf32, #tpu.memory_space<hbm>>) dst(%arg8 : memref<200x128xf32, #tpu.memory_space<vmem>>)
        tpu.yield
      }) : () -> ()
      "tpu.region"() ({
        %run_scoped3A = tpu.sem_alloc : memref<!tpu.dma_semaphore, #tpu.memory_space<semaphore_mem>>
        %dma_start3A = arith.constant 0 : i32
        %dma_start3A_46 = arith.constant 0 : i32
        %dma_start3A_47 = tpu.memref_slice %arg5[%dma_start3A, %dma_start3A_46] : memref<10240x128xf32, #tpu.memory_space<vmem_shared>> -> memref<10240x128xf32, #tpu.memory_space<vmem_shared>>
        tpu.enqueue_indirect_dma source(%arg8 : memref<200x128xf32, #tpu.memory_space<vmem>>) target(%dma_start3A_47 : memref<10240x128xf32, #tpu.memory_space<vmem_shared>>) offsets(%arg7 : memref<200xi32, #tpu.memory_space<vmem>>) semaphore(%run_scoped3A : memref<!tpu.dma_semaphore, #tpu.memory_space<semaphore_mem>>) {add = true}
        %dma_wait3A = arith.constant 0 : i32
        %dma_wait3A_48 = arith.constant 0 : i32
        %dma_wait3A_49 = tpu.memref_slice %arg5[%dma_wait3A, %dma_wait3A_48] : memref<10240x128xf32, #tpu.memory_space<vmem_shared>> -> memref<10240x128xf32, #tpu.memory_space<vmem_shared>>
        tpu.wait_indirect_dma semaphore(%run_scoped3A : memref<!tpu.dma_semaphore, #tpu.memory_space<semaphore_mem>>) src(%arg8 : memref<200x128xf32, #tpu.memory_space<vmem>>) dst(%dma_wait3A_49 : memref<10240x128xf32, #tpu.memory_space<vmem_shared>>)
        tpu.yield
      }) : () -> ()
    }
    %scan3A_28 = arith.constant 50 : i32
    %barrier3A_29 = arith.constant 0 : index
    tpu.barrier barrier_id(%barrier3A_29)
    %mul3A_30 = arith.constant 624 : i32
    %mul3A_31 = arith.muli %arg1, %mul3A_30 : i32
    %mul3A_32 = arith.constant 624 : i32
    %mul3A_33 = arith.muli %arg1, %mul3A_32 : i32
    %mul3A_34 = arith.constant 128 : i32
    %mul3A_35 = arith.muli %arg0, %mul3A_34 : i32
    "tpu.region"() ({
      %run_scoped3A = tpu.sem_alloc : memref<!tpu.dma_semaphore, #tpu.memory_space<semaphore_mem>>
      %dma_start3A = tpu.memref_slice %arg4[%mul3A_33, %mul3A_35] : memref<10000x256xf32, #tpu.memory_space<hbm>> -> memref<624x128xf32, #tpu.memory_space<hbm>>
      %dma_start3A_38 = arith.constant 0 : i32
      %dma_start3A_39 = tpu.memref_slice %arg5[%mul3A_31, %dma_start3A_38] : memref<10240x128xf32, #tpu.memory_space<vmem_shared>> -> memref<624x128xf32, #tpu.memory_space<vmem_shared>>
      tpu.enqueue_dma source(%dma_start3A_39 : memref<624x128xf32, #tpu.memory_space<vmem_shared>>) target(%dma_start3A : memref<624x128xf32, #tpu.memory_space<hbm>>) target_semaphore(%run_scoped3A : memref<!tpu.dma_semaphore, #tpu.memory_space<semaphore_mem>>)
      %dma_wait3A = tpu.memref_slice %arg4[%mul3A_33, %mul3A_35] : memref<10000x256xf32, #tpu.memory_space<hbm>> -> memref<624x128xf32, #tpu.memory_space<hbm>>
      %dma_wait3A_40 = arith.constant 0 : i32
      %dma_wait3A_41 = tpu.memref_slice %arg5[%mul3A_31, %dma_wait3A_40] : memref<10240x128xf32, #tpu.memory_space<vmem_shared>> -> memref<624x128xf32, #tpu.memory_space<vmem_shared>>
      tpu.wait_dma2 semaphore(%run_scoped3A : memref<!tpu.dma_semaphore, #tpu.memory_space<semaphore_mem>>) src(%dma_wait3A_41 : memref<624x128xf32, #tpu.memory_space<vmem_shared>>) dst(%dma_wait3A : memref<624x128xf32, #tpu.memory_space<hbm>>)
      tpu.yield
    }) : () -> ()
    %eq3A = arith.constant 0 : i32
    %eq3A_36 = arith.cmpi eq, %arg1, %eq3A : i32
    %convert_element_type3A = arith.extui %eq3A_36 : i1 to i32
    %cond3A = arith.constant 0 : i32
    %cond3A_37 = arith.cmpi ne, %convert_element_type3A, %cond3A : i32
    scf.if %cond3A_37 {
      %mul3A_38 = arith.constant 128 : i32
      %mul3A_39 = arith.muli %arg0, %mul3A_38 : i32
      "tpu.region"() ({
        %run_scoped3A = tpu.sem_alloc : memref<!tpu.dma_semaphore, #tpu.memory_space<semaphore_mem>>
        %dma_start3A = arith.constant 9984 : i32
        %dma_start3A_40 = tpu.memref_slice %arg4[%dma_start3A, %mul3A_39] : memref<10000x256xf32, #tpu.memory_space<hbm>> -> memref<16x128xf32, #tpu.memory_space<hbm>>
        %dma_start3A_41 = arith.constant 9984 : i32
        %dma_start3A_42 = arith.constant 0 : i32
        %dma_start3A_43 = tpu.memref_slice %arg5[%dma_start3A_41, %dma_start3A_42] : memref<10240x128xf32, #tpu.memory_space<vmem_shared>> -> memref<16x128xf32, #tpu.memory_space<vmem_shared>>
        tpu.enqueue_dma source(%dma_start3A_43 : memref<16x128xf32, #tpu.memory_space<vmem_shared>>) target(%dma_start3A_40 : memref<16x128xf32, #tpu.memory_space<hbm>>) target_semaphore(%run_scoped3A : memref<!tpu.dma_semaphore, #tpu.memory_space<semaphore_mem>>)
        %dma_wait3A = arith.constant 9984 : i32
        %dma_wait3A_44 = tpu.memref_slice %arg4[%dma_wait3A, %mul3A_39] : memref<10000x256xf32, #tpu.memory_space<hbm>> -> memref<16x128xf32, #tpu.memory_space<hbm>>
        %dma_wait3A_45 = arith.constant 9984 : i32
        %dma_wait3A_46 = arith.constant 0 : i32
        %dma_wait3A_47 = tpu.memref_slice %arg5[%dma_wait3A_45, %dma_wait3A_46] : memref<10240x128xf32, #tpu.memory_space<vmem_shared>> -> memref<16x128xf32, #tpu.memory_space<vmem_shared>>
        tpu.wait_dma2 semaphore(%run_scoped3A : memref<!tpu.dma_semaphore, #tpu.memory_space<semaphore_mem>>) src(%dma_wait3A_47 : memref<16x128xf32, #tpu.memory_space<vmem_shared>>) dst(%dma_wait3A_44 : memref<16x128xf32, #tpu.memory_space<hbm>>)
        tpu.yield
      }) : () -> ()
    } else {
    }
    return
  }
}

module attributes {stable_mosaic.version = 14 : i64} {
  func.func @_node_pre_body(%arg0: i32, %arg1: memref<1000x256xf32, #tpu.memory_space<vmem>>, %arg2: memref<1000x256xf32, #tpu.memory_space<vmem>>, %arg3: memref<1000x256xf32, #tpu.memory_space<vmem>>, %arg4: memref<1000x256xf32, #tpu.memory_space<vmem>>, %arg5: memref<256x256xf32, #tpu.memory_space<vmem>>, %arg6: memref<1x256xf32, #tpu.memory_space<vmem>>, %arg7: memref<256x256xf32, #tpu.memory_space<vmem>>, %arg8: memref<1x256xf32, #tpu.memory_space<vmem>>, %arg9: memref<256x256xf32, #tpu.memory_space<vmem>>, %arg10: memref<1x256xf32, #tpu.memory_space<vmem>>, %arg11: memref<256x256xf32, #tpu.memory_space<vmem>>, %arg12: memref<1x256xf32, #tpu.memory_space<vmem>>, %arg13: memref<256x256xf32, #tpu.memory_space<vmem>>, %arg14: memref<1x256xf32, #tpu.memory_space<vmem>>, %arg15: memref<256x256xf32, #tpu.memory_space<vmem>>, %arg16: memref<1x256xf32, #tpu.memory_space<vmem>>, %arg17: memref<1000x256xf32, #tpu.memory_space<vmem>>, %arg18: memref<1000x256xf32, #tpu.memory_space<vmem>>, %arg19: memref<1000x256xf32, #tpu.memory_space<vmem>>, %arg20: memref<1000x256xf32, #tpu.memory_space<vmem>>) attributes {dimension_semantics = [#tpu.dimension_semantics<arbitrary>], iteration_bounds = array<i64: 10>, scalar_prefetch = 0 : i64, scratch_operands = 0 : i64, tpu.core_type = #tpu.core_type<tc>, window_params = [{transform_indices = @transform_0, window_bounds = array<i64: 1000, 256>}, {transform_indices = @transform_1, window_bounds = array<i64: 1000, 256>}, {transform_indices = @transform_2, window_bounds = array<i64: 1000, 256>}, {transform_indices = @transform_3, window_bounds = array<i64: 1000, 256>}, {pipeline_mode = #tpu.pipeline_mode<synchronous>, transform_indices = @transform_4, window_bounds = array<i64: 256, 256>}, {pipeline_mode = #tpu.pipeline_mode<synchronous>, transform_indices = @transform_5, window_bounds = array<i64: 1, 256>}, {pipeline_mode = #tpu.pipeline_mode<synchronous>, transform_indices = @transform_6, window_bounds = array<i64: 256, 256>}, {pipeline_mode = #tpu.pipeline_mode<synchronous>, transform_indices = @transform_7, window_bounds = array<i64: 1, 256>}, {pipeline_mode = #tpu.pipeline_mode<synchronous>, transform_indices = @transform_8, window_bounds = array<i64: 256, 256>}, {pipeline_mode = #tpu.pipeline_mode<synchronous>, transform_indices = @transform_9, window_bounds = array<i64: 1, 256>}, {pipeline_mode = #tpu.pipeline_mode<synchronous>, transform_indices = @transform_10, window_bounds = array<i64: 256, 256>}, {pipeline_mode = #tpu.pipeline_mode<synchronous>, transform_indices = @transform_11, window_bounds = array<i64: 1, 256>}, {pipeline_mode = #tpu.pipeline_mode<synchronous>, transform_indices = @transform_12, window_bounds = array<i64: 256, 256>}, {pipeline_mode = #tpu.pipeline_mode<synchronous>, transform_indices = @transform_13, window_bounds = array<i64: 1, 256>}, {pipeline_mode = #tpu.pipeline_mode<synchronous>, transform_indices = @transform_14, window_bounds = array<i64: 256, 256>}, {pipeline_mode = #tpu.pipeline_mode<synchronous>, transform_indices = @transform_15, window_bounds = array<i64: 1, 256>}, {transform_indices = @transform_16, window_bounds = array<i64: 1000, 256>}, {transform_indices = @transform_17, window_bounds = array<i64: 1000, 256>}, {transform_indices = @transform_18, window_bounds = array<i64: 1000, 256>}, {transform_indices = @transform_19, window_bounds = array<i64: 1000, 256>}]} {
    %get3A = arith.constant 0 : index
    %get3A_0 = arith.constant 0 : index
    %get3A_1 = vector.load %arg3[%get3A, %get3A_0] : memref<1000x256xf32, #tpu.memory_space<vmem>>, vector<1000x256xf32>
    %get3A_2 = arith.constant 0 : index
    %get3A_3 = arith.constant 0 : index
    %get3A_4 = vector.load %arg5[%get3A_2, %get3A_3] : memref<256x256xf32, #tpu.memory_space<vmem>>, vector<256x256xf32>
    %dot_general3A = arith.constant dense<0.000000e+00> : vector<1000x256xf32>
    %dot_general3A_5 = tpu.matmul %get3A_1, %get3A_4, %dot_general3A {dimension_numbers = #tpu.dot_dimension_numbers<[1], [0], [0], [1], [0, 0, 1, 1], [], []>, transpose_lhs_hint = false} : vector<1000x256xf32>, vector<256x256xf32>, vector<1000x256xf32> -> vector<1000x256xf32>
    %get3A_6 = arith.constant 0 : index
    %get3A_7 = arith.constant 0 : index
    %get3A_8 = vector.load %arg6[%get3A_6, %get3A_7] : memref<1x256xf32, #tpu.memory_space<vmem>>, vector<1x256xf32>
    %add3A = vector.broadcast %get3A_8 : vector<1x256xf32> to vector<1000x256xf32>
    %add3A_9 = arith.addf %dot_general3A_5, %add3A : vector<1000x256xf32>
    %swap3A = arith.constant 0 : index
    %swap3A_10 = arith.constant 0 : index
    %swap3A_11 = vector.load %arg17[%swap3A, %swap3A_10] : memref<1000x256xf32, #tpu.memory_space<vmem>>, vector<1000x256xf32>
    tpu.vector_store %arg17[%swap3A, %swap3A_10], %add3A_9 {strides = array<i32>} : memref<1000x256xf32, #tpu.memory_space<vmem>>, vector<1000x256xf32>,
    %get3A_12 = arith.constant 0 : index
    %get3A_13 = arith.constant 0 : index
    %get3A_14 = vector.load %arg4[%get3A_12, %get3A_13] : memref<1000x256xf32, #tpu.memory_space<vmem>>, vector<1000x256xf32>
    %get3A_15 = arith.constant 0 : index
    %get3A_16 = arith.constant 0 : index
    %get3A_17 = vector.load %arg7[%get3A_15, %get3A_16] : memref<256x256xf32, #tpu.memory_space<vmem>>, vector<256x256xf32>
    %dot_general3A_18 = arith.constant dense<0.000000e+00> : vector<1000x256xf32>
    %dot_general3A_19 = tpu.matmul %get3A_14, %get3A_17, %dot_general3A_18 {dimension_numbers = #tpu.dot_dimension_numbers<[1], [0], [0], [1], [0, 0, 1, 1], [], []>, transpose_lhs_hint = false} : vector<1000x256xf32>, vector<256x256xf32>, vector<1000x256xf32> -> vector<1000x256xf32>
    %get3A_20 = arith.constant 0 : index
    %get3A_21 = arith.constant 0 : index
    %get3A_22 = vector.load %arg8[%get3A_20, %get3A_21] : memref<1x256xf32, #tpu.memory_space<vmem>>, vector<1x256xf32>
    %add3A_23 = vector.broadcast %get3A_22 : vector<1x256xf32> to vector<1000x256xf32>
    %add3A_24 = arith.addf %dot_general3A_19, %add3A_23 : vector<1000x256xf32>
    %swap3A_25 = arith.constant 0 : index
    %swap3A_26 = arith.constant 0 : index
    %swap3A_27 = vector.load %arg18[%swap3A_25, %swap3A_26] : memref<1000x256xf32, #tpu.memory_space<vmem>>, vector<1000x256xf32>
    tpu.vector_store %arg18[%swap3A_25, %swap3A_26], %add3A_24 {strides = array<i32>} : memref<1000x256xf32, #tpu.memory_space<vmem>>, vector<1000x256xf32>,
    %get3A_28 = arith.constant 0 : index
    %get3A_29 = arith.constant 0 : index
    %get3A_30 = vector.load %arg1[%get3A_28, %get3A_29] : memref<1000x256xf32, #tpu.memory_space<vmem>>, vector<1000x256xf32>
    %get3A_31 = arith.constant 0 : index
    %get3A_32 = arith.constant 0 : index
    %get3A_33 = vector.load %arg9[%get3A_31, %get3A_32] : memref<256x256xf32, #tpu.memory_space<vmem>>, vector<256x256xf32>
    %dot_general3A_34 = arith.constant dense<0.000000e+00> : vector<1000x256xf32>
    %dot_general3A_35 = tpu.matmul %get3A_30, %get3A_33, %dot_general3A_34 {dimension_numbers = #tpu.dot_dimension_numbers<[1], [0], [0], [1], [0, 0, 1, 1], [], []>, transpose_lhs_hint = false} : vector<1000x256xf32>, vector<256x256xf32>, vector<1000x256xf32> -> vector<1000x256xf32>
    %get3A_36 = arith.constant 0 : index
    %get3A_37 = arith.constant 0 : index
    %get3A_38 = vector.load %arg10[%get3A_36, %get3A_37] : memref<1x256xf32, #tpu.memory_space<vmem>>, vector<1x256xf32>
    %add3A_39 = vector.broadcast %get3A_38 : vector<1x256xf32> to vector<1000x256xf32>
    %add3A_40 = arith.addf %dot_general3A_35, %add3A_39 : vector<1000x256xf32>
    %get3A_41 = arith.constant 0 : index
    %get3A_42 = arith.constant 0 : index
    %get3A_43 = vector.load %arg11[%get3A_41, %get3A_42] : memref<256x256xf32, #tpu.memory_space<vmem>>, vector<256x256xf32>
    %dot_general3A_44 = arith.constant dense<0.000000e+00> : vector<1000x256xf32>
    %dot_general3A_45 = tpu.matmul %add3A_40, %get3A_43, %dot_general3A_44 {dimension_numbers = #tpu.dot_dimension_numbers<[1], [0], [0], [1], [0, 0, 1, 1], [], []>, transpose_lhs_hint = false} : vector<1000x256xf32>, vector<256x256xf32>, vector<1000x256xf32> -> vector<1000x256xf32>
    %get3A_46 = arith.constant 0 : index
    %get3A_47 = arith.constant 0 : index
    %get3A_48 = vector.load %arg12[%get3A_46, %get3A_47] : memref<1x256xf32, #tpu.memory_space<vmem>>, vector<1x256xf32>
    %add3A_49 = vector.broadcast %get3A_48 : vector<1x256xf32> to vector<1000x256xf32>
    %add3A_50 = arith.addf %dot_general3A_45, %add3A_49 : vector<1000x256xf32>
    %add3A_51 = arith.addf %add3A_50, %get3A_30 : vector<1000x256xf32>
    %swap3A_52 = arith.constant 0 : index
    %swap3A_53 = arith.constant 0 : index
    %swap3A_54 = vector.load %arg19[%swap3A_52, %swap3A_53] : memref<1000x256xf32, #tpu.memory_space<vmem>>, vector<1000x256xf32>
    tpu.vector_store %arg19[%swap3A_52, %swap3A_53], %add3A_51 {strides = array<i32>} : memref<1000x256xf32, #tpu.memory_space<vmem>>, vector<1000x256xf32>,
    %get3A_55 = arith.constant 0 : index
    %get3A_56 = arith.constant 0 : index
    %get3A_57 = vector.load %arg2[%get3A_55, %get3A_56] : memref<1000x256xf32, #tpu.memory_space<vmem>>, vector<1000x256xf32>
    %get3A_58 = arith.constant 0 : index
    %get3A_59 = arith.constant 0 : index
    %get3A_60 = vector.load %arg13[%get3A_58, %get3A_59] : memref<256x256xf32, #tpu.memory_space<vmem>>, vector<256x256xf32>
    %dot_general3A_61 = arith.constant dense<0.000000e+00> : vector<1000x256xf32>
    %dot_general3A_62 = tpu.matmul %get3A_57, %get3A_60, %dot_general3A_61 {dimension_numbers = #tpu.dot_dimension_numbers<[1], [0], [0], [1], [0, 0, 1, 1], [], []>, transpose_lhs_hint = false} : vector<1000x256xf32>, vector<256x256xf32>, vector<1000x256xf32> -> vector<1000x256xf32>
    %get3A_63 = arith.constant 0 : index
    %get3A_64 = arith.constant 0 : index
    %get3A_65 = vector.load %arg14[%get3A_63, %get3A_64] : memref<1x256xf32, #tpu.memory_space<vmem>>, vector<1x256xf32>
    %add3A_66 = vector.broadcast %get3A_65 : vector<1x256xf32> to vector<1000x256xf32>
    %add3A_67 = arith.addf %dot_general3A_62, %add3A_66 : vector<1000x256xf32>
    %get3A_68 = arith.constant 0 : index
    %get3A_69 = arith.constant 0 : index
    %get3A_70 = vector.load %arg15[%get3A_68, %get3A_69] : memref<256x256xf32, #tpu.memory_space<vmem>>, vector<256x256xf32>
    %dot_general3A_71 = arith.constant dense<0.000000e+00> : vector<1000x256xf32>
    %dot_general3A_72 = tpu.matmul %add3A_67, %get3A_70, %dot_general3A_71 {dimension_numbers = #tpu.dot_dimension_numbers<[1], [0], [0], [1], [0, 0, 1, 1], [], []>, transpose_lhs_hint = false} : vector<1000x256xf32>, vector<256x256xf32>, vector<1000x256xf32> -> vector<1000x256xf32>
    %get3A_73 = arith.constant 0 : index
    %get3A_74 = arith.constant 0 : index
    %get3A_75 = vector.load %arg16[%get3A_73, %get3A_74] : memref<1x256xf32, #tpu.memory_space<vmem>>, vector<1x256xf32>
    %add3A_76 = vector.broadcast %get3A_75 : vector<1x256xf32> to vector<1000x256xf32>
    %add3A_77 = arith.addf %dot_general3A_72, %add3A_76 : vector<1000x256xf32>
    %add3A_78 = arith.addf %add3A_77, %get3A_57 : vector<1000x256xf32>
    %swap3A_79 = arith.constant 0 : index
    %swap3A_80 = arith.constant 0 : index
    %swap3A_81 = vector.load %arg20[%swap3A_79, %swap3A_80] : memref<1000x256xf32, #tpu.memory_space<vmem>>, vector<1000x256xf32>
    tpu.vector_store %arg20[%swap3A_79, %swap3A_80], %add3A_78 {strides = array<i32>} : memref<1000x256xf32, #tpu.memory_space<vmem>>, vector<1000x256xf32>,
    return
  }
  func.func @transform_0(%arg0: i32) -> (i32, i32) {
    %c0_i32 = arith.constant 0 : i32
    %c0_i32_0 = arith.constant 0 : i32
    return %arg0, %c0_i32 : i32, i32
  }
  func.func @transform_1(%arg0: i32) -> (i32, i32) {
    %c0_i32 = arith.constant 0 : i32
    %c0_i32_0 = arith.constant 0 : i32
    return %arg0, %c0_i32 : i32, i32
  }
  func.func @transform_2(%arg0: i32) -> (i32, i32) {
    %c0_i32 = arith.constant 0 : i32
    %c0_i32_0 = arith.constant 0 : i32
    return %arg0, %c0_i32 : i32, i32
  }
  func.func @transform_3(%arg0: i32) -> (i32, i32) {
    %c0_i32 = arith.constant 0 : i32
    %c0_i32_0 = arith.constant 0 : i32
    return %arg0, %c0_i32 : i32, i32
  }
  func.func @transform_4(%arg0: i32) -> (i32, i32) {
    %c0_i32 = arith.constant 0 : i32
    %c0_i32_0 = arith.constant 0 : i32
    %c0_i32_1 = arith.constant 0 : i32
    return %c0_i32, %c0_i32_0 : i32, i32
  }
  func.func @transform_5(%arg0: i32) -> (i32, i32) {
    %c0_i32 = arith.constant 0 : i32
    %c0_i32_0 = arith.constant 0 : i32
    %c0_i32_1 = arith.constant 0 : i32
    return %c0_i32, %c0_i32_0 : i32, i32
  }
  func.func @transform_6(%arg0: i32) -> (i32, i32) {
    %c0_i32 = arith.constant 0 : i32
    %c0_i32_0 = arith.constant 0 : i32
    %c0_i32_1 = arith.constant 0 : i32
    return %c0_i32, %c0_i32_0 : i32, i32
  }
  func.func @transform_7(%arg0: i32) -> (i32, i32) {
    %c0_i32 = arith.constant 0 : i32
    %c0_i32_0 = arith.constant 0 : i32
    %c0_i32_1 = arith.constant 0 : i32
    return %c0_i32, %c0_i32_0 : i32, i32
  }
  func.func @transform_8(%arg0: i32) -> (i32, i32) {
    %c0_i32 = arith.constant 0 : i32
    %c0_i32_0 = arith.constant 0 : i32
    %c0_i32_1 = arith.constant 0 : i32
    return %c0_i32, %c0_i32_0 : i32, i32
  }
  func.func @transform_9(%arg0: i32) -> (i32, i32) {
    %c0_i32 = arith.constant 0 : i32
    %c0_i32_0 = arith.constant 0 : i32
    %c0_i32_1 = arith.constant 0 : i32
    return %c0_i32, %c0_i32_0 : i32, i32
  }
  func.func @transform_10(%arg0: i32) -> (i32, i32) {
    %c0_i32 = arith.constant 0 : i32
    %c0_i32_0 = arith.constant 0 : i32
    %c0_i32_1 = arith.constant 0 : i32
    return %c0_i32, %c0_i32_0 : i32, i32
  }
  func.func @transform_11(%arg0: i32) -> (i32, i32) {
    %c0_i32 = arith.constant 0 : i32
    %c0_i32_0 = arith.constant 0 : i32
    %c0_i32_1 = arith.constant 0 : i32
    return %c0_i32, %c0_i32_0 : i32, i32
  }
  func.func @transform_12(%arg0: i32) -> (i32, i32) {
    %c0_i32 = arith.constant 0 : i32
    %c0_i32_0 = arith.constant 0 : i32
    %c0_i32_1 = arith.constant 0 : i32
    return %c0_i32, %c0_i32_0 : i32, i32
  }
  func.func @transform_13(%arg0: i32) -> (i32, i32) {
    %c0_i32 = arith.constant 0 : i32
    %c0_i32_0 = arith.constant 0 : i32
    %c0_i32_1 = arith.constant 0 : i32
    return %c0_i32, %c0_i32_0 : i32, i32
  }
  func.func @transform_14(%arg0: i32) -> (i32, i32) {
    %c0_i32 = arith.constant 0 : i32
    %c0_i32_0 = arith.constant 0 : i32
    %c0_i32_1 = arith.constant 0 : i32
    return %c0_i32, %c0_i32_0 : i32, i32
  }
  func.func @transform_15(%arg0: i32) -> (i32, i32) {
    %c0_i32 = arith.constant 0 : i32
    %c0_i32_0 = arith.constant 0 : i32
    %c0_i32_1 = arith.constant 0 : i32
    return %c0_i32, %c0_i32_0 : i32, i32
  }
  func.func @transform_16(%arg0: i32) -> (i32, i32) {
    %c0_i32 = arith.constant 0 : i32
    %c0_i32_0 = arith.constant 0 : i32
    return %arg0, %c0_i32 : i32, i32
  }
  func.func @transform_17(%arg0: i32) -> (i32, i32) {
    %c0_i32 = arith.constant 0 : i32
    %c0_i32_0 = arith.constant 0 : i32
    return %arg0, %c0_i32 : i32, i32
  }
  func.func @transform_18(%arg0: i32) -> (i32, i32) {
    %c0_i32 = arith.constant 0 : i32
    %c0_i32_0 = arith.constant 0 : i32
    return %arg0, %c0_i32 : i32, i32
  }
  func.func @transform_19(%arg0: i32) -> (i32, i32) {
    %c0_i32 = arith.constant 0 : i32
    %c0_i32_0 = arith.constant 0 : i32
    return %arg0, %c0_i32 : i32, i32
  }
}

module attributes {stable_mosaic.version = 14 : i64} {
  func.func @_edge_mlp_body(%arg0: i32, %arg1: memref<1280x256xf32, #tpu.memory_space<vmem>>, %arg2: memref<1280x256xf32, #tpu.memory_space<vmem>>, %arg3: memref<256x512xf32, #tpu.memory_space<vmem>>, %arg4: memref<256x512xf32, #tpu.memory_space<vmem>>, %arg5: memref<1x512xf32, #tpu.memory_space<vmem>>, %arg6: memref<512x1xf32, #tpu.memory_space<vmem>>, %arg7: memref<1x1xf32, #tpu.memory_space<vmem>>, %arg8: memref<512x256xf32, #tpu.memory_space<vmem>>, %arg9: memref<1x256xf32, #tpu.memory_space<vmem>>, %arg10: memref<256x512xf32, #tpu.memory_space<vmem>>, %arg11: memref<256x1xf32, #tpu.memory_space<vmem>>, %arg12: memref<1280x256xf32, #tpu.memory_space<vmem>>, %arg13: memref<256x1280xf32, #tpu.memory_space<vmem>>) attributes {dimension_semantics = [#tpu.dimension_semantics<arbitrary>], iteration_bounds = array<i64: 125>, scalar_prefetch = 0 : i64, scratch_operands = 0 : i64, tpu.core_type = #tpu.core_type<tc>, window_params = [{transform_indices = @transform_0, window_bounds = array<i64: 1280, 256>}, {transform_indices = @transform_1, window_bounds = array<i64: 1280, 256>}, {pipeline_mode = #tpu.pipeline_mode<synchronous>, transform_indices = @transform_2, window_bounds = array<i64: 256, 512>}, {pipeline_mode = #tpu.pipeline_mode<synchronous>, transform_indices = @transform_3, window_bounds = array<i64: 256, 512>}, {pipeline_mode = #tpu.pipeline_mode<synchronous>, transform_indices = @transform_4, window_bounds = array<i64: 1, 512>}, {pipeline_mode = #tpu.pipeline_mode<synchronous>, transform_indices = @transform_5, window_bounds = array<i64: 512, 1>}, {pipeline_mode = #tpu.pipeline_mode<synchronous>, transform_indices = @transform_6, window_bounds = array<i64: 1, 1>}, {pipeline_mode = #tpu.pipeline_mode<synchronous>, transform_indices = @transform_7, window_bounds = array<i64: 512, 256>}, {pipeline_mode = #tpu.pipeline_mode<synchronous>, transform_indices = @transform_8, window_bounds = array<i64: 1, 256>}, {pipeline_mode = #tpu.pipeline_mode<synchronous>, transform_indices = @transform_9, window_bounds = array<i64: 256, 512>}, {pipeline_mode = #tpu.pipeline_mode<synchronous>, transform_indices = @transform_10, window_bounds = array<i64: 256, 1>}, {transform_indices = @transform_11, window_bounds = array<i64: 1280, 256>}, {transform_indices = @transform_12, window_bounds = array<i64: 256, 1280>}]} {
    %get3A = arith.constant 0 : index
    %get3A_0 = arith.constant 0 : index
    %get3A_1 = vector.load %arg1[%get3A, %get3A_0] : memref<1280x256xf32, #tpu.memory_space<vmem>>, vector<1280x256xf32>
    %get3A_2 = arith.constant 0 : index
    %get3A_3 = arith.constant 0 : index
    %get3A_4 = vector.load %arg3[%get3A_2, %get3A_3] : memref<256x512xf32, #tpu.memory_space<vmem>>, vector<256x512xf32>
    %dot_general3A = arith.constant dense<0.000000e+00> : vector<1280x512xf32>
    %dot_general3A_5 = tpu.matmul %get3A_1, %get3A_4, %dot_general3A {dimension_numbers = #tpu.dot_dimension_numbers<[1], [0], [0], [1], [0, 0, 1, 1], [], []>, transpose_lhs_hint = false} : vector<1280x256xf32>, vector<256x512xf32>, vector<1280x512xf32> -> vector<1280x512xf32>
    %get3A_6 = arith.constant 0 : index
    %get3A_7 = arith.constant 0 : index
    %get3A_8 = vector.load %arg2[%get3A_6, %get3A_7] : memref<1280x256xf32, #tpu.memory_space<vmem>>, vector<1280x256xf32>
    %get3A_9 = arith.constant 0 : index
    %get3A_10 = arith.constant 0 : index
    %get3A_11 = vector.load %arg4[%get3A_9, %get3A_10] : memref<256x512xf32, #tpu.memory_space<vmem>>, vector<256x512xf32>
    %dot_general3A_12 = arith.constant dense<0.000000e+00> : vector<1280x512xf32>
    %dot_general3A_13 = tpu.matmul %get3A_8, %get3A_11, %dot_general3A_12 {dimension_numbers = #tpu.dot_dimension_numbers<[1], [0], [0], [1], [0, 0, 1, 1], [], []>, transpose_lhs_hint = false} : vector<1280x256xf32>, vector<256x512xf32>, vector<1280x512xf32> -> vector<1280x512xf32>
    %add3A = arith.addf %dot_general3A_5, %dot_general3A_13 : vector<1280x512xf32>
    %get3A_14 = arith.constant 0 : index
    %get3A_15 = arith.constant 0 : index
    %get3A_16 = vector.load %arg5[%get3A_14, %get3A_15] : memref<1x512xf32, #tpu.memory_space<vmem>>, vector<1x512xf32>
    %add3A_17 = vector.broadcast %get3A_16 : vector<1x512xf32> to vector<1280x512xf32>
    %add3A_18 = arith.addf %add3A, %add3A_17 : vector<1280x512xf32>
    %ge3A = arith.constant 0.000000e+00 : f32
    %ge3A_19 = vector.broadcast %ge3A : f32 to vector<1280x512xf32>
    %ge3A_20 = arith.cmpf oge, %add3A_18, %ge3A_19 : vector<1280x512xf32>
    %mul3A = arith.constant 2.000000e-01 : f32
    %mul3A_21 = vector.broadcast %mul3A : f32 to vector<1280x512xf32>
    %mul3A_22 = arith.mulf %mul3A_21, %add3A_18 : vector<1280x512xf32>
    %select_n3A = arith.select %ge3A_20, %add3A_18, %mul3A_22 : vector<1280x512xi1>, vector<1280x512xf32>
    %get3A_23 = arith.constant 0 : index
    %get3A_24 = arith.constant 0 : index
    %get3A_25 = vector.load %arg6[%get3A_23, %get3A_24] : memref<512x1xf32, #tpu.memory_space<vmem>>, vector<512x1xf32>
    %dot_general3A_26 = arith.constant dense<0.000000e+00> : vector<1280x1xf32>
    %dot_general3A_27 = tpu.matmul %select_n3A, %get3A_25, %dot_general3A_26 {dimension_numbers = #tpu.dot_dimension_numbers<[1], [0], [0], [1], [0, 0, 1, 1], [], []>, transpose_lhs_hint = false} : vector<1280x512xf32>, vector<512x1xf32>, vector<1280x1xf32> -> vector<1280x1xf32>
    %get3A_28 = arith.constant 0 : index
    %get3A_29 = arith.constant 0 : index
    %get3A_30 = vector.load %arg7[%get3A_28, %get3A_29] : memref<1x1xf32, #tpu.memory_space<vmem>>, vector<1x1xf32>
    %add3A_31 = vector.broadcast %get3A_30 : vector<1x1xf32> to vector<1280x1xf32>
    %add3A_32 = arith.addf %dot_general3A_27, %add3A_31 : vector<1280x1xf32>
    %logistic3A = arith.negf %add3A_32 : vector<1280x1xf32>
    %logistic3A_33 = math.exp %logistic3A : vector<1280x1xf32>
    %logistic3A_34 = arith.constant 1.000000e+00 : f32
    %logistic3A_35 = vector.broadcast %logistic3A_34 : f32 to vector<1280x1xf32>
    %logistic3A_36 = arith.addf %logistic3A_35, %logistic3A_33 : vector<1280x1xf32>
    %logistic3A_37 = arith.divf %logistic3A_35, %logistic3A_36 : vector<1280x1xf32>
    %get3A_38 = arith.constant 0 : index
    %get3A_39 = arith.constant 0 : index
    %get3A_40 = vector.load %arg8[%get3A_38, %get3A_39] : memref<512x256xf32, #tpu.memory_space<vmem>>, vector<512x256xf32>
    %dot_general3A_41 = arith.constant dense<0.000000e+00> : vector<1280x256xf32>
    %dot_general3A_42 = tpu.matmul %select_n3A, %get3A_40, %dot_general3A_41 {dimension_numbers = #tpu.dot_dimension_numbers<[1], [0], [0], [1], [0, 0, 1, 1], [], []>, transpose_lhs_hint = false} : vector<1280x512xf32>, vector<512x256xf32>, vector<1280x256xf32> -> vector<1280x256xf32>
    %get3A_43 = arith.constant 0 : index
    %get3A_44 = arith.constant 0 : index
    %get3A_45 = vector.load %arg9[%get3A_43, %get3A_44] : memref<1x256xf32, #tpu.memory_space<vmem>>, vector<1x256xf32>
    %add3A_46 = vector.broadcast %get3A_45 : vector<1x256xf32> to vector<1280x256xf32>
    %add3A_47 = arith.addf %dot_general3A_42, %add3A_46 : vector<1280x256xf32>
    %mul3A_48 = vector.broadcast %logistic3A_37 : vector<1280x1xf32> to vector<1280x256xf32>
    %mul3A_49 = arith.mulf %add3A_47, %mul3A_48 : vector<1280x256xf32>
    %swap3A = arith.constant 0 : index
    %swap3A_50 = arith.constant 0 : index
    %swap3A_51 = vector.load %arg12[%swap3A, %swap3A_50] : memref<1280x256xf32, #tpu.memory_space<vmem>>, vector<1280x256xf32>
    tpu.vector_store %arg12[%swap3A, %swap3A_50], %mul3A_49 {strides = array<i32>} : memref<1280x256xf32, #tpu.memory_space<vmem>>, vector<1280x256xf32>,
    %get3A_52 = arith.constant 0 : index
    %get3A_53 = arith.constant 0 : index
    %get3A_54 = vector.load %arg6[%get3A_52, %get3A_53] : memref<512x1xf32, #tpu.memory_space<vmem>>, vector<512x1xf32>
    %dot_general3A_55 = arith.constant dense<0.000000e+00> : vector<1x1280xf32>
    %dot_general3A_56 = tpu.matmul %get3A_54, %select_n3A, %dot_general3A_55 {dimension_numbers = #tpu.dot_dimension_numbers<[0], [1], [1], [0], [0, 1, 1, 0], [], []>, transpose_lhs_hint = false} : vector<512x1xf32>, vector<1280x512xf32>, vector<1x1280xf32> -> vector<1x1280xf32>
    %get3A_57 = arith.constant 0 : index
    %get3A_58 = arith.constant 0 : index
    %get3A_59 = vector.load %arg7[%get3A_57, %get3A_58] : memref<1x1xf32, #tpu.memory_space<vmem>>, vector<1x1xf32>
    %add3A_60 = vector.broadcast %get3A_59 : vector<1x1xf32> to vector<1x1280xf32>
    %add3A_61 = arith.addf %dot_general3A_56, %add3A_60 : vector<1x1280xf32>
    %logistic3A_62 = arith.negf %add3A_61 : vector<1x1280xf32>
    %logistic3A_63 = math.exp %logistic3A_62 : vector<1x1280xf32>
    %logistic3A_64 = arith.constant 1.000000e+00 : f32
    %logistic3A_65 = vector.broadcast %logistic3A_64 : f32 to vector<1x1280xf32>
    %logistic3A_66 = arith.addf %logistic3A_65, %logistic3A_63 : vector<1x1280xf32>
    %logistic3A_67 = arith.divf %logistic3A_65, %logistic3A_66 : vector<1x1280xf32>
    %get3A_68 = arith.constant 0 : index
    %get3A_69 = arith.constant 0 : index
    %get3A_70 = vector.load %arg10[%get3A_68, %get3A_69] : memref<256x512xf32, #tpu.memory_space<vmem>>, vector<256x512xf32>
    %dot_general3A_71 = arith.constant dense<0.000000e+00> : vector<256x1280xf32>
    %dot_general3A_72 = tpu.matmul %get3A_70, %select_n3A, %dot_general3A_71 {dimension_numbers = #tpu.dot_dimension_numbers<[1], [1], [0], [0], [0, 0, 1, 0], [], []>, transpose_lhs_hint = false} : vector<256x512xf32>, vector<1280x512xf32>, vector<256x1280xf32> -> vector<256x1280xf32>
    %get3A_73 = arith.constant 0 : index
    %get3A_74 = arith.constant 0 : index
    %get3A_75 = vector.load %arg11[%get3A_73, %get3A_74] : memref<256x1xf32, #tpu.memory_space<vmem>>, vector<256x1xf32>
    %add3A_76 = vector.broadcast %get3A_75 : vector<256x1xf32> to vector<256x1280xf32>
    %add3A_77 = arith.addf %dot_general3A_72, %add3A_76 : vector<256x1280xf32>
    %mul3A_78 = vector.broadcast %logistic3A_67 : vector<1x1280xf32> to vector<256x1280xf32>
    %mul3A_79 = arith.mulf %add3A_77, %mul3A_78 : vector<256x1280xf32>
    %swap3A_80 = arith.constant 0 : index
    %swap3A_81 = arith.constant 0 : index
    %swap3A_82 = vector.load %arg13[%swap3A_80, %swap3A_81] : memref<256x1280xf32, #tpu.memory_space<vmem>>, vector<256x1280xf32>
    tpu.vector_store %arg13[%swap3A_80, %swap3A_81], %mul3A_79 {strides = array<i32>} : memref<256x1280xf32, #tpu.memory_space<vmem>>, vector<256x1280xf32>,
    return
  }
  func.func @transform_0(%arg0: i32) -> (i32, i32) {
    %c0_i32 = arith.constant 0 : i32
    %c0_i32_0 = arith.constant 0 : i32
    return %arg0, %c0_i32 : i32, i32
  }
  func.func @transform_1(%arg0: i32) -> (i32, i32) {
    %c0_i32 = arith.constant 0 : i32
    %c0_i32_0 = arith.constant 0 : i32
    return %arg0, %c0_i32 : i32, i32
  }
  func.func @transform_2(%arg0: i32) -> (i32, i32) {
    %c0_i32 = arith.constant 0 : i32
    %c0_i32_0 = arith.constant 0 : i32
    %c0_i32_1 = arith.constant 0 : i32
    return %c0_i32, %c0_i32_0 : i32, i32
  }
  func.func @transform_3(%arg0: i32) -> (i32, i32) {
    %c0_i32 = arith.constant 0 : i32
    %c0_i32_0 = arith.constant 0 : i32
    %c0_i32_1 = arith.constant 0 : i32
    return %c0_i32, %c0_i32_0 : i32, i32
  }
  func.func @transform_4(%arg0: i32) -> (i32, i32) {
    %c0_i32 = arith.constant 0 : i32
    %c0_i32_0 = arith.constant 0 : i32
    %c0_i32_1 = arith.constant 0 : i32
    return %c0_i32, %c0_i32_0 : i32, i32
  }
  func.func @transform_5(%arg0: i32) -> (i32, i32) {
    %c0_i32 = arith.constant 0 : i32
    %c0_i32_0 = arith.constant 0 : i32
    %c0_i32_1 = arith.constant 0 : i32
    return %c0_i32, %c0_i32_0 : i32, i32
  }
  func.func @transform_6(%arg0: i32) -> (i32, i32) {
    %c0_i32 = arith.constant 0 : i32
    %c0_i32_0 = arith.constant 0 : i32
    %c0_i32_1 = arith.constant 0 : i32
    return %c0_i32, %c0_i32_0 : i32, i32
  }
  func.func @transform_7(%arg0: i32) -> (i32, i32) {
    %c0_i32 = arith.constant 0 : i32
    %c0_i32_0 = arith.constant 0 : i32
    %c0_i32_1 = arith.constant 0 : i32
    return %c0_i32, %c0_i32_0 : i32, i32
  }
  func.func @transform_8(%arg0: i32) -> (i32, i32) {
    %c0_i32 = arith.constant 0 : i32
    %c0_i32_0 = arith.constant 0 : i32
    %c0_i32_1 = arith.constant 0 : i32
    return %c0_i32, %c0_i32_0 : i32, i32
  }
  func.func @transform_9(%arg0: i32) -> (i32, i32) {
    %c0_i32 = arith.constant 0 : i32
    %c0_i32_0 = arith.constant 0 : i32
    %c0_i32_1 = arith.constant 0 : i32
    return %c0_i32, %c0_i32_0 : i32, i32
  }
  func.func @transform_10(%arg0: i32) -> (i32, i32) {
    %c0_i32 = arith.constant 0 : i32
    %c0_i32_0 = arith.constant 0 : i32
    %c0_i32_1 = arith.constant 0 : i32
    return %c0_i32, %c0_i32_0 : i32, i32
  }
  func.func @transform_11(%arg0: i32) -> (i32, i32) {
    %c0_i32 = arith.constant 0 : i32
    %c0_i32_0 = arith.constant 0 : i32
    return %arg0, %c0_i32 : i32, i32
  }
  func.func @transform_12(%arg0: i32) -> (i32, i32) {
    %c0_i32 = arith.constant 0 : i32
    %c0_i32_0 = arith.constant 0 : i32
    return %c0_i32, %arg0 : i32, i32
  }
}

module attributes {stable_mosaic.version = 14 : i64} {
  func.func @_fix_t_body(%arg0: i32, %arg1: memref<256x1280xf32, #tpu.memory_space<vmem>>, %arg2: memref<1280x256xf32, #tpu.memory_space<vmem>>) attributes {dimension_semantics = [#tpu.dimension_semantics<arbitrary>], iteration_bounds = array<i64: 8>, scalar_prefetch = 0 : i64, scratch_operands = 0 : i64, tpu.core_type = #tpu.core_type<tc>, window_params = [{transform_indices = @transform_0, window_bounds = array<i64: 256, 1280>}, {transform_indices = @transform_1, window_bounds = array<i64: 1280, 256>}]} {
    %get3A = arith.constant 0 : index
    %get3A_0 = arith.constant 0 : index
    %get3A_1 = vector.load %arg1[%get3A, %get3A_0] : memref<256x1280xf32, #tpu.memory_space<vmem>>, vector<256x1280xf32>
    %eq3A = arith.constant 0xFF800000 : f32
    %eq3A_2 = vector.broadcast %eq3A : f32 to vector<256x1280xf32>
    %eq3A_3 = arith.cmpf oeq, %get3A_1, %eq3A_2 : vector<256x1280xf32>
    %jit3A = arith.constant 0.000000e+00 : f32
    %broadcast_in_dim3A = vector.broadcast %jit3A : f32 to vector<256x1280xf32>
    %select_n3A = arith.select %eq3A_3, %broadcast_in_dim3A, %get3A_1 : vector<256x1280xi1>, vector<256x1280xf32>
    %transpose3A = tpu.transpose %select_n3A, [1, 0] : vector<256x1280xf32> -> vector<1280x256xf32>
    %swap3A = arith.constant 0 : index
    %swap3A_4 = arith.constant 0 : index
    %swap3A_5 = vector.load %arg2[%swap3A, %swap3A_4] : memref<1280x256xf32, #tpu.memory_space<vmem>>, vector<1280x256xf32>
    tpu.vector_store %arg2[%swap3A, %swap3A_4], %transpose3A {strides = array<i32>} : memref<1280x256xf32, #tpu.memory_space<vmem>>, vector<1280x256xf32>,
    return
  }
  func.func @transform_0(%arg0: i32) -> (i32, i32) {
    %c0_i32 = arith.constant 0 : i32
    %c0_i32_0 = arith.constant 0 : i32
    return %c0_i32, %arg0 : i32, i32
  }
  func.func @transform_1(%arg0: i32) -> (i32, i32) {
    %c0_i32 = arith.constant 0 : i32
    %c0_i32_0 = arith.constant 0 : i32
    return %arg0, %c0_i32 : i32, i32
  }
}

module attributes {stable_mosaic.version = 14 : i64} {
  func.func @_node_mid_body(%arg0: i32, %arg1: memref<1000x256xf32, #tpu.memory_space<vmem>>, %arg2: memref<1000x256xf32, #tpu.memory_space<vmem>>, %arg3: memref<1000x256xf32, #tpu.memory_space<vmem>>, %arg4: memref<1000x256xf32, #tpu.memory_space<vmem>>, %arg5: memref<1000x256xf32, #tpu.memory_space<vmem>>, %arg6: memref<256x256xf32, #tpu.memory_space<vmem>>, %arg7: memref<256x256xf32, #tpu.memory_space<vmem>>, %arg8: memref<256x256xf32, #tpu.memory_space<vmem>>, %arg9: memref<1x256xf32, #tpu.memory_space<vmem>>, %arg10: memref<256x256xf32, #tpu.memory_space<vmem>>, %arg11: memref<1x256xf32, #tpu.memory_space<vmem>>, %arg12: memref<256x256xf32, #tpu.memory_space<vmem>>, %arg13: memref<256x256xf32, #tpu.memory_space<vmem>>, %arg14: memref<1x256xf32, #tpu.memory_space<vmem>>, %arg15: memref<256x256xf32, #tpu.memory_space<vmem>>, %arg16: memref<1x256xf32, #tpu.memory_space<vmem>>, %arg17: memref<256x256xf32, #tpu.memory_space<vmem>>, %arg18: memref<1x256xf32, #tpu.memory_space<vmem>>, %arg19: memref<256x256xf32, #tpu.memory_space<vmem>>, %arg20: memref<1x256xf32, #tpu.memory_space<vmem>>, %arg21: memref<256x256xf32, #tpu.memory_space<vmem>>, %arg22: memref<1x256xf32, #tpu.memory_space<vmem>>, %arg23: memref<1000x256xf32, #tpu.memory_space<vmem>>, %arg24: memref<1000x256xf32, #tpu.memory_space<vmem>>) attributes {dimension_semantics = [#tpu.dimension_semantics<arbitrary>], iteration_bounds = array<i64: 10>, scalar_prefetch = 0 : i64, scratch_operands = 0 : i64, tpu.core_type = #tpu.core_type<tc>, window_params = [{transform_indices = @transform_0, window_bounds = array<i64: 1000, 256>}, {transform_indices = @transform_1, window_bounds = array<i64: 1000, 256>}, {transform_indices = @transform_2, window_bounds = array<i64: 1000, 256>}, {transform_indices = @transform_3, window_bounds = array<i64: 1000, 256>}, {transform_indices = @transform_4, window_bounds = array<i64: 1000, 256>}, {pipeline_mode = #tpu.pipeline_mode<synchronous>, transform_indices = @transform_5, window_bounds = array<i64: 256, 256>}, {pipeline_mode = #tpu.pipeline_mode<synchronous>, transform_indices = @transform_6, window_bounds = array<i64: 256, 256>}, {pipeline_mode = #tpu.pipeline_mode<synchronous>, transform_indices = @transform_7, window_bounds = array<i64: 256, 256>}, {pipeline_mode = #tpu.pipeline_mode<synchronous>, transform_indices = @transform_8, window_bounds = array<i64: 1, 256>}, {pipeline_mode = #tpu.pipeline_mode<synchronous>, transform_indices = @transform_9, window_bounds = array<i64: 256, 256>}, {pipeline_mode = #tpu.pipeline_mode<synchronous>, transform_indices = @transform_10, window_bounds = array<i64: 1, 256>}, {pipeline_mode = #tpu.pipeline_mode<synchronous>, transform_indices = @transform_11, window_bounds = array<i64: 256, 256>}, {pipeline_mode = #tpu.pipeline_mode<synchronous>, transform_indices = @transform_12, window_bounds = array<i64: 256, 256>}, {pipeline_mode = #tpu.pipeline_mode<synchronous>, transform_indices = @transform_13, window_bounds = array<i64: 1, 256>}, {pipeline_mode = #tpu.pipeline_mode<synchronous>, transform_indices = @transform_14, window_bounds = array<i64: 256, 256>}, {pipeline_mode = #tpu.pipeline_mode<synchronous>, transform_indices = @transform_15, window_bounds = array<i64: 1, 256>}, {pipeline_mode = #tpu.pipeline_mode<synchronous>, transform_indices = @transform_16, window_bounds = array<i64: 256, 256>}, {pipeline_mode = #tpu.pipeline_mode<synchronous>, transform_indices = @transform_17, window_bounds = array<i64: 1, 256>}, {pipeline_mode = #tpu.pipeline_mode<synchronous>, transform_indices = @transform_18, window_bounds = array<i64: 256, 256>}, {pipeline_mode = #tpu.pipeline_mode<synchronous>, transform_indices = @transform_19, window_bounds = array<i64: 1, 256>}, {pipeline_mode = #tpu.pipeline_mode<synchronous>, transform_indices = @transform_20, window_bounds = array<i64: 256, 256>}, {pipeline_mode = #tpu.pipeline_mode<synchronous>, transform_indices = @transform_21, window_bounds = array<i64: 1, 256>}, {transform_indices = @transform_22, window_bounds = array<i64: 1000, 256>}, {transform_indices = @transform_23, window_bounds = array<i64: 1000, 256>}]} {
    %get3A = arith.constant 0 : index
    %get3A_0 = arith.constant 0 : index
    %get3A_1 = vector.load %arg1[%get3A, %get3A_0] : memref<1000x256xf32, #tpu.memory_space<vmem>>, vector<1000x256xf32>
    %get3A_2 = arith.constant 0 : index
    %get3A_3 = arith.constant 0 : index
    %get3A_4 = vector.load %arg6[%get3A_2, %get3A_3] : memref<256x256xf32, #tpu.memory_space<vmem>>, vector<256x256xf32>
    %dot_general3A = arith.constant dense<0.000000e+00> : vector<1000x256xf32>
    %dot_general3A_5 = tpu.matmul %get3A_1, %get3A_4, %dot_general3A {dimension_numbers = #tpu.dot_dimension_numbers<[1], [0], [0], [1], [0, 0, 1, 1], [], []>, transpose_lhs_hint = false} : vector<1000x256xf32>, vector<256x256xf32>, vector<1000x256xf32> -> vector<1000x256xf32>
    %get3A_6 = arith.constant 0 : index
    %get3A_7 = arith.constant 0 : index
    %get3A_8 = vector.load %arg2[%get3A_6, %get3A_7] : memref<1000x256xf32, #tpu.memory_space<vmem>>, vector<1000x256xf32>
    %get3A_9 = arith.constant 0 : index
    %get3A_10 = arith.constant 0 : index
    %get3A_11 = vector.load %arg7[%get3A_9, %get3A_10] : memref<256x256xf32, #tpu.memory_space<vmem>>, vector<256x256xf32>
    %dot_general3A_12 = arith.constant dense<0.000000e+00> : vector<1000x256xf32>
    %dot_general3A_13 = tpu.matmul %get3A_8, %get3A_11, %dot_general3A_12 {dimension_numbers = #tpu.dot_dimension_numbers<[1], [0], [0], [1], [0, 0, 1, 1], [], []>, transpose_lhs_hint = false} : vector<1000x256xf32>, vector<256x256xf32>, vector<1000x256xf32> -> vector<1000x256xf32>
    %add3A = arith.addf %dot_general3A_5, %dot_general3A_13 : vector<1000x256xf32>
    %get3A_14 = arith.constant 0 : index
    %get3A_15 = arith.constant 0 : index
    %get3A_16 = vector.load %arg3[%get3A_14, %get3A_15] : memref<1000x256xf32, #tpu.memory_space<vmem>>, vector<1000x256xf32>
    %get3A_17 = arith.constant 0 : index
    %get3A_18 = arith.constant 0 : index
    %get3A_19 = vector.load %arg8[%get3A_17, %get3A_18] : memref<256x256xf32, #tpu.memory_space<vmem>>, vector<256x256xf32>
    %dot_general3A_20 = arith.constant dense<0.000000e+00> : vector<1000x256xf32>
    %dot_general3A_21 = tpu.matmul %get3A_16, %get3A_19, %dot_general3A_20 {dimension_numbers = #tpu.dot_dimension_numbers<[1], [0], [0], [1], [0, 0, 1, 1], [], []>, transpose_lhs_hint = false} : vector<1000x256xf32>, vector<256x256xf32>, vector<1000x256xf32> -> vector<1000x256xf32>
    %add3A_22 = arith.addf %add3A, %dot_general3A_21 : vector<1000x256xf32>
    %get3A_23 = arith.constant 0 : index
    %get3A_24 = arith.constant 0 : index
    %get3A_25 = vector.load %arg9[%get3A_23, %get3A_24] : memref<1x256xf32, #tpu.memory_space<vmem>>, vector<1x256xf32>
    %add3A_26 = vector.broadcast %get3A_25 : vector<1x256xf32> to vector<1000x256xf32>
    %add3A_27 = arith.addf %add3A_22, %add3A_26 : vector<1000x256xf32>
    %get3A_28 = arith.constant 0 : index
    %get3A_29 = arith.constant 0 : index
    %get3A_30 = vector.load %arg10[%get3A_28, %get3A_29] : memref<256x256xf32, #tpu.memory_space<vmem>>, vector<256x256xf32>
    %dot_general3A_31 = arith.constant dense<0.000000e+00> : vector<1000x256xf32>
    %dot_general3A_32 = tpu.matmul %add3A_27, %get3A_30, %dot_general3A_31 {dimension_numbers = #tpu.dot_dimension_numbers<[1], [0], [0], [1], [0, 0, 1, 1], [], []>, transpose_lhs_hint = false} : vector<1000x256xf32>, vector<256x256xf32>, vector<1000x256xf32> -> vector<1000x256xf32>
    %get3A_33 = arith.constant 0 : index
    %get3A_34 = arith.constant 0 : index
    %get3A_35 = vector.load %arg11[%get3A_33, %get3A_34] : memref<1x256xf32, #tpu.memory_space<vmem>>, vector<1x256xf32>
    %add3A_36 = vector.broadcast %get3A_35 : vector<1x256xf32> to vector<1000x256xf32>
    %add3A_37 = arith.addf %dot_general3A_32, %add3A_36 : vector<1000x256xf32>
    %get3A_38 = arith.constant 0 : index
    %get3A_39 = arith.constant 0 : index
    %get3A_40 = vector.load %arg12[%get3A_38, %get3A_39] : memref<256x256xf32, #tpu.memory_space<vmem>>, vector<256x256xf32>
    %dot_general3A_41 = arith.constant dense<0.000000e+00> : vector<1000x256xf32>
    %dot_general3A_42 = tpu.matmul %add3A_37, %get3A_40, %dot_general3A_41 {dimension_numbers = #tpu.dot_dimension_numbers<[1], [0], [0], [1], [0, 0, 1, 1], [], []>, transpose_lhs_hint = false} : vector<1000x256xf32>, vector<256x256xf32>, vector<1000x256xf32> -> vector<1000x256xf32>
    %add3A_43 = arith.addf %get3A_1, %dot_general3A_42 : vector<1000x256xf32>
    %get3A_44 = arith.constant 0 : index
    %get3A_45 = arith.constant 0 : index
    %get3A_46 = vector.load %arg4[%get3A_44, %get3A_45] : memref<1000x256xf32, #tpu.memory_space<vmem>>, vector<1000x256xf32>
    %get3A_47 = arith.constant 0 : index
    %get3A_48 = arith.constant 0 : index
    %get3A_49 = vector.load %arg13[%get3A_47, %get3A_48] : memref<256x256xf32, #tpu.memory_space<vmem>>, vector<256x256xf32>
    %dot_general3A_50 = arith.constant dense<0.000000e+00> : vector<1000x256xf32>
    %dot_general3A_51 = tpu.matmul %get3A_46, %get3A_49, %dot_general3A_50 {dimension_numbers = #tpu.dot_dimension_numbers<[1], [0], [0], [1], [0, 0, 1, 1], [], []>, transpose_lhs_hint = false} : vector<1000x256xf32>, vector<256x256xf32>, vector<1000x256xf32> -> vector<1000x256xf32>
    %add3A_52 = arith.addf %add3A_43, %dot_general3A_51 : vector<1000x256xf32>
    %get3A_53 = arith.constant 0 : index
    %get3A_54 = arith.constant 0 : index
    %get3A_55 = vector.load %arg14[%get3A_53, %get3A_54] : memref<1x256xf32, #tpu.memory_space<vmem>>, vector<1x256xf32>
    %add3A_56 = vector.broadcast %get3A_55 : vector<1x256xf32> to vector<1000x256xf32>
    %add3A_57 = arith.addf %add3A_52, %add3A_56 : vector<1000x256xf32>
    %get3A_58 = arith.constant 0 : index
    %get3A_59 = arith.constant 0 : index
    %get3A_60 = vector.load %arg15[%get3A_58, %get3A_59] : memref<256x256xf32, #tpu.memory_space<vmem>>, vector<256x256xf32>
    %dot_general3A_61 = arith.constant dense<0.000000e+00> : vector<1000x256xf32>
    %dot_general3A_62 = tpu.matmul %add3A_57, %get3A_60, %dot_general3A_61 {dimension_numbers = #tpu.dot_dimension_numbers<[1], [0], [0], [1], [0, 0, 1, 1], [], []>, transpose_lhs_hint = false} : vector<1000x256xf32>, vector<256x256xf32>, vector<1000x256xf32> -> vector<1000x256xf32>
    %get3A_63 = arith.constant 0 : index
    %get3A_64 = arith.constant 0 : index
    %get3A_65 = vector.load %arg16[%get3A_63, %get3A_64] : memref<1x256xf32, #tpu.memory_space<vmem>>, vector<1x256xf32>
    %add3A_66 = vector.broadcast %get3A_65 : vector<1x256xf32> to vector<1000x256xf32>
    %add3A_67 = arith.addf %dot_general3A_62, %add3A_66 : vector<1000x256xf32>
    %get3A_68 = arith.constant 0 : index
    %get3A_69 = arith.constant 0 : index
    %get3A_70 = vector.load %arg17[%get3A_68, %get3A_69] : memref<256x256xf32, #tpu.memory_space<vmem>>, vector<256x256xf32>
    %dot_general3A_71 = arith.constant dense<0.000000e+00> : vector<1000x256xf32>
    %dot_general3A_72 = tpu.matmul %add3A_67, %get3A_70, %dot_general3A_71 {dimension_numbers = #tpu.dot_dimension_numbers<[1], [0], [0], [1], [0, 0, 1, 1], [], []>, transpose_lhs_hint = false} : vector<1000x256xf32>, vector<256x256xf32>, vector<1000x256xf32> -> vector<1000x256xf32>
    %get3A_73 = arith.constant 0 : index
    %get3A_74 = arith.constant 0 : index
    %get3A_75 = vector.load %arg18[%get3A_73, %get3A_74] : memref<1x256xf32, #tpu.memory_space<vmem>>, vector<1x256xf32>
    %add3A_76 = vector.broadcast %get3A_75 : vector<1x256xf32> to vector<1000x256xf32>
    %add3A_77 = arith.addf %dot_general3A_72, %add3A_76 : vector<1000x256xf32>
    %add3A_78 = arith.addf %add3A_77, %add3A_57 : vector<1000x256xf32>
    %swap3A = arith.constant 0 : index
    %swap3A_79 = arith.constant 0 : index
    %swap3A_80 = vector.load %arg23[%swap3A, %swap3A_79] : memref<1000x256xf32, #tpu.memory_space<vmem>>, vector<1000x256xf32>
    tpu.vector_store %arg23[%swap3A, %swap3A_79], %add3A_78 {strides = array<i32>} : memref<1000x256xf32, #tpu.memory_space<vmem>>, vector<1000x256xf32>,
    %get3A_81 = arith.constant 0 : index
    %get3A_82 = arith.constant 0 : index
    %get3A_83 = vector.load %arg5[%get3A_81, %get3A_82] : memref<1000x256xf32, #tpu.memory_space<vmem>>, vector<1000x256xf32>
    %get3A_84 = arith.constant 0 : index
    %get3A_85 = arith.constant 0 : index
    %get3A_86 = vector.load %arg19[%get3A_84, %get3A_85] : memref<256x256xf32, #tpu.memory_space<vmem>>, vector<256x256xf32>
    %dot_general3A_87 = arith.constant dense<0.000000e+00> : vector<1000x256xf32>
    %dot_general3A_88 = tpu.matmul %get3A_83, %get3A_86, %dot_general3A_87 {dimension_numbers = #tpu.dot_dimension_numbers<[1], [0], [0], [1], [0, 0, 1, 1], [], []>, transpose_lhs_hint = false} : vector<1000x256xf32>, vector<256x256xf32>, vector<1000x256xf32> -> vector<1000x256xf32>
    %get3A_89 = arith.constant 0 : index
    %get3A_90 = arith.constant 0 : index
    %get3A_91 = vector.load %arg20[%get3A_89, %get3A_90] : memref<1x256xf32, #tpu.memory_space<vmem>>, vector<1x256xf32>
    %add3A_92 = vector.broadcast %get3A_91 : vector<1x256xf32> to vector<1000x256xf32>
    %add3A_93 = arith.addf %dot_general3A_88, %add3A_92 : vector<1000x256xf32>
    %get3A_94 = arith.constant 0 : index
    %get3A_95 = arith.constant 0 : index
    %get3A_96 = vector.load %arg21[%get3A_94, %get3A_95] : memref<256x256xf32, #tpu.memory_space<vmem>>, vector<256x256xf32>
    %dot_general3A_97 = arith.constant dense<0.000000e+00> : vector<1000x256xf32>
    %dot_general3A_98 = tpu.matmul %add3A_93, %get3A_96, %dot_general3A_97 {dimension_numbers = #tpu.dot_dimension_numbers<[1], [0], [0], [1], [0, 0, 1, 1], [], []>, transpose_lhs_hint = false} : vector<1000x256xf32>, vector<256x256xf32>, vector<1000x256xf32> -> vector<1000x256xf32>
    %get3A_99 = arith.constant 0 : index
    %get3A_100 = arith.constant 0 : index
    %get3A_101 = vector.load %arg22[%get3A_99, %get3A_100] : memref<1x256xf32, #tpu.memory_space<vmem>>, vector<1x256xf32>
    %add3A_102 = vector.broadcast %get3A_101 : vector<1x256xf32> to vector<1000x256xf32>
    %add3A_103 = arith.addf %dot_general3A_98, %add3A_102 : vector<1000x256xf32>
    %add3A_104 = arith.addf %add3A_103, %get3A_83 : vector<1000x256xf32>
    %swap3A_105 = arith.constant 0 : index
    %swap3A_106 = arith.constant 0 : index
    %swap3A_107 = vector.load %arg24[%swap3A_105, %swap3A_106] : memref<1000x256xf32, #tpu.memory_space<vmem>>, vector<1000x256xf32>
    tpu.vector_store %arg24[%swap3A_105, %swap3A_106], %add3A_104 {strides = array<i32>} : memref<1000x256xf32, #tpu.memory_space<vmem>>, vector<1000x256xf32>,
    return
  }
  func.func @transform_0(%arg0: i32) -> (i32, i32) {
    %c0_i32 = arith.constant 0 : i32
    %c0_i32_0 = arith.constant 0 : i32
    return %arg0, %c0_i32 : i32, i32
  }
  func.func @transform_1(%arg0: i32) -> (i32, i32) {
    %c0_i32 = arith.constant 0 : i32
    %c0_i32_0 = arith.constant 0 : i32
    return %arg0, %c0_i32 : i32, i32
  }
  func.func @transform_2(%arg0: i32) -> (i32, i32) {
    %c0_i32 = arith.constant 0 : i32
    %c0_i32_0 = arith.constant 0 : i32
    return %arg0, %c0_i32 : i32, i32
  }
  func.func @transform_3(%arg0: i32) -> (i32, i32) {
    %c0_i32 = arith.constant 0 : i32
    %c0_i32_0 = arith.constant 0 : i32
    return %arg0, %c0_i32 : i32, i32
  }
  func.func @transform_4(%arg0: i32) -> (i32, i32) {
    %c0_i32 = arith.constant 0 : i32
    %c0_i32_0 = arith.constant 0 : i32
    return %arg0, %c0_i32 : i32, i32
  }
  func.func @transform_5(%arg0: i32) -> (i32, i32) {
    %c0_i32 = arith.constant 0 : i32
    %c0_i32_0 = arith.constant 0 : i32
    %c0_i32_1 = arith.constant 0 : i32
    return %c0_i32, %c0_i32_0 : i32, i32
  }
  func.func @transform_6(%arg0: i32) -> (i32, i32) {
    %c0_i32 = arith.constant 0 : i32
    %c0_i32_0 = arith.constant 0 : i32
    %c0_i32_1 = arith.constant 0 : i32
    return %c0_i32, %c0_i32_0 : i32, i32
  }
  func.func @transform_7(%arg0: i32) -> (i32, i32) {
    %c0_i32 = arith.constant 0 : i32
    %c0_i32_0 = arith.constant 0 : i32
    %c0_i32_1 = arith.constant 0 : i32
    return %c0_i32, %c0_i32_0 : i32, i32
  }
  func.func @transform_8(%arg0: i32) -> (i32, i32) {
    %c0_i32 = arith.constant 0 : i32
    %c0_i32_0 = arith.constant 0 : i32
    %c0_i32_1 = arith.constant 0 : i32
    return %c0_i32, %c0_i32_0 : i32, i32
  }
  func.func @transform_9(%arg0: i32) -> (i32, i32) {
    %c0_i32 = arith.constant 0 : i32
    %c0_i32_0 = arith.constant 0 : i32
    %c0_i32_1 = arith.constant 0 : i32
    return %c0_i32, %c0_i32_0 : i32, i32
  }
  func.func @transform_10(%arg0: i32) -> (i32, i32) {
    %c0_i32 = arith.constant 0 : i32
    %c0_i32_0 = arith.constant 0 : i32
    %c0_i32_1 = arith.constant 0 : i32
    return %c0_i32, %c0_i32_0 : i32, i32
  }
  func.func @transform_11(%arg0: i32) -> (i32, i32) {
    %c0_i32 = arith.constant 0 : i32
    %c0_i32_0 = arith.constant 0 : i32
    %c0_i32_1 = arith.constant 0 : i32
    return %c0_i32, %c0_i32_0 : i32, i32
  }
  func.func @transform_12(%arg0: i32) -> (i32, i32) {
    %c0_i32 = arith.constant 0 : i32
    %c0_i32_0 = arith.constant 0 : i32
    %c0_i32_1 = arith.constant 0 : i32
    return %c0_i32, %c0_i32_0 : i32, i32
  }
  func.func @transform_13(%arg0: i32) -> (i32, i32) {
    %c0_i32 = arith.constant 0 : i32
    %c0_i32_0 = arith.constant 0 : i32
    %c0_i32_1 = arith.constant 0 : i32
    return %c0_i32, %c0_i32_0 : i32, i32
  }
  func.func @transform_14(%arg0: i32) -> (i32, i32) {
    %c0_i32 = arith.constant 0 : i32
    %c0_i32_0 = arith.constant 0 : i32
    %c0_i32_1 = arith.constant 0 : i32
    return %c0_i32, %c0_i32_0 : i32, i32
  }
  func.func @transform_15(%arg0: i32) -> (i32, i32) {
    %c0_i32 = arith.constant 0 : i32
    %c0_i32_0 = arith.constant 0 : i32
    %c0_i32_1 = arith.constant 0 : i32
    return %c0_i32, %c0_i32_0 : i32, i32
  }
  func.func @transform_16(%arg0: i32) -> (i32, i32) {
    %c0_i32 = arith.constant 0 : i32
    %c0_i32_0 = arith.constant 0 : i32
    %c0_i32_1 = arith.constant 0 : i32
    return %c0_i32, %c0_i32_0 : i32, i32
  }
  func.func @transform_17(%arg0: i32) -> (i32, i32) {
    %c0_i32 = arith.constant 0 : i32
    %c0_i32_0 = arith.constant 0 : i32
    %c0_i32_1 = arith.constant 0 : i32
    return %c0_i32, %c0_i32_0 : i32, i32
  }
  func.func @transform_18(%arg0: i32) -> (i32, i32) {
    %c0_i32 = arith.constant 0 : i32
    %c0_i32_0 = arith.constant 0 : i32
    %c0_i32_1 = arith.constant 0 : i32
    return %c0_i32, %c0_i32_0 : i32, i32
  }
  func.func @transform_19(%arg0: i32) -> (i32, i32) {
    %c0_i32 = arith.constant 0 : i32
    %c0_i32_0 = arith.constant 0 : i32
    %c0_i32_1 = arith.constant 0 : i32
    return %c0_i32, %c0_i32_0 : i32, i32
  }
  func.func @transform_20(%arg0: i32) -> (i32, i32) {
    %c0_i32 = arith.constant 0 : i32
    %c0_i32_0 = arith.constant 0 : i32
    %c0_i32_1 = arith.constant 0 : i32
    return %c0_i32, %c0_i32_0 : i32, i32
  }
  func.func @transform_21(%arg0: i32) -> (i32, i32) {
    %c0_i32 = arith.constant 0 : i32
    %c0_i32_0 = arith.constant 0 : i32
    %c0_i32_1 = arith.constant 0 : i32
    return %c0_i32, %c0_i32_0 : i32, i32
  }
  func.func @transform_22(%arg0: i32) -> (i32, i32) {
    %c0_i32 = arith.constant 0 : i32
    %c0_i32_0 = arith.constant 0 : i32
    return %arg0, %c0_i32 : i32, i32
  }
  func.func @transform_23(%arg0: i32) -> (i32, i32) {
    %c0_i32 = arith.constant 0 : i32
    %c0_i32_0 = arith.constant 0 : i32
    return %arg0, %c0_i32 : i32, i32
  }
}

module attributes {stable_mosaic.version = 14 : i64} {
  func.func @_node_post_body(%arg0: i32, %arg1: memref<1000x256xf32, #tpu.memory_space<vmem>>, %arg2: memref<1000x256xf32, #tpu.memory_space<vmem>>, %arg3: memref<1000x256xf32, #tpu.memory_space<vmem>>, %arg4: memref<1000x256xf32, #tpu.memory_space<vmem>>, %arg5: memref<256x256xf32, #tpu.memory_space<vmem>>, %arg6: memref<256x256xf32, #tpu.memory_space<vmem>>, %arg7: memref<256x256xf32, #tpu.memory_space<vmem>>, %arg8: memref<1x256xf32, #tpu.memory_space<vmem>>, %arg9: memref<256x256xf32, #tpu.memory_space<vmem>>, %arg10: memref<1x256xf32, #tpu.memory_space<vmem>>, %arg11: memref<256x256xf32, #tpu.memory_space<vmem>>, %arg12: memref<256x256xf32, #tpu.memory_space<vmem>>, %arg13: memref<1x256xf32, #tpu.memory_space<vmem>>, %arg14: memref<1000x256xf32, #tpu.memory_space<vmem>>) attributes {dimension_semantics = [#tpu.dimension_semantics<arbitrary>], iteration_bounds = array<i64: 10>, scalar_prefetch = 0 : i64, scratch_operands = 0 : i64, tpu.core_type = #tpu.core_type<tc>, window_params = [{transform_indices = @transform_0, window_bounds = array<i64: 1000, 256>}, {transform_indices = @transform_1, window_bounds = array<i64: 1000, 256>}, {transform_indices = @transform_2, window_bounds = array<i64: 1000, 256>}, {transform_indices = @transform_3, window_bounds = array<i64: 1000, 256>}, {pipeline_mode = #tpu.pipeline_mode<synchronous>, transform_indices = @transform_4, window_bounds = array<i64: 256, 256>}, {pipeline_mode = #tpu.pipeline_mode<synchronous>, transform_indices = @transform_5, window_bounds = array<i64: 256, 256>}, {pipeline_mode = #tpu.pipeline_mode<synchronous>, transform_indices = @transform_6, window_bounds = array<i64: 256, 256>}, {pipeline_mode = #tpu.pipeline_mode<synchronous>, transform_indices = @transform_7, window_bounds = array<i64: 1, 256>}, {pipeline_mode = #tpu.pipeline_mode<synchronous>, transform_indices = @transform_8, window_bounds = array<i64: 256, 256>}, {pipeline_mode = #tpu.pipeline_mode<synchronous>, transform_indices = @transform_9, window_bounds = array<i64: 1, 256>}, {pipeline_mode = #tpu.pipeline_mode<synchronous>, transform_indices = @transform_10, window_bounds = array<i64: 256, 256>}, {pipeline_mode = #tpu.pipeline_mode<synchronous>, transform_indices = @transform_11, window_bounds = array<i64: 256, 256>}, {pipeline_mode = #tpu.pipeline_mode<synchronous>, transform_indices = @transform_12, window_bounds = array<i64: 1, 256>}, {transform_indices = @transform_13, window_bounds = array<i64: 1000, 256>}]} {
    %get3A = arith.constant 0 : index
    %get3A_0 = arith.constant 0 : index
    %get3A_1 = vector.load %arg1[%get3A, %get3A_0] : memref<1000x256xf32, #tpu.memory_space<vmem>>, vector<1000x256xf32>
    %get3A_2 = arith.constant 0 : index
    %get3A_3 = arith.constant 0 : index
    %get3A_4 = vector.load %arg5[%get3A_2, %get3A_3] : memref<256x256xf32, #tpu.memory_space<vmem>>, vector<256x256xf32>
    %dot_general3A = arith.constant dense<0.000000e+00> : vector<1000x256xf32>
    %dot_general3A_5 = tpu.matmul %get3A_1, %get3A_4, %dot_general3A {dimension_numbers = #tpu.dot_dimension_numbers<[1], [0], [0], [1], [0, 0, 1, 1], [], []>, transpose_lhs_hint = false} : vector<1000x256xf32>, vector<256x256xf32>, vector<1000x256xf32> -> vector<1000x256xf32>
    %get3A_6 = arith.constant 0 : index
    %get3A_7 = arith.constant 0 : index
    %get3A_8 = vector.load %arg2[%get3A_6, %get3A_7] : memref<1000x256xf32, #tpu.memory_space<vmem>>, vector<1000x256xf32>
    %get3A_9 = arith.constant 0 : index
    %get3A_10 = arith.constant 0 : index
    %get3A_11 = vector.load %arg6[%get3A_9, %get3A_10] : memref<256x256xf32, #tpu.memory_space<vmem>>, vector<256x256xf32>
    %dot_general3A_12 = arith.constant dense<0.000000e+00> : vector<1000x256xf32>
    %dot_general3A_13 = tpu.matmul %get3A_8, %get3A_11, %dot_general3A_12 {dimension_numbers = #tpu.dot_dimension_numbers<[1], [0], [0], [1], [0, 0, 1, 1], [], []>, transpose_lhs_hint = false} : vector<1000x256xf32>, vector<256x256xf32>, vector<1000x256xf32> -> vector<1000x256xf32>
    %add3A = arith.addf %dot_general3A_5, %dot_general3A_13 : vector<1000x256xf32>
    %get3A_14 = arith.constant 0 : index
    %get3A_15 = arith.constant 0 : index
    %get3A_16 = vector.load %arg3[%get3A_14, %get3A_15] : memref<1000x256xf32, #tpu.memory_space<vmem>>, vector<1000x256xf32>
    %get3A_17 = arith.constant 0 : index
    %get3A_18 = arith.constant 0 : index
    %get3A_19 = vector.load %arg7[%get3A_17, %get3A_18] : memref<256x256xf32, #tpu.memory_space<vmem>>, vector<256x256xf32>
    %dot_general3A_20 = arith.constant dense<0.000000e+00> : vector<1000x256xf32>
    %dot_general3A_21 = tpu.matmul %get3A_16, %get3A_19, %dot_general3A_20 {dimension_numbers = #tpu.dot_dimension_numbers<[1], [0], [0], [1], [0, 0, 1, 1], [], []>, transpose_lhs_hint = false} : vector<1000x256xf32>, vector<256x256xf32>, vector<1000x256xf32> -> vector<1000x256xf32>
    %add3A_22 = arith.addf %add3A, %dot_general3A_21 : vector<1000x256xf32>
    %get3A_23 = arith.constant 0 : index
    %get3A_24 = arith.constant 0 : index
    %get3A_25 = vector.load %arg8[%get3A_23, %get3A_24] : memref<1x256xf32, #tpu.memory_space<vmem>>, vector<1x256xf32>
    %add3A_26 = vector.broadcast %get3A_25 : vector<1x256xf32> to vector<1000x256xf32>
    %add3A_27 = arith.addf %add3A_22, %add3A_26 : vector<1000x256xf32>
    %get3A_28 = arith.constant 0 : index
    %get3A_29 = arith.constant 0 : index
    %get3A_30 = vector.load %arg9[%get3A_28, %get3A_29] : memref<256x256xf32, #tpu.memory_space<vmem>>, vector<256x256xf32>
    %dot_general3A_31 = arith.constant dense<0.000000e+00> : vector<1000x256xf32>
    %dot_general3A_32 = tpu.matmul %add3A_27, %get3A_30, %dot_general3A_31 {dimension_numbers = #tpu.dot_dimension_numbers<[1], [0], [0], [1], [0, 0, 1, 1], [], []>, transpose_lhs_hint = false} : vector<1000x256xf32>, vector<256x256xf32>, vector<1000x256xf32> -> vector<1000x256xf32>
    %get3A_33 = arith.constant 0 : index
    %get3A_34 = arith.constant 0 : index
    %get3A_35 = vector.load %arg10[%get3A_33, %get3A_34] : memref<1x256xf32, #tpu.memory_space<vmem>>, vector<1x256xf32>
    %add3A_36 = vector.broadcast %get3A_35 : vector<1x256xf32> to vector<1000x256xf32>
    %add3A_37 = arith.addf %dot_general3A_32, %add3A_36 : vector<1000x256xf32>
    %get3A_38 = arith.constant 0 : index
    %get3A_39 = arith.constant 0 : index
    %get3A_40 = vector.load %arg11[%get3A_38, %get3A_39] : memref<256x256xf32, #tpu.memory_space<vmem>>, vector<256x256xf32>
    %dot_general3A_41 = arith.constant dense<0.000000e+00> : vector<1000x256xf32>
    %dot_general3A_42 = tpu.matmul %add3A_37, %get3A_40, %dot_general3A_41 {dimension_numbers = #tpu.dot_dimension_numbers<[1], [0], [0], [1], [0, 0, 1, 1], [], []>, transpose_lhs_hint = false} : vector<1000x256xf32>, vector<256x256xf32>, vector<1000x256xf32> -> vector<1000x256xf32>
    %add3A_43 = arith.addf %get3A_1, %dot_general3A_42 : vector<1000x256xf32>
    %get3A_44 = arith.constant 0 : index
    %get3A_45 = arith.constant 0 : index
    %get3A_46 = vector.load %arg4[%get3A_44, %get3A_45] : memref<1000x256xf32, #tpu.memory_space<vmem>>, vector<1000x256xf32>
    %get3A_47 = arith.constant 0 : index
    %get3A_48 = arith.constant 0 : index
    %get3A_49 = vector.load %arg12[%get3A_47, %get3A_48] : memref<256x256xf32, #tpu.memory_space<vmem>>, vector<256x256xf32>
    %dot_general3A_50 = arith.constant dense<0.000000e+00> : vector<1000x256xf32>
    %dot_general3A_51 = tpu.matmul %get3A_46, %get3A_49, %dot_general3A_50 {dimension_numbers = #tpu.dot_dimension_numbers<[1], [0], [0], [1], [0, 0, 1, 1], [], []>, transpose_lhs_hint = false} : vector<1000x256xf32>, vector<256x256xf32>, vector<1000x256xf32> -> vector<1000x256xf32>
    %add3A_52 = arith.addf %add3A_43, %dot_general3A_51 : vector<1000x256xf32>
    %get3A_53 = arith.constant 0 : index
    %get3A_54 = arith.constant 0 : index
    %get3A_55 = vector.load %arg13[%get3A_53, %get3A_54] : memref<1x256xf32, #tpu.memory_space<vmem>>, vector<1x256xf32>
    %add3A_56 = vector.broadcast %get3A_55 : vector<1x256xf32> to vector<1000x256xf32>
    %add3A_57 = arith.addf %add3A_52, %add3A_56 : vector<1000x256xf32>
    %swap3A = arith.constant 0 : index
    %swap3A_58 = arith.constant 0 : index
    %swap3A_59 = vector.load %arg14[%swap3A, %swap3A_58] : memref<1000x256xf32, #tpu.memory_space<vmem>>, vector<1000x256xf32>
    tpu.vector_store %arg14[%swap3A, %swap3A_58], %add3A_57 {strides = array<i32>} : memref<1000x256xf32, #tpu.memory_space<vmem>>, vector<1000x256xf32>,
    return
  }
  func.func @transform_0(%arg0: i32) -> (i32, i32) {
    %c0_i32 = arith.constant 0 : i32
    %c0_i32_0 = arith.constant 0 : i32
    return %arg0, %c0_i32 : i32, i32
  }
  func.func @transform_1(%arg0: i32) -> (i32, i32) {
    %c0_i32 = arith.constant 0 : i32
    %c0_i32_0 = arith.constant 0 : i32
    return %arg0, %c0_i32 : i32, i32
  }
  func.func @transform_2(%arg0: i32) -> (i32, i32) {
    %c0_i32 = arith.constant 0 : i32
    %c0_i32_0 = arith.constant 0 : i32
    return %arg0, %c0_i32 : i32, i32
  }
  func.func @transform_3(%arg0: i32) -> (i32, i32) {
    %c0_i32 = arith.constant 0 : i32
    %c0_i32_0 = arith.constant 0 : i32
    return %arg0, %c0_i32 : i32, i32
  }
  func.func @transform_4(%arg0: i32) -> (i32, i32) {
    %c0_i32 = arith.constant 0 : i32
    %c0_i32_0 = arith.constant 0 : i32
    %c0_i32_1 = arith.constant 0 : i32
    return %c0_i32, %c0_i32_0 : i32, i32
  }
  func.func @transform_5(%arg0: i32) -> (i32, i32) {
    %c0_i32 = arith.constant 0 : i32
    %c0_i32_0 = arith.constant 0 : i32
    %c0_i32_1 = arith.constant 0 : i32
    return %c0_i32, %c0_i32_0 : i32, i32
  }
  func.func @transform_6(%arg0: i32) -> (i32, i32) {
    %c0_i32 = arith.constant 0 : i32
    %c0_i32_0 = arith.constant 0 : i32
    %c0_i32_1 = arith.constant 0 : i32
    return %c0_i32, %c0_i32_0 : i32, i32
  }
  func.func @transform_7(%arg0: i32) -> (i32, i32) {
    %c0_i32 = arith.constant 0 : i32
    %c0_i32_0 = arith.constant 0 : i32
    %c0_i32_1 = arith.constant 0 : i32
    return %c0_i32, %c0_i32_0 : i32, i32
  }
  func.func @transform_8(%arg0: i32) -> (i32, i32) {
    %c0_i32 = arith.constant 0 : i32
    %c0_i32_0 = arith.constant 0 : i32
    %c0_i32_1 = arith.constant 0 : i32
    return %c0_i32, %c0_i32_0 : i32, i32
  }
  func.func @transform_9(%arg0: i32) -> (i32, i32) {
    %c0_i32 = arith.constant 0 : i32
    %c0_i32_0 = arith.constant 0 : i32
    %c0_i32_1 = arith.constant 0 : i32
    return %c0_i32, %c0_i32_0 : i32, i32
  }
  func.func @transform_10(%arg0: i32) -> (i32, i32) {
    %c0_i32 = arith.constant 0 : i32
    %c0_i32_0 = arith.constant 0 : i32
    %c0_i32_1 = arith.constant 0 : i32
    return %c0_i32, %c0_i32_0 : i32, i32
  }
  func.func @transform_11(%arg0: i32) -> (i32, i32) {
    %c0_i32 = arith.constant 0 : i32
    %c0_i32_0 = arith.constant 0 : i32
    %c0_i32_1 = arith.constant 0 : i32
    return %c0_i32, %c0_i32_0 : i32, i32
  }
  func.func @transform_12(%arg0: i32) -> (i32, i32) {
    %c0_i32 = arith.constant 0 : i32
    %c0_i32_0 = arith.constant 0 : i32
    %c0_i32_1 = arith.constant 0 : i32
    return %c0_i32, %c0_i32_0 : i32, i32
  }
  func.func @transform_13(%arg0: i32) -> (i32, i32) {
    %c0_i32 = arith.constant 0 : i32
    %c0_i32_0 = arith.constant 0 : i32
    return %arg0, %c0_i32 : i32, i32
  }
}

</mosaic_0001>

<sc_bundles>
// kernel: kernel.15.cloned.1.call-start
scs
__scs_entry_jumppad:
0x0: {  	(pc) =	sbr.rel $0x88, $3  }
0x1: {  	(tag) =	ssettag $0x0;
	lr =	simm.s32 $0x1  }
0x2: {  	[smem:$0x3F73] =	sst lr;
	_ =	strace $0xD0000000  }
0x3: {  	_ = 	snop  }
0x4: {  	_ = 	snop  }
0x5: {  	_ = 	snop  }
0x6: {  	_ = 	snop  }
0x7: {  	_ = 	snop  }
__scs_overlays_trampoline_lowered:
0x8: {  	[smem:$0x3F82] =	sst s0  }
0x9: {  	[smem:$0x3F83] =	sst s1  }
0xa: {  	[smem:$0x3F84] =	sst s2  }
0xb: {  	[smem:$0x3F85] =	sst s3  }
0xc: {  	[smem:$0x3F86] =	sst s4  }
0xd: {  	[smem:$0x3F87] =	sst s5  }
0xe: {  	[smem:$0x3F88] =	sst s6  }
0xf: {  	[smem:$0x3F89] =	sst s7  }
0x10: {  	[smem:$0x3F8A] =	sst s8  }
0x11: {  	[smem:$0x3F8B] =	sst s9;
	s0 =	simm.s32 @!p0 $0x0  }
0x12: {  	s1 =	sld [smem:$0x3F71];
	s0 =	simm.s32 @p0 $0x1  }
0x13: {  	[smem:$0x3F8C] =	sst s0;
	s0 =	simm.s32 @!p1 $0x0  }
0x14: {  	s2 =	sld [smem:$0x3F70];
	s0 =	simm.s32 @p1 $0x1  }
0x15: {  	[smem:$0x3F8D] =	sst s0;
	s0 =	simm.s32 @!p2 $0x0  }
0x16: {  	s3 =	sld [smem:$0x3FDB];
	s0 =	simm.s32 @p2 $0x1  }
0x17: {  	s4 =	simm.s32 $0x1BF5;
	[smem:$0x3F8F] =	sst s0  }
0x18: {  	s0 =	sld [smem:$0x3F72];
	_ =	swait.ge [sflag:s4], $0x0  }
0x19: {  	s7 =	sld [smem:$0x3F73]  }
0x1a: {  	s8 =	sadd.s32 $0xFFFFE003, lr  }
0x1b: {  	s9 =	sadd.s32 $0xFFFFFEF7, lr;
	s5 =	simm.s32 $0xFFFFFFFF;
	p2 =	slt.u32 s8, $0xFFFFF086  }
0x1c: {  	p1 =	slt.u32 s9, $0xF7A;
	s5 =	simm.s32 @!p2 $0x0  }
0x1d: {  	s5 =	simm.s32 @p1 $0x1;
	p0 =	seq.s32 s7, s2  }
0x1e: {  	s7 =	smul.u32 @!p0 $0xF7A, s2;
	p2 =	seq.s32 @!p0 s5, $0x0  }
0x1f: {  	s9 =	smul.u32 $0xF7A, s1;
	s8 =	simm.s32 @!p0 $0x1BF5;
	p2 =	por !p2, p0  }
0x20: {  	[sflag:s8] =	ssyncset.s32 @!p0 $0xFFFFF086;
	s6 =	sadd.s32 @!p0 s3, s7;
	s7 =	simm.s32 @!p0 $0x108  }
0x21: {  	s3 =	sadd.s32 s3, s9;
	s6 =	sadd.s32 @!p0 $0x88, s6;
	s7 =	simm.s32 @p2 $0x1082  }
0x22: {  	[simem:s7], [sflag:s8] =	dma.local @!p0 [hbm:s6], $0xF7A  }
0x23: {  	s9 =	sor.u32 $0xD0000000, s2;
	s6 =	simm.s32 $0x108;
	_ =	swait.ge @!p0 [sflag:s8], $0x0  }
0x24: {  	s3 =	sadd.s32 $0x88, s3;
	s6 =	simm.s32 @!p1 $0x1082;
	[sflag:s4] =	ssyncset.s32 $0xFFFFF086  }
0x25: {  	[simem:s6], [sflag:s4] =	dma.local [hbm:s3], $0xF7A  }
0x26: {  	[smem:$0x3F73] =	sst s1;
	(tag) =	ssettag s2;
	_ =	strace s9  }
0x27: {  	s1 =	sld [smem:$0x3F83]  }
0x28: {  	s2 =	sld [smem:$0x3F84]  }
0x29: {  	s4 =	sld [smem:$0x3F86]  }
0x2a: {  	p0 =	seq.s32 s5, $0x0;
	s5 =	sld [smem:$0x3F87]  }
0x2b: {  	s6 =	sld [smem:$0x3F88]  }
0x2c: {  	s7 =	sld [smem:$0x3F89]  }
0x2d: {  	s3 =	simm.s32 $0x108;
	s8 =	sld [smem:$0x3F8A]  }
0x2e: {  	s3 =	simm.s32 @!p0 $0x1082;
	s9 =	sld [smem:$0x3F8B]  }
0x2f: {  	lr =	sadd.s32 s0, s3;
	s0 =	sld [smem:$0x3F82]  }
0x30: {  	s3 =	sld [smem:$0x3F85]  }
0x31: {  	[smem:$0x3F8E] =	sst s10  }
0x32: {  	s10 =	sld [smem:$0x3F8C];
	_ =	sdelay $0x3  }
0x33: {  	p0 =	seq.s32 s10, $0x1;
	s10 =	sld [smem:$0x3F8E];
	_ =	sdelay $0x3  }
0x34: {  	[smem:$0x3F8E] =	sst s10  }
0x35: {  	s10 =	sld [smem:$0x3F8D];
	_ =	sdelay $0x3  }
0x36: {  	p1 =	seq.s32 s10, $0x1;
	s10 =	sld [smem:$0x3F8E];
	_ =	sdelay $0x3  }
0x37: {  	[smem:$0x3F8E] =	sst s10  }
0x38: {  	s10 =	sld [smem:$0x3F8F]  }
0x39: {  	_ = 	snop;
	(pc) =	sbr.ind lr, $3  }
0x3a: {  	_ = 	snop  }
0x3b: {  	_ = 	snop  }
0x3c: {  	p2 =	seq.s32 s10, $0x1;
	s10 =	sld [smem:$0x3F8E]  }
0x3d: {  	_ =	shalt  }
0x3e: {  	_ =	shalt  }
0x3f: {  	_ =	shalt  }
0x40: {  	_ =	shalt  }
0x41: {  	_ =	shalt  }
0x42: {  	_ =	shalt  }
0x43: {  	_ =	shalt  }
0x44: {  	_ =	shalt  }
0x45: {  	_ =	shalt  }
0x46: {  	_ =	shalt  }
0x47: {  	_ =	shalt  }
0x48: {  	_ =	shalt  }
0x49: {  	_ =	shalt  }
0x4a: {  	_ =	shalt  }
0x4b: {  	_ =	shalt  }
0x4c: {  	_ =	shalt  }
0x4d: {  	_ =	shalt  }
0x4e: {  	_ =	shalt  }
0x4f: {  	_ =	shalt  }
0x50: {  	_ =	shalt  }
0x51: {  	_ =	shalt  }
0x52: {  	_ =	shalt  }
0x53: {  	_ =	shalt  }
0x54: {  	_ =	shalt  }
0x55: {  	_ =	shalt  }
0x56: {  	_ =	shalt  }
0x57: {  	_ =	shalt  }
0x58: {  	_ =	shalt  }
0x59: {  	_ =	shalt  }
0x5a: {  	_ =	shalt  }
0x5b: {  	_ =	shalt  }
0x5c: {  	_ =	shalt  }
0x5d: {  	_ =	shalt  }
0x5e: {  	_ =	shalt  }
0x5f: {  	_ =	shalt  }
0x60: {  	_ =	shalt  }
0x61: {  	_ =	shalt  }
0x62: {  	_ =	shalt  }
0x63: {  	_ =	shalt  }
0x64: {  	_ =	shalt  }
0x65: {  	_ =	shalt  }
0x66: {  	_ =	shalt  }
0x67: {  	_ =	shalt  }
0x68: {  	_ =	shalt  }
0x69: {  	_ =	shalt  }
0x6a: {  	_ =	shalt  }
0x6b: {  	_ =	shalt  }
0x6c: {  	_ =	shalt  }
0x6d: {  	_ =	shalt  }
0x6e: {  	_ =	shalt  }
0x6f: {  	_ =	shalt  }
0x70: {  	_ =	shalt  }
0x71: {  	_ =	shalt  }
0x72: {  	_ =	shalt  }
0x73: {  	_ =	shalt  }
0x74: {  	_ =	shalt  }
0x75: {  	_ =	shalt  }
0x76: {  	_ =	shalt  }
0x77: {  	_ =	shalt  }
0x78: {  	_ =	shalt  }
0x79: {  	_ =	shalt  }
0x7a: {  	_ =	shalt  }
0x7b: {  	_ =	shalt  }
0x7c: {  	_ =	shalt  }
0x7d: {  	_ =	shalt  }
0x7e: {  	_ =	shalt  }
0x7f: {  	_ =	shalt  }
0x80: {  	_ =	shalt  }
0x81: {  	_ =	shalt  }
0x82: {  	_ =	shalt  }
0x83: {  	_ =	shalt  }
0x84: {  	_ =	shalt  }
0x85: {  	_ =	shalt  }
0x86: {  	_ =	shalt  }
0x87: {  	_ =	shalt  }
.Lfunc_end0:
.L_simem_size_0:
called_computation_lowered:
.L_overlay_start_0:
0x88: {  	s2 =	sld [smem:$0x3FD9]  }
0x89: {  	s3 =	sld [smem:$0x3FFE];
	_ =	sdelay $0x1  }
0x8a: {  	s1 =	srdreg.scid  }
0x8b: {  	s0 =	sand.u32 $0x1, s1  }
0x8c: {  	s14 =	sshll.u32 s0, $0xA;
	s2 =	sadd.s32 s3, s2  }
0x8d: {  	s2 =	sadd.s32 s2, s14  }
0x8e: {  	[smem:$0x3F9A] =	sst s2  }
0x8f: {  	_ = 	snop  }
0x90: {  	s2 =	sld [smem:$0x3FD0];
	_ =	sdelay $0x2  }
0x91: {  	s15 =	simm.s32 $0xB;
	s4 =	simm.s32 $0x10  }
0x92: {  	[smem:s4], [sflag:s15] =	dma.local [hbm:s2], $0x1  }
0x93: {  	_ =	swait.eq [sflag:s15], $0x1  }
0x94: {  	[sflag:s15] =	ssyncset.done $0x0  }
0x95: {  	s16 =	sld [smem:$0x10];
	[sflag:s15] =	ssyncadd.s32 $0xFFFFFFFF  }
0x96: {  	s17 =	sld [smem:$0x11];
	(tm) =	ssettm $0x1  }
0x97: {  	s18 =	sld [smem:$0x3FFB];
	_ =	sdelay $0x3  }
0x98: {  	_ =	strace s18  }
0x99: {  	s4 =	sld [smem:$0x3FFC];
	_ =	sdelay $0x3  }
0x9a: {  	_ =	strace s4  }
0x9b: {  	s4 =	sld [smem:$0x3FFD];
	_ =	sdelay $0x3  }
0x9c: {  	_ =	strace s4  }
0x9d: {  	_ =	strace $0x8FFFFFFF  }
0x9e: {  	s19 =	sld [smem:$0x3FDB];
	_ =	sdelay $0x1  }
0x9f: {  	s5 =	simm.s32 $_scs_section_size  }
0xa0: {  	s6 =	simm.s32 $_size__tile_overlayer_lowered;
	s7 =	simm.s32 $_tile_overlayer_lowered  }
0xa1: {  	s22 =	simm.s32 $0x1BFF;
	s21 =	sshll.u32 s7, $0x1;
	s4 =	sadd.s32 s5, s19  }
0xa2: {  	s8 =	simm.s32 $0x0;
	s20 =	sshll.u32 s6, $0x1;
	s6 =	sadd.s32 s21, s4  }
0xa3: {  	[timem:s8], [sflag:s22] =	dma.local [hbm:s6], s20  }
0xa4: {  	_ =	swait.ge [sflag:s22], s20  }
0xa5: {  	s5 =	ssub.s32 $0x0, s20;
	[sflag:s22] =	ssyncset.done $0x0  }
0xa6: {  	[sflag:s22] =	ssyncadd.s32 s5;
	_ =	sdelay $0x1  }
0xa7: {  	s23 =	simm.s32 $0x1B8B  }
0xa8: {  	_ =	swait.ge [sflag:s23], $0x1  }
0xa9: {  	[sflag:s23] =	ssyncset.done $0x0  }
0xaa: {  	s25 =	simm.s32 $0x1B8E;
	s24 =	sld [smem:$0x3FFE];
	[sflag:s23] =	ssyncadd.s32 $0xFFFFFFFF  }
0xab: {  	s26 =	simm.s32 $execute0_lowered;
	[smem:$0x3FD2] =	sst s25  }
0xac: {  	s6 =	sshll.u32 s26, $0x1;
	_ =	strace $0x80000046;
	[dreg:$0x1] =	wrdreg $0xFFFFFFFF  }
0xad: {  	s28 =	simm.s32 $_size_execute0_lowered;
	s4 =	sadd.s32 s4, s6;
	[dreg:$0x0] =	wrdreg $0x0  }
0xae: {  	s6 =	sshll.u32 s28, $0x1;
	[dreg:$0x2] =	wrdreg s4  }
0xaf: {  	[dreg:$0x3] =	wrdreg s6  }
0xb0: {  	[dreg:$0x4] =	wrdreg $0xC0  }
0xb1: {  	_ =	task [dreg:s8], $0x5FFFF  }
0xb2: {  	[dreg:$0x1] =	wrdreg $0xFFFFFFFF  }
0xb3: {  	[dreg:$0x0] =	wrdreg $0x60  }
0xb4: {  	[dreg:$0x2] =	wrdreg s16  }
0xb5: {  	[dreg:$0x3] =	wrdreg s24  }
0xb6: {  	[dreg:$0x4] =	wrdreg s17  }
0xb7: {  	[dreg:$0x5] =	wrdreg $0x9  }
0xb8: {  	_ =	task.clear_ibuf [dreg:s8], $0x6FFFF;
	_ =	strace $0x90000046  }
0xb9: {  	s29 =	simm.s32 $0x9;
	_ =	strace $0x80000048  }
0xba: {  	_ =	swait.ge [sflag:s29], $0x1  }
0xbb: {  	[sflag:s29] =	ssyncadd.s32 $0xFFFFFFFF  }
0xbc: {  	_ =	strace $0x90000048  }
0xbd: {  	_ =	sfence  }
0xbe: {  	s30 =	sld [smem:$0x0];
	_ =	sdelay $0x2  }
0xbf: {  	s31 =	sshll.u32 s1, $0xD;
	s1 =	sshrl.u32 s1, $0x2  }
0xc0: {  	s3 =	sand.u32 $0x4000, s31;
	s1 =	sadd.s32 s1, s30  }
0xc1: {  	s0 =	sor.u32 s3, s0;
	s1 =	sshll.u32 s1, $0x11  }
0xc2: {  	s0 =	sor.u32 s1, s0  }
0xc3: {  	s0 =	sadd.s32 $0x8F2B, s0  }
0xc4: {  	[sflag:s0] =	ssyncadd.remote.s32 $0x1  }
0xc5: {  	_ =	sfence.sel $0xFFFF  }
0xc6: {  	[dreg:$0x0] =	wrdreg $0xFFFFFFFF;
	(pc) =	sbr.abs _section_cstart, $3  }
0xc7: {  	[dreg:$0x1] =	wrdreg $0xFFFFFFFF  }
0xc8: {  	_ =	task.clear_ibuf [dreg:s8], $0x2FFFF;
	_ =	strace $0x9FFFFFFF  }
0xc9: {  	(tm) =	ssettm $0x7FFFFFFF  }
tec
execute0_lowered:
.L_overlay_start_1:
0x0: {  	(tag) =	ssettag $0x1  }
0x1: {  	s1 =	rddreg [dreg:$0x0]  }
0x2: {  	s0 =	srdreg.scid;
	s5 =	rddreg [dreg:$0x1]  }
0x3: {  	s3 =	simm.s32 $0x0;
	s2 =	sand.u32 $0x1, s0;
	s0 =	rddreg [dreg:$0x2]  }
0x4: {  	s15 =	simm.s32 $0x3000;
	[smem:$0x7FF] =	sst s3  }
0x5: {  	s16 =	simm.s32 $0x3800;
	_ =	strace $0x80000047;
	[dreg:$0x6] =	wrdreg s15  }
0x6: {  	s17 =	simm.s32 $0x4000;
	[dreg:$0x7] =	wrdreg s16  }
0x7: {  	s18 =	simm.s32 $0x4800;
	[dreg:$0x8] =	wrdreg s17  }
0x8: {  	s19 =	simm.s32 $0x5000;
	[dreg:$0x9] =	wrdreg s18  }
0x9: {  	s20 =	simm.s32 $0x5800;
	[dreg:$0xa] =	wrdreg s19  }
0xa: {  	s21 =	simm.s32 $0x6000;
	[dreg:$0xb] =	wrdreg s20  }
0xb: {  	s22 =	simm.s32 $0x6800;
	[dreg:$0xc] =	wrdreg s21  }
0xc: {  	s23 =	simm.s32 $0x7000;
	[dreg:$0xd] =	wrdreg s22  }
0xd: {  	s24 =	simm.s32 $0x7800;
	[dreg:$0xe] =	wrdreg s23  }
0xe: {  	s25 =	simm.s32 $0x8000;
	[dreg:$0xf] =	wrdreg s24  }
0xf: {  	s26 =	simm.s32 $0x8800;
	[dreg:$0x10] =	wrdreg s25  }
0x10: {  	s31 =	simm.s32 $0x9000;
	[dreg:$0x11] =	wrdreg s26  }
0x11: {  	s8 =	simm.s32 $0xA000;
	[dreg:$0x12] =	wrdreg s31  }
0x12: {  	s9 =	simm.s32 $0xA800;
	[dreg:$0x14] =	wrdreg s8  }
0x13: {  	s10 =	simm.s32 $0xB000;
	[dreg:$0x15] =	wrdreg s9  }
0x14: {  	s11 =	simm.s32 $0xB800;
	[dreg:$0x16] =	wrdreg s10  }
0x15: {  	s12 =	simm.s32 $0xC000;
	[dreg:$0x17] =	wrdreg s11  }
0x16: {  	s14 =	simm.s32 $0xC800;
	[dreg:$0x18] =	wrdreg s12  }
0x17: {  	[dreg:$0x19] =	wrdreg s14;
	s15 =	simm.s32 $0xD000  }
0x18: {  	s16 =	simm.s32 $0xD800;
	[dreg:$0x1a] =	wrdreg s15  }
0x19: {  	s17 =	simm.s32 $0xE000;
	[dreg:$0x1b] =	wrdreg s16  }
0x1a: {  	s7 =	stileid.u32;
	s18 =	simm.s32 $0xE800;
	[dreg:$0x1c] =	wrdreg s17  }
0x1b: {  	s28 =	simm.s32 $0x1;
	s19 =	simm.s32 $0xF800;
	[dreg:$0x1d] =	wrdreg s18  }
0x1c: {  	s29 =	simm.s32 $0x2;
	s20 =	simm.s32 $0x10000;
	[dreg:$0x1e] =	wrdreg s19  }
0x1d: {  	s30 =	simm.s32 $0x0;
	s21 =	simm.s32 $0x10800;
	[dreg:$0x1f] =	wrdreg s20  }
0x1e: {  	s4 =	smul.u32 $0x4E200, s7;
	s22 =	simm.s32 $0x11000;
	[smem:$0x7F6] =	sst s21  }
0x1f: {  	s13 =	sshll.u32 s7, $0x1;
	s23 =	simm.s32 $0x11800;
	[smem:$0x7F8] =	sst s22  }
0x20: {  	s6 =	smul.u32 $0x27100, s2;
	s24 =	simm.s32 $0x12000;
	[smem:$0x7F9] =	sst s23  }
0x21: {  	s25 =	simm.s32 $0x12800;
	s26 =	simm.s32 $0x13000;
	[smem:$0x7FA] =	sst s24  }
0x22: {  	s31 =	simm.s32 $0x13800;
	s10 =	simm.s32 $0x2800;
	[smem:$0x7FB] =	sst s25  }
0x23: {  	s11 =	simm.s32 $0xF000;
	s12 =	simm.s32 $0x14000;
	[smem:$0x7FC] =	sst s26  }
0x24: {  	s14 =	simm.s32 $0x15000;
	s4 =	sadd.s32 s4, s5;
	[smem:$0x7FD] =	sst s31  }
0x25: {  	s15 =	simm.s32 $0x15800;
	s16 =	simm.s32 $0x16000;
	s17 =	simm.s32 $0x16800  }
0x26: {  	s18 =	simm.s32 $0x17000;
	s19 =	simm.s32 $0x17800;
	s4 =	sadd.s32 s6, s4  }
0x27: {  	s20 =	simm.s32 $0x18000;
	s21 =	simm.s32 $0x18800;
	s6 =	sadd.s32 $0x5DA200, s4  }
0x28: {  	s22 =	simm.s32 $0x19000;
	[dreg:$0x4] =	wrdreg s6;
	s6 =	simm.s32 $0x9800  }
0x29: {  	s23 =	simm.s32 $0x19800;
	[dreg:$0x13] =	wrdreg s6;
	s6 =	sor.u32 s2, s13  }
0x2a: {  	s24 =	simm.s32 $0x1A000;
	s4 =	sadd.s32 $0xF8200, s4;
	s6 =	smul.u32 $0x1388, s6  }
0x2b: {  	s25 =	simm.s32 $0x1A800;
	s26 =	simm.s32 $0x1B000;
	[dreg:$0x5] =	wrdreg s4  }
0x2c: {  	s4 =	sadd.s32 $0xDC00, s5;
	s2 =	ssub.s32 $0x2, s2;
	s6 =	sshrl.u32 s6, $0x3  }
0x2d: {  	v2 =	vlaneseq.u32;
	s13 =	simm.s32 $0x14800;
	s8 =	sshrl.u32 s2, $0x1;
	s5 =	sadd.s32 s6, s5  }
0x2e: {  	vm0 =	vmmov $0xffff;
	v1 =	vshrl.u32 v2, $0x3;
	s2 =	ssub.s32 s2, s8;
	s8 =	simm.s32 $0x3;
	s5 =	sadd.s32 $0x8C00, s5  }
0x2f: {  	v0 =	vand.u32 $0x7, v2;
	v2 =	vor.u32 $0x8, v2;
	v1 =	vmul.u32 $0x8, v1;
	s7 =	smax.u32 s2, $0x1;
	s6 =	sadd.s32 s0, s6;
	[smem:$0x7F7] =	sst s5  }
.LBB2_1:
0x30: {  	s0 =	sld [smem:$0x7F7];
	_ =	sdelay $0x2  }
0x31: {  	[tilespmem:s3], [sflag:$0x3] =	stream.linear.gather [hbm4b:s0+s3], $0x1388, $0x38;
	[tilespmem:$0x1B800] =	vst v63  }
0x32: {  	_ =	swait.ge [sflag:s8], $0x1388  }
0x33: {  	[sflag:s8] =	ssyncset.done $0x0  }
0x34: {  	s9 =	simm.s32 $0x1400;
	[sflag:s8] =	ssyncadd.s32 $0xFFFFEC78  }
0x35: {  	[tilespmem:s9], [sflag:$0x3] =	stream.linear.gather [hbm4b:s6+s3], $0x1388, $0x38;
	[tilespmem:$0x1B800] =	vst v63  }
0x36: {  	_ =	swait.ge [sflag:s8], $0x1388  }
0x37: {  	s31 =	simm.s32 $0x60;
	[sflag:s8] =	ssyncset.done $0x0  }
0x38: {  	s2 =	simm.s32 $0x1460;
	s0 =	simm.s32 $0x0;
	[sflag:s8] =	ssyncadd.s32 $0xFFFFEC78  }
.LBB2_2:
0x39: {  	v3 =	vld [tilespmem:s31+$0xFFFFFFA0];
	_ =	sdelay $0x4  }
0x3a: {  	v4 =	vshll.u32 v3, $0x1  }
0x3b: {  	v3 =	vand.u32 $0x7, v3;
	v4 =	vand.u32 $0xFFFFFFF0, v4  }
0x3c: {  	v3 =	vor.u32 v3, v4  }
0x3d: {  	v4 =	vperm.xlane v3, v0;
	_ =	sdelay $0x1  }
0x3e: {  	v3 =	vperm.xlane v3, v2;
	v4 =	vadd.s32 v1, v4;
	_ =	sdelay $0x1  }
0x3f: {  	v3 =	vadd.s32 v1, v3;
	_ =	sdelay $0x2  }
0x40: {  	[tilespmem:s10], [sflag:$0x1] =	stream.indirect_vreg.gather [hbm4b:s1+s3], $0x80, v4, vm0, $0xb8;
	[tilespmem:$0x1B800] =	vst v63  }
0x41: {  	s9 =	rddreg [dreg:$0x6]  }
0x42: {  	[tilespmem:s9], [sflag:$0x1] =	stream.indirect_vreg.gather [hbm4b:s1+s3], $0x80, v3, vm0, $0xb8;
	[tilespmem:$0x1B800] =	vst v63  }
0x43: {  	v3 =	vld [tilespmem:s31+$0xFFFFFFB0];
	_ =	sdelay $0x4  }
0x44: {  	v39 =	vshll.u32 v3, $0x1  }
0x45: {  	v3 =	vand.u32 $0x7, v3;
	v4 =	vand.u32 $0xFFFFFFF0, v39  }
0x46: {  	v3 =	vor.u32 v3, v4  }
0x47: {  	v4 =	vperm.xlane v3, v0;
	_ =	sdelay $0x1  }
0x48: {  	v3 =	vperm.xlane v3, v2;
	v4 =	vadd.s32 v1, v4;
	_ =	sdelay $0x1  }
0x49: {  	v3 =	vadd.s32 v1, v3;
	_ =	sdelay $0x1  }
0x4a: {  	s9 =	rddreg [dreg:$0x7]  }
0x4b: {  	[tilespmem:s9], [sflag:$0x1] =	stream.indirect_vreg.gather [hbm4b:s1+s3], $0x80, v4, vm0, $0xb8;
	[tilespmem:$0x1B800] =	vst v63  }
0x4c: {  	s5 =	rddreg [dreg:$0x8]  }
0x4d: {  	[tilespmem:s5], [sflag:$0x1] =	stream.indirect_vreg.gather [hbm4b:s1+s3], $0x80, v3, vm0, $0xb8;
	[tilespmem:$0x1B800] =	vst v63  }
0x4e: {  	v3 =	vld [tilespmem:s31+$0xFFFFFFC0];
	_ =	sdelay $0x4  }
0x4f: {  	v40 =	vshll.u32 v3, $0x1  }
0x50: {  	v3 =	vand.u32 $0x7, v3;
	v4 =	vand.u32 $0xFFFFFFF0, v40  }
0x51: {  	v3 =	vor.u32 v3, v4  }
0x52: {  	v4 =	vperm.xlane v3, v0;
	_ =	sdelay $0x1  }
0x53: {  	v3 =	vperm.xlane v3, v2;
	v4 =	vadd.s32 v1, v4;
	_ =	sdelay $0x1  }
0x54: {  	v3 =	vadd.s32 v1, v3;
	_ =	sdelay $0x1  }
0x55: {  	s5 =	rddreg [dreg:$0x9]  }
0x56: {  	[tilespmem:s5], [sflag:$0x1] =	stream.indirect_vreg.gather [hbm4b:s1+s3], $0x80, v4, vm0, $0xb8;
	[tilespmem:$0x1B800] =	vst v63  }
0x57: {  	s9 =	rddreg [dreg:$0xa]  }
0x58: {  	[tilespmem:s9], [sflag:$0x1] =	stream.indirect_vreg.gather [hbm4b:s1+s3], $0x80, v3, vm0, $0xb8;
	[tilespmem:$0x1B800] =	vst v63  }
0x59: {  	v3 =	vld [tilespmem:s31+$0xFFFFFFD0];
	_ =	sdelay $0x4  }
0x5a: {  	v41 =	vshll.u32 v3, $0x1  }
0x5b: {  	v3 =	vand.u32 $0x7, v3;
	v4 =	vand.u32 $0xFFFFFFF0, v41  }
0x5c: {  	v3 =	vor.u32 v3, v4  }
0x5d: {  	v4 =	vperm.xlane v3, v0;
	_ =	sdelay $0x1  }
0x5e: {  	v3 =	vperm.xlane v3, v2;
	v4 =	vadd.s32 v1, v4;
	_ =	sdelay $0x1  }
0x5f: {  	v3 =	vadd.s32 v1, v3;
	_ =	sdelay $0x1  }
0x60: {  	s5 =	rddreg [dreg:$0xb]  }
0x61: {  	[tilespmem:s5], [sflag:$0x1] =	stream.indirect_vreg.gather [hbm4b:s1+s3], $0x80, v4, vm0, $0xb8;
	[tilespmem:$0x1B800] =	vst v63  }
0x62: {  	s9 =	rddreg [dreg:$0xc]  }
0x63: {  	[tilespmem:s9], [sflag:$0x1] =	stream.indirect_vreg.gather [hbm4b:s1+s3], $0x80, v3, vm0, $0xb8;
	[tilespmem:$0x1B800] =	vst v63  }
0x64: {  	v3 =	vld [tilespmem:s31+$0xFFFFFFE0];
	_ =	sdelay $0x4  }
0x65: {  	v42 =	vshll.u32 v3, $0x1  }
0x66: {  	v3 =	vand.u32 $0x7, v3;
	v4 =	vand.u32 $0xFFFFFFF0, v42  }
0x67: {  	v3 =	vor.u32 v3, v4  }
0x68: {  	v4 =	vperm.xlane v3, v0;
	_ =	sdelay $0x1  }
0x69: {  	v3 =	vperm.xlane v3, v2;
	v4 =	vadd.s32 v1, v4;
	_ =	sdelay $0x1  }
0x6a: {  	v3 =	vadd.s32 v1, v3;
	_ =	sdelay $0x1  }
0x6b: {  	s5 =	rddreg [dreg:$0xd]  }
0x6c: {  	[tilespmem:s5], [sflag:$0x1] =	stream.indirect_vreg.gather [hbm4b:s1+s3], $0x80, v4, vm0, $0xb8;
	[tilespmem:$0x1B800] =	vst v63  }
0x6d: {  	s9 =	rddreg [dreg:$0xe]  }
0x6e: {  	[tilespmem:s9], [sflag:$0x1] =	stream.indirect_vreg.gather [hbm4b:s1+s3], $0x80, v3, vm0, $0xb8;
	[tilespmem:$0x1B800] =	vst v63  }
0x6f: {  	v3 =	vld [tilespmem:s31+$0xFFFFFFF0];
	_ =	sdelay $0x4  }
0x70: {  	v43 =	vshll.u32 v3, $0x1  }
0x71: {  	v3 =	vand.u32 $0x7, v3;
	v4 =	vand.u32 $0xFFFFFFF0, v43  }
0x72: {  	v3 =	vor.u32 v3, v4  }
0x73: {  	v4 =	vperm.xlane v3, v0;
	_ =	sdelay $0x1  }
0x74: {  	v3 =	vperm.xlane v3, v2;
	v4 =	vadd.s32 v1, v4;
	_ =	sdelay $0x1  }
0x75: {  	v3 =	vadd.s32 v1, v3;
	_ =	sdelay $0x1  }
0x76: {  	s5 =	rddreg [dreg:$0xf]  }
0x77: {  	[tilespmem:s5], [sflag:$0x1] =	stream.indirect_vreg.gather [hbm4b:s1+s3], $0x80, v4, vm0, $0xb8;
	[tilespmem:$0x1B800] =	vst v63  }
0x78: {  	s9 =	rddreg [dreg:$0x10]  }
0x79: {  	[tilespmem:s9], [sflag:$0x1] =	stream.indirect_vreg.gather [hbm4b:s1+s3], $0x80, v3, vm0, $0xb8;
	[tilespmem:$0x1B800] =	vst v63  }
0x7a: {  	v3 =	vld [tilespmem:s31+$0x0];
	_ =	sdelay $0x4  }
0x7b: {  	v44 =	vshll.u32 v3, $0x1  }
0x7c: {  	v3 =	vand.u32 $0x7, v3;
	v4 =	vand.u32 $0xFFFFFFF0, v44  }
0x7d: {  	v3 =	vor.u32 v3, v4  }
0x7e: {  	v4 =	vperm.xlane v3, v0;
	_ =	sdelay $0x1  }
0x7f: {  	v3 =	vperm.xlane v3, v2;
	v4 =	vadd.s32 v1, v4;
	_ =	sdelay $0x1  }
0x80: {  	v3 =	vadd.s32 v1, v3;
	_ =	sdelay $0x1  }
0x81: {  	s5 =	rddreg [dreg:$0x11]  }
0x82: {  	[tilespmem:s5], [sflag:$0x1] =	stream.indirect_vreg.gather [hbm4b:s1+s3], $0x80, v4, vm0, $0xb8;
	[tilespmem:$0x1B800] =	vst v63  }
0x83: {  	s9 =	rddreg [dreg:$0x12]  }
0x84: {  	[tilespmem:s9], [sflag:$0x1] =	stream.indirect_vreg.gather [hbm4b:s1+s3], $0x80, v3, vm0, $0xb8;
	[tilespmem:$0x1B800] =	vst v63  }
0x85: {  	v3 =	vld [tilespmem:s31+$0x10];
	_ =	sdelay $0x4  }
0x86: {  	v45 =	vshll.u32 v3, $0x1  }
0x87: {  	v3 =	vand.u32 $0x7, v3;
	v4 =	vand.u32 $0xFFFFFFF0, v45  }
0x88: {  	v3 =	vor.u32 v3, v4  }
0x89: {  	v4 =	vperm.xlane v3, v0;
	_ =	sdelay $0x1  }
0x8a: {  	v3 =	vperm.xlane v3, v2;
	v4 =	vadd.s32 v1, v4;
	_ =	sdelay $0x1  }
0x8b: {  	v3 =	vadd.s32 v1, v3;
	_ =	sdelay $0x1  }
0x8c: {  	s5 =	rddreg [dreg:$0x13]  }
0x8d: {  	[tilespmem:s5], [sflag:$0x1] =	stream.indirect_vreg.gather [hbm4b:s1+s3], $0x80, v4, vm0, $0xb8;
	[tilespmem:$0x1B800] =	vst v63  }
0x8e: {  	s9 =	rddreg [dreg:$0x14]  }
0x8f: {  	[tilespmem:s9], [sflag:$0x1] =	stream.indirect_vreg.gather [hbm4b:s1+s3], $0x80, v3, vm0, $0xb8;
	[tilespmem:$0x1B800] =	vst v63  }
0x90: {  	v3 =	vld [tilespmem:s31+$0x20];
	_ =	sdelay $0x4  }
0x91: {  	v46 =	vshll.u32 v3, $0x1  }
0x92: {  	v3 =	vand.u32 $0x7, v3;
	v4 =	vand.u32 $0xFFFFFFF0, v46  }
0x93: {  	v3 =	vor.u32 v3, v4  }
0x94: {  	v4 =	vperm.xlane v3, v0;
	_ =	sdelay $0x1  }
0x95: {  	v3 =	vperm.xlane v3, v2;
	v4 =	vadd.s32 v1, v4;
	_ =	sdelay $0x1  }
0x96: {  	v3 =	vadd.s32 v1, v3;
	_ =	sdelay $0x1  }
0x97: {  	s5 =	rddreg [dreg:$0x15]  }
0x98: {  	[tilespmem:s5], [sflag:$0x1] =	stream.indirect_vreg.gather [hbm4b:s1+s3], $0x80, v4, vm0, $0xb8;
	[tilespmem:$0x1B800] =	vst v63  }
0x99: {  	s9 =	rddreg [dreg:$0x16]  }
0x9a: {  	[tilespmem:s9], [sflag:$0x1] =	stream.indirect_vreg.gather [hbm4b:s1+s3], $0x80, v3, vm0, $0xb8;
	[tilespmem:$0x1B800] =	vst v63  }
0x9b: {  	v3 =	vld [tilespmem:s31+$0x30];
	_ =	sdelay $0x4  }
0x9c: {  	v47 =	vshll.u32 v3, $0x1  }
0x9d: {  	v3 =	vand.u32 $0x7, v3;
	v4 =	vand.u32 $0xFFFFFFF0, v47  }
0x9e: {  	v3 =	vor.u32 v3, v4  }
0x9f: {  	v4 =	vperm.xlane v3, v0;
	_ =	sdelay $0x1  }
0xa0: {  	v3 =	vperm.xlane v3, v2;
	v4 =	vadd.s32 v1, v4;
	_ =	sdelay $0x1  }
0xa1: {  	v3 =	vadd.s32 v1, v3;
	_ =	sdelay $0x1  }
0xa2: {  	s5 =	rddreg [dreg:$0x17]  }
0xa3: {  	[tilespmem:s5], [sflag:$0x1] =	stream.indirect_vreg.gather [hbm4b:s1+s3], $0x80, v4, vm0, $0xb8;
	[tilespmem:$0x1B800] =	vst v63  }
0xa4: {  	s9 =	rddreg [dreg:$0x18]  }
0xa5: {  	[tilespmem:s9], [sflag:$0x1] =	stream.indirect_vreg.gather [hbm4b:s1+s3], $0x80, v3, vm0, $0xb8;
	[tilespmem:$0x1B800] =	vst v63  }
0xa6: {  	v3 =	vld [tilespmem:s31+$0x40];
	_ =	sdelay $0x4  }
0xa7: {  	v48 =	vshll.u32 v3, $0x1  }
0xa8: {  	v3 =	vand.u32 $0x7, v3;
	v4 =	vand.u32 $0xFFFFFFF0, v48  }
0xa9: {  	v3 =	vor.u32 v3, v4  }
0xaa: {  	v4 =	vperm.xlane v3, v0;
	_ =	sdelay $0x1  }
0xab: {  	v3 =	vperm.xlane v3, v2;
	v4 =	vadd.s32 v1, v4;
	_ =	sdelay $0x1  }
0xac: {  	v3 =	vadd.s32 v1, v3;
	_ =	sdelay $0x1  }
0xad: {  	s5 =	rddreg [dreg:$0x19]  }
0xae: {  	[tilespmem:s5], [sflag:$0x1] =	stream.indirect_vreg.gather [hbm4b:s1+s3], $0x80, v4, vm0, $0xb8;
	[tilespmem:$0x1B800] =	vst v63  }
0xaf: {  	s9 =	rddreg [dreg:$0x1a]  }
0xb0: {  	[tilespmem:s9], [sflag:$0x1] =	stream.indirect_vreg.gather [hbm4b:s1+s3], $0x80, v3, vm0, $0xb8;
	[tilespmem:$0x1B800] =	vst v63  }
0xb1: {  	v3 =	vld [tilespmem:s31+$0x50];
	_ =	sdelay $0x4  }
0xb2: {  	v49 =	vshll.u32 v3, $0x1  }
0xb3: {  	v3 =	vand.u32 $0x7, v3;
	v4 =	vand.u32 $0xFFFFFFF0, v49  }
0xb4: {  	v3 =	vor.u32 v3, v4  }
0xb5: {  	v4 =	vperm.xlane v3, v0;
	_ =	sdelay $0x1  }
0xb6: {  	v3 =	vperm.xlane v3, v2;
	v4 =	vadd.s32 v1, v4;
	_ =	sdelay $0x1  }
0xb7: {  	v3 =	vadd.s32 v1, v3;
	_ =	sdelay $0x1  }
0xb8: {  	s5 =	rddreg [dreg:$0x1b]  }
0xb9: {  	[tilespmem:s5], [sflag:$0x1] =	stream.indirect_vreg.gather [hbm4b:s1+s3], $0x80, v4, vm0, $0xb8;
	[tilespmem:$0x1B800] =	vst v63  }
0xba: {  	s9 =	rddreg [dreg:$0x1c]  }
0xbb: {  	[tilespmem:s9], [sflag:$0x1] =	stream.indirect_vreg.gather [hbm4b:s1+s3], $0x80, v3, vm0, $0xb8;
	[tilespmem:$0x1B800] =	vst v63  }
0xbc: {  	v3 =	vld.msk [tilespmem:s31+$0x60], $0xff;
	_ =	sdelay $0x4  }
0xbd: {  	v50 =	vshll.u32 v3, $0x1  }
0xbe: {  	v3 =	vand.u32 $0x7, v3;
	v4 =	vand.u32 $0xFFFFFFF0, v50  }
0xbf: {  	v3 =	vor.u32 v3, v4  }
0xc0: {  	v3 =	vperm.xlane v3, v0;
	_ =	sdelay $0x1  }
0xc1: {  	v3 =	vadd.s32 v1, v3;
	_ =	sdelay $0x3  }
0xc2: {  	s9 =	rddreg [dreg:$0x1d]  }
0xc3: {  	[tilespmem:s9], [sflag:$0x1] =	stream.indirect_vreg.gather [hbm4b:s1+s3], $0x80, v3, vm0, $0xb8;
	[tilespmem:$0x1B800] =	vst v63  }
0xc4: {  	v3 =	vld [tilespmem:s2+$0xFFFFFFA0];
	_ =	sdelay $0x4  }
0xc5: {  	v51 =	vshll.u32 v3, $0x1  }
0xc6: {  	v3 =	vand.u32 $0x7, v3;
	v4 =	vand.u32 $0xFFFFFFF0, v51  }
0xc7: {  	v3 =	vor.u32 v3, v4  }
0xc8: {  	v4 =	vperm.xlane v3, v0;
	_ =	sdelay $0x1  }
0xc9: {  	v3 =	vperm.xlane v3, v2;
	v4 =	vadd.s32 v1, v4;
	_ =	sdelay $0x1  }
0xca: {  	v3 =	vadd.s32 v1, v3;
	_ =	sdelay $0x2  }
0xcb: {  	[tilespmem:s11], [sflag:$0x2] =	stream.indirect_vreg.gather [hbm4b:s4+s3], $0x80, v4, vm0, $0xb8;
	[tilespmem:$0x1B800] =	vst v63  }
0xcc: {  	s9 =	rddreg [dreg:$0x1e]  }
0xcd: {  	[tilespmem:s9], [sflag:$0x2] =	stream.indirect_vreg.gather [hbm4b:s4+s3], $0x80, v3, vm0, $0xb8;
	[tilespmem:$0x1B800] =	vst v63  }
0xce: {  	v3 =	vld [tilespmem:s2+$0xFFFFFFB0];
	_ =	sdelay $0x4  }
0xcf: {  	v52 =	vshll.u32 v3, $0x1  }
0xd0: {  	v3 =	vand.u32 $0x7, v3;
	v4 =	vand.u32 $0xFFFFFFF0, v52  }
0xd1: {  	v3 =	vor.u32 v3, v4  }
0xd2: {  	v4 =	vperm.xlane v3, v0;
	_ =	sdelay $0x1  }
0xd3: {  	v3 =	vperm.xlane v3, v2;
	v4 =	vadd.s32 v1, v4;
	_ =	sdelay $0x1  }
0xd4: {  	v3 =	vadd.s32 v1, v3  }
0xd5: {  	s5 =	rddreg [dreg:$0x1f]  }
0xd6: {  	s9 =	sld [smem:$0x7F6]  }
0xd7: {  	[tilespmem:s5], [sflag:$0x2] =	stream.indirect_vreg.gather [hbm4b:s4+s3], $0x80, v4, vm0, $0xb8;
	[tilespmem:$0x1B800] =	vst v63  }
0xd8: {  	_ = 	snop  }
0xd9: {  	[tilespmem:s9], [sflag:$0x2] =	stream.indirect_vreg.gather [hbm4b:s4+s3], $0x80, v3, vm0, $0xb8;
	[tilespmem:$0x1B800] =	vst v63  }
0xda: {  	v3 =	vld [tilespmem:s2+$0xFFFFFFC0];
	_ =	sdelay $0x4  }
0xdb: {  	v53 =	vshll.u32 v3, $0x1  }
0xdc: {  	v3 =	vand.u32 $0x7, v3;
	v4 =	vand.u32 $0xFFFFFFF0, v53  }
0xdd: {  	v3 =	vor.u32 v3, v4  }
0xde: {  	v4 =	vperm.xlane v3, v0;
	_ =	sdelay $0x1  }
0xdf: {  	v3 =	vperm.xlane v3, v2;
	v4 =	vadd.s32 v1, v4;
	_ =	sdelay $0x1  }
0xe0: {  	s5 =	sld [smem:$0x7F8];
	v3 =	vadd.s32 v1, v3;
	_ =	sdelay $0x1  }
0xe1: {  	s9 =	sld [smem:$0x7F9]  }
0xe2: {  	[tilespmem:s5], [sflag:$0x2] =	stream.indirect_vreg.gather [hbm4b:s4+s3], $0x80, v4, vm0, $0xb8;
	[tilespmem:$0x1B800] =	vst v63  }
0xe3: {  	_ = 	snop  }
0xe4: {  	[tilespmem:s9], [sflag:$0x2] =	stream.indirect_vreg.gather [hbm4b:s4+s3], $0x80, v3, vm0, $0xb8;
	[tilespmem:$0x1B800] =	vst v63  }
0xe5: {  	v3 =	vld [tilespmem:s2+$0xFFFFFFD0];
	_ =	sdelay $0x4  }
0xe6: {  	v54 =	vshll.u32 v3, $0x1  }
0xe7: {  	v3 =	vand.u32 $0x7, v3;
	v4 =	vand.u32 $0xFFFFFFF0, v54  }
0xe8: {  	v3 =	vor.u32 v3, v4  }
0xe9: {  	v4 =	vperm.xlane v3, v0;
	_ =	sdelay $0x1  }
0xea: {  	v3 =	vperm.xlane v3, v2;
	v4 =	vadd.s32 v1, v4;
	_ =	sdelay $0x1  }
0xeb: {  	s5 =	sld [smem:$0x7FA];
	v3 =	vadd.s32 v1, v3;
	_ =	sdelay $0x1  }
0xec: {  	s9 =	sld [smem:$0x7FB]  }
0xed: {  	[tilespmem:s5], [sflag:$0x2] =	stream.indirect_vreg.gather [hbm4b:s4+s3], $0x80, v4, vm0, $0xb8;
	[tilespmem:$0x1B800] =	vst v63  }
0xee: {  	_ = 	snop  }
0xef: {  	[tilespmem:s9], [sflag:$0x2] =	stream.indirect_vreg.gather [hbm4b:s4+s3], $0x80, v3, vm0, $0xb8;
	[tilespmem:$0x1B800] =	vst v63  }
0xf0: {  	v3 =	vld [tilespmem:s2+$0xFFFFFFE0];
	_ =	sdelay $0x4  }
0xf1: {  	v55 =	vshll.u32 v3, $0x1  }
0xf2: {  	v3 =	vand.u32 $0x7, v3;
	v4 =	vand.u32 $0xFFFFFFF0, v55  }
0xf3: {  	v3 =	vor.u32 v3, v4  }
0xf4: {  	v4 =	vperm.xlane v3, v0;
	_ =	sdelay $0x1  }
0xf5: {  	v3 =	vperm.xlane v3, v2;
	v4 =	vadd.s32 v1, v4;
	_ =	sdelay $0x1  }
0xf6: {  	s5 =	sld [smem:$0x7FC];
	v3 =	vadd.s32 v1, v3;
	_ =	sdelay $0x1  }
0xf7: {  	s9 =	sld [smem:$0x7FD]  }
0xf8: {  	[tilespmem:s5], [sflag:$0x2] =	stream.indirect_vreg.gather [hbm4b:s4+s3], $0x80, v4, vm0, $0xb8;
	[tilespmem:$0x1B800] =	vst v63  }
0xf9: {  	_ = 	snop  }
0xfa: {  	[tilespmem:s9], [sflag:$0x2] =	stream.indirect_vreg.gather [hbm4b:s4+s3], $0x80, v3, vm0, $0xb8;
	[tilespmem:$0x1B800] =	vst v63  }
0xfb: {  	v3 =	vld [tilespmem:s2+$0xFFFFFFF0];
	_ =	sdelay $0x4  }
0xfc: {  	v56 =	vshll.u32 v3, $0x1  }
0xfd: {  	v3 =	vand.u32 $0x7, v3;
	v4 =	vand.u32 $0xFFFFFFF0, v56  }
0xfe: {  	v3 =	vor.u32 v3, v4  }
0xff: {  	v4 =	vperm.xlane v3, v0;
	_ =	sdelay $0x1  }
0x100: {  	v3 =	vperm.xlane v3, v2;
	v4 =	vadd.s32 v1, v4;
	_ =	sdelay $0x1  }
0x101: {  	v3 =	vadd.s32 v1, v3;
	_ =	sdelay $0x2  }
0x102: {  	[tilespmem:s12], [sflag:$0x2] =	stream.indirect_vreg.gather [hbm4b:s4+s3], $0x80, v4, vm0, $0xb8;
	[tilespmem:$0x1B800] =	vst v63  }
0x103: {  	_ = 	snop  }
0x104: {  	[tilespmem:s13], [sflag:$0x2] =	stream.indirect_vreg.gather [hbm4b:s4+s3], $0x80, v3, vm0, $0xb8;
	[tilespmem:$0x1B800] =	vst v63  }
0x105: {  	v3 =	vld [tilespmem:s2+$0x0];
	_ =	sdelay $0x4  }
0x106: {  	v57 =	vshll.u32 v3, $0x1  }
0x107: {  	v3 =	vand.u32 $0x7, v3;
	v4 =	vand.u32 $0xFFFFFFF0, v57  }
0x108: {  	v3 =	vor.u32 v3, v4  }
0x109: {  	v4 =	vperm.xlane v3, v0;
	_ =	sdelay $0x1  }
0x10a: {  	v3 =	vperm.xlane v3, v2;
	v4 =	vadd.s32 v1, v4;
	_ =	sdelay $0x1  }
0x10b: {  	v3 =	vadd.s32 v1, v3;
	_ =	sdelay $0x2  }
0x10c: {  	[tilespmem:s14], [sflag:$0x2] =	stream.indirect_vreg.gather [hbm4b:s4+s3], $0x80, v4, vm0, $0xb8;
	[tilespmem:$0x1B800] =	vst v63  }
0x10d: {  	_ = 	snop  }
0x10e: {  	[tilespmem:s15], [sflag:$0x2] =	stream.indirect_vreg.gather [hbm4b:s4+s3], $0x80, v3, vm0, $0xb8;
	[tilespmem:$0x1B800] =	vst v63  }
0x10f: {  	v3 =	vld [tilespmem:s2+$0x10];
	_ =	sdelay $0x4  }
0x110: {  	v58 =	vshll.u32 v3, $0x1  }
0x111: {  	v3 =	vand.u32 $0x7, v3;
	v4 =	vand.u32 $0xFFFFFFF0, v58  }
0x112: {  	v3 =	vor.u32 v3, v4  }
0x113: {  	v4 =	vperm.xlane v3, v0;
	_ =	sdelay $0x1  }
0x114: {  	v3 =	vperm.xlane v3, v2;
	v4 =	vadd.s32 v1, v4;
	_ =	sdelay $0x1  }
0x115: {  	v3 =	vadd.s32 v1, v3;
	_ =	sdelay $0x2  }
0x116: {  	[tilespmem:s16], [sflag:$0x2] =	stream.indirect_vreg.gather [hbm4b:s4+s3], $0x80, v4, vm0, $0xb8;
	[tilespmem:$0x1B800] =	vst v63  }
0x117: {  	_ = 	snop  }
0x118: {  	[tilespmem:s17], [sflag:$0x2] =	stream.indirect_vreg.gather [hbm4b:s4+s3], $0x80, v3, vm0, $0xb8;
	[tilespmem:$0x1B800] =	vst v63  }
0x119: {  	v3 =	vld [tilespmem:s2+$0x20];
	_ =	sdelay $0x4  }
0x11a: {  	v59 =	vshll.u32 v3, $0x1  }
0x11b: {  	v3 =	vand.u32 $0x7, v3;
	v4 =	vand.u32 $0xFFFFFFF0, v59  }
0x11c: {  	v3 =	vor.u32 v3, v4  }
0x11d: {  	v4 =	vperm.xlane v3, v0;
	_ =	sdelay $0x1  }
0x11e: {  	v3 =	vperm.xlane v3, v2;
	v4 =	vadd.s32 v1, v4;
	_ =	sdelay $0x1  }
0x11f: {  	v3 =	vadd.s32 v1, v3;
	_ =	sdelay $0x2  }
0x120: {  	[tilespmem:s18], [sflag:$0x2] =	stream.indirect_vreg.gather [hbm4b:s4+s3], $0x80, v4, vm0, $0xb8;
	[tilespmem:$0x1B800] =	vst v63  }
0x121: {  	_ = 	snop  }
0x122: {  	[tilespmem:s19], [sflag:$0x2] =	stream.indirect_vreg.gather [hbm4b:s4+s3], $0x80, v3, vm0, $0xb8;
	[tilespmem:$0x1B800] =	vst v63  }
0x123: {  	v3 =	vld [tilespmem:s2+$0x30];
	_ =	sdelay $0x4  }
0x124: {  	v60 =	vshll.u32 v3, $0x1  }
0x125: {  	v3 =	vand.u32 $0x7, v3;
	v4 =	vand.u32 $0xFFFFFFF0, v60  }
0x126: {  	v3 =	vor.u32 v3, v4  }
0x127: {  	v4 =	vperm.xlane v3, v0;
	_ =	sdelay $0x1  }
0x128: {  	v3 =	vperm.xlane v3, v2;
	v4 =	vadd.s32 v1, v4;
	_ =	sdelay $0x1  }
0x129: {  	v3 =	vadd.s32 v1, v3;
	_ =	sdelay $0x2  }
0x12a: {  	[tilespmem:s20], [sflag:$0x2] =	stream.indirect_vreg.gather [hbm4b:s4+s3], $0x80, v4, vm0, $0xb8;
	[tilespmem:$0x1B800] =	vst v63  }
0x12b: {  	_ = 	snop  }
0x12c: {  	[tilespmem:s21], [sflag:$0x2] =	stream.indirect_vreg.gather [hbm4b:s4+s3], $0x80, v3, vm0, $0xb8;
	[tilespmem:$0x1B800] =	vst v63  }
0x12d: {  	v3 =	vld [tilespmem:s2+$0x40];
	_ =	sdelay $0x4  }
0x12e: {  	v61 =	vshll.u32 v3, $0x1  }
0x12f: {  	v3 =	vand.u32 $0x7, v3;
	v4 =	vand.u32 $0xFFFFFFF0, v61  }
0x130: {  	v3 =	vor.u32 v3, v4  }
0x131: {  	v4 =	vperm.xlane v3, v0;
	_ =	sdelay $0x1  }
0x132: {  	v3 =	vperm.xlane v3, v2;
	v4 =	vadd.s32 v1, v4;
	_ =	sdelay $0x1  }
0x133: {  	v3 =	vadd.s32 v1, v3;
	_ =	sdelay $0x2  }
0x134: {  	[tilespmem:s22], [sflag:$0x2] =	stream.indirect_vreg.gather [hbm4b:s4+s3], $0x80, v4, vm0, $0xb8;
	[tilespmem:$0x1B800] =	vst v63  }
0x135: {  	_ = 	snop  }
0x136: {  	[tilespmem:s23], [sflag:$0x2] =	stream.indirect_vreg.gather [hbm4b:s4+s3], $0x80, v3, vm0, $0xb8;
	[tilespmem:$0x1B800] =	vst v63  }
0x137: {  	v3 =	vld [tilespmem:s2+$0x50];
	_ =	sdelay $0x4  }
0x138: {  	v62 =	vshll.u32 v3, $0x1  }
0x139: {  	v3 =	vand.u32 $0x7, v3;
	v4 =	vand.u32 $0xFFFFFFF0, v62  }
0x13a: {  	v3 =	vor.u32 v3, v4  }
0x13b: {  	v4 =	vperm.xlane v3, v0;
	_ =	sdelay $0x1  }
0x13c: {  	v3 =	vperm.xlane v3, v2;
	v4 =	vadd.s32 v1, v4;
	_ =	sdelay $0x1  }
0x13d: {  	v3 =	vadd.s32 v1, v3;
	_ =	sdelay $0x2  }
0x13e: {  	[tilespmem:s24], [sflag:$0x2] =	stream.indirect_vreg.gather [hbm4b:s4+s3], $0x80, v4, vm0, $0xb8;
	[tilespmem:$0x1B800] =	vst v63  }
0x13f: {  	_ = 	snop  }
0x140: {  	[tilespmem:s25], [sflag:$0x2] =	stream.indirect_vreg.gather [hbm4b:s4+s3], $0x80, v3, vm0, $0xb8;
	[tilespmem:$0x1B800] =	vst v63  }
0x141: {  	v3 =	vld.msk [tilespmem:s2+$0x60], $0xff;
	_ =	sdelay $0x4  }
0x142: {  	v63 =	vshll.u32 v3, $0x1  }
0x143: {  	v3 =	vand.u32 $0x7, v3;
	v4 =	vand.u32 $0xFFFFFFF0, v63  }
0x144: {  	v3 =	vor.u32 v3, v4  }
0x145: {  	v3 =	vperm.xlane v3, v0;
	_ =	sdelay $0x1  }
0x146: {  	v3 =	vadd.s32 v1, v3;
	_ =	sdelay $0x4  }
0x147: {  	[tilespmem:s26], [sflag:$0x2] =	stream.indirect_vreg.gather [hbm4b:s4+s3], $0x80, v3, vm0, $0xb8;
	[tilespmem:$0x1B800] =	vst v63  }
0x148: {  	_ =	swait.ge [sflag:s28], $0xC800  }
0x149: {  	s9 =	rddreg [dreg:$0x5];
	[sflag:s28] =	ssyncset.done $0x0  }
0x14a: {  	[sflag:s28] =	ssyncadd.s32 $0xFFFF3800;
	s5 =	sadd.s32 s0, s9  }
0x14b: {  	[hbm4b:s5+s3] =	stream.linear.scatter [tilespmem:s10], [sflag:$0x3], $0xC800, $0x38;
	[tilespmem:$0x1B800] =	vst v63  }
0x14c: {  	_ =	swait.ge [sflag:s8], $0xC800  }
0x14d: {  	[sflag:s8] =	ssyncset.done $0x0  }
0x14e: {  	[sflag:s8] =	ssyncadd.s32 $0xFFFF3800  }
0x14f: {  	_ =	swait.ge [sflag:s29], $0xC800  }
0x150: {  	p0 =	sne.s32 s0, $0x25800;
	s9 =	rddreg [dreg:$0x4];
	[sflag:s29] =	ssyncset.done $0x0  }
.Ltmp0:
0x151: {  	[sflag:s29] =	ssyncadd.s32 $0xFFFF3800;
	s5 =	sadd.s32 s0, s9;
	(pc) =	sbr.rel @p0 .LBB2_2-.Ltmp0, $4  }
0x152: {  	[hbm4b:s5+s3] =	stream.linear.scatter [tilespmem:s11], [sflag:$0x3], $0xC800, $0x38;
	[tilespmem:$0x1B800] =	vst v63  }
0x153: {  	_ =	swait.ge [sflag:s8], $0xC800  }
0x154: {  	s31 =	sadd.s32 $0xC8, s31;
	[sflag:s8] =	ssyncset.done $0x0  }
0x155: {  	s2 =	sadd.s32 $0xC8, s2;
	s0 =	sadd.s32 $0x1900, s0;
	[sflag:s8] =	ssyncadd.s32 $0xFFFF3800  }
0x156: {  	s30 =	sadd.s32 $0x1, s30  }
0x157: {  	p0 =	sne.s32 s30, s7  }
.Ltmp1:
0x158: {  	_ = 	snop;
	(pc) =	sbr.rel @p0 .LBB2_1-.Ltmp1, $1  }
0x159: {  	_ =	sdelay $0x3  }
0x15a: {  	_ =	sfence.sel $0x180000  }
0x15b: {  	[bflag:$0x0] =	sbarrier.arrive $0xFFFF  }
0x15c: {  	_ =	strace $0x90000047  }
0x15d: {  	s0 =	stileid.u32;
	[bflag:$0x2] =	sbarrier.arrive $0xFFFF  }
0x15e: {  	p0 =	sne.s32 s0, $0x0;
	s0 =	rddreg [dreg:$0x3]  }
0x15f: {  	s0 =	sadd.s32 @!p0 $0x100000, s0  }
0x160: {  	[sflag:s0] =	ssyncadd.tile.s32 @!p0 $0x1;
	_ =	shalt  }
.Lfunc_end2:
_tile_overlayer_lowered:
.L_overlay_start_2:
0x161: {  	(tag) =	ssettag $0x2  }
0x162: {  	s0 =	rddreg [dreg:$0x0];
	s2 =	stileid.u32  }
0x163: {  	s1 =	rddreg [dreg:$0x1];
	p0 =	sne.s32 s2, $0x0  }
0x164: {  	s3 =	rddreg [dreg:$0x2];
	[bflag:$0x3] =	sbarrier.arrive $0xFFFF;
	s2 =	simm.s32 @!p0 $0x1C03  }
0x165: {  	[timem:s3], [sflag:s2] =	dma.local @!p0 [hbm:s0], s1  }
0x166: {  	s0 =	simm.s32 @!p0 $0x3  }
0x167: {  	_ =	swait.ge @!p0 [sflag:s0], s1  }
0x168: {  	s1 =	ssub.s32 @!p0 $0x0, s1;
	[sflag:s0] =	ssyncset.done @!p0 $0x0  }
0x169: {  	[sflag:s0] =	ssyncadd.s32 @!p0 s1  }
0x16a: {  	[bflag:$0x3] =	sbarrier.arrive $0xFFFF  }
0x16b: {  	_ =	shalt  }

// kernel: kernel.18.cloned.1.call-start
scs
__scs_entry_jumppad:
0x0: {  	(pc) =	sbr.rel $0x88, $3  }
0x1: {  	(tag) =	ssettag $0x0;
	lr =	simm.s32 $0x1  }
0x2: {  	[smem:$0x3F73] =	sst lr;
	_ =	strace $0xD0000000  }
0x3: {  	_ = 	snop  }
0x4: {  	_ = 	snop  }
0x5: {  	_ = 	snop  }
0x6: {  	_ = 	snop  }
0x7: {  	_ = 	snop  }
__scs_overlays_trampoline_lowered:
0x8: {  	[smem:$0x3F82] =	sst s0  }
0x9: {  	[smem:$0x3F83] =	sst s1  }
0xa: {  	[smem:$0x3F84] =	sst s2  }
0xb: {  	[smem:$0x3F85] =	sst s3  }
0xc: {  	[smem:$0x3F86] =	sst s4  }
0xd: {  	[smem:$0x3F87] =	sst s5  }
0xe: {  	[smem:$0x3F88] =	sst s6  }
0xf: {  	[smem:$0x3F89] =	sst s7  }
0x10: {  	[smem:$0x3F8A] =	sst s8  }
0x11: {  	[smem:$0x3F8B] =	sst s9;
	s0 =	simm.s32 @!p0 $0x0  }
0x12: {  	s1 =	sld [smem:$0x3F71];
	s0 =	simm.s32 @p0 $0x1  }
0x13: {  	[smem:$0x3F8C] =	sst s0;
	s0 =	simm.s32 @!p1 $0x0  }
0x14: {  	s2 =	sld [smem:$0x3F70];
	s0 =	simm.s32 @p1 $0x1  }
0x15: {  	[smem:$0x3F8D] =	sst s0;
	s0 =	simm.s32 @!p2 $0x0  }
0x16: {  	s3 =	sld [smem:$0x3FDB];
	s0 =	simm.s32 @p2 $0x1  }
0x17: {  	s4 =	simm.s32 $0x1BF5;
	[smem:$0x3F8F] =	sst s0  }
0x18: {  	s0 =	sld [smem:$0x3F72];
	_ =	swait.ge [sflag:s4], $0x0  }
0x19: {  	s7 =	sld [smem:$0x3F73]  }
0x1a: {  	s8 =	sadd.s32 $0xFFFFE003, lr  }
0x1b: {  	s9 =	sadd.s32 $0xFFFFFEF7, lr;
	s5 =	simm.s32 $0xFFFFFFFF;
	p2 =	slt.u32 s8, $0xFFFFF086  }
0x1c: {  	p1 =	slt.u32 s9, $0xF7A;
	s5 =	simm.s32 @!p2 $0x0  }
0x1d: {  	s5 =	simm.s32 @p1 $0x1;
	p0 =	seq.s32 s7, s2  }
0x1e: {  	s7 =	smul.u32 @!p0 $0xF7A, s2;
	p2 =	seq.s32 @!p0 s5, $0x0  }
0x1f: {  	s9 =	smul.u32 $0xF7A, s1;
	s8 =	simm.s32 @!p0 $0x1BF5;
	p2 =	por !p2, p0  }
0x20: {  	[sflag:s8] =	ssyncset.s32 @!p0 $0xFFFFF086;
	s6 =	sadd.s32 @!p0 s3, s7;
	s7 =	simm.s32 @!p0 $0x108  }
0x21: {  	s3 =	sadd.s32 s3, s9;
	s6 =	sadd.s32 @!p0 $0x88, s6;
	s7 =	simm.s32 @p2 $0x1082  }
0x22: {  	[simem:s7], [sflag:s8] =	dma.local @!p0 [hbm:s6], $0xF7A  }
0x23: {  	s9 =	sor.u32 $0xD0000000, s2;
	s6 =	simm.s32 $0x108;
	_ =	swait.ge @!p0 [sflag:s8], $0x0  }
0x24: {  	s3 =	sadd.s32 $0x88, s3;
	s6 =	simm.s32 @!p1 $0x1082;
	[sflag:s4] =	ssyncset.s32 $0xFFFFF086  }
0x25: {  	[simem:s6], [sflag:s4] =	dma.local [hbm:s3], $0xF7A  }
0x26: {  	[smem:$0x3F73] =	sst s1;
	(tag) =	ssettag s2;
	_ =	strace s9  }
0x27: {  	s1 =	sld [smem:$0x3F83]  }
0x28: {  	s2 =	sld [smem:$0x3F84]  }
0x29: {  	s4 =	sld [smem:$0x3F86]  }
0x2a: {  	p0 =	seq.s32 s5, $0x0;
	s5 =	sld [smem:$0x3F87]  }
0x2b: {  	s6 =	sld [smem:$0x3F88]  }
0x2c: {  	s7 =	sld [smem:$0x3F89]  }
0x2d: {  	s3 =	simm.s32 $0x108;
	s8 =	sld [smem:$0x3F8A]  }
0x2e: {  	s3 =	simm.s32 @!p0 $0x1082;
	s9 =	sld [smem:$0x3F8B]  }
0x2f: {  	lr =	sadd.s32 s0, s3;
	s0 =	sld [smem:$0x3F82]  }
0x30: {  	s3 =	sld [smem:$0x3F85]  }
0x31: {  	[smem:$0x3F8E] =	sst s10  }
0x32: {  	s10 =	sld [smem:$0x3F8C];
	_ =	sdelay $0x3  }
0x33: {  	p0 =	seq.s32 s10, $0x1;
	s10 =	sld [smem:$0x3F8E];
	_ =	sdelay $0x3  }
0x34: {  	[smem:$0x3F8E] =	sst s10  }
0x35: {  	s10 =	sld [smem:$0x3F8D];
	_ =	sdelay $0x3  }
0x36: {  	p1 =	seq.s32 s10, $0x1;
	s10 =	sld [smem:$0x3F8E];
	_ =	sdelay $0x3  }
0x37: {  	[smem:$0x3F8E] =	sst s10  }
0x38: {  	s10 =	sld [smem:$0x3F8F]  }
0x39: {  	_ = 	snop;
	(pc) =	sbr.ind lr, $3  }
0x3a: {  	_ = 	snop  }
0x3b: {  	_ = 	snop  }
0x3c: {  	p2 =	seq.s32 s10, $0x1;
	s10 =	sld [smem:$0x3F8E]  }
0x3d: {  	_ =	shalt  }
0x3e: {  	_ =	shalt  }
0x3f: {  	_ =	shalt  }
0x40: {  	_ =	shalt  }
0x41: {  	_ =	shalt  }
0x42: {  	_ =	shalt  }
0x43: {  	_ =	shalt  }
0x44: {  	_ =	shalt  }
0x45: {  	_ =	shalt  }
0x46: {  	_ =	shalt  }
0x47: {  	_ =	shalt  }
0x48: {  	_ =	shalt  }
0x49: {  	_ =	shalt  }
0x4a: {  	_ =	shalt  }
0x4b: {  	_ =	shalt  }
0x4c: {  	_ =	shalt  }
0x4d: {  	_ =	shalt  }
0x4e: {  	_ =	shalt  }
0x4f: {  	_ =	shalt  }
0x50: {  	_ =	shalt  }
0x51: {  	_ =	shalt  }
0x52: {  	_ =	shalt  }
0x53: {  	_ =	shalt  }
0x54: {  	_ =	shalt  }
0x55: {  	_ =	shalt  }
0x56: {  	_ =	shalt  }
0x57: {  	_ =	shalt  }
0x58: {  	_ =	shalt  }
0x59: {  	_ =	shalt  }
0x5a: {  	_ =	shalt  }
0x5b: {  	_ =	shalt  }
0x5c: {  	_ =	shalt  }
0x5d: {  	_ =	shalt  }
0x5e: {  	_ =	shalt  }
0x5f: {  	_ =	shalt  }
0x60: {  	_ =	shalt  }
0x61: {  	_ =	shalt  }
0x62: {  	_ =	shalt  }
0x63: {  	_ =	shalt  }
0x64: {  	_ =	shalt  }
0x65: {  	_ =	shalt  }
0x66: {  	_ =	shalt  }
0x67: {  	_ =	shalt  }
0x68: {  	_ =	shalt  }
0x69: {  	_ =	shalt  }
0x6a: {  	_ =	shalt  }
0x6b: {  	_ =	shalt  }
0x6c: {  	_ =	shalt  }
0x6d: {  	_ =	shalt  }
0x6e: {  	_ =	shalt  }
0x6f: {  	_ =	shalt  }
0x70: {  	_ =	shalt  }
0x71: {  	_ =	shalt  }
0x72: {  	_ =	shalt  }
0x73: {  	_ =	shalt  }
0x74: {  	_ =	shalt  }
0x75: {  	_ =	shalt  }
0x76: {  	_ =	shalt  }
0x77: {  	_ =	shalt  }
0x78: {  	_ =	shalt  }
0x79: {  	_ =	shalt  }
0x7a: {  	_ =	shalt  }
0x7b: {  	_ =	shalt  }
0x7c: {  	_ =	shalt  }
0x7d: {  	_ =	shalt  }
0x7e: {  	_ =	shalt  }
0x7f: {  	_ =	shalt  }
0x80: {  	_ =	shalt  }
0x81: {  	_ =	shalt  }
0x82: {  	_ =	shalt  }
0x83: {  	_ =	shalt  }
0x84: {  	_ =	shalt  }
0x85: {  	_ =	shalt  }
0x86: {  	_ =	shalt  }
0x87: {  	_ =	shalt  }
.Lfunc_end0:
.L_simem_size_0:
called_computation.1_lowered:
.L_overlay_start_0:
0x88: {  	s2 =	sld [smem:$0x3FD9]  }
0x89: {  	s3 =	sld [smem:$0x3FFE];
	_ =	sdelay $0x1  }
0x8a: {  	s1 =	srdreg.scid  }
0x8b: {  	s0 =	sand.u32 $0x1, s1  }
0x8c: {  	s15 =	sshll.u32 s0, $0xA;
	s2 =	sadd.s32 s3, s2  }
0x8d: {  	s2 =	sadd.s32 s2, s15  }
0x8e: {  	[smem:$0x3F9A] =	sst s2  }
0x8f: {  	_ = 	snop  }
0x90: {  	s2 =	sld [smem:$0x3FD0];
	_ =	sdelay $0x2  }
0x91: {  	s16 =	simm.s32 $0xB;
	s4 =	simm.s32 $0x10  }
0x92: {  	[smem:s4], [sflag:s16] =	dma.local [hbm:s2], $0x1  }
0x93: {  	_ =	swait.eq [sflag:s16], $0x1  }
0x94: {  	[sflag:s16] =	ssyncset.done $0x0  }
0x95: {  	[sflag:s16] =	ssyncadd.s32 $0xFFFFFFFF  }
0x96: {  	s17 =	sld [smem:$0x11];
	(tm) =	ssettm $0x1  }
0x97: {  	s18 =	sld [smem:$0x3FFB];
	_ =	sdelay $0x3  }
0x98: {  	_ =	strace s18  }
0x99: {  	s2 =	sld [smem:$0x3FFC];
	_ =	sdelay $0x3  }
0x9a: {  	_ =	strace s2  }
0x9b: {  	s2 =	sld [smem:$0x3FFD];
	_ =	sdelay $0x3  }
0x9c: {  	_ =	strace s2  }
0x9d: {  	_ =	strace $0x8FFFFFFF  }
0x9e: {  	s19 =	sld [smem:$0x3FDB];
	_ =	sdelay $0x1  }
0x9f: {  	s20 =	simm.s32 $_scs_section_size  }
0xa0: {  	s5 =	simm.s32 $_size__tile_overlayer_lowered;
	s6 =	simm.s32 $_tile_overlayer_lowered  }
0xa1: {  	s7 =	simm.s32 $0x1BFF;
	s21 =	sshll.u32 s6, $0x1;
	s4 =	sadd.s32 s20, s19  }
0xa2: {  	s22 =	simm.s32 $0x0;
	s5 =	sshll.u32 s5, $0x1;
	s6 =	sadd.s32 s21, s4  }
0xa3: {  	[timem:s22], [sflag:s7] =	dma.local [hbm:s6], s5  }
0xa4: {  	_ =	swait.ge [sflag:s7], s5  }
0xa5: {  	s5 =	ssub.s32 $0x0, s5;
	[sflag:s7] =	ssyncset.done $0x0  }
0xa6: {  	[sflag:s7] =	ssyncadd.s32 s5;
	_ =	sdelay $0x1  }
0xa7: {  	s23 =	simm.s32 $0x1B8B  }
0xa8: {  	_ =	swait.ge [sflag:s23], $0x1  }
0xa9: {  	[sflag:s23] =	ssyncset.done $0x0  }
0xaa: {  	[sflag:s23] =	ssyncadd.s32 $0xFFFFFFFF  }
0xab: {  	s5 =	sld [smem:$0x0]  }
0xac: {  	s6 =	sand.u32 $0xFFFFFFFE, s1  }
0xad: {  	p0 =	sne.s32 s1, s6  }
0xae: {  	s6 =	sshll.u32 @p0 s6, $0xE  }
0xaf: {  	s6 =	sadd.s32 @p0 $0x11B8D, s6;
	s7 =	sshll.u32 @p0 s5, $0x11  }
0xb0: {  	s6 =	sor.u32 @p0 s7, s6  }
0xb1: {  	[sflag:s6] =	ssyncadd.remote.s32 @p0 $0x1;
	_ =	sdelay $0x1  }
0xb2: {  	s6 =	simm.s32 @p0 $0x1B8D  }
0xb3: {  	_ =	swait.eq @p0 [sflag:s6], $0x1  }
0xb4: {  	[sflag:s6] =	ssyncadd.s32 @p0 $0xFFFFFFFF  }
0xb5: {  	s7 =	sshll.u32 @!p0 s1, $0xE  }
0xb6: {  	s7 =	sor.u32 @!p0 $0x4000, s7;
	s6 =	simm.s32 @!p0 $0x1B8D  }
0xb7: {  	s5 =	sshll.u32 @!p0 s5, $0x11;
	s7 =	sadd.s32 @!p0 $0x11B8D, s7;
	_ =	swait.eq @!p0 [sflag:s6], $0x1  }
0xb8: {  	s5 =	sor.u32 @!p0 s5, s7;
	[sflag:s6] =	ssyncadd.s32 @!p0 $0xFFFFFFFF  }
0xb9: {  	s25 =	simm.s32 $0x1B8E;
	s24 =	sld [smem:$0x3FFE];
	[sflag:s5] =	ssyncadd.remote.s32 @!p0 $0x1  }
0xba: {  	s26 =	simm.s32 $execute0_lowered;
	[smem:$0x3FD2] =	sst s25  }
0xbb: {  	s6 =	sshll.u32 s26, $0x1;
	_ =	strace $0x8000004C;
	[dreg:$0x1] =	wrdreg $0xFFFFFFFF  }
0xbc: {  	s28 =	simm.s32 $_size_execute0_lowered;
	s4 =	sadd.s32 s4, s6;
	[dreg:$0x0] =	wrdreg $0x0  }
0xbd: {  	s6 =	sshll.u32 s28, $0x1;
	[dreg:$0x2] =	wrdreg s4  }
0xbe: {  	[dreg:$0x3] =	wrdreg s6  }
0xbf: {  	[dreg:$0x4] =	wrdreg $0xC0  }
0xc0: {  	_ =	task [dreg:s22], $0x5FFFF  }
0xc1: {  	[dreg:$0x1] =	wrdreg $0xFFFFFFFF  }
0xc2: {  	[dreg:$0x0] =	wrdreg $0x60  }
0xc3: {  	[dreg:$0x2] =	wrdreg s24  }
0xc4: {  	[dreg:$0x3] =	wrdreg s17  }
0xc5: {  	[dreg:$0x4] =	wrdreg $0x0  }
0xc6: {  	[dreg:$0x5] =	wrdreg $0x9  }
0xc7: {  	_ =	task.clear_ibuf [dreg:s22], $0x6FFFF;
	_ =	strace $0x9000004C  }
0xc8: {  	s29 =	simm.s32 $0x9;
	_ =	strace $0x8000004E  }
0xc9: {  	_ =	swait.ge [sflag:s29], $0x1  }
0xca: {  	[sflag:s29] =	ssyncadd.s32 $0xFFFFFFFF  }
0xcb: {  	_ =	strace $0x9000004E  }
0xcc: {  	_ =	sfence  }
0xcd: {  	s30 =	sld [smem:$0x0];
	_ =	sdelay $0x2  }
0xce: {  	s31 =	sshll.u32 s1, $0xD;
	s1 =	sshrl.u32 s1, $0x2  }
0xcf: {  	s4 =	sand.u32 $0x4000, s31;
	s1 =	sadd.s32 s1, s30  }
0xd0: {  	s0 =	sor.u32 s4, s0;
	s1 =	sshll.u32 s1, $0x11  }
0xd1: {  	s0 =	sor.u32 s1, s0  }
0xd2: {  	s0 =	sadd.s32 $0x8F2B, s0  }
0xd3: {  	[sflag:s0] =	ssyncadd.remote.s32 $0x1  }
0xd4: {  	_ =	sfence.sel $0xFFFF  }
0xd5: {  	[dreg:$0x0] =	wrdreg $0xFFFFFFFF;
	(pc) =	sbr.abs _section_cstart, $3  }
0xd6: {  	[dreg:$0x1] =	wrdreg $0xFFFFFFFF  }
0xd7: {  	_ =	task.clear_ibuf [dreg:s22], $0x2FFFF;
	_ =	strace $0x9FFFFFFF  }
0xd8: {  	(tm) =	ssettm $0x7FFFFFFF  }
0xd9: {  	_ =	shalt  }
tec
execute0_lowered:
.L_overlay_start_1:
0x0: {  	(tag) =	ssettag $0x1  }
0x1: {  	s4 =	rddreg [dreg:$0x0]  }
0x2: {  	s13 =	rddreg [dreg:$0x1]  }
0x3: {  	s1 =	rddreg [dreg:$0x2];
	s2 =	simm.s32 $0x0;
	s3 =	stileid.u32  }
0x4: {  	s6 =	srdreg.scid;
	s17 =	simm.s32 $0x400;
	s5 =	smul.u32 $0x4E200, s3  }
0x5: {  	s18 =	simm.s32 $0x800;
	s19 =	simm.s32 $0x18100;
	s7 =	smul.u32 $0x50000, s3  }
0x6: {  	s20 =	simm.s32 $0xC8;
	s22 =	simm.s32 $0x8;
	s14 =	smul.u32 $0x27000, s3  }
0x7: {  	s23 =	simm.s32 $0x100;
	[smem:$0x7FF] =	sst s2;
	s16 =	smul.u32 $0x4E000, s3  }
0x8: {  	s9 =	sand.u32 $0x1, s6;
	s11 =	sadd.s32 $0x148200, s4;
	s31 =	smul.u32 $0x4E2, s3  }
0x9: {  	p0 =	sne.s32 s3, $0x0;
	_ =	strace $0x8000004D;
	s24 =	ssub.s32 $0x2, s9  }
0xa: {  	s15 =	sshll.u32 s9, $0xA;
	s28 =	sshll.u32 s9, $0x7;
	s10 =	sadd.s32 s5, s4  }
0xb: {  	s25 =	sshrl.u32 s7, $0x2;
	s26 =	sshrl.u32 s24, $0x1;
	s14 =	sor.u32 s15, s14  }
0xc: {  	s29 =	sshrl.u32 s16, $0x2;
	s13 =	sadd.s32 s31, s13;
	s15 =	simm.s32 $0x1  }
0xd: {  	s16 =	simm.s32 $0x18000;
	s4 =	sadd.s32 s25, s1;
	s12 =	ssub.s32 s24, s26  }
0xe: {  	s14 =	sshrl.u32 s14, $0x3;
	s21 =	sadd.s32 s29, s1;
	s25 =	sadd.s32 $0x138000, s1  }
0xf: {  	s30 =	sadd.s32 s28, s10;
	s24 =	simm.s32 $0x80;
	s26 =	simm.s32 $0x0  }
0x10: {  	s5 =	sadd.s32 $0x4000, s4;
	s6 =	sadd.s32 $0x8000, s4;
	s7 =	sadd.s32 $0xC000, s4  }
0x11: {  	s8 =	sadd.s32 $0x10000, s4;
	s9 =	sadd.s32 s11, s14;
	s11 =	sadd.s32 s28, s11  }
0x12: {  	s14 =	simm.s32 $0x14000;
	s21 =	sshrl.u32 s21, $0x3;
	s25 =	sshrl.u32 @!p0 s25, $0x3  }
0x13: {  	v0 =	vimm.f32 $0.0e+00;
	s10 =	sadd.s32 $0x4E000, s11;
	s11 =	smax.u32 s12, $0x1;
	s12 =	sadd.s32 $0xF9E400, s30  }
.LBB2_1:
0x14: {  	s28 =	simm.s32 $0x0;
	s29 =	simm.s32 $0x200  }
.LBB2_2:
0x15: {  	p1 =	sne.s32 s29, $0xFE00;
	[tilespmem:s28+$0x14070] =	vst v0  }
0x16: {  	[tilespmem:s28+$0x14000] =	vst v0  }
0x17: {  	[tilespmem:s28+$0x14010] =	vst v0  }
.Ltmp0:
0x18: {  	[tilespmem:s28+$0x14020] =	vst v0;
	(pc) =	sbr.rel @p1 .LBB2_2-.Ltmp0, $4  }
0x19: {  	[tilespmem:s28+$0x14030] =	vst v0  }
0x1a: {  	[tilespmem:s28+$0x14040] =	vst v0  }
0x1b: {  	[tilespmem:s28+$0x14050] =	vst v0  }
0x1c: {  	[tilespmem:s28+$0x14060] =	vst v0;
	s28 =	sshra.s32 s29, $0x2;
	s29 =	sadd.s32 $0x200, s29  }
0x1d: {  	[tilespmem:s28+$0x14070] =	vst v0  }
0x1e: {  	[tilespmem:s28+$0x14000] =	vst v0  }
0x1f: {  	[tilespmem:s28+$0x14010] =	vst v0  }
0x20: {  	[tilespmem:s28+$0x14020] =	vst v0  }
0x21: {  	[tilespmem:s28+$0x14030] =	vst v0  }
0x22: {  	[tilespmem:s28+$0x14040] =	vst v0  }
0x23: {  	[tilespmem:s28+$0x14050] =	vst v0  }
0x24: {  	[tilespmem:s28+$0x14060] =	vst v0  }
0x25: {  	[spmem:s4] =	stream.linear.scatter [tilespmem:s14], [sflag:$0x1], $0x4000, $0x38;
	[tilespmem:$0x1E500] =	vst v63  }
0x26: {  	_ =	swait.ge [sflag:s15], $0x4000  }
0x27: {  	[sflag:s15] =	ssyncset.done $0x0  }
0x28: {  	[sflag:s15] =	ssyncadd.s32 $0xFFFFC000  }
0x29: {  	[spmem:s5] =	stream.linear.scatter [tilespmem:s14], [sflag:$0x1], $0x4000, $0x38;
	[tilespmem:$0x1E500] =	vst v63  }
0x2a: {  	_ =	swait.ge [sflag:s15], $0x4000  }
0x2b: {  	[sflag:s15] =	ssyncset.done $0x0  }
0x2c: {  	[sflag:s15] =	ssyncadd.s32 $0xFFFFC000  }
0x2d: {  	[spmem:s6] =	stream.linear.scatter [tilespmem:s14], [sflag:$0x1], $0x4000, $0x38;
	[tilespmem:$0x1E500] =	vst v63  }
0x2e: {  	_ =	swait.ge [sflag:s15], $0x4000  }
0x2f: {  	[sflag:s15] =	ssyncset.done $0x0  }
0x30: {  	[sflag:s15] =	ssyncadd.s32 $0xFFFFC000  }
0x31: {  	[spmem:s7] =	stream.linear.scatter [tilespmem:s14], [sflag:$0x1], $0x4000, $0x38;
	[tilespmem:$0x1E500] =	vst v63  }
0x32: {  	_ =	swait.ge [sflag:s15], $0x4000  }
0x33: {  	[sflag:s15] =	ssyncset.done $0x0  }
0x34: {  	[sflag:s15] =	ssyncadd.s32 $0xFFFFC000  }
0x35: {  	[spmem:s8] =	stream.linear.scatter [tilespmem:s14], [sflag:$0x1], $0x4000, $0x38;
	[tilespmem:$0x1E500] =	vst v63  }
0x36: {  	_ =	swait.ge [sflag:s15], $0x4000  }
0x37: {  	[sflag:s15] =	ssyncset.done $0x0  }
0x38: {  	[sflag:s15] =	ssyncadd.s32 $0xFFFFC000  }
0x39: {  	s28 =	sadd.s32 $0x0, s13;
	[bflag:$0x0] =	sbarrier.arrive $0xFFFF  }
0x3a: {  	[tilespmem:s16], [sflag:$0x1] =	stream.linear.gather [hbm4b:s28+s2], $0xC8, $0x38;
	[tilespmem:$0x1E500] =	vst v63  }
0x3b: {  	_ =	swait.ge [sflag:s15], $0xC8  }
0x3c: {  	[sflag:s15] =	ssyncset.done $0x0  }
0x3d: {  	[sflag:s15] =	ssyncadd.s32 $0xFFFFFF38  }
0x3e: {  	[tilespmem:s19], [sflag:$0x1] =	stream.strided.gather [hbm4b:s12+s17], $0x6400, s18, s17, $0x38;
	[tilespmem:$0x1E500] =	vst v63  }
0x3f: {  	_ =	swait.ge [sflag:s15], $0x6400  }
0x40: {  	[sflag:s15] =	ssyncset.done $0x0  }
0x41: {  	[sflag:s15] =	ssyncadd.s32 $0xFFFF9C00  }
0x42: {  	[spmem:s1] =	stream.indirect.scatter.add.f32 [tilespmem:s19], [sflag:$0x1], $0x80, s16, s20, $0xb8;
	[tilespmem:$0x1E500] =	vst v63  }
0x43: {  	s29 =	simm.s32 $0x19;
	_ =	swait.ge [sflag:s15], $0x6400  }
0x44: {  	s30 =	simm.s32 $0x32;
	s28 =	sadd.s32 $0x1900, s12;
	[sflag:s15] =	ssyncset.done $0x0  }
.LBB2_4:
0x45: {  	s31 =	sadd.s32 s29, s13  }
0x46: {  	[sflag:s15] =	ssyncadd.s32 $0xFFFF9C00;
	s29 =	smov.u32 s30;
	s0 =	sadd.s32 $0x19, s30  }
0x47: {  	[tilespmem:s16], [sflag:$0x1] =	stream.linear.gather [hbm4b:s31+s2], $0xC8, $0x38;
	[tilespmem:$0x1E500] =	vst v63  }
0x48: {  	p1 =	sne.s32 s30, $0x4C9;
	_ =	swait.ge [sflag:s15], $0xC8  }
0x49: {  	[sflag:s15] =	ssyncset.done $0x0  }
0x4a: {  	[sflag:s15] =	ssyncadd.s32 $0xFFFFFF38  }
0x4b: {  	[tilespmem:s19], [sflag:$0x1] =	stream.strided.gather [hbm4b:s28+s17], $0x6400, s18, s17, $0x38;
	[tilespmem:$0x1E500] =	vst v63  }
0x4c: {  	_ =	swait.ge [sflag:s15], $0x6400  }
.Ltmp1:
0x4d: {  	[sflag:s15] =	ssyncset.done $0x0;
	(pc) =	sbr.rel @p1 .LBB2_4-.Ltmp1, $4  }
0x4e: {  	[sflag:s15] =	ssyncadd.s32 $0xFFFF9C00  }
0x4f: {  	[spmem:s1] =	stream.indirect.scatter.add.f32 [tilespmem:s19], [sflag:$0x1], $0x80, s16, s20, $0xb8;
	[tilespmem:$0x1E500] =	vst v63  }
0x50: {  	_ =	swait.ge [sflag:s15], $0x6400  }
0x51: {  	s30 =	smov.u32 s0;
	s28 =	sadd.s32 $0x1900, s28;
	[sflag:s15] =	ssyncset.done $0x0  }
0x52: {  	s0 =	sadd.s32 s29, s13;
	[sflag:s15] =	ssyncadd.s32 $0xFFFF9C00  }
0x53: {  	[tilespmem:s16], [sflag:$0x1] =	stream.linear.gather [hbm4b:s0+s2], $0xC8, $0x38;
	[tilespmem:$0x1E500] =	vst v63  }
0x54: {  	_ =	swait.ge [sflag:s15], $0xC8  }
0x55: {  	[sflag:s15] =	ssyncset.done $0x0  }
0x56: {  	[sflag:s15] =	ssyncadd.s32 $0xFFFFFF38  }
0x57: {  	[tilespmem:s19], [sflag:$0x1] =	stream.strided.gather [hbm4b:s28+s17], $0x6400, s18, s17, $0x38;
	[tilespmem:$0x1E500] =	vst v63  }
0x58: {  	_ =	swait.ge [sflag:s15], $0x6400  }
0x59: {  	[sflag:s15] =	ssyncset.done $0x0  }
0x5a: {  	[sflag:s15] =	ssyncadd.s32 $0xFFFF9C00  }
0x5b: {  	[spmem:s1] =	stream.indirect.scatter.add.f32 [tilespmem:s19], [sflag:$0x1], $0x80, s16, s20, $0xb8;
	[tilespmem:$0x1E500] =	vst v63  }
0x5c: {  	_ =	swait.ge [sflag:s15], $0x6400  }
0x5d: {  	[sflag:s15] =	ssyncset.done $0x0  }
0x5e: {  	s31 =	sshll.u32 s3, $0x6;
	[sflag:s15] =	ssyncadd.s32 $0xFFFF9C00  }
0x5f: {  	s0 =	sor.u32 $0x1C01, s31;
	[bflag:$0x0] =	sbarrier.arrive $0xFFFF  }
0x60: {  	[hbm:s9@s23], [sflag:s0] =	dma.strided [spmem:s21@s24], $0x2700, s22, $0x10   }
0x61: {  	s29 =	simm.s32 @!p0 $0x100;
	_ =	swait.ge [sflag:s15], $0x2700  }
0x62: {  	s30 =	simm.s32 @!p0 $0x80;
	s26 =	sadd.s32 $0x1, s26;
	[sflag:s15] =	ssyncset.done $0x0  }
0x63: {  	p1 =	sne.s32 s26, s11;
	s28 =	simm.s32 @!p0 $0x8;
	[sflag:s15] =	ssyncadd.s32 $0xFFFFD900  }
0x64: {  	[hbm:s10@s29], [sflag:s0] =	dma.strided @!p0 [spmem:s25@s30], $0x100, s28, $0x10   }
.Ltmp2:
0x65: {  	_ = 	snop;
	(pc) =	sbr.rel @p1 .LBB2_1-.Ltmp2, $4  }
0x66: {  	s0 =	simm.s32 @!p0 $0x1  }
0x67: {  	_ =	swait.ge @!p0 [sflag:s0], $0x100  }
0x68: {  	[sflag:s0] =	ssyncset.done @!p0 $0x0  }
0x69: {  	[sflag:s0] =	ssyncadd.s32 @!p0 $0xFFFFFF00  }
0x6a: {  	_ =	sfence.sel $0x180000  }
0x6b: {  	[bflag:$0x0] =	sbarrier.arrive $0xFFFF  }
0x6c: {  	_ =	strace $0x9000004D  }
0x6d: {  	[bflag:$0x2] =	sbarrier.arrive $0xFFFF  }
0x6e: {  	s0 =	rddreg [dreg:$0x3]  }
0x6f: {  	s0 =	sadd.s32 @!p0 $0x100000, s0  }
0x70: {  	[sflag:s0] =	ssyncadd.tile.s32 @!p0 $0x1;
	_ =	shalt  }
.Lfunc_end2:
_tile_overlayer_lowered:
.L_overlay_start_2:
0x71: {  	(tag) =	ssettag $0x2  }
0x72: {  	s0 =	rddreg [dreg:$0x0];
	s2 =	stileid.u32  }
0x73: {  	s1 =	rddreg [dreg:$0x1];
	p0 =	sne.s32 s2, $0x0  }
0x74: {  	s3 =	rddreg [dreg:$0x2];
	[bflag:$0x3] =	sbarrier.arrive $0xFFFF;
	s2 =	simm.s32 @!p0 $0x1C01  }
0x75: {  	[timem:s3], [sflag:s2] =	dma.local @!p0 [hbm:s0], s1  }
0x76: {  	s0 =	simm.s32 @!p0 $0x1  }
0x77: {  	_ =	swait.ge @!p0 [sflag:s0], s1  }
0x78: {  	s1 =	ssub.s32 @!p0 $0x0, s1;
	[sflag:s0] =	ssyncset.done @!p0 $0x0  }
0x79: {  	[sflag:s0] =	ssyncadd.s32 @!p0 s1  }
0x7a: {  	[bflag:$0x3] =	sbarrier.arrive $0xFFFF  }
0x7b: {  	_ =	shalt  }

// kernel: kernel.21.cloned.1.call-start
scs
__scs_entry_jumppad:
0x0: {  	(pc) =	sbr.rel $0x88, $3  }
0x1: {  	(tag) =	ssettag $0x0;
	lr =	simm.s32 $0x1  }
0x2: {  	[smem:$0x3F73] =	sst lr;
	_ =	strace $0xD0000000  }
0x3: {  	_ = 	snop  }
0x4: {  	_ = 	snop  }
0x5: {  	_ = 	snop  }
0x6: {  	_ = 	snop  }
0x7: {  	_ = 	snop  }
__scs_overlays_trampoline_lowered:
0x8: {  	[smem:$0x3F82] =	sst s0  }
0x9: {  	[smem:$0x3F83] =	sst s1  }
0xa: {  	[smem:$0x3F84] =	sst s2  }
0xb: {  	[smem:$0x3F85] =	sst s3  }
0xc: {  	[smem:$0x3F86] =	sst s4  }
0xd: {  	[smem:$0x3F87] =	sst s5  }
0xe: {  	[smem:$0x3F88] =	sst s6  }
0xf: {  	[smem:$0x3F89] =	sst s7  }
0x10: {  	[smem:$0x3F8A] =	sst s8  }
0x11: {  	[smem:$0x3F8B] =	sst s9;
	s0 =	simm.s32 @!p0 $0x0  }
0x12: {  	s1 =	sld [smem:$0x3F71];
	s0 =	simm.s32 @p0 $0x1  }
0x13: {  	[smem:$0x3F8C] =	sst s0;
	s0 =	simm.s32 @!p1 $0x0  }
0x14: {  	s2 =	sld [smem:$0x3F70];
	s0 =	simm.s32 @p1 $0x1  }
0x15: {  	[smem:$0x3F8D] =	sst s0;
	s0 =	simm.s32 @!p2 $0x0  }
0x16: {  	s3 =	sld [smem:$0x3FDB];
	s0 =	simm.s32 @p2 $0x1  }
0x17: {  	s4 =	simm.s32 $0x1BF5;
	[smem:$0x3F8F] =	sst s0  }
0x18: {  	s0 =	sld [smem:$0x3F72];
	_ =	swait.ge [sflag:s4], $0x0  }
0x19: {  	s7 =	sld [smem:$0x3F73]  }
0x1a: {  	s8 =	sadd.s32 $0xFFFFE003, lr  }
0x1b: {  	s9 =	sadd.s32 $0xFFFFFEF7, lr;
	s5 =	simm.s32 $0xFFFFFFFF;
	p2 =	slt.u32 s8, $0xFFFFF086  }
0x1c: {  	p1 =	slt.u32 s9, $0xF7A;
	s5 =	simm.s32 @!p2 $0x0  }
0x1d: {  	s5 =	simm.s32 @p1 $0x1;
	p0 =	seq.s32 s7, s2  }
0x1e: {  	s7 =	smul.u32 @!p0 $0xF7A, s2;
	p2 =	seq.s32 @!p0 s5, $0x0  }
0x1f: {  	s9 =	smul.u32 $0xF7A, s1;
	s8 =	simm.s32 @!p0 $0x1BF5;
	p2 =	por !p2, p0  }
0x20: {  	[sflag:s8] =	ssyncset.s32 @!p0 $0xFFFFF086;
	s6 =	sadd.s32 @!p0 s3, s7;
	s7 =	simm.s32 @!p0 $0x108  }
0x21: {  	s3 =	sadd.s32 s3, s9;
	s6 =	sadd.s32 @!p0 $0x88, s6;
	s7 =	simm.s32 @p2 $0x1082  }
0x22: {  	[simem:s7], [sflag:s8] =	dma.local @!p0 [hbm:s6], $0xF7A  }
0x23: {  	s9 =	sor.u32 $0xD0000000, s2;
	s6 =	simm.s32 $0x108;
	_ =	swait.ge @!p0 [sflag:s8], $0x0  }
0x24: {  	s3 =	sadd.s32 $0x88, s3;
	s6 =	simm.s32 @!p1 $0x1082;
	[sflag:s4] =	ssyncset.s32 $0xFFFFF086  }
0x25: {  	[simem:s6], [sflag:s4] =	dma.local [hbm:s3], $0xF7A  }
0x26: {  	[smem:$0x3F73] =	sst s1;
	(tag) =	ssettag s2;
	_ =	strace s9  }
0x27: {  	s1 =	sld [smem:$0x3F83]  }
0x28: {  	s2 =	sld [smem:$0x3F84]  }
0x29: {  	s4 =	sld [smem:$0x3F86]  }
0x2a: {  	p0 =	seq.s32 s5, $0x0;
	s5 =	sld [smem:$0x3F87]  }
0x2b: {  	s6 =	sld [smem:$0x3F88]  }
0x2c: {  	s7 =	sld [smem:$0x3F89]  }
0x2d: {  	s3 =	simm.s32 $0x108;
	s8 =	sld [smem:$0x3F8A]  }
0x2e: {  	s3 =	simm.s32 @!p0 $0x1082;
	s9 =	sld [smem:$0x3F8B]  }
0x2f: {  	lr =	sadd.s32 s0, s3;
	s0 =	sld [smem:$0x3F82]  }
0x30: {  	s3 =	sld [smem:$0x3F85]  }
0x31: {  	[smem:$0x3F8E] =	sst s10  }
0x32: {  	s10 =	sld [smem:$0x3F8C];
	_ =	sdelay $0x3  }
0x33: {  	p0 =	seq.s32 s10, $0x1;
	s10 =	sld [smem:$0x3F8E];
	_ =	sdelay $0x3  }
0x34: {  	[smem:$0x3F8E] =	sst s10  }
0x35: {  	s10 =	sld [smem:$0x3F8D];
	_ =	sdelay $0x3  }
0x36: {  	p1 =	seq.s32 s10, $0x1;
	s10 =	sld [smem:$0x3F8E];
	_ =	sdelay $0x3  }
0x37: {  	[smem:$0x3F8E] =	sst s10  }
0x38: {  	s10 =	sld [smem:$0x3F8F]  }
0x39: {  	_ = 	snop;
	(pc) =	sbr.ind lr, $3  }
0x3a: {  	_ = 	snop  }
0x3b: {  	_ = 	snop  }
0x3c: {  	p2 =	seq.s32 s10, $0x1;
	s10 =	sld [smem:$0x3F8E]  }
0x3d: {  	_ =	shalt  }
0x3e: {  	_ =	shalt  }
0x3f: {  	_ =	shalt  }
0x40: {  	_ =	shalt  }
0x41: {  	_ =	shalt  }
0x42: {  	_ =	shalt  }
0x43: {  	_ =	shalt  }
0x44: {  	_ =	shalt  }
0x45: {  	_ =	shalt  }
0x46: {  	_ =	shalt  }
0x47: {  	_ =	shalt  }
0x48: {  	_ =	shalt  }
0x49: {  	_ =	shalt  }
0x4a: {  	_ =	shalt  }
0x4b: {  	_ =	shalt  }
0x4c: {  	_ =	shalt  }
0x4d: {  	_ =	shalt  }
0x4e: {  	_ =	shalt  }
0x4f: {  	_ =	shalt  }
0x50: {  	_ =	shalt  }
0x51: {  	_ =	shalt  }
0x52: {  	_ =	shalt  }
0x53: {  	_ =	shalt  }
0x54: {  	_ =	shalt  }
0x55: {  	_ =	shalt  }
0x56: {  	_ =	shalt  }
0x57: {  	_ =	shalt  }
0x58: {  	_ =	shalt  }
0x59: {  	_ =	shalt  }
0x5a: {  	_ =	shalt  }
0x5b: {  	_ =	shalt  }
0x5c: {  	_ =	shalt  }
0x5d: {  	_ =	shalt  }
0x5e: {  	_ =	shalt  }
0x5f: {  	_ =	shalt  }
0x60: {  	_ =	shalt  }
0x61: {  	_ =	shalt  }
0x62: {  	_ =	shalt  }
0x63: {  	_ =	shalt  }
0x64: {  	_ =	shalt  }
0x65: {  	_ =	shalt  }
0x66: {  	_ =	shalt  }
0x67: {  	_ =	shalt  }
0x68: {  	_ =	shalt  }
0x69: {  	_ =	shalt  }
0x6a: {  	_ =	shalt  }
0x6b: {  	_ =	shalt  }
0x6c: {  	_ =	shalt  }
0x6d: {  	_ =	shalt  }
0x6e: {  	_ =	shalt  }
0x6f: {  	_ =	shalt  }
0x70: {  	_ =	shalt  }
0x71: {  	_ =	shalt  }
0x72: {  	_ =	shalt  }
0x73: {  	_ =	shalt  }
0x74: {  	_ =	shalt  }
0x75: {  	_ =	shalt  }
0x76: {  	_ =	shalt  }
0x77: {  	_ =	shalt  }
0x78: {  	_ =	shalt  }
0x79: {  	_ =	shalt  }
0x7a: {  	_ =	shalt  }
0x7b: {  	_ =	shalt  }
0x7c: {  	_ =	shalt  }
0x7d: {  	_ =	shalt  }
0x7e: {  	_ =	shalt  }
0x7f: {  	_ =	shalt  }
0x80: {  	_ =	shalt  }
0x81: {  	_ =	shalt  }
0x82: {  	_ =	shalt  }
0x83: {  	_ =	shalt  }
0x84: {  	_ =	shalt  }
0x85: {  	_ =	shalt  }
0x86: {  	_ =	shalt  }
0x87: {  	_ =	shalt  }
.Lfunc_end0:
.L_simem_size_0:
called_computation.2_lowered:
.L_overlay_start_0:
0x88: {  	s2 =	sld [smem:$0x3FD9]  }
0x89: {  	s3 =	sld [smem:$0x3FFE];
	_ =	sdelay $0x1  }
0x8a: {  	s1 =	srdreg.scid  }
0x8b: {  	s0 =	sand.u32 $0x1, s1  }
0x8c: {  	s14 =	sshll.u32 s0, $0xA;
	s2 =	sadd.s32 s3, s2  }
0x8d: {  	s2 =	sadd.s32 s2, s14  }
0x8e: {  	[smem:$0x3F9A] =	sst s2  }
0x8f: {  	_ = 	snop  }
0x90: {  	s2 =	sld [smem:$0x3FD0];
	_ =	sdelay $0x2  }
0x91: {  	s15 =	simm.s32 $0xB;
	s4 =	simm.s32 $0x10  }
0x92: {  	[smem:s4], [sflag:s15] =	dma.local [hbm:s2], $0x1  }
0x93: {  	_ =	swait.eq [sflag:s15], $0x1  }
0x94: {  	[sflag:s15] =	ssyncset.done $0x0  }
0x95: {  	[sflag:s15] =	ssyncadd.s32 $0xFFFFFFFF  }
0x96: {  	s16 =	sld [smem:$0x11];
	(tm) =	ssettm $0x1  }
0x97: {  	s17 =	sld [smem:$0x3FFB];
	_ =	sdelay $0x3  }
0x98: {  	_ =	strace s17  }
0x99: {  	s3 =	sld [smem:$0x3FFC];
	_ =	sdelay $0x3  }
0x9a: {  	_ =	strace s3  }
0x9b: {  	s3 =	sld [smem:$0x3FFD];
	_ =	sdelay $0x3  }
0x9c: {  	_ =	strace s3  }
0x9d: {  	_ =	strace $0x8FFFFFFF  }
0x9e: {  	s18 =	sld [smem:$0x3FDB];
	_ =	sdelay $0x1  }
0x9f: {  	s19 =	simm.s32 $_scs_section_size  }
0xa0: {  	s5 =	simm.s32 $_size__tile_overlayer_lowered;
	s6 =	simm.s32 $_tile_overlayer_lowered  }
0xa1: {  	s22 =	simm.s32 $0x1BFF;
	s21 =	sshll.u32 s6, $0x1;
	s3 =	sadd.s32 s19, s18  }
0xa2: {  	s7 =	simm.s32 $0x0;
	s20 =	sshll.u32 s5, $0x1;
	s5 =	sadd.s32 s21, s3  }
0xa3: {  	[timem:s7], [sflag:s22] =	dma.local [hbm:s5], s20  }
0xa4: {  	_ =	swait.ge [sflag:s22], s20  }
0xa5: {  	s4 =	ssub.s32 $0x0, s20;
	[sflag:s22] =	ssyncset.done $0x0  }
0xa6: {  	[sflag:s22] =	ssyncadd.s32 s4;
	_ =	sdelay $0x1  }
0xa7: {  	s23 =	simm.s32 $0x1B8B  }
0xa8: {  	_ =	swait.ge [sflag:s23], $0x1  }
0xa9: {  	[sflag:s23] =	ssyncset.done $0x0  }
0xaa: {  	s25 =	simm.s32 $0x1B8E;
	s24 =	sld [smem:$0x3FFE];
	[sflag:s23] =	ssyncadd.s32 $0xFFFFFFFF  }
0xab: {  	s26 =	simm.s32 $execute0_lowered;
	[smem:$0x3FD2] =	sst s25  }
0xac: {  	s5 =	sshll.u32 s26, $0x1;
	_ =	strace $0x80000049;
	[dreg:$0x1] =	wrdreg $0xFFFFFFFF  }
0xad: {  	s28 =	simm.s32 $_size_execute0_lowered;
	s3 =	sadd.s32 s3, s5;
	[dreg:$0x0] =	wrdreg $0x0  }
0xae: {  	s5 =	sshll.u32 s28, $0x1;
	[dreg:$0x2] =	wrdreg s3  }
0xaf: {  	[dreg:$0x3] =	wrdreg s5  }
0xb0: {  	[dreg:$0x4] =	wrdreg $0xC0  }
0xb1: {  	_ =	task [dreg:s7], $0x5FFFF  }
0xb2: {  	[dreg:$0x1] =	wrdreg $0xFFFFFFFF  }
0xb3: {  	[dreg:$0x0] =	wrdreg $0x60  }
0xb4: {  	[dreg:$0x2] =	wrdreg s24  }
0xb5: {  	[dreg:$0x3] =	wrdreg s16  }
0xb6: {  	[dreg:$0x4] =	wrdreg $0xA  }
0xb7: {  	_ =	task.clear_ibuf [dreg:s7], $0x5FFFF;
	_ =	strace $0x90000049  }
0xb8: {  	s29 =	simm.s32 $0xA;
	_ =	strace $0x8000004B  }
0xb9: {  	_ =	swait.ge [sflag:s29], $0x1  }
0xba: {  	[sflag:s29] =	ssyncadd.s32 $0xFFFFFFFF  }
0xbb: {  	_ =	strace $0x9000004B  }
0xbc: {  	_ =	sfence  }
0xbd: {  	s30 =	sld [smem:$0x0];
	_ =	sdelay $0x2  }
0xbe: {  	s31 =	sshll.u32 s1, $0xD;
	s1 =	sshrl.u32 s1, $0x2  }
0xbf: {  	s3 =	sand.u32 $0x4000, s31;
	s1 =	sadd.s32 s1, s30  }
0xc0: {  	s0 =	sor.u32 s3, s0;
	s1 =	sshll.u32 s1, $0x11  }
0xc1: {  	s0 =	sor.u32 s1, s0  }
0xc2: {  	s0 =	sadd.s32 $0x8F2B, s0  }
0xc3: {  	[sflag:s0] =	ssyncadd.remote.s32 $0x1  }
0xc4: {  	_ =	sfence.sel $0xFFFF  }
0xc5: {  	[dreg:$0x0] =	wrdreg $0xFFFFFFFF;
	(pc) =	sbr.abs _section_cstart, $3  }
0xc6: {  	[dreg:$0x1] =	wrdreg $0xFFFFFFFF  }
0xc7: {  	_ =	task.clear_ibuf [dreg:s7], $0x2FFFF;
	_ =	strace $0x9FFFFFFF  }
0xc8: {  	(tm) =	ssettm $0x7FFFFFFF  }
0xc9: {  	_ =	shalt  }
tec
execute0_lowered:
.L_overlay_start_1:
0x0: {  	(tag) =	ssettag $0x1  }
0x1: {  	v1 =	vimm.s32 $0x2B80  }
0x2: {  	vm0 =	vcmask $0x300;
	v2 =	vimm.s32 $0xA380;
	vm1 =	vcmask $0x704  }
0x3: {  	vm15 =	vcmask $0xB08;
	v1 =	vsel vm0, $0x0, v1;
	v2 =	vsel vm0, $0x0, v2  }
0x4: {  	vm4 =	vcmask $0xF0C;
	v1 =	vsel vm1, $0x80, v1;
	v2 =	vsel vm1, $0x80, v2  }
0x5: {  	vm5 =	vcmask $0x1310;
	v1 =	vsel vm15, $0x100, v1;
	v2 =	vsel vm15, $0x100, v2  }
0x6: {  	vm6 =	vcmask $0x1714;
	v1 =	vsel vm4, $0x180, v1;
	v2 =	vsel vm4, $0x180, v2  }
0x7: {  	s0 =	srdreg.scid;
	vm7 =	vcmask $0x1B18;
	v1 =	vsel vm5, $0x200, v1;
	v2 =	vsel vm5, $0x200, v2  }
0x8: {  	s5 =	rddreg [dreg:$0x0];
	vm8 =	vcmask $0x1F1C;
	s4 =	sand.u32 $0x1, s0;
	v1 =	vsel vm6, $0x280, v1;
	v2 =	vsel vm6, $0x280, v2  }
0x9: {  	s2 =	rddreg [dreg:$0x1];
	vm9 =	vcmask $0x2320;
	s0 =	smul.u32 $0xFFFFEC00, s4;
	v1 =	vsel vm7, $0x300, v1;
	v2 =	vsel vm7, $0x300, v2  }
0xa: {  	s1 =	rddreg [dreg:$0x2];
	s3 =	simm.s32 $0x0;
	vm10 =	vcmask $0x2724;
	s9 =	simm.s32 $0x1;
	v1 =	vsel vm8, $0x380, v1;
	v2 =	vsel vm8, $0x380, v2  }
0xb: {  	s10 =	simm.s32 $0x138800;
	s7 =	smul.u32 $0xA000, s4;
	v0 =	vmov s0;
	s0 =	stileid.u32;
	v1 =	vsel vm9, $0x2800, v1;
	v2 =	vsel vm9, $0xA000, v2  }
0xc: {  	vm11 =	vcmask $0x2B28;
	s11 =	simm.s32 $0x14500;
	s12 =	simm.s32 $0xA000;
	s6 =	smul.u32 $0x28000, s0;
	v1 =	vsel vm10, $0x2880, v1;
	v2 =	vsel vm10, $0xA080, v2  }
0xd: {  	vm12 =	vcmask $0x2F2C;
	s13 =	simm.s32 $0x14000;
	s14 =	simm.s32 $0x0;
	[smem:$0x7FF] =	sst s3;
	v1 =	vsel vm11, $0x2900, v1;
	v2 =	vsel vm11, $0xA100, v2  }
0xe: {  	vm13 =	vcmask $0x3330;
	_ =	strace $0x8000004A;
	s31 =	ssub.s32 $0x2, s4;
	s6 =	sadd.s32 s7, s6;
	v1 =	vsel vm12, $0x2980, v1;
	v2 =	vsel vm12, $0xA180, v2  }
0xf: {  	vm14 =	vcmask $0x3734;
	s4 =	sadd.s32 $0xABC400, s5;
	s8 =	sshrl.u32 s31, $0x1;
	s6 =	sshrl.u32 s6, $0x3;
	v1 =	vsel vm13, $0x2A00, v1;
	v2 =	vsel vm13, $0xA200, v2  }
0x10: {  	vm15 =	vcmask $0x3B38;
	s7 =	ssub.s32 s31, s8;
	s8 =	simm.s32 $0x2800;
	s6 =	sadd.s32 s6, s5;
	v3 =	vsel vm14, $0x2A80, v1;
	v4 =	vsel vm14, $0xA280, v2  }
0x11: {  	s7 =	smax.u32 s7, $0x1;
	s5 =	smul.u32 $0x271000, s0;
	s6 =	sadd.s32 $0xF8200, s6;
	v1 =	vimm.f32 $-Inf;
	v2 =	vsel vm15, $0x2B00, v3;
	v3 =	vsel vm15, $0xA300, v4  }
.LBB2_1:
0x12: {  	s15 =	sand.u32 $0x70, s3;
	s16 =	sand.u32 $0xFC00, s3  }
0x13: {  	s15 =	sor.u32 s15, s16  }
0x14: {  	[tilespmem:s15+$0x80] =	vst v1  }
0x15: {  	[tilespmem:s15+$0x100] =	vst v1  }
0x16: {  	s19 =	sand.u32 $0x7, s3;
	[tilespmem:s15+$0x180] =	vst v1  }
0x17: {  	s17 =	simm.s32 $0x10;
	s18 =	simm.s32 $0x0;
	s16 =	simm.s32 $0x0;
	[tilespmem:s15+$0x200] =	vst v1  }
.LBB2_2:
0x18: {  	p0 =	sne.s32 s17, $0x13F0;
	s19 =	sshll.u32 s19, $0x4;
	[tilespmem:s15+$0x280] =	vst v1  }
0x19: {  	s19 =	sadd.s32 s19, s16;
	[tilespmem:s15+$0x300] =	vst v1  }
0x1a: {  	[tilespmem:s15+$0x0] =	vst v1;
	s19 =	sor.u32 $0x380, s19  }
0x1b: {  	[tilespmem:s19+$0x0] =	vst v1  }
0x1c: {  	[tilespmem:s15+$0xA000] =	vst v1  }
0x1d: {  	[tilespmem:s15+$0xA080] =	vst v1  }
0x1e: {  	[tilespmem:s15+$0xA100] =	vst v1  }
0x1f: {  	[tilespmem:s15+$0xA180] =	vst v1  }
0x20: {  	[tilespmem:s15+$0xA200] =	vst v1  }
0x21: {  	s16 =	sadd.s32 $0x80, s16;
	[tilespmem:s15+$0xA280] =	vst v1  }
0x22: {  	s20 =	sand.u32 $0xFC00, s16;
	s19 =	sand.u32 $0x70, s17;
	[tilespmem:s15+$0xA300] =	vst v1  }
.Ltmp0:
0x23: {  	[tilespmem:s15+$0xA380] =	vst v1;
	s15 =	sor.u32 s19, s20;
	(pc) =	sbr.rel @p0 .LBB2_2-.Ltmp0, $4  }
0x24: {  	[tilespmem:s15+$0x80] =	vst v1  }
0x25: {  	[tilespmem:s15+$0x100] =	vst v1  }
0x26: {  	s18 =	sadd.s32 $0x1, s18;
	[tilespmem:s15+$0x180] =	vst v1  }
0x27: {  	s17 =	sadd.s32 $0x10, s17;
	s19 =	sand.u32 $0x7, s18;
	[tilespmem:s15+$0x200] =	vst v1  }
0x28: {  	s17 =	sshll.u32 s19, $0x4;
	[tilespmem:s15+$0x280] =	vst v1  }
0x29: {  	[tilespmem:s15+$0x300] =	vst v1;
	s16 =	sadd.s32 s17, s16  }
0x2a: {  	[tilespmem:s15+$0x0] =	vst v1;
	s16 =	sor.u32 $0x380, s16  }
0x2b: {  	[tilespmem:s16+$0x0] =	vst v1  }
0x2c: {  	[tilespmem:s15+$0xA000] =	vst v1  }
0x2d: {  	[tilespmem:s15+$0xA080] =	vst v1  }
0x2e: {  	[tilespmem:s15+$0xA100] =	vst v1  }
0x2f: {  	[tilespmem:s15+$0xA180] =	vst v1  }
0x30: {  	[tilespmem:s15+$0xA200] =	vst v1  }
0x31: {  	[tilespmem:s15+$0xA280] =	vst v1  }
0x32: {  	[tilespmem:s15+$0xA300] =	vst v1  }
0x33: {  	[tilespmem:s15+$0xA380] =	vst v1;
	s15 =	simm.s32 $0x0  }
.LBB2_4:
0x34: {  	s16 =	smul.u32 $0xA0, s15;
	_ =	sdelay $0x1  }
0x35: {  	s18 =	smul.u32 $0x2800, s15;
	s17 =	sadd.s32 s2, s16;
	s16 =	simm.s32 $0x14000  }
0x36: {  	[tilespmem:s16], [sflag:$0x1] =	stream.linear.gather [hbm4b:s17+s3], $0x500, $0x38;
	[tilespmem:$0x19500] =	vst v63  }
0x37: {  	s31 =	sadd.s32 s5, s18;
	_ =	swait.ge [sflag:s9], $0x500  }
0x38: {  	s17 =	sshrl.u32 s31, $0x3;
	[sflag:s9] =	ssyncset.done $0x0  }
0x39: {  	s17 =	sadd.s32 s4, s17;
	[sflag:s9] =	ssyncadd.s32 $0xFFFFFB00  }
0x3a: {  	[tilespmem:s11], [sflag:$0x1] =	stream.strided.gather [hbm4b:s17+s8], $0x5000, s10, s8, $0x38;
	[tilespmem:$0x19500] =	vst v63  }
0x3b: {  	_ =	swait.ge [sflag:s9], $0x5000  }
0x3c: {  	[sflag:s9] =	ssyncset.done $0x0  }
0x3d: {  	s17 =	simm.s32 $0xF;
	[sflag:s9] =	ssyncadd.s32 $0xFFFFB000  }
.LBB2_5:
0x3e: {  	v4 =	vld [tilespmem:s16+$0x0];
	_ =	sdelay $0x4  }
0x3f: {  	v4 =	vadd.s32 v0, v4  }
0x40: {  	(v2sf) =	vpush v4, $0x0;
	_ =	sdelay $0xe  }
0x41: {  	s18 =	spop (v2sf)  }
0x42: {  	p0 =	sgt.u32 s18, $0x13FF  }
0x43: {  	s18 =	sadd.s32 @!p0 $0xFFFFFFF1, s17  }
0x44: {  	(v2sf) =	vpush v4, $0x1;
	v5 =	vbroadcast @!p0 v4, $0x0;
	v6 =	vmov @!p0 s18  }
0x45: {  	v7 =	vshll.u32 @!p0 v6, $0x3  }
0x46: {  	v6 =	vand.u32 @!p0 $0x70, v6;
	v8 =	vshll.u32 @!p0 v5, $0x3;
	v7 =	vand.u32 @!p0 $0x3C00, v7  }
0x47: {  	v5 =	vand.u32 @!p0 $0x7F, v5;
	v6 =	vor.u32 @!p0 v6, v7;
	v7 =	vand.u32 @!p0 $0xFFFFFC00, v8  }
0x48: {  	v6 =	vadd.s32 @!p0 v2, v6;
	v5 =	vor.u32 @!p0 v5, v7  }
0x49: {  	v5 =	vadd.s32 @!p0 v3, v5;
	_ =	sdelay $0x3  }
0x4a: {  	v6 =	vld.idx.msk @!p0 [tilespmem:v6+s11+$0x0], $0xffff  }
0x4b: {  	v7 =	vld.idx.msk @!p0 [tilespmem:v5+s3+$0x0], $0xffff;
	_ =	sdelay $0x4  }
0x4c: {  	s29 =	spop (v2sf);
	v6 =	vmax.f32 @!p0 v7, v6  }
0x4d: {  	[tilespmem:v5+s3+$0x0] =	vst.idx.msk @!p0 $0xffff, v6;
	p0 =	sgt.u32 s29, $0x13FF  }
0x4e: {  	s18 =	sadd.s32 @!p0 $0xFFFFFFF2, s17  }
0x4f: {  	(v2sf) =	vpush v4, $0x2;
	v5 =	vbroadcast @!p0 v4, $0x1;
	v6 =	vmov @!p0 s18  }
0x50: {  	v7 =	vshll.u32 @!p0 v6, $0x3  }
0x51: {  	v6 =	vand.u32 @!p0 $0x71, v6;
	v8 =	vshll.u32 @!p0 v5, $0x3;
	v7 =	vand.u32 @!p0 $0x3C00, v7  }
0x52: {  	v5 =	vand.u32 @!p0 $0x7F, v5;
	v6 =	vor.u32 @!p0 v6, v7;
	v7 =	vand.u32 @!p0 $0xFFFFFC00, v8  }
0x53: {  	v6 =	vadd.s32 @!p0 v2, v6;
	v5 =	vor.u32 @!p0 v5, v7  }
0x54: {  	v5 =	vadd.s32 @!p0 v3, v5;
	_ =	sdelay $0x3  }
0x55: {  	v6 =	vld.idx.msk @!p0 [tilespmem:v6+s11+$0x0], $0xffff  }
0x56: {  	v7 =	vld.idx.msk @!p0 [tilespmem:v5+s3+$0x0], $0xffff;
	_ =	sdelay $0x4  }
0x57: {  	s30 =	spop (v2sf);
	v6 =	vmax.f32 @!p0 v7, v6  }
0x58: {  	[tilespmem:v5+s3+$0x0] =	vst.idx.msk @!p0 $0xffff, v6;
	p0 =	sgt.u32 s30, $0x13FF  }
0x59: {  	s18 =	sadd.s32 @!p0 $0xFFFFFFF3, s17  }
0x5a: {  	(v2sf) =	vpush v4, $0x3;
	v5 =	vbroadcast @!p0 v4, $0x2;
	v6 =	vmov @!p0 s18  }
0x5b: {  	v7 =	vshll.u32 @!p0 v6, $0x3  }
0x5c: {  	v6 =	vand.u32 @!p0 $0x72, v6;
	v8 =	vshll.u32 @!p0 v5, $0x3;
	v7 =	vand.u32 @!p0 $0x3C00, v7  }
0x5d: {  	v5 =	vand.u32 @!p0 $0x7F, v5;
	v6 =	vor.u32 @!p0 v6, v7;
	v7 =	vand.u32 @!p0 $0xFFFFFC00, v8  }
0x5e: {  	v6 =	vadd.s32 @!p0 v2, v6;
	v5 =	vor.u32 @!p0 v5, v7  }
0x5f: {  	v5 =	vadd.s32 @!p0 v3, v5;
	_ =	sdelay $0x3  }
0x60: {  	v6 =	vld.idx.msk @!p0 [tilespmem:v6+s11+$0x0], $0xffff  }
0x61: {  	v7 =	vld.idx.msk @!p0 [tilespmem:v5+s3+$0x0], $0xffff;
	_ =	sdelay $0x4  }
0x62: {  	s31 =	spop (v2sf);
	v6 =	vmax.f32 @!p0 v7, v6  }
0x63: {  	[tilespmem:v5+s3+$0x0] =	vst.idx.msk @!p0 $0xffff, v6;
	p0 =	sgt.u32 s31, $0x13FF  }
0x64: {  	s18 =	sadd.s32 @!p0 $0xFFFFFFF4, s17  }
0x65: {  	(v2sf) =	vpush v4, $0x4;
	v5 =	vbroadcast @!p0 v4, $0x3;
	v6 =	vmov @!p0 s18  }
0x66: {  	v7 =	vshll.u32 @!p0 v6, $0x3  }
0x67: {  	v6 =	vand.u32 @!p0 $0x73, v6;
	v8 =	vshll.u32 @!p0 v5, $0x3;
	v7 =	vand.u32 @!p0 $0x3C00, v7  }
0x68: {  	v5 =	vand.u32 @!p0 $0x7F, v5;
	v6 =	vor.u32 @!p0 v6, v7;
	v7 =	vand.u32 @!p0 $0xFFFFFC00, v8  }
0x69: {  	v6 =	vadd.s32 @!p0 v2, v6;
	v5 =	vor.u32 @!p0 v5, v7  }
0x6a: {  	v5 =	vadd.s32 @!p0 v3, v5;
	_ =	sdelay $0x3  }
0x6b: {  	v6 =	vld.idx.msk @!p0 [tilespmem:v6+s11+$0x0], $0xffff  }
0x6c: {  	v7 =	vld.idx.msk @!p0 [tilespmem:v5+s3+$0x0], $0xffff;
	_ =	sdelay $0x4  }
0x6d: {  	s19 =	spop (v2sf);
	v6 =	vmax.f32 @!p0 v7, v6  }
0x6e: {  	[tilespmem:v5+s3+$0x0] =	vst.idx.msk @!p0 $0xffff, v6;
	p0 =	sgt.u32 s19, $0x13FF  }
0x6f: {  	s18 =	sadd.s32 @!p0 $0xFFFFFFF5, s17  }
0x70: {  	(v2sf) =	vpush v4, $0x5;
	v5 =	vbroadcast @!p0 v4, $0x4;
	v6 =	vmov @!p0 s18  }
0x71: {  	v7 =	vshll.u32 @!p0 v6, $0x3  }
0x72: {  	v6 =	vand.u32 @!p0 $0x74, v6;
	v8 =	vshll.u32 @!p0 v5, $0x3;
	v7 =	vand.u32 @!p0 $0x3C00, v7  }
0x73: {  	v5 =	vand.u32 @!p0 $0x7F, v5;
	v6 =	vor.u32 @!p0 v6, v7;
	v7 =	vand.u32 @!p0 $0xFFFFFC00, v8  }
0x74: {  	v6 =	vadd.s32 @!p0 v2, v6;
	v5 =	vor.u32 @!p0 v5, v7  }
0x75: {  	v5 =	vadd.s32 @!p0 v3, v5;
	_ =	sdelay $0x3  }
0x76: {  	v6 =	vld.idx.msk @!p0 [tilespmem:v6+s11+$0x0], $0xffff  }
0x77: {  	v7 =	vld.idx.msk @!p0 [tilespmem:v5+s3+$0x0], $0xffff;
	_ =	sdelay $0x4  }
0x78: {  	s20 =	spop (v2sf);
	v6 =	vmax.f32 @!p0 v7, v6  }
0x79: {  	[tilespmem:v5+s3+$0x0] =	vst.idx.msk @!p0 $0xffff, v6;
	p0 =	sgt.u32 s20, $0x13FF  }
0x7a: {  	s18 =	sadd.s32 @!p0 $0xFFFFFFF6, s17  }
0x7b: {  	(v2sf) =	vpush v4, $0x6;
	v5 =	vbroadcast @!p0 v4, $0x5;
	v6 =	vmov @!p0 s18  }
0x7c: {  	v7 =	vshll.u32 @!p0 v6, $0x3  }
0x7d: {  	v6 =	vand.u32 @!p0 $0x75, v6;
	v8 =	vshll.u32 @!p0 v5, $0x3;
	v7 =	vand.u32 @!p0 $0x3C00, v7  }
0x7e: {  	v5 =	vand.u32 @!p0 $0x7F, v5;
	v6 =	vor.u32 @!p0 v6, v7;
	v7 =	vand.u32 @!p0 $0xFFFFFC00, v8  }
0x7f: {  	v6 =	vadd.s32 @!p0 v2, v6;
	v5 =	vor.u32 @!p0 v5, v7  }
0x80: {  	v5 =	vadd.s32 @!p0 v3, v5;
	_ =	sdelay $0x3  }
0x81: {  	v6 =	vld.idx.msk @!p0 [tilespmem:v6+s11+$0x0], $0xffff  }
0x82: {  	v7 =	vld.idx.msk @!p0 [tilespmem:v5+s3+$0x0], $0xffff;
	_ =	sdelay $0x4  }
0x83: {  	s21 =	spop (v2sf);
	v6 =	vmax.f32 @!p0 v7, v6  }
0x84: {  	[tilespmem:v5+s3+$0x0] =	vst.idx.msk @!p0 $0xffff, v6;
	p0 =	sgt.u32 s21, $0x13FF  }
0x85: {  	s18 =	sadd.s32 @!p0 $0xFFFFFFF7, s17  }
0x86: {  	(v2sf) =	vpush v4, $0x7;
	v5 =	vbroadcast @!p0 v4, $0x6;
	v6 =	vmov @!p0 s18  }
0x87: {  	v7 =	vshll.u32 @!p0 v6, $0x3  }
0x88: {  	v6 =	vand.u32 @!p0 $0x76, v6;
	v8 =	vshll.u32 @!p0 v5, $0x3;
	v7 =	vand.u32 @!p0 $0x3C00, v7  }
0x89: {  	v5 =	vand.u32 @!p0 $0x7F, v5;
	v6 =	vor.u32 @!p0 v6, v7;
	v7 =	vand.u32 @!p0 $0xFFFFFC00, v8  }
0x8a: {  	v6 =	vadd.s32 @!p0 v2, v6;
	v5 =	vor.u32 @!p0 v5, v7  }
0x8b: {  	v5 =	vadd.s32 @!p0 v3, v5;
	_ =	sdelay $0x3  }
0x8c: {  	v6 =	vld.idx.msk @!p0 [tilespmem:v6+s11+$0x0], $0xffff  }
0x8d: {  	v7 =	vld.idx.msk @!p0 [tilespmem:v5+s3+$0x0], $0xffff;
	_ =	sdelay $0x4  }
0x8e: {  	s22 =	spop (v2sf);
	v6 =	vmax.f32 @!p0 v7, v6  }
0x8f: {  	[tilespmem:v5+s3+$0x0] =	vst.idx.msk @!p0 $0xffff, v6;
	p0 =	sgt.u32 s22, $0x13FF  }
0x90: {  	s18 =	sadd.s32 @!p0 $0xFFFFFFF8, s17  }
0x91: {  	(v2sf) =	vpush v4, $0x8;
	v5 =	vbroadcast @!p0 v4, $0x7;
	v6 =	vmov @!p0 s18  }
0x92: {  	v7 =	vshll.u32 @!p0 v6, $0x3  }
0x93: {  	v6 =	vand.u32 @!p0 $0x77, v6;
	v8 =	vshll.u32 @!p0 v5, $0x3;
	v7 =	vand.u32 @!p0 $0x3C00, v7  }
0x94: {  	v5 =	vand.u32 @!p0 $0x7F, v5;
	v6 =	vor.u32 @!p0 v6, v7;
	v7 =	vand.u32 @!p0 $0xFFFFFC00, v8  }
0x95: {  	v6 =	vadd.s32 @!p0 v2, v6;
	v5 =	vor.u32 @!p0 v5, v7  }
0x96: {  	v5 =	vadd.s32 @!p0 v3, v5;
	_ =	sdelay $0x3  }
0x97: {  	v6 =	vld.idx.msk @!p0 [tilespmem:v6+s11+$0x0], $0xffff  }
0x98: {  	v7 =	vld.idx.msk @!p0 [tilespmem:v5+s3+$0x0], $0xffff;
	_ =	sdelay $0x4  }
0x99: {  	s23 =	spop (v2sf);
	v6 =	vmax.f32 @!p0 v7, v6  }
0x9a: {  	[tilespmem:v5+s3+$0x0] =	vst.idx.msk @!p0 $0xffff, v6;
	p0 =	sgt.u32 s23, $0x13FF  }
0x9b: {  	s18 =	sadd.s32 @!p0 $0xFFFFFFF9, s17  }
0x9c: {  	(v2sf) =	vpush v4, $0x9;
	v5 =	vbroadcast @!p0 v4, $0x8;
	v6 =	vmov @!p0 s18  }
0x9d: {  	v7 =	vshll.u32 @!p0 v6, $0x3  }
0x9e: {  	v6 =	vand.u32 @!p0 $0x78, v6;
	v8 =	vshll.u32 @!p0 v5, $0x3;
	v7 =	vand.u32 @!p0 $0x3C00, v7  }
0x9f: {  	v5 =	vand.u32 @!p0 $0x7F, v5;
	v6 =	vor.u32 @!p0 v6, v7;
	v7 =	vand.u32 @!p0 $0xFFFFFC00, v8  }
0xa0: {  	v6 =	vadd.s32 @!p0 v2, v6;
	v5 =	vor.u32 @!p0 v5, v7  }
0xa1: {  	v5 =	vadd.s32 @!p0 v3, v5;
	_ =	sdelay $0x3  }
0xa2: {  	v6 =	vld.idx.msk @!p0 [tilespmem:v6+s11+$0x0], $0xffff  }
0xa3: {  	v7 =	vld.idx.msk @!p0 [tilespmem:v5+s3+$0x0], $0xffff;
	_ =	sdelay $0x4  }
0xa4: {  	s24 =	spop (v2sf);
	v6 =	vmax.f32 @!p0 v7, v6  }
0xa5: {  	[tilespmem:v5+s3+$0x0] =	vst.idx.msk @!p0 $0xffff, v6;
	p0 =	sgt.u32 s24, $0x13FF  }
0xa6: {  	s18 =	sadd.s32 @!p0 $0xFFFFFFFA, s17  }
0xa7: {  	(v2sf) =	vpush v4, $0xA;
	v5 =	vbroadcast @!p0 v4, $0x9;
	v6 =	vmov @!p0 s18  }
0xa8: {  	v7 =	vshll.u32 @!p0 v6, $0x3  }
0xa9: {  	v6 =	vand.u32 @!p0 $0x79, v6;
	v8 =	vshll.u32 @!p0 v5, $0x3;
	v7 =	vand.u32 @!p0 $0x3C00, v7  }
0xaa: {  	v5 =	vand.u32 @!p0 $0x7F, v5;
	v6 =	vor.u32 @!p0 v6, v7;
	v7 =	vand.u32 @!p0 $0xFFFFFC00, v8  }
0xab: {  	v6 =	vadd.s32 @!p0 v2, v6;
	v5 =	vor.u32 @!p0 v5, v7  }
0xac: {  	v5 =	vadd.s32 @!p0 v3, v5;
	_ =	sdelay $0x3  }
0xad: {  	v6 =	vld.idx.msk @!p0 [tilespmem:v6+s11+$0x0], $0xffff  }
0xae: {  	v7 =	vld.idx.msk @!p0 [tilespmem:v5+s3+$0x0], $0xffff;
	_ =	sdelay $0x4  }
0xaf: {  	s25 =	spop (v2sf);
	v6 =	vmax.f32 @!p0 v7, v6  }
0xb0: {  	[tilespmem:v5+s3+$0x0] =	vst.idx.msk @!p0 $0xffff, v6;
	p0 =	sgt.u32 s25, $0x13FF  }
0xb1: {  	s18 =	sadd.s32 @!p0 $0xFFFFFFFB, s17  }
0xb2: {  	(v2sf) =	vpush v4, $0xB;
	v5 =	vbroadcast @!p0 v4, $0xA;
	v6 =	vmov @!p0 s18  }
0xb3: {  	v7 =	vshll.u32 @!p0 v6, $0x3  }
0xb4: {  	v6 =	vand.u32 @!p0 $0x7A, v6;
	v8 =	vshll.u32 @!p0 v5, $0x3;
	v7 =	vand.u32 @!p0 $0x3C00, v7  }
0xb5: {  	v5 =	vand.u32 @!p0 $0x7F, v5;
	v6 =	vor.u32 @!p0 v6, v7;
	v7 =	vand.u32 @!p0 $0xFFFFFC00, v8  }
0xb6: {  	v6 =	vadd.s32 @!p0 v2, v6;
	v5 =	vor.u32 @!p0 v5, v7  }
0xb7: {  	v5 =	vadd.s32 @!p0 v3, v5;
	_ =	sdelay $0x3  }
0xb8: {  	v6 =	vld.idx.msk @!p0 [tilespmem:v6+s11+$0x0], $0xffff  }
0xb9: {  	v7 =	vld.idx.msk @!p0 [tilespmem:v5+s3+$0x0], $0xffff;
	_ =	sdelay $0x4  }
0xba: {  	s26 =	spop (v2sf);
	v6 =	vmax.f32 @!p0 v7, v6  }
0xbb: {  	[tilespmem:v5+s3+$0x0] =	vst.idx.msk @!p0 $0xffff, v6;
	p0 =	sgt.u32 s26, $0x13FF  }
0xbc: {  	s18 =	sadd.s32 @!p0 $0xFFFFFFFC, s17  }
0xbd: {  	(v2sf) =	vpush v4, $0xC;
	v5 =	vbroadcast @!p0 v4, $0xB;
	v6 =	vmov @!p0 s18  }
0xbe: {  	v7 =	vshll.u32 @!p0 v6, $0x3  }
0xbf: {  	v6 =	vand.u32 @!p0 $0x7B, v6;
	v8 =	vshll.u32 @!p0 v5, $0x3;
	v7 =	vand.u32 @!p0 $0x3C00, v7  }
0xc0: {  	v5 =	vand.u32 @!p0 $0x7F, v5;
	v6 =	vor.u32 @!p0 v6, v7;
	v7 =	vand.u32 @!p0 $0xFFFFFC00, v8  }
0xc1: {  	v6 =	vadd.s32 @!p0 v2, v6;
	v5 =	vor.u32 @!p0 v5, v7  }
0xc2: {  	v5 =	vadd.s32 @!p0 v3, v5;
	_ =	sdelay $0x3  }
0xc3: {  	v6 =	vld.idx.msk @!p0 [tilespmem:v6+s11+$0x0], $0xffff  }
0xc4: {  	v7 =	vld.idx.msk @!p0 [tilespmem:v5+s3+$0x0], $0xffff;
	_ =	sdelay $0x4  }
0xc5: {  	s28 =	spop (v2sf);
	v6 =	vmax.f32 @!p0 v7, v6  }
0xc6: {  	[tilespmem:v5+s3+$0x0] =	vst.idx.msk @!p0 $0xffff, v6;
	p0 =	sgt.u32 s28, $0x13FF  }
0xc7: {  	s18 =	sadd.s32 @!p0 $0xFFFFFFFD, s17  }
0xc8: {  	(v2sf) =	vpush v4, $0xD;
	v5 =	vbroadcast @!p0 v4, $0xC;
	v6 =	vmov @!p0 s18  }
0xc9: {  	v7 =	vshll.u32 @!p0 v6, $0x3  }
0xca: {  	v6 =	vand.u32 @!p0 $0x7C, v6;
	v8 =	vshll.u32 @!p0 v5, $0x3;
	v7 =	vand.u32 @!p0 $0x3C00, v7  }
0xcb: {  	v5 =	vand.u32 @!p0 $0x7F, v5;
	v6 =	vor.u32 @!p0 v6, v7;
	v7 =	vand.u32 @!p0 $0xFFFFFC00, v8  }
0xcc: {  	v6 =	vadd.s32 @!p0 v2, v6;
	v5 =	vor.u32 @!p0 v5, v7  }
0xcd: {  	v5 =	vadd.s32 @!p0 v3, v5;
	_ =	sdelay $0x3  }
0xce: {  	v6 =	vld.idx.msk @!p0 [tilespmem:v6+s11+$0x0], $0xffff  }
0xcf: {  	v7 =	vld.idx.msk @!p0 [tilespmem:v5+s3+$0x0], $0xffff;
	_ =	sdelay $0x4  }
0xd0: {  	s29 =	spop (v2sf);
	v6 =	vmax.f32 @!p0 v7, v6  }
0xd1: {  	[tilespmem:v5+s3+$0x0] =	vst.idx.msk @!p0 $0xffff, v6;
	p0 =	sgt.u32 s29, $0x13FF  }
0xd2: {  	s18 =	sadd.s32 @!p0 $0xFFFFFFFE, s17  }
0xd3: {  	(v2sf) =	vpush v4, $0xE;
	v5 =	vbroadcast @!p0 v4, $0xD;
	v6 =	vmov @!p0 s18  }
0xd4: {  	v7 =	vshll.u32 @!p0 v6, $0x3  }
0xd5: {  	v6 =	vand.u32 @!p0 $0x7D, v6;
	v8 =	vshll.u32 @!p0 v5, $0x3;
	v7 =	vand.u32 @!p0 $0x3C00, v7  }
0xd6: {  	v5 =	vand.u32 @!p0 $0x7F, v5;
	v6 =	vor.u32 @!p0 v6, v7;
	v7 =	vand.u32 @!p0 $0xFFFFFC00, v8  }
0xd7: {  	v6 =	vadd.s32 @!p0 v2, v6;
	v5 =	vor.u32 @!p0 v5, v7  }
0xd8: {  	v5 =	vadd.s32 @!p0 v3, v5;
	_ =	sdelay $0x3  }
0xd9: {  	v6 =	vld.idx.msk @!p0 [tilespmem:v6+s11+$0x0], $0xffff  }
0xda: {  	v7 =	vld.idx.msk @!p0 [tilespmem:v5+s3+$0x0], $0xffff;
	_ =	sdelay $0x4  }
0xdb: {  	s30 =	spop (v2sf);
	v6 =	vmax.f32 @!p0 v7, v6  }
0xdc: {  	[tilespmem:v5+s3+$0x0] =	vst.idx.msk @!p0 $0xffff, v6;
	p0 =	sgt.u32 s30, $0x13FF  }
0xdd: {  	s18 =	sadd.s32 @!p0 $0xFFFFFFFF, s17  }
0xde: {  	(v2sf) =	vpush v4, $0xF;
	v5 =	vbroadcast @!p0 v4, $0xE;
	v6 =	vmov @!p0 s18  }
0xdf: {  	v7 =	vshll.u32 @!p0 v6, $0x3  }
0xe0: {  	v6 =	vand.u32 @!p0 $0x7E, v6;
	v8 =	vshll.u32 @!p0 v5, $0x3;
	v7 =	vand.u32 @!p0 $0x3C00, v7  }
0xe1: {  	v5 =	vand.u32 @!p0 $0x7F, v5;
	v6 =	vor.u32 @!p0 v6, v7;
	v7 =	vand.u32 @!p0 $0xFFFFFC00, v8  }
0xe2: {  	v6 =	vadd.s32 @!p0 v2, v6;
	v5 =	vor.u32 @!p0 v5, v7  }
0xe3: {  	v5 =	vadd.s32 @!p0 v3, v5;
	_ =	sdelay $0x3  }
0xe4: {  	v6 =	vld.idx.msk @!p0 [tilespmem:v6+s11+$0x0], $0xffff  }
0xe5: {  	v7 =	vld.idx.msk @!p0 [tilespmem:v5+s3+$0x0], $0xffff;
	_ =	sdelay $0x4  }
0xe6: {  	s31 =	spop (v2sf);
	v6 =	vmax.f32 @!p0 v7, v6  }
0xe7: {  	[tilespmem:v5+s3+$0x0] =	vst.idx.msk @!p0 $0xffff, v6;
	p0 =	sgt.u32 s31, $0x13FF  }
0xe8: {  	v4 =	vbroadcast @!p0 v4, $0xF;
	v5 =	vmov @!p0 s17  }
0xe9: {  	v6 =	vshll.u32 @!p0 v5, $0x3  }
0xea: {  	v5 =	vand.u32 @!p0 $0x7F, v5;
	v6 =	vand.u32 @!p0 $0x3C00, v6;
	v7 =	vshll.u32 @!p0 v4, $0x3  }
0xeb: {  	v4 =	vand.u32 @!p0 $0x7F, v4;
	v5 =	vor.u32 @!p0 v5, v6;
	v6 =	vand.u32 @!p0 $0xFFFFFC00, v7  }
0xec: {  	v5 =	vadd.s32 @!p0 v2, v5;
	v4 =	vor.u32 @!p0 v4, v6  }
0xed: {  	v4 =	vadd.s32 @!p0 v3, v4;
	_ =	sdelay $0x3  }
0xee: {  	v5 =	vld.idx.msk @!p0 [tilespmem:v5+s11+$0x0], $0xffff  }
0xef: {  	v6 =	vld.idx.msk @!p0 [tilespmem:v4+s3+$0x0], $0xffff;
	_ =	sdelay $0x4  }
0xf0: {  	s17 =	sadd.s32 $0x10, s17;
	v5 =	vmax.f32 @!p0 v6, v5  }
0xf1: {  	[tilespmem:v4+s3+$0x0] =	vst.idx.msk @!p0 $0xffff, v5;
	p0 =	sne.s32 s17, $0x50F  }
.Ltmp1:
0xf2: {  	_ = 	snop;
	(pc) =	sbr.rel @p0 .LBB2_5-.Ltmp1, $2  }
0xf3: {  	_ =	sdelay $0x2  }
0xf4: {  	s16 =	sadd.s32 $0x10, s16  }
0xf5: {  	s15 =	sadd.s32 $0x1, s15  }
0xf6: {  	p0 =	sne.s32 s15, $0x7D  }
.Ltmp2:
0xf7: {  	_ = 	snop;
	(pc) =	sbr.rel @p0 .LBB2_4-.Ltmp2, $1  }
0xf8: {  	_ =	sdelay $0x3  }
0xf9: {  	s14 =	sadd.s32 $0x1, s14  }
0xfa: {  	p0 =	sne.s32 s14, s7  }
.Ltmp3:
0xfb: {  	_ = 	snop;
	(pc) =	sbr.rel @p0 .LBB2_1-.Ltmp3, $4  }
0xfc: {  	[hbm4b:s6+s12] =	stream.strided.scatter [tilespmem:s3], [sflag:$0x1], $0x14000, s13, s12, $0x38;
	[tilespmem:$0x19500] =	vst v63  }
0xfd: {  	_ =	swait.ge [sflag:s9], $0x14000  }
0xfe: {  	[sflag:s9] =	ssyncset.done $0x0  }
0xff: {  	[sflag:s9] =	ssyncadd.s32 $0xFFFEC000  }
0x100: {  	_ =	sfence.sel $0x180000  }
0x101: {  	[bflag:$0x0] =	sbarrier.arrive $0xFFFF  }
0x102: {  	p0 =	sne.s32 s0, $0x0;
	_ =	strace $0x9000004A  }
0x103: {  	s0 =	sadd.s32 @!p0 $0x100000, s1;
	[bflag:$0x2] =	sbarrier.arrive $0xFFFF  }
0x104: {  	[sflag:s0] =	ssyncadd.tile.s32 @!p0 $0x1;
	_ =	shalt  }
.Lfunc_end2:
_tile_overlayer_lowered:
.L_overlay_start_2:
0x105: {  	(tag) =	ssettag $0x2  }
0x106: {  	s0 =	rddreg [dreg:$0x0];
	s2 =	stileid.u32  }
0x107: {  	s1 =	rddreg [dreg:$0x1];
	p0 =	sne.s32 s2, $0x0  }
0x108: {  	s3 =	rddreg [dreg:$0x2];
	[bflag:$0x3] =	sbarrier.arrive $0xFFFF;
	s2 =	simm.s32 @!p0 $0x1C01  }
0x109: {  	[timem:s3], [sflag:s2] =	dma.local @!p0 [hbm:s0], s1  }
0x10a: {  	s0 =	simm.s32 @!p0 $0x1  }
0x10b: {  	_ =	swait.ge @!p0 [sflag:s0], s1  }
0x10c: {  	s1 =	ssub.s32 @!p0 $0x0, s1;
	[sflag:s0] =	ssyncset.done @!p0 $0x0  }
0x10d: {  	[sflag:s0] =	ssyncadd.s32 @!p0 s1  }
0x10e: {  	[bflag:$0x3] =	sbarrier.arrive $0xFFFF  }
0x10f: {  	_ =	shalt  }

// kernel: kernel.24.cloned.1.call-start
scs
__scs_entry_jumppad:
0x0: {  	(pc) =	sbr.rel $0x88, $3  }
0x1: {  	(tag) =	ssettag $0x0;
	lr =	simm.s32 $0x1  }
0x2: {  	[smem:$0x3F73] =	sst lr;
	_ =	strace $0xD0000000  }
0x3: {  	_ = 	snop  }
0x4: {  	_ = 	snop  }
0x5: {  	_ = 	snop  }
0x6: {  	_ = 	snop  }
0x7: {  	_ = 	snop  }
__scs_overlays_trampoline_lowered:
0x8: {  	[smem:$0x3F82] =	sst s0  }
0x9: {  	[smem:$0x3F83] =	sst s1  }
0xa: {  	[smem:$0x3F84] =	sst s2  }
0xb: {  	[smem:$0x3F85] =	sst s3  }
0xc: {  	[smem:$0x3F86] =	sst s4  }
0xd: {  	[smem:$0x3F87] =	sst s5  }
0xe: {  	[smem:$0x3F88] =	sst s6  }
0xf: {  	[smem:$0x3F89] =	sst s7  }
0x10: {  	[smem:$0x3F8A] =	sst s8  }
0x11: {  	[smem:$0x3F8B] =	sst s9;
	s0 =	simm.s32 @!p0 $0x0  }
0x12: {  	s1 =	sld [smem:$0x3F71];
	s0 =	simm.s32 @p0 $0x1  }
0x13: {  	[smem:$0x3F8C] =	sst s0;
	s0 =	simm.s32 @!p1 $0x0  }
0x14: {  	s2 =	sld [smem:$0x3F70];
	s0 =	simm.s32 @p1 $0x1  }
0x15: {  	[smem:$0x3F8D] =	sst s0;
	s0 =	simm.s32 @!p2 $0x0  }
0x16: {  	s3 =	sld [smem:$0x3FDB];
	s0 =	simm.s32 @p2 $0x1  }
0x17: {  	s4 =	simm.s32 $0x1BF5;
	[smem:$0x3F8F] =	sst s0  }
0x18: {  	s0 =	sld [smem:$0x3F72];
	_ =	swait.ge [sflag:s4], $0x0  }
0x19: {  	s7 =	sld [smem:$0x3F73]  }
0x1a: {  	s8 =	sadd.s32 $0xFFFFE003, lr  }
0x1b: {  	s9 =	sadd.s32 $0xFFFFFEF7, lr;
	s5 =	simm.s32 $0xFFFFFFFF;
	p2 =	slt.u32 s8, $0xFFFFF086  }
0x1c: {  	p1 =	slt.u32 s9, $0xF7A;
	s5 =	simm.s32 @!p2 $0x0  }
0x1d: {  	s5 =	simm.s32 @p1 $0x1;
	p0 =	seq.s32 s7, s2  }
0x1e: {  	s7 =	smul.u32 @!p0 $0xF7A, s2;
	p2 =	seq.s32 @!p0 s5, $0x0  }
0x1f: {  	s9 =	smul.u32 $0xF7A, s1;
	s8 =	simm.s32 @!p0 $0x1BF5;
	p2 =	por !p2, p0  }
0x20: {  	[sflag:s8] =	ssyncset.s32 @!p0 $0xFFFFF086;
	s6 =	sadd.s32 @!p0 s3, s7;
	s7 =	simm.s32 @!p0 $0x108  }
0x21: {  	s3 =	sadd.s32 s3, s9;
	s6 =	sadd.s32 @!p0 $0x88, s6;
	s7 =	simm.s32 @p2 $0x1082  }
0x22: {  	[simem:s7], [sflag:s8] =	dma.local @!p0 [hbm:s6], $0xF7A  }
0x23: {  	s9 =	sor.u32 $0xD0000000, s2;
	s6 =	simm.s32 $0x108;
	_ =	swait.ge @!p0 [sflag:s8], $0x0  }
0x24: {  	s3 =	sadd.s32 $0x88, s3;
	s6 =	simm.s32 @!p1 $0x1082;
	[sflag:s4] =	ssyncset.s32 $0xFFFFF086  }
0x25: {  	[simem:s6], [sflag:s4] =	dma.local [hbm:s3], $0xF7A  }
0x26: {  	[smem:$0x3F73] =	sst s1;
	(tag) =	ssettag s2;
	_ =	strace s9  }
0x27: {  	s1 =	sld [smem:$0x3F83]  }
0x28: {  	s2 =	sld [smem:$0x3F84]  }
0x29: {  	s4 =	sld [smem:$0x3F86]  }
0x2a: {  	p0 =	seq.s32 s5, $0x0;
	s5 =	sld [smem:$0x3F87]  }
0x2b: {  	s6 =	sld [smem:$0x3F88]  }
0x2c: {  	s7 =	sld [smem:$0x3F89]  }
0x2d: {  	s3 =	simm.s32 $0x108;
	s8 =	sld [smem:$0x3F8A]  }
0x2e: {  	s3 =	simm.s32 @!p0 $0x1082;
	s9 =	sld [smem:$0x3F8B]  }
0x2f: {  	lr =	sadd.s32 s0, s3;
	s0 =	sld [smem:$0x3F82]  }
0x30: {  	s3 =	sld [smem:$0x3F85]  }
0x31: {  	[smem:$0x3F8E] =	sst s10  }
0x32: {  	s10 =	sld [smem:$0x3F8C];
	_ =	sdelay $0x3  }
0x33: {  	p0 =	seq.s32 s10, $0x1;
	s10 =	sld [smem:$0x3F8E];
	_ =	sdelay $0x3  }
0x34: {  	[smem:$0x3F8E] =	sst s10  }
0x35: {  	s10 =	sld [smem:$0x3F8D];
	_ =	sdelay $0x3  }
0x36: {  	p1 =	seq.s32 s10, $0x1;
	s10 =	sld [smem:$0x3F8E];
	_ =	sdelay $0x3  }
0x37: {  	[smem:$0x3F8E] =	sst s10  }
0x38: {  	s10 =	sld [smem:$0x3F8F]  }
0x39: {  	_ = 	snop;
	(pc) =	sbr.ind lr, $3  }
0x3a: {  	_ = 	snop  }
0x3b: {  	_ = 	snop  }
0x3c: {  	p2 =	seq.s32 s10, $0x1;
	s10 =	sld [smem:$0x3F8E]  }
0x3d: {  	_ =	shalt  }
0x3e: {  	_ =	shalt  }
0x3f: {  	_ =	shalt  }
0x40: {  	_ =	shalt  }
0x41: {  	_ =	shalt  }
0x42: {  	_ =	shalt  }
0x43: {  	_ =	shalt  }
0x44: {  	_ =	shalt  }
0x45: {  	_ =	shalt  }
0x46: {  	_ =	shalt  }
0x47: {  	_ =	shalt  }
0x48: {  	_ =	shalt  }
0x49: {  	_ =	shalt  }
0x4a: {  	_ =	shalt  }
0x4b: {  	_ =	shalt  }
0x4c: {  	_ =	shalt  }
0x4d: {  	_ =	shalt  }
0x4e: {  	_ =	shalt  }
0x4f: {  	_ =	shalt  }
0x50: {  	_ =	shalt  }
0x51: {  	_ =	shalt  }
0x52: {  	_ =	shalt  }
0x53: {  	_ =	shalt  }
0x54: {  	_ =	shalt  }
0x55: {  	_ =	shalt  }
0x56: {  	_ =	shalt  }
0x57: {  	_ =	shalt  }
0x58: {  	_ =	shalt  }
0x59: {  	_ =	shalt  }
0x5a: {  	_ =	shalt  }
0x5b: {  	_ =	shalt  }
0x5c: {  	_ =	shalt  }
0x5d: {  	_ =	shalt  }
0x5e: {  	_ =	shalt  }
0x5f: {  	_ =	shalt  }
0x60: {  	_ =	shalt  }
0x61: {  	_ =	shalt  }
0x62: {  	_ =	shalt  }
0x63: {  	_ =	shalt  }
0x64: {  	_ =	shalt  }
0x65: {  	_ =	shalt  }
0x66: {  	_ =	shalt  }
0x67: {  	_ =	shalt  }
0x68: {  	_ =	shalt  }
0x69: {  	_ =	shalt  }
0x6a: {  	_ =	shalt  }
0x6b: {  	_ =	shalt  }
0x6c: {  	_ =	shalt  }
0x6d: {  	_ =	shalt  }
0x6e: {  	_ =	shalt  }
0x6f: {  	_ =	shalt  }
0x70: {  	_ =	shalt  }
0x71: {  	_ =	shalt  }
0x72: {  	_ =	shalt  }
0x73: {  	_ =	shalt  }
0x74: {  	_ =	shalt  }
0x75: {  	_ =	shalt  }
0x76: {  	_ =	shalt  }
0x77: {  	_ =	shalt  }
0x78: {  	_ =	shalt  }
0x79: {  	_ =	shalt  }
0x7a: {  	_ =	shalt  }
0x7b: {  	_ =	shalt  }
0x7c: {  	_ =	shalt  }
0x7d: {  	_ =	shalt  }
0x7e: {  	_ =	shalt  }
0x7f: {  	_ =	shalt  }
0x80: {  	_ =	shalt  }
0x81: {  	_ =	shalt  }
0x82: {  	_ =	shalt  }
0x83: {  	_ =	shalt  }
0x84: {  	_ =	shalt  }
0x85: {  	_ =	shalt  }
0x86: {  	_ =	shalt  }
0x87: {  	_ =	shalt  }
.Lfunc_end0:
.L_simem_size_0:
called_computation.3_lowered:
.L_overlay_start_0:
0x88: {  	s2 =	sld [smem:$0x3FD9]  }
0x89: {  	s3 =	sld [smem:$0x3FFE];
	_ =	sdelay $0x1  }
0x8a: {  	s1 =	srdreg.scid  }
0x8b: {  	s0 =	sand.u32 $0x1, s1  }
0x8c: {  	s14 =	sshll.u32 s0, $0xA;
	s2 =	sadd.s32 s3, s2  }
0x8d: {  	s2 =	sadd.s32 s2, s14  }
0x8e: {  	[smem:$0x3F9A] =	sst s2  }
0x8f: {  	_ = 	snop  }
0x90: {  	s2 =	sld [smem:$0x3FD0];
	_ =	sdelay $0x2  }
0x91: {  	s15 =	simm.s32 $0xB;
	s4 =	simm.s32 $0x10  }
0x92: {  	[smem:s4], [sflag:s15] =	dma.local [hbm:s2], $0x1  }
0x93: {  	_ =	swait.eq [sflag:s15], $0x1  }
0x94: {  	[sflag:s15] =	ssyncset.done $0x0  }
0x95: {  	s16 =	sld [smem:$0x10];
	[sflag:s15] =	ssyncadd.s32 $0xFFFFFFFF  }
0x96: {  	s17 =	sld [smem:$0x11];
	(tm) =	ssettm $0x1  }
0x97: {  	s18 =	sld [smem:$0x3FFB];
	_ =	sdelay $0x3  }
0x98: {  	_ =	strace s18  }
0x99: {  	s4 =	sld [smem:$0x3FFC];
	_ =	sdelay $0x3  }
0x9a: {  	_ =	strace s4  }
0x9b: {  	s4 =	sld [smem:$0x3FFD];
	_ =	sdelay $0x3  }
0x9c: {  	_ =	strace s4  }
0x9d: {  	_ =	strace $0x8FFFFFFF  }
0x9e: {  	s19 =	sld [smem:$0x3FDB];
	_ =	sdelay $0x1  }
0x9f: {  	s5 =	simm.s32 $_scs_section_size  }
0xa0: {  	s6 =	simm.s32 $_size__tile_overlayer_lowered;
	s7 =	simm.s32 $_tile_overlayer_lowered  }
0xa1: {  	s22 =	simm.s32 $0x1BFF;
	s21 =	sshll.u32 s7, $0x1;
	s4 =	sadd.s32 s5, s19  }
0xa2: {  	s8 =	simm.s32 $0x0;
	s20 =	sshll.u32 s6, $0x1;
	s6 =	sadd.s32 s21, s4  }
0xa3: {  	[timem:s8], [sflag:s22] =	dma.local [hbm:s6], s20  }
0xa4: {  	_ =	swait.ge [sflag:s22], s20  }
0xa5: {  	s5 =	ssub.s32 $0x0, s20;
	[sflag:s22] =	ssyncset.done $0x0  }
0xa6: {  	[sflag:s22] =	ssyncadd.s32 s5;
	_ =	sdelay $0x1  }
0xa7: {  	s23 =	simm.s32 $0x1B8B  }
0xa8: {  	_ =	swait.ge [sflag:s23], $0x1  }
0xa9: {  	[sflag:s23] =	ssyncset.done $0x0  }
0xaa: {  	s25 =	simm.s32 $0x1B8E;
	s24 =	sld [smem:$0x3FFE];
	[sflag:s23] =	ssyncadd.s32 $0xFFFFFFFF  }
0xab: {  	s26 =	simm.s32 $execute0_lowered;
	[smem:$0x3FD2] =	sst s25  }
0xac: {  	s6 =	sshll.u32 s26, $0x1;
	_ =	strace $0x8000004F;
	[dreg:$0x1] =	wrdreg $0xFFFFFFFF  }
0xad: {  	s28 =	simm.s32 $_size_execute0_lowered;
	s4 =	sadd.s32 s4, s6;
	[dreg:$0x0] =	wrdreg $0x0  }
0xae: {  	s6 =	sshll.u32 s28, $0x1;
	[dreg:$0x2] =	wrdreg s4  }
0xaf: {  	[dreg:$0x3] =	wrdreg s6  }
0xb0: {  	[dreg:$0x4] =	wrdreg $0xC0  }
0xb1: {  	_ =	task [dreg:s8], $0x5FFFF  }
0xb2: {  	[dreg:$0x1] =	wrdreg $0xFFFFFFFF  }
0xb3: {  	[dreg:$0x0] =	wrdreg $0x60  }
0xb4: {  	[dreg:$0x2] =	wrdreg s17  }
0xb5: {  	[dreg:$0x3] =	wrdreg s16  }
0xb6: {  	[dreg:$0x4] =	wrdreg s24  }
0xb7: {  	[dreg:$0x5] =	wrdreg $0x9  }
0xb8: {  	_ =	task.clear_ibuf [dreg:s8], $0x6FFFF;
	_ =	strace $0x9000004F  }
0xb9: {  	s29 =	simm.s32 $0x9;
	_ =	strace $0x80000051  }
0xba: {  	_ =	swait.ge [sflag:s29], $0x1  }
0xbb: {  	[sflag:s29] =	ssyncadd.s32 $0xFFFFFFFF  }
0xbc: {  	_ =	strace $0x90000051  }
0xbd: {  	_ =	sfence  }
0xbe: {  	s30 =	sld [smem:$0x0];
	_ =	sdelay $0x2  }
0xbf: {  	s31 =	sshll.u32 s1, $0xD;
	s1 =	sshrl.u32 s1, $0x2  }
0xc0: {  	s3 =	sand.u32 $0x4000, s31;
	s1 =	sadd.s32 s1, s30  }
0xc1: {  	s0 =	sor.u32 s3, s0;
	s1 =	sshll.u32 s1, $0x11  }
0xc2: {  	s0 =	sor.u32 s1, s0  }
0xc3: {  	s0 =	sadd.s32 $0x8F2B, s0  }
0xc4: {  	[sflag:s0] =	ssyncadd.remote.s32 $0x1  }
0xc5: {  	_ =	sfence.sel $0xFFFF  }
0xc6: {  	[dreg:$0x0] =	wrdreg $0xFFFFFFFF;
	(pc) =	sbr.abs _section_cstart, $3  }
0xc7: {  	[dreg:$0x1] =	wrdreg $0xFFFFFFFF  }
0xc8: {  	_ =	task.clear_ibuf [dreg:s8], $0x2FFFF;
	_ =	strace $0x9FFFFFFF  }
0xc9: {  	(tm) =	ssettm $0x7FFFFFFF  }
tec
execute0_lowered:
.L_overlay_start_1:
0x0: {  	(tag) =	ssettag $0x1  }
0x1: {  	s1 =	rddreg [dreg:$0x0]  }
0x2: {  	s3 =	rddreg [dreg:$0x1]  }
0x3: {  	s2 =	rddreg [dreg:$0x2];
	s4 =	simm.s32 $0x0  }
0x4: {  	s13 =	simm.s32 $0x3000;
	[smem:$0x7FF] =	sst s4  }
0x5: {  	s14 =	simm.s32 $0x3800;
	_ =	strace $0x80000050;
	[dreg:$0x6] =	wrdreg s13  }
0x6: {  	s15 =	simm.s32 $0x4000;
	[dreg:$0x7] =	wrdreg s14  }
0x7: {  	s16 =	simm.s32 $0x4800;
	[dreg:$0x8] =	wrdreg s15  }
0x8: {  	s17 =	simm.s32 $0x5000;
	[dreg:$0x9] =	wrdreg s16  }
0x9: {  	s18 =	simm.s32 $0x5800;
	[dreg:$0xa] =	wrdreg s17  }
0xa: {  	s19 =	simm.s32 $0x6000;
	[dreg:$0xb] =	wrdreg s18  }
0xb: {  	s20 =	simm.s32 $0x6800;
	[dreg:$0xc] =	wrdreg s19  }
0xc: {  	s21 =	simm.s32 $0x7000;
	[dreg:$0xd] =	wrdreg s20  }
0xd: {  	s22 =	simm.s32 $0x7800;
	[dreg:$0xe] =	wrdreg s21  }
0xe: {  	s23 =	simm.s32 $0x8000;
	[dreg:$0xf] =	wrdreg s22  }
0xf: {  	s24 =	simm.s32 $0x8800;
	[dreg:$0x10] =	wrdreg s23  }
0x10: {  	s25 =	simm.s32 $0x9000;
	[dreg:$0x11] =	wrdreg s24  }
0x11: {  	s26 =	simm.s32 $0x9800;
	[dreg:$0x12] =	wrdreg s25  }
0x12: {  	s31 =	simm.s32 $0xA000;
	[dreg:$0x13] =	wrdreg s26  }
0x13: {  	s8 =	simm.s32 $0xB000;
	[dreg:$0x14] =	wrdreg s31  }
0x14: {  	s9 =	simm.s32 $0xB800;
	[dreg:$0x16] =	wrdreg s8  }
0x15: {  	s10 =	simm.s32 $0xC000;
	[dreg:$0x17] =	wrdreg s9  }
0x16: {  	s12 =	simm.s32 $0xC800;
	[dreg:$0x18] =	wrdreg s10  }
0x17: {  	[dreg:$0x19] =	wrdreg s12;
	s13 =	simm.s32 $0xD000  }
0x18: {  	s14 =	simm.s32 $0xD800;
	[dreg:$0x1a] =	wrdreg s13  }
0x19: {  	s0 =	srdreg.scid;
	s15 =	simm.s32 $0xE000;
	[dreg:$0x1b] =	wrdreg s14  }
0x1a: {  	s7 =	stileid.u32;
	s16 =	simm.s32 $0xE800;
	[dreg:$0x1c] =	wrdreg s15  }
0x1b: {  	s28 =	simm.s32 $0x1;
	s17 =	simm.s32 $0xF800;
	[dreg:$0x1d] =	wrdreg s16  }
0x1c: {  	s29 =	simm.s32 $0x2;
	s18 =	simm.s32 $0x10000;
	[dreg:$0x1e] =	wrdreg s17  }
0x1d: {  	s30 =	simm.s32 $0x0;
	s20 =	simm.s32 $0x10800;
	[dreg:$0x1f] =	wrdreg s18  }
0x1e: {  	s0 =	sand.u32 $0x1, s0;
	s21 =	simm.s32 $0x11000;
	[smem:$0x7F6] =	sst s20  }
0x1f: {  	s5 =	smul.u32 $0x4E200, s7;
	s23 =	simm.s32 $0x11800;
	[smem:$0x7F8] =	sst s21  }
0x20: {  	s11 =	sshll.u32 s7, $0x1;
	s24 =	simm.s32 $0x12000;
	[smem:$0x7F9] =	sst s23  }
0x21: {  	s6 =	smul.u32 $0x27100, s0;
	s25 =	simm.s32 $0x12800;
	[smem:$0x7FA] =	sst s24  }
0x22: {  	s8 =	simm.s32 $0x3;
	s26 =	simm.s32 $0x13000;
	[smem:$0x7FB] =	sst s25  }
0x23: {  	s31 =	simm.s32 $0x13800;
	s10 =	simm.s32 $0x2800;
	[smem:$0x7FC] =	sst s26  }
0x24: {  	s12 =	simm.s32 $0x14000;
	s5 =	sadd.s32 s5, s2;
	[smem:$0x7FD] =	sst s31  }
0x25: {  	s13 =	simm.s32 $0x14800;
	s14 =	simm.s32 $0x15000;
	s15 =	simm.s32 $0x15800  }
0x26: {  	s16 =	simm.s32 $0x16000;
	s17 =	simm.s32 $0x16800;
	s5 =	sadd.s32 s6, s5  }
0x27: {  	s18 =	simm.s32 $0x17000;
	s20 =	simm.s32 $0x18000;
	s6 =	sadd.s32 $0x67D400, s5  }
0x28: {  	s21 =	simm.s32 $0x18800;
	[dreg:$0x4] =	wrdreg s6;
	s6 =	simm.s32 $0xA800  }
0x29: {  	s23 =	simm.s32 $0x19800;
	[dreg:$0x15] =	wrdreg s6;
	s6 =	sor.u32 s0, s11  }
0x2a: {  	s24 =	simm.s32 $0x1A000;
	s25 =	simm.s32 $0x1A800;
	s6 =	smul.u32 $0x1388, s6  }
0x2b: {  	s26 =	simm.s32 $0x1B000;
	s5 =	sadd.s32 $0x19B400, s5;
	s0 =	ssub.s32 $0x2, s0  }
0x2c: {  	[dreg:$0x5] =	wrdreg s5;
	s19 =	sshrl.u32 s0, $0x1;
	s6 =	sshrl.u32 s6, $0x3  }
0x2d: {  	v2 =	vlaneseq.u32;
	s11 =	simm.s32 $0xF000;
	s0 =	ssub.s32 s0, s19;
	s2 =	sadd.s32 s6, s2  }
0x2e: {  	vm0 =	vmmov $0xffff;
	v1 =	vshrl.u32 v2, $0x3;
	s19 =	simm.s32 $0x17800;
	s7 =	smax.u32 s0, $0x1;
	s22 =	sadd.s32 $0x8C00, s2  }
0x2f: {  	v0 =	vand.u32 $0x7, v2;
	v2 =	vor.u32 $0x8, v2;
	v1 =	vmul.u32 $0x8, v1;
	s6 =	sadd.s32 $0x196400, s2;
	[smem:$0x7F7] =	sst s22;
	s22 =	simm.s32 $0x19000  }
.LBB2_1:
0x30: {  	s0 =	sld [smem:$0x7F7];
	_ =	sdelay $0x2  }
0x31: {  	[tilespmem:s4], [sflag:$0x3] =	stream.linear.gather [hbm4b:s0+s4], $0x1388, $0x38;
	[tilespmem:$0x1B800] =	vst v63  }
0x32: {  	_ =	swait.ge [sflag:s8], $0x1388  }
0x33: {  	[sflag:s8] =	ssyncset.done $0x0  }
0x34: {  	s9 =	simm.s32 $0x1400;
	[sflag:s8] =	ssyncadd.s32 $0xFFFFEC78  }
0x35: {  	[tilespmem:s9], [sflag:$0x3] =	stream.linear.gather [hbm4b:s6+s4], $0x1388, $0x38;
	[tilespmem:$0x1B800] =	vst v63  }
0x36: {  	_ =	swait.ge [sflag:s8], $0x1388  }
0x37: {  	s31 =	simm.s32 $0x60;
	[sflag:s8] =	ssyncset.done $0x0  }
0x38: {  	s2 =	simm.s32 $0x1460;
	s0 =	simm.s32 $0x0;
	[sflag:s8] =	ssyncadd.s32 $0xFFFFEC78  }
.LBB2_2:
0x39: {  	v3 =	vld [tilespmem:s31+$0xFFFFFFA0];
	_ =	sdelay $0x4  }
0x3a: {  	v4 =	vshll.u32 v3, $0x1  }
0x3b: {  	v3 =	vand.u32 $0x7, v3;
	v4 =	vand.u32 $0xFFFFFFF0, v4  }
0x3c: {  	v3 =	vor.u32 v3, v4  }
0x3d: {  	v4 =	vperm.xlane v3, v0;
	_ =	sdelay $0x1  }
0x3e: {  	v3 =	vperm.xlane v3, v2;
	v4 =	vadd.s32 v1, v4;
	_ =	sdelay $0x1  }
0x3f: {  	v3 =	vadd.s32 v1, v3;
	_ =	sdelay $0x2  }
0x40: {  	[tilespmem:s10], [sflag:$0x1] =	stream.indirect_vreg.gather [hbm4b:s1+s4], $0x80, v4, vm0, $0xb8;
	[tilespmem:$0x1B800] =	vst v63  }
0x41: {  	s9 =	rddreg [dreg:$0x6]  }
0x42: {  	[tilespmem:s9], [sflag:$0x1] =	stream.indirect_vreg.gather [hbm4b:s1+s4], $0x80, v3, vm0, $0xb8;
	[tilespmem:$0x1B800] =	vst v63  }
0x43: {  	v3 =	vld [tilespmem:s31+$0xFFFFFFB0];
	_ =	sdelay $0x4  }
0x44: {  	v39 =	vshll.u32 v3, $0x1  }
0x45: {  	v3 =	vand.u32 $0x7, v3;
	v4 =	vand.u32 $0xFFFFFFF0, v39  }
0x46: {  	v3 =	vor.u32 v3, v4  }
0x47: {  	v4 =	vperm.xlane v3, v0;
	_ =	sdelay $0x1  }
0x48: {  	v3 =	vperm.xlane v3, v2;
	v4 =	vadd.s32 v1, v4;
	_ =	sdelay $0x1  }
0x49: {  	v3 =	vadd.s32 v1, v3;
	_ =	sdelay $0x1  }
0x4a: {  	s9 =	rddreg [dreg:$0x7]  }
0x4b: {  	[tilespmem:s9], [sflag:$0x1] =	stream.indirect_vreg.gather [hbm4b:s1+s4], $0x80, v4, vm0, $0xb8;
	[tilespmem:$0x1B800] =	vst v63  }
0x4c: {  	s5 =	rddreg [dreg:$0x8]  }
0x4d: {  	[tilespmem:s5], [sflag:$0x1] =	stream.indirect_vreg.gather [hbm4b:s1+s4], $0x80, v3, vm0, $0xb8;
	[tilespmem:$0x1B800] =	vst v63  }
0x4e: {  	v3 =	vld [tilespmem:s31+$0xFFFFFFC0];
	_ =	sdelay $0x4  }
0x4f: {  	v40 =	vshll.u32 v3, $0x1  }
0x50: {  	v3 =	vand.u32 $0x7, v3;
	v4 =	vand.u32 $0xFFFFFFF0, v40  }
0x51: {  	v3 =	vor.u32 v3, v4  }
0x52: {  	v4 =	vperm.xlane v3, v0;
	_ =	sdelay $0x1  }
0x53: {  	v3 =	vperm.xlane v3, v2;
	v4 =	vadd.s32 v1, v4;
	_ =	sdelay $0x1  }
0x54: {  	v3 =	vadd.s32 v1, v3;
	_ =	sdelay $0x1  }
0x55: {  	s5 =	rddreg [dreg:$0x9]  }
0x56: {  	[tilespmem:s5], [sflag:$0x1] =	stream.indirect_vreg.gather [hbm4b:s1+s4], $0x80, v4, vm0, $0xb8;
	[tilespmem:$0x1B800] =	vst v63  }
0x57: {  	s9 =	rddreg [dreg:$0xa]  }
0x58: {  	[tilespmem:s9], [sflag:$0x1] =	stream.indirect_vreg.gather [hbm4b:s1+s4], $0x80, v3, vm0, $0xb8;
	[tilespmem:$0x1B800] =	vst v63  }
0x59: {  	v3 =	vld [tilespmem:s31+$0xFFFFFFD0];
	_ =	sdelay $0x4  }
0x5a: {  	v41 =	vshll.u32 v3, $0x1  }
0x5b: {  	v3 =	vand.u32 $0x7, v3;
	v4 =	vand.u32 $0xFFFFFFF0, v41  }
0x5c: {  	v3 =	vor.u32 v3, v4  }
0x5d: {  	v4 =	vperm.xlane v3, v0;
	_ =	sdelay $0x1  }
0x5e: {  	v3 =	vperm.xlane v3, v2;
	v4 =	vadd.s32 v1, v4;
	_ =	sdelay $0x1  }
0x5f: {  	v3 =	vadd.s32 v1, v3;
	_ =	sdelay $0x1  }
0x60: {  	s5 =	rddreg [dreg:$0xb]  }
0x61: {  	[tilespmem:s5], [sflag:$0x1] =	stream.indirect_vreg.gather [hbm4b:s1+s4], $0x80, v4, vm0, $0xb8;
	[tilespmem:$0x1B800] =	vst v63  }
0x62: {  	s9 =	rddreg [dreg:$0xc]  }
0x63: {  	[tilespmem:s9], [sflag:$0x1] =	stream.indirect_vreg.gather [hbm4b:s1+s4], $0x80, v3, vm0, $0xb8;
	[tilespmem:$0x1B800] =	vst v63  }
0x64: {  	v3 =	vld [tilespmem:s31+$0xFFFFFFE0];
	_ =	sdelay $0x4  }
0x65: {  	v42 =	vshll.u32 v3, $0x1  }
0x66: {  	v3 =	vand.u32 $0x7, v3;
	v4 =	vand.u32 $0xFFFFFFF0, v42  }
0x67: {  	v3 =	vor.u32 v3, v4  }
0x68: {  	v4 =	vperm.xlane v3, v0;
	_ =	sdelay $0x1  }
0x69: {  	v3 =	vperm.xlane v3, v2;
	v4 =	vadd.s32 v1, v4;
	_ =	sdelay $0x1  }
0x6a: {  	v3 =	vadd.s32 v1, v3;
	_ =	sdelay $0x1  }
0x6b: {  	s5 =	rddreg [dreg:$0xd]  }
0x6c: {  	[tilespmem:s5], [sflag:$0x1] =	stream.indirect_vreg.gather [hbm4b:s1+s4], $0x80, v4, vm0, $0xb8;
	[tilespmem:$0x1B800] =	vst v63  }
0x6d: {  	s9 =	rddreg [dreg:$0xe]  }
0x6e: {  	[tilespmem:s9], [sflag:$0x1] =	stream.indirect_vreg.gather [hbm4b:s1+s4], $0x80, v3, vm0, $0xb8;
	[tilespmem:$0x1B800] =	vst v63  }
0x6f: {  	v3 =	vld [tilespmem:s31+$0xFFFFFFF0];
	_ =	sdelay $0x4  }
0x70: {  	v43 =	vshll.u32 v3, $0x1  }
0x71: {  	v3 =	vand.u32 $0x7, v3;
	v4 =	vand.u32 $0xFFFFFFF0, v43  }
0x72: {  	v3 =	vor.u32 v3, v4  }
0x73: {  	v4 =	vperm.xlane v3, v0;
	_ =	sdelay $0x1  }
0x74: {  	v3 =	vperm.xlane v3, v2;
	v4 =	vadd.s32 v1, v4;
	_ =	sdelay $0x1  }
0x75: {  	v3 =	vadd.s32 v1, v3;
	_ =	sdelay $0x1  }
0x76: {  	s5 =	rddreg [dreg:$0xf]  }
0x77: {  	[tilespmem:s5], [sflag:$0x1] =	stream.indirect_vreg.gather [hbm4b:s1+s4], $0x80, v4, vm0, $0xb8;
	[tilespmem:$0x1B800] =	vst v63  }
0x78: {  	s9 =	rddreg [dreg:$0x10]  }
0x79: {  	[tilespmem:s9], [sflag:$0x1] =	stream.indirect_vreg.gather [hbm4b:s1+s4], $0x80, v3, vm0, $0xb8;
	[tilespmem:$0x1B800] =	vst v63  }
0x7a: {  	v3 =	vld [tilespmem:s31+$0x0];
	_ =	sdelay $0x4  }
0x7b: {  	v44 =	vshll.u32 v3, $0x1  }
0x7c: {  	v3 =	vand.u32 $0x7, v3;
	v4 =	vand.u32 $0xFFFFFFF0, v44  }
0x7d: {  	v3 =	vor.u32 v3, v4  }
0x7e: {  	v4 =	vperm.xlane v3, v0;
	_ =	sdelay $0x1  }
0x7f: {  	v3 =	vperm.xlane v3, v2;
	v4 =	vadd.s32 v1, v4;
	_ =	sdelay $0x1  }
0x80: {  	v3 =	vadd.s32 v1, v3;
	_ =	sdelay $0x1  }
0x81: {  	s5 =	rddreg [dreg:$0x11]  }
0x82: {  	[tilespmem:s5], [sflag:$0x1] =	stream.indirect_vreg.gather [hbm4b:s1+s4], $0x80, v4, vm0, $0xb8;
	[tilespmem:$0x1B800] =	vst v63  }
0x83: {  	s9 =	rddreg [dreg:$0x12]  }
0x84: {  	[tilespmem:s9], [sflag:$0x1] =	stream.indirect_vreg.gather [hbm4b:s1+s4], $0x80, v3, vm0, $0xb8;
	[tilespmem:$0x1B800] =	vst v63  }
0x85: {  	v3 =	vld [tilespmem:s31+$0x10];
	_ =	sdelay $0x4  }
0x86: {  	v45 =	vshll.u32 v3, $0x1  }
0x87: {  	v3 =	vand.u32 $0x7, v3;
	v4 =	vand.u32 $0xFFFFFFF0, v45  }
0x88: {  	v3 =	vor.u32 v3, v4  }
0x89: {  	v4 =	vperm.xlane v3, v0;
	_ =	sdelay $0x1  }
0x8a: {  	v3 =	vperm.xlane v3, v2;
	v4 =	vadd.s32 v1, v4;
	_ =	sdelay $0x1  }
0x8b: {  	v3 =	vadd.s32 v1, v3;
	_ =	sdelay $0x1  }
0x8c: {  	s5 =	rddreg [dreg:$0x13]  }
0x8d: {  	[tilespmem:s5], [sflag:$0x1] =	stream.indirect_vreg.gather [hbm4b:s1+s4], $0x80, v4, vm0, $0xb8;
	[tilespmem:$0x1B800] =	vst v63  }
0x8e: {  	s9 =	rddreg [dreg:$0x14]  }
0x8f: {  	[tilespmem:s9], [sflag:$0x1] =	stream.indirect_vreg.gather [hbm4b:s1+s4], $0x80, v3, vm0, $0xb8;
	[tilespmem:$0x1B800] =	vst v63  }
0x90: {  	v3 =	vld [tilespmem:s31+$0x20];
	_ =	sdelay $0x4  }
0x91: {  	v46 =	vshll.u32 v3, $0x1  }
0x92: {  	v3 =	vand.u32 $0x7, v3;
	v4 =	vand.u32 $0xFFFFFFF0, v46  }
0x93: {  	v3 =	vor.u32 v3, v4  }
0x94: {  	v4 =	vperm.xlane v3, v0;
	_ =	sdelay $0x1  }
0x95: {  	v3 =	vperm.xlane v3, v2;
	v4 =	vadd.s32 v1, v4;
	_ =	sdelay $0x1  }
0x96: {  	v3 =	vadd.s32 v1, v3;
	_ =	sdelay $0x1  }
0x97: {  	s5 =	rddreg [dreg:$0x15]  }
0x98: {  	[tilespmem:s5], [sflag:$0x1] =	stream.indirect_vreg.gather [hbm4b:s1+s4], $0x80, v4, vm0, $0xb8;
	[tilespmem:$0x1B800] =	vst v63  }
0x99: {  	s9 =	rddreg [dreg:$0x16]  }
0x9a: {  	[tilespmem:s9], [sflag:$0x1] =	stream.indirect_vreg.gather [hbm4b:s1+s4], $0x80, v3, vm0, $0xb8;
	[tilespmem:$0x1B800] =	vst v63  }
0x9b: {  	v3 =	vld [tilespmem:s31+$0x30];
	_ =	sdelay $0x4  }
0x9c: {  	v47 =	vshll.u32 v3, $0x1  }
0x9d: {  	v3 =	vand.u32 $0x7, v3;
	v4 =	vand.u32 $0xFFFFFFF0, v47  }
0x9e: {  	v3 =	vor.u32 v3, v4  }
0x9f: {  	v4 =	vperm.xlane v3, v0;
	_ =	sdelay $0x1  }
0xa0: {  	v3 =	vperm.xlane v3, v2;
	v4 =	vadd.s32 v1, v4;
	_ =	sdelay $0x1  }
0xa1: {  	v3 =	vadd.s32 v1, v3;
	_ =	sdelay $0x1  }
0xa2: {  	s5 =	rddreg [dreg:$0x17]  }
0xa3: {  	[tilespmem:s5], [sflag:$0x1] =	stream.indirect_vreg.gather [hbm4b:s1+s4], $0x80, v4, vm0, $0xb8;
	[tilespmem:$0x1B800] =	vst v63  }
0xa4: {  	s9 =	rddreg [dreg:$0x18]  }
0xa5: {  	[tilespmem:s9], [sflag:$0x1] =	stream.indirect_vreg.gather [hbm4b:s1+s4], $0x80, v3, vm0, $0xb8;
	[tilespmem:$0x1B800] =	vst v63  }
0xa6: {  	v3 =	vld [tilespmem:s31+$0x40];
	_ =	sdelay $0x4  }
0xa7: {  	v48 =	vshll.u32 v3, $0x1  }
0xa8: {  	v3 =	vand.u32 $0x7, v3;
	v4 =	vand.u32 $0xFFFFFFF0, v48  }
0xa9: {  	v3 =	vor.u32 v3, v4  }
0xaa: {  	v4 =	vperm.xlane v3, v0;
	_ =	sdelay $0x1  }
0xab: {  	v3 =	vperm.xlane v3, v2;
	v4 =	vadd.s32 v1, v4;
	_ =	sdelay $0x1  }
0xac: {  	v3 =	vadd.s32 v1, v3;
	_ =	sdelay $0x1  }
0xad: {  	s5 =	rddreg [dreg:$0x19]  }
0xae: {  	[tilespmem:s5], [sflag:$0x1] =	stream.indirect_vreg.gather [hbm4b:s1+s4], $0x80, v4, vm0, $0xb8;
	[tilespmem:$0x1B800] =	vst v63  }
0xaf: {  	s9 =	rddreg [dreg:$0x1a]  }
0xb0: {  	[tilespmem:s9], [sflag:$0x1] =	stream.indirect_vreg.gather [hbm4b:s1+s4], $0x80, v3, vm0, $0xb8;
	[tilespmem:$0x1B800] =	vst v63  }
0xb1: {  	v3 =	vld [tilespmem:s31+$0x50];
	_ =	sdelay $0x4  }
0xb2: {  	v49 =	vshll.u32 v3, $0x1  }
0xb3: {  	v3 =	vand.u32 $0x7, v3;
	v4 =	vand.u32 $0xFFFFFFF0, v49  }
0xb4: {  	v3 =	vor.u32 v3, v4  }
0xb5: {  	v4 =	vperm.xlane v3, v0;
	_ =	sdelay $0x1  }
0xb6: {  	v3 =	vperm.xlane v3, v2;
	v4 =	vadd.s32 v1, v4;
	_ =	sdelay $0x1  }
0xb7: {  	v3 =	vadd.s32 v1, v3;
	_ =	sdelay $0x1  }
0xb8: {  	s5 =	rddreg [dreg:$0x1b]  }
0xb9: {  	[tilespmem:s5], [sflag:$0x1] =	stream.indirect_vreg.gather [hbm4b:s1+s4], $0x80, v4, vm0, $0xb8;
	[tilespmem:$0x1B800] =	vst v63  }
0xba: {  	s9 =	rddreg [dreg:$0x1c]  }
0xbb: {  	[tilespmem:s9], [sflag:$0x1] =	stream.indirect_vreg.gather [hbm4b:s1+s4], $0x80, v3, vm0, $0xb8;
	[tilespmem:$0x1B800] =	vst v63  }
0xbc: {  	v3 =	vld.msk [tilespmem:s31+$0x60], $0xff;
	_ =	sdelay $0x4  }
0xbd: {  	v50 =	vshll.u32 v3, $0x1  }
0xbe: {  	v3 =	vand.u32 $0x7, v3;
	v4 =	vand.u32 $0xFFFFFFF0, v50  }
0xbf: {  	v3 =	vor.u32 v3, v4  }
0xc0: {  	v3 =	vperm.xlane v3, v0;
	_ =	sdelay $0x1  }
0xc1: {  	v3 =	vadd.s32 v1, v3;
	_ =	sdelay $0x3  }
0xc2: {  	s9 =	rddreg [dreg:$0x1d]  }
0xc3: {  	[tilespmem:s9], [sflag:$0x1] =	stream.indirect_vreg.gather [hbm4b:s1+s4], $0x80, v3, vm0, $0xb8;
	[tilespmem:$0x1B800] =	vst v63  }
0xc4: {  	v3 =	vld [tilespmem:s2+$0xFFFFFFA0];
	_ =	sdelay $0x4  }
0xc5: {  	v51 =	vshll.u32 v3, $0x1  }
0xc6: {  	v3 =	vand.u32 $0x7, v3;
	v4 =	vand.u32 $0xFFFFFFF0, v51  }
0xc7: {  	v3 =	vor.u32 v3, v4  }
0xc8: {  	v4 =	vperm.xlane v3, v0;
	_ =	sdelay $0x1  }
0xc9: {  	v3 =	vperm.xlane v3, v2;
	v4 =	vadd.s32 v1, v4;
	_ =	sdelay $0x1  }
0xca: {  	v3 =	vadd.s32 v1, v3;
	_ =	sdelay $0x2  }
0xcb: {  	[tilespmem:s11], [sflag:$0x2] =	stream.indirect_vreg.gather [hbm4b:s3+s4], $0x80, v4, vm0, $0xb8;
	[tilespmem:$0x1B800] =	vst v63  }
0xcc: {  	s9 =	rddreg [dreg:$0x1e]  }
0xcd: {  	[tilespmem:s9], [sflag:$0x2] =	stream.indirect_vreg.gather [hbm4b:s3+s4], $0x80, v3, vm0, $0xb8;
	[tilespmem:$0x1B800] =	vst v63  }
0xce: {  	v3 =	vld [tilespmem:s2+$0xFFFFFFB0];
	_ =	sdelay $0x4  }
0xcf: {  	v52 =	vshll.u32 v3, $0x1  }
0xd0: {  	v3 =	vand.u32 $0x7, v3;
	v4 =	vand.u32 $0xFFFFFFF0, v52  }
0xd1: {  	v3 =	vor.u32 v3, v4  }
0xd2: {  	v4 =	vperm.xlane v3, v0;
	_ =	sdelay $0x1  }
0xd3: {  	v3 =	vperm.xlane v3, v2;
	v4 =	vadd.s32 v1, v4;
	_ =	sdelay $0x1  }
0xd4: {  	v3 =	vadd.s32 v1, v3  }
0xd5: {  	s5 =	rddreg [dreg:$0x1f]  }
0xd6: {  	s9 =	sld [smem:$0x7F6]  }
0xd7: {  	[tilespmem:s5], [sflag:$0x2] =	stream.indirect_vreg.gather [hbm4b:s3+s4], $0x80, v4, vm0, $0xb8;
	[tilespmem:$0x1B800] =	vst v63  }
0xd8: {  	_ = 	snop  }
0xd9: {  	[tilespmem:s9], [sflag:$0x2] =	stream.indirect_vreg.gather [hbm4b:s3+s4], $0x80, v3, vm0, $0xb8;
	[tilespmem:$0x1B800] =	vst v63  }
0xda: {  	v3 =	vld [tilespmem:s2+$0xFFFFFFC0];
	_ =	sdelay $0x4  }
0xdb: {  	v53 =	vshll.u32 v3, $0x1  }
0xdc: {  	v3 =	vand.u32 $0x7, v3;
	v4 =	vand.u32 $0xFFFFFFF0, v53  }
0xdd: {  	v3 =	vor.u32 v3, v4  }
0xde: {  	v4 =	vperm.xlane v3, v0;
	_ =	sdelay $0x1  }
0xdf: {  	v3 =	vperm.xlane v3, v2;
	v4 =	vadd.s32 v1, v4;
	_ =	sdelay $0x1  }
0xe0: {  	s5 =	sld [smem:$0x7F8];
	v3 =	vadd.s32 v1, v3;
	_ =	sdelay $0x1  }
0xe1: {  	s9 =	sld [smem:$0x7F9]  }
0xe2: {  	[tilespmem:s5], [sflag:$0x2] =	stream.indirect_vreg.gather [hbm4b:s3+s4], $0x80, v4, vm0, $0xb8;
	[tilespmem:$0x1B800] =	vst v63  }
0xe3: {  	_ = 	snop  }
0xe4: {  	[tilespmem:s9], [sflag:$0x2] =	stream.indirect_vreg.gather [hbm4b:s3+s4], $0x80, v3, vm0, $0xb8;
	[tilespmem:$0x1B800] =	vst v63  }
0xe5: {  	v3 =	vld [tilespmem:s2+$0xFFFFFFD0];
	_ =	sdelay $0x4  }
0xe6: {  	v54 =	vshll.u32 v3, $0x1  }
0xe7: {  	v3 =	vand.u32 $0x7, v3;
	v4 =	vand.u32 $0xFFFFFFF0, v54  }
0xe8: {  	v3 =	vor.u32 v3, v4  }
0xe9: {  	v4 =	vperm.xlane v3, v0;
	_ =	sdelay $0x1  }
0xea: {  	v3 =	vperm.xlane v3, v2;
	v4 =	vadd.s32 v1, v4;
	_ =	sdelay $0x1  }
0xeb: {  	s5 =	sld [smem:$0x7FA];
	v3 =	vadd.s32 v1, v3;
	_ =	sdelay $0x1  }
0xec: {  	s9 =	sld [smem:$0x7FB]  }
0xed: {  	[tilespmem:s5], [sflag:$0x2] =	stream.indirect_vreg.gather [hbm4b:s3+s4], $0x80, v4, vm0, $0xb8;
	[tilespmem:$0x1B800] =	vst v63  }
0xee: {  	_ = 	snop  }
0xef: {  	[tilespmem:s9], [sflag:$0x2] =	stream.indirect_vreg.gather [hbm4b:s3+s4], $0x80, v3, vm0, $0xb8;
	[tilespmem:$0x1B800] =	vst v63  }
0xf0: {  	v3 =	vld [tilespmem:s2+$0xFFFFFFE0];
	_ =	sdelay $0x4  }
0xf1: {  	v55 =	vshll.u32 v3, $0x1  }
0xf2: {  	v3 =	vand.u32 $0x7, v3;
	v4 =	vand.u32 $0xFFFFFFF0, v55  }
0xf3: {  	v3 =	vor.u32 v3, v4  }
0xf4: {  	v4 =	vperm.xlane v3, v0;
	_ =	sdelay $0x1  }
0xf5: {  	v3 =	vperm.xlane v3, v2;
	v4 =	vadd.s32 v1, v4;
	_ =	sdelay $0x1  }
0xf6: {  	s5 =	sld [smem:$0x7FC];
	v3 =	vadd.s32 v1, v3;
	_ =	sdelay $0x1  }
0xf7: {  	s9 =	sld [smem:$0x7FD]  }
0xf8: {  	[tilespmem:s5], [sflag:$0x2] =	stream.indirect_vreg.gather [hbm4b:s3+s4], $0x80, v4, vm0, $0xb8;
	[tilespmem:$0x1B800] =	vst v63  }
0xf9: {  	_ = 	snop  }
0xfa: {  	[tilespmem:s9], [sflag:$0x2] =	stream.indirect_vreg.gather [hbm4b:s3+s4], $0x80, v3, vm0, $0xb8;
	[tilespmem:$0x1B800] =	vst v63  }
0xfb: {  	v3 =	vld [tilespmem:s2+$0xFFFFFFF0];
	_ =	sdelay $0x4  }
0xfc: {  	v56 =	vshll.u32 v3, $0x1  }
0xfd: {  	v3 =	vand.u32 $0x7, v3;
	v4 =	vand.u32 $0xFFFFFFF0, v56  }
0xfe: {  	v3 =	vor.u32 v3, v4  }
0xff: {  	v4 =	vperm.xlane v3, v0;
	_ =	sdelay $0x1  }
0x100: {  	v3 =	vperm.xlane v3, v2;
	v4 =	vadd.s32 v1, v4;
	_ =	sdelay $0x1  }
0x101: {  	v3 =	vadd.s32 v1, v3;
	_ =	sdelay $0x2  }
0x102: {  	[tilespmem:s12], [sflag:$0x2] =	stream.indirect_vreg.gather [hbm4b:s3+s4], $0x80, v4, vm0, $0xb8;
	[tilespmem:$0x1B800] =	vst v63  }
0x103: {  	_ = 	snop  }
0x104: {  	[tilespmem:s13], [sflag:$0x2] =	stream.indirect_vreg.gather [hbm4b:s3+s4], $0x80, v3, vm0, $0xb8;
	[tilespmem:$0x1B800] =	vst v63  }
0x105: {  	v3 =	vld [tilespmem:s2+$0x0];
	_ =	sdelay $0x4  }
0x106: {  	v57 =	vshll.u32 v3, $0x1  }
0x107: {  	v3 =	vand.u32 $0x7, v3;
	v4 =	vand.u32 $0xFFFFFFF0, v57  }
0x108: {  	v3 =	vor.u32 v3, v4  }
0x109: {  	v4 =	vperm.xlane v3, v0;
	_ =	sdelay $0x1  }
0x10a: {  	v3 =	vperm.xlane v3, v2;
	v4 =	vadd.s32 v1, v4;
	_ =	sdelay $0x1  }
0x10b: {  	v3 =	vadd.s32 v1, v3;
	_ =	sdelay $0x2  }
0x10c: {  	[tilespmem:s14], [sflag:$0x2] =	stream.indirect_vreg.gather [hbm4b:s3+s4], $0x80, v4, vm0, $0xb8;
	[tilespmem:$0x1B800] =	vst v63  }
0x10d: {  	_ = 	snop  }
0x10e: {  	[tilespmem:s15], [sflag:$0x2] =	stream.indirect_vreg.gather [hbm4b:s3+s4], $0x80, v3, vm0, $0xb8;
	[tilespmem:$0x1B800] =	vst v63  }
0x10f: {  	v3 =	vld [tilespmem:s2+$0x10];
	_ =	sdelay $0x4  }
0x110: {  	v58 =	vshll.u32 v3, $0x1  }
0x111: {  	v3 =	vand.u32 $0x7, v3;
	v4 =	vand.u32 $0xFFFFFFF0, v58  }
0x112: {  	v3 =	vor.u32 v3, v4  }
0x113: {  	v4 =	vperm.xlane v3, v0;
	_ =	sdelay $0x1  }
0x114: {  	v3 =	vperm.xlane v3, v2;
	v4 =	vadd.s32 v1, v4;
	_ =	sdelay $0x1  }
0x115: {  	v3 =	vadd.s32 v1, v3;
	_ =	sdelay $0x2  }
0x116: {  	[tilespmem:s16], [sflag:$0x2] =	stream.indirect_vreg.gather [hbm4b:s3+s4], $0x80, v4, vm0, $0xb8;
	[tilespmem:$0x1B800] =	vst v63  }
0x117: {  	_ = 	snop  }
0x118: {  	[tilespmem:s17], [sflag:$0x2] =	stream.indirect_vreg.gather [hbm4b:s3+s4], $0x80, v3, vm0, $0xb8;
	[tilespmem:$0x1B800] =	vst v63  }
0x119: {  	v3 =	vld [tilespmem:s2+$0x20];
	_ =	sdelay $0x4  }
0x11a: {  	v59 =	vshll.u32 v3, $0x1  }
0x11b: {  	v3 =	vand.u32 $0x7, v3;
	v4 =	vand.u32 $0xFFFFFFF0, v59  }
0x11c: {  	v3 =	vor.u32 v3, v4  }
0x11d: {  	v4 =	vperm.xlane v3, v0;
	_ =	sdelay $0x1  }
0x11e: {  	v3 =	vperm.xlane v3, v2;
	v4 =	vadd.s32 v1, v4;
	_ =	sdelay $0x1  }
0x11f: {  	v3 =	vadd.s32 v1, v3;
	_ =	sdelay $0x2  }
0x120: {  	[tilespmem:s18], [sflag:$0x2] =	stream.indirect_vreg.gather [hbm4b:s3+s4], $0x80, v4, vm0, $0xb8;
	[tilespmem:$0x1B800] =	vst v63  }
0x121: {  	_ = 	snop  }
0x122: {  	[tilespmem:s19], [sflag:$0x2] =	stream.indirect_vreg.gather [hbm4b:s3+s4], $0x80, v3, vm0, $0xb8;
	[tilespmem:$0x1B800] =	vst v63  }
0x123: {  	v3 =	vld [tilespmem:s2+$0x30];
	_ =	sdelay $0x4  }
0x124: {  	v60 =	vshll.u32 v3, $0x1  }
0x125: {  	v3 =	vand.u32 $0x7, v3;
	v4 =	vand.u32 $0xFFFFFFF0, v60  }
0x126: {  	v3 =	vor.u32 v3, v4  }
0x127: {  	v4 =	vperm.xlane v3, v0;
	_ =	sdelay $0x1  }
0x128: {  	v3 =	vperm.xlane v3, v2;
	v4 =	vadd.s32 v1, v4;
	_ =	sdelay $0x1  }
0x129: {  	v3 =	vadd.s32 v1, v3;
	_ =	sdelay $0x2  }
0x12a: {  	[tilespmem:s20], [sflag:$0x2] =	stream.indirect_vreg.gather [hbm4b:s3+s4], $0x80, v4, vm0, $0xb8;
	[tilespmem:$0x1B800] =	vst v63  }
0x12b: {  	_ = 	snop  }
0x12c: {  	[tilespmem:s21], [sflag:$0x2] =	stream.indirect_vreg.gather [hbm4b:s3+s4], $0x80, v3, vm0, $0xb8;
	[tilespmem:$0x1B800] =	vst v63  }
0x12d: {  	v3 =	vld [tilespmem:s2+$0x40];
	_ =	sdelay $0x4  }
0x12e: {  	v61 =	vshll.u32 v3, $0x1  }
0x12f: {  	v3 =	vand.u32 $0x7, v3;
	v4 =	vand.u32 $0xFFFFFFF0, v61  }
0x130: {  	v3 =	vor.u32 v3, v4  }
0x131: {  	v4 =	vperm.xlane v3, v0;
	_ =	sdelay $0x1  }
0x132: {  	v3 =	vperm.xlane v3, v2;
	v4 =	vadd.s32 v1, v4;
	_ =	sdelay $0x1  }
0x133: {  	v3 =	vadd.s32 v1, v3;
	_ =	sdelay $0x2  }
0x134: {  	[tilespmem:s22], [sflag:$0x2] =	stream.indirect_vreg.gather [hbm4b:s3+s4], $0x80, v4, vm0, $0xb8;
	[tilespmem:$0x1B800] =	vst v63  }
0x135: {  	_ = 	snop  }
0x136: {  	[tilespmem:s23], [sflag:$0x2] =	stream.indirect_vreg.gather [hbm4b:s3+s4], $0x80, v3, vm0, $0xb8;
	[tilespmem:$0x1B800] =	vst v63  }
0x137: {  	v3 =	vld [tilespmem:s2+$0x50];
	_ =	sdelay $0x4  }
0x138: {  	v62 =	vshll.u32 v3, $0x1  }
0x139: {  	v3 =	vand.u32 $0x7, v3;
	v4 =	vand.u32 $0xFFFFFFF0, v62  }
0x13a: {  	v3 =	vor.u32 v3, v4  }
0x13b: {  	v4 =	vperm.xlane v3, v0;
	_ =	sdelay $0x1  }
0x13c: {  	v3 =	vperm.xlane v3, v2;
	v4 =	vadd.s32 v1, v4;
	_ =	sdelay $0x1  }
0x13d: {  	v3 =	vadd.s32 v1, v3;
	_ =	sdelay $0x2  }
0x13e: {  	[tilespmem:s24], [sflag:$0x2] =	stream.indirect_vreg.gather [hbm4b:s3+s4], $0x80, v4, vm0, $0xb8;
	[tilespmem:$0x1B800] =	vst v63  }
0x13f: {  	_ = 	snop  }
0x140: {  	[tilespmem:s25], [sflag:$0x2] =	stream.indirect_vreg.gather [hbm4b:s3+s4], $0x80, v3, vm0, $0xb8;
	[tilespmem:$0x1B800] =	vst v63  }
0x141: {  	v3 =	vld.msk [tilespmem:s2+$0x60], $0xff;
	_ =	sdelay $0x4  }
0x142: {  	v63 =	vshll.u32 v3, $0x1  }
0x143: {  	v3 =	vand.u32 $0x7, v3;
	v4 =	vand.u32 $0xFFFFFFF0, v63  }
0x144: {  	v3 =	vor.u32 v3, v4  }
0x145: {  	v3 =	vperm.xlane v3, v0;
	_ =	sdelay $0x1  }
0x146: {  	v3 =	vadd.s32 v1, v3;
	_ =	sdelay $0x4  }
0x147: {  	[tilespmem:s26], [sflag:$0x2] =	stream.indirect_vreg.gather [hbm4b:s3+s4], $0x80, v3, vm0, $0xb8;
	[tilespmem:$0x1B800] =	vst v63  }
0x148: {  	_ =	swait.ge [sflag:s28], $0xC800  }
0x149: {  	s9 =	rddreg [dreg:$0x5];
	[sflag:s28] =	ssyncset.done $0x0  }
0x14a: {  	[sflag:s28] =	ssyncadd.s32 $0xFFFF3800;
	s5 =	sadd.s32 s0, s9  }
0x14b: {  	[hbm4b:s5+s4] =	stream.linear.scatter [tilespmem:s10], [sflag:$0x3], $0xC800, $0x38;
	[tilespmem:$0x1B800] =	vst v63  }
0x14c: {  	_ =	swait.ge [sflag:s8], $0xC800  }
0x14d: {  	[sflag:s8] =	ssyncset.done $0x0  }
0x14e: {  	[sflag:s8] =	ssyncadd.s32 $0xFFFF3800  }
0x14f: {  	_ =	swait.ge [sflag:s29], $0xC800  }
0x150: {  	p0 =	sne.s32 s0, $0x25800;
	s9 =	rddreg [dreg:$0x4];
	[sflag:s29] =	ssyncset.done $0x0  }
.Ltmp0:
0x151: {  	[sflag:s29] =	ssyncadd.s32 $0xFFFF3800;
	s5 =	sadd.s32 s0, s9;
	(pc) =	sbr.rel @p0 .LBB2_2-.Ltmp0, $4  }
0x152: {  	[hbm4b:s5+s4] =	stream.linear.scatter [tilespmem:s11], [sflag:$0x3], $0xC800, $0x38;
	[tilespmem:$0x1B800] =	vst v63  }
0x153: {  	_ =	swait.ge [sflag:s8], $0xC800  }
0x154: {  	s31 =	sadd.s32 $0xC8, s31;
	[sflag:s8] =	ssyncset.done $0x0  }
0x155: {  	s2 =	sadd.s32 $0xC8, s2;
	s0 =	sadd.s32 $0x1900, s0;
	[sflag:s8] =	ssyncadd.s32 $0xFFFF3800  }
0x156: {  	s30 =	sadd.s32 $0x1, s30  }
0x157: {  	p0 =	sne.s32 s30, s7  }
.Ltmp1:
0x158: {  	_ = 	snop;
	(pc) =	sbr.rel @p0 .LBB2_1-.Ltmp1, $1  }
0x159: {  	_ =	sdelay $0x3  }
0x15a: {  	_ =	sfence.sel $0x180000  }
0x15b: {  	[bflag:$0x0] =	sbarrier.arrive $0xFFFF  }
0x15c: {  	_ =	strace $0x90000050  }
0x15d: {  	s0 =	stileid.u32;
	[bflag:$0x2] =	sbarrier.arrive $0xFFFF  }
0x15e: {  	p0 =	sne.s32 s0, $0x0;
	s0 =	rddreg [dreg:$0x3]  }
0x15f: {  	s0 =	sadd.s32 @!p0 $0x100000, s0  }
0x160: {  	[sflag:s0] =	ssyncadd.tile.s32 @!p0 $0x1;
	_ =	shalt  }
.Lfunc_end2:
_tile_overlayer_lowered:
.L_overlay_start_2:
0x161: {  	(tag) =	ssettag $0x2  }
0x162: {  	s0 =	rddreg [dreg:$0x0];
	s2 =	stileid.u32  }
0x163: {  	s1 =	rddreg [dreg:$0x1];
	p0 =	sne.s32 s2, $0x0  }
0x164: {  	s3 =	rddreg [dreg:$0x2];
	[bflag:$0x3] =	sbarrier.arrive $0xFFFF;
	s2 =	simm.s32 @!p0 $0x1C03  }
0x165: {  	[timem:s3], [sflag:s2] =	dma.local @!p0 [hbm:s0], s1  }
0x166: {  	s0 =	simm.s32 @!p0 $0x3  }
0x167: {  	_ =	swait.ge @!p0 [sflag:s0], s1  }
0x168: {  	s1 =	ssub.s32 @!p0 $0x0, s1;
	[sflag:s0] =	ssyncset.done @!p0 $0x0  }
0x169: {  	[sflag:s0] =	ssyncadd.s32 @!p0 s1  }
0x16a: {  	[bflag:$0x3] =	sbarrier.arrive $0xFFFF  }
0x16b: {  	_ =	shalt  }

// kernel: kernel.27.cloned.1.call-start
scs
__scs_entry_jumppad:
0x0: {  	(pc) =	sbr.rel $0x88, $3  }
0x1: {  	(tag) =	ssettag $0x0;
	lr =	simm.s32 $0x1  }
0x2: {  	[smem:$0x3F73] =	sst lr;
	_ =	strace $0xD0000000  }
0x3: {  	_ = 	snop  }
0x4: {  	_ = 	snop  }
0x5: {  	_ = 	snop  }
0x6: {  	_ = 	snop  }
0x7: {  	_ = 	snop  }
__scs_overlays_trampoline_lowered:
0x8: {  	[smem:$0x3F82] =	sst s0  }
0x9: {  	[smem:$0x3F83] =	sst s1  }
0xa: {  	[smem:$0x3F84] =	sst s2  }
0xb: {  	[smem:$0x3F85] =	sst s3  }
0xc: {  	[smem:$0x3F86] =	sst s4  }
0xd: {  	[smem:$0x3F87] =	sst s5  }
0xe: {  	[smem:$0x3F88] =	sst s6  }
0xf: {  	[smem:$0x3F89] =	sst s7  }
0x10: {  	[smem:$0x3F8A] =	sst s8  }
0x11: {  	[smem:$0x3F8B] =	sst s9;
	s0 =	simm.s32 @!p0 $0x0  }
0x12: {  	s1 =	sld [smem:$0x3F71];
	s0 =	simm.s32 @p0 $0x1  }
0x13: {  	[smem:$0x3F8C] =	sst s0;
	s0 =	simm.s32 @!p1 $0x0  }
0x14: {  	s2 =	sld [smem:$0x3F70];
	s0 =	simm.s32 @p1 $0x1  }
0x15: {  	[smem:$0x3F8D] =	sst s0;
	s0 =	simm.s32 @!p2 $0x0  }
0x16: {  	s3 =	sld [smem:$0x3FDB];
	s0 =	simm.s32 @p2 $0x1  }
0x17: {  	s4 =	simm.s32 $0x1BF5;
	[smem:$0x3F8F] =	sst s0  }
0x18: {  	s0 =	sld [smem:$0x3F72];
	_ =	swait.ge [sflag:s4], $0x0  }
0x19: {  	s7 =	sld [smem:$0x3F73]  }
0x1a: {  	s8 =	sadd.s32 $0xFFFFE003, lr  }
0x1b: {  	s9 =	sadd.s32 $0xFFFFFEF7, lr;
	s5 =	simm.s32 $0xFFFFFFFF;
	p2 =	slt.u32 s8, $0xFFFFF086  }
0x1c: {  	p1 =	slt.u32 s9, $0xF7A;
	s5 =	simm.s32 @!p2 $0x0  }
0x1d: {  	s5 =	simm.s32 @p1 $0x1;
	p0 =	seq.s32 s7, s2  }
0x1e: {  	s7 =	smul.u32 @!p0 $0xF7A, s2;
	p2 =	seq.s32 @!p0 s5, $0x0  }
0x1f: {  	s9 =	smul.u32 $0xF7A, s1;
	s8 =	simm.s32 @!p0 $0x1BF5;
	p2 =	por !p2, p0  }
0x20: {  	[sflag:s8] =	ssyncset.s32 @!p0 $0xFFFFF086;
	s6 =	sadd.s32 @!p0 s3, s7;
	s7 =	simm.s32 @!p0 $0x108  }
0x21: {  	s3 =	sadd.s32 s3, s9;
	s6 =	sadd.s32 @!p0 $0x88, s6;
	s7 =	simm.s32 @p2 $0x1082  }
0x22: {  	[simem:s7], [sflag:s8] =	dma.local @!p0 [hbm:s6], $0xF7A  }
0x23: {  	s9 =	sor.u32 $0xD0000000, s2;
	s6 =	simm.s32 $0x108;
	_ =	swait.ge @!p0 [sflag:s8], $0x0  }
0x24: {  	s3 =	sadd.s32 $0x88, s3;
	s6 =	simm.s32 @!p1 $0x1082;
	[sflag:s4] =	ssyncset.s32 $0xFFFFF086  }
0x25: {  	[simem:s6], [sflag:s4] =	dma.local [hbm:s3], $0xF7A  }
0x26: {  	[smem:$0x3F73] =	sst s1;
	(tag) =	ssettag s2;
	_ =	strace s9  }
0x27: {  	s1 =	sld [smem:$0x3F83]  }
0x28: {  	s2 =	sld [smem:$0x3F84]  }
0x29: {  	s4 =	sld [smem:$0x3F86]  }
0x2a: {  	p0 =	seq.s32 s5, $0x0;
	s5 =	sld [smem:$0x3F87]  }
0x2b: {  	s6 =	sld [smem:$0x3F88]  }
0x2c: {  	s7 =	sld [smem:$0x3F89]  }
0x2d: {  	s3 =	simm.s32 $0x108;
	s8 =	sld [smem:$0x3F8A]  }
0x2e: {  	s3 =	simm.s32 @!p0 $0x1082;
	s9 =	sld [smem:$0x3F8B]  }
0x2f: {  	lr =	sadd.s32 s0, s3;
	s0 =	sld [smem:$0x3F82]  }
0x30: {  	s3 =	sld [smem:$0x3F85]  }
0x31: {  	[smem:$0x3F8E] =	sst s10  }
0x32: {  	s10 =	sld [smem:$0x3F8C];
	_ =	sdelay $0x3  }
0x33: {  	p0 =	seq.s32 s10, $0x1;
	s10 =	sld [smem:$0x3F8E];
	_ =	sdelay $0x3  }
0x34: {  	[smem:$0x3F8E] =	sst s10  }
0x35: {  	s10 =	sld [smem:$0x3F8D];
	_ =	sdelay $0x3  }
0x36: {  	p1 =	seq.s32 s10, $0x1;
	s10 =	sld [smem:$0x3F8E];
	_ =	sdelay $0x3  }
0x37: {  	[smem:$0x3F8E] =	sst s10  }
0x38: {  	s10 =	sld [smem:$0x3F8F]  }
0x39: {  	_ = 	snop;
	(pc) =	sbr.ind lr, $3  }
0x3a: {  	_ = 	snop  }
0x3b: {  	_ = 	snop  }
0x3c: {  	p2 =	seq.s32 s10, $0x1;
	s10 =	sld [smem:$0x3F8E]  }
0x3d: {  	_ =	shalt  }
0x3e: {  	_ =	shalt  }
0x3f: {  	_ =	shalt  }
0x40: {  	_ =	shalt  }
0x41: {  	_ =	shalt  }
0x42: {  	_ =	shalt  }
0x43: {  	_ =	shalt  }
0x44: {  	_ =	shalt  }
0x45: {  	_ =	shalt  }
0x46: {  	_ =	shalt  }
0x47: {  	_ =	shalt  }
0x48: {  	_ =	shalt  }
0x49: {  	_ =	shalt  }
0x4a: {  	_ =	shalt  }
0x4b: {  	_ =	shalt  }
0x4c: {  	_ =	shalt  }
0x4d: {  	_ =	shalt  }
0x4e: {  	_ =	shalt  }
0x4f: {  	_ =	shalt  }
0x50: {  	_ =	shalt  }
0x51: {  	_ =	shalt  }
0x52: {  	_ =	shalt  }
0x53: {  	_ =	shalt  }
0x54: {  	_ =	shalt  }
0x55: {  	_ =	shalt  }
0x56: {  	_ =	shalt  }
0x57: {  	_ =	shalt  }
0x58: {  	_ =	shalt  }
0x59: {  	_ =	shalt  }
0x5a: {  	_ =	shalt  }
0x5b: {  	_ =	shalt  }
0x5c: {  	_ =	shalt  }
0x5d: {  	_ =	shalt  }
0x5e: {  	_ =	shalt  }
0x5f: {  	_ =	shalt  }
0x60: {  	_ =	shalt  }
0x61: {  	_ =	shalt  }
0x62: {  	_ =	shalt  }
0x63: {  	_ =	shalt  }
0x64: {  	_ =	shalt  }
0x65: {  	_ =	shalt  }
0x66: {  	_ =	shalt  }
0x67: {  	_ =	shalt  }
0x68: {  	_ =	shalt  }
0x69: {  	_ =	shalt  }
0x6a: {  	_ =	shalt  }
0x6b: {  	_ =	shalt  }
0x6c: {  	_ =	shalt  }
0x6d: {  	_ =	shalt  }
0x6e: {  	_ =	shalt  }
0x6f: {  	_ =	shalt  }
0x70: {  	_ =	shalt  }
0x71: {  	_ =	shalt  }
0x72: {  	_ =	shalt  }
0x73: {  	_ =	shalt  }
0x74: {  	_ =	shalt  }
0x75: {  	_ =	shalt  }
0x76: {  	_ =	shalt  }
0x77: {  	_ =	shalt  }
0x78: {  	_ =	shalt  }
0x79: {  	_ =	shalt  }
0x7a: {  	_ =	shalt  }
0x7b: {  	_ =	shalt  }
0x7c: {  	_ =	shalt  }
0x7d: {  	_ =	shalt  }
0x7e: {  	_ =	shalt  }
0x7f: {  	_ =	shalt  }
0x80: {  	_ =	shalt  }
0x81: {  	_ =	shalt  }
0x82: {  	_ =	shalt  }
0x83: {  	_ =	shalt  }
0x84: {  	_ =	shalt  }
0x85: {  	_ =	shalt  }
0x86: {  	_ =	shalt  }
0x87: {  	_ =	shalt  }
.Lfunc_end0:
.L_simem_size_0:
called_computation.4_lowered:
.L_overlay_start_0:
0x88: {  	s2 =	sld [smem:$0x3FD9]  }
0x89: {  	s3 =	sld [smem:$0x3FFE];
	_ =	sdelay $0x1  }
0x8a: {  	s1 =	srdreg.scid  }
0x8b: {  	s0 =	sand.u32 $0x1, s1  }
0x8c: {  	s17 =	sshll.u32 s0, $0xA;
	s2 =	sadd.s32 s3, s2  }
0x8d: {  	s2 =	sadd.s32 s2, s17  }
0x8e: {  	[smem:$0x3F9A] =	sst s2  }
0x8f: {  	_ = 	snop  }
0x90: {  	(tm) =	ssettm $0x1  }
0x91: {  	s18 =	sld [smem:$0x3FFB];
	_ =	sdelay $0x3  }
0x92: {  	_ =	strace s18  }
0x93: {  	s2 =	sld [smem:$0x3FFC];
	_ =	sdelay $0x3  }
0x94: {  	_ =	strace s2  }
0x95: {  	s2 =	sld [smem:$0x3FFD];
	_ =	sdelay $0x3  }
0x96: {  	_ =	strace s2  }
0x97: {  	_ =	strace $0x8FFFFFFF  }
0x98: {  	s19 =	sld [smem:$0x3FDB];
	_ =	sdelay $0x1  }
0x99: {  	s20 =	simm.s32 $_scs_section_size  }
0x9a: {  	s4 =	simm.s32 $_size__tile_overlayer_lowered;
	s5 =	simm.s32 $_tile_overlayer_lowered  }
0x9b: {  	s6 =	simm.s32 $0x1BFF;
	s21 =	sshll.u32 s5, $0x1;
	s3 =	sadd.s32 s20, s19  }
0x9c: {  	s22 =	simm.s32 $0x0;
	s4 =	sshll.u32 s4, $0x1;
	s5 =	sadd.s32 s21, s3  }
0x9d: {  	[timem:s22], [sflag:s6] =	dma.local [hbm:s5], s4  }
0x9e: {  	_ =	swait.ge [sflag:s6], s4  }
0x9f: {  	s4 =	ssub.s32 $0x0, s4;
	[sflag:s6] =	ssyncset.done $0x0  }
0xa0: {  	[sflag:s6] =	ssyncadd.s32 s4;
	_ =	sdelay $0x1  }
0xa1: {  	s23 =	simm.s32 $0x1B8B  }
0xa2: {  	_ =	swait.ge [sflag:s23], $0x1  }
0xa3: {  	[sflag:s23] =	ssyncset.done $0x0  }
0xa4: {  	[sflag:s23] =	ssyncadd.s32 $0xFFFFFFFF  }
0xa5: {  	s4 =	sld [smem:$0x0]  }
0xa6: {  	s5 =	sand.u32 $0xFFFFFFFE, s1  }
0xa7: {  	p0 =	sne.s32 s1, s5  }
0xa8: {  	s5 =	sshll.u32 @p0 s5, $0xE  }
0xa9: {  	s5 =	sadd.s32 @p0 $0x11B8D, s5;
	s6 =	sshll.u32 @p0 s4, $0x11  }
0xaa: {  	s5 =	sor.u32 @p0 s6, s5  }
0xab: {  	[sflag:s5] =	ssyncadd.remote.s32 @p0 $0x1;
	_ =	sdelay $0x1  }
0xac: {  	s5 =	simm.s32 @p0 $0x1B8D  }
0xad: {  	_ =	swait.eq @p0 [sflag:s5], $0x1  }
0xae: {  	[sflag:s5] =	ssyncadd.s32 @p0 $0xFFFFFFFF  }
0xaf: {  	s6 =	sshll.u32 @!p0 s1, $0xE  }
0xb0: {  	s6 =	sor.u32 @!p0 $0x4000, s6;
	s5 =	simm.s32 @!p0 $0x1B8D  }
0xb1: {  	s4 =	sshll.u32 @!p0 s4, $0x11;
	s6 =	sadd.s32 @!p0 $0x11B8D, s6;
	_ =	swait.eq @!p0 [sflag:s5], $0x1  }
0xb2: {  	s4 =	sor.u32 @!p0 s4, s6;
	[sflag:s5] =	ssyncadd.s32 @!p0 $0xFFFFFFFF  }
0xb3: {  	s25 =	simm.s32 $0x1B8E;
	s24 =	sld [smem:$0x3FFE];
	[sflag:s4] =	ssyncadd.remote.s32 @!p0 $0x1  }
0xb4: {  	s26 =	simm.s32 $execute0_lowered;
	[smem:$0x3FD2] =	sst s25  }
0xb5: {  	s5 =	sshll.u32 s26, $0x1;
	_ =	strace $0x80000055;
	[dreg:$0x1] =	wrdreg $0xFFFFFFFF  }
0xb6: {  	s28 =	simm.s32 $_size_execute0_lowered;
	s3 =	sadd.s32 s3, s5;
	[dreg:$0x0] =	wrdreg $0x0  }
0xb7: {  	s5 =	sshll.u32 s28, $0x1;
	[dreg:$0x2] =	wrdreg s3  }
0xb8: {  	[dreg:$0x3] =	wrdreg s5  }
0xb9: {  	[dreg:$0x4] =	wrdreg $0xC0  }
0xba: {  	_ =	task [dreg:s22], $0x5FFFF  }
0xbb: {  	[dreg:$0x1] =	wrdreg $0xFFFFFFFF  }
0xbc: {  	[dreg:$0x0] =	wrdreg $0x60  }
0xbd: {  	[dreg:$0x2] =	wrdreg s24  }
0xbe: {  	[dreg:$0x3] =	wrdreg $0x0  }
0xbf: {  	[dreg:$0x4] =	wrdreg $0x9  }
0xc0: {  	_ =	task.clear_ibuf [dreg:s22], $0x5FFFF;
	_ =	strace $0x90000055  }
0xc1: {  	s29 =	simm.s32 $0x9;
	_ =	strace $0x80000057  }
0xc2: {  	_ =	swait.ge [sflag:s29], $0x1  }
0xc3: {  	[sflag:s29] =	ssyncadd.s32 $0xFFFFFFFF  }
0xc4: {  	_ =	strace $0x90000057  }
0xc5: {  	_ =	sfence  }
0xc6: {  	s30 =	sld [smem:$0x0];
	_ =	sdelay $0x2  }
0xc7: {  	s31 =	sshll.u32 s1, $0xD;
	s1 =	sshrl.u32 s1, $0x2  }
0xc8: {  	s4 =	sand.u32 $0x4000, s31;
	s1 =	sadd.s32 s1, s30  }
0xc9: {  	s0 =	sor.u32 s4, s0;
	s1 =	sshll.u32 s1, $0x11  }
0xca: {  	s0 =	sor.u32 s1, s0  }
0xcb: {  	s0 =	sadd.s32 $0x8F2B, s0  }
0xcc: {  	[sflag:s0] =	ssyncadd.remote.s32 $0x1  }
0xcd: {  	_ =	sfence.sel $0xFFFF  }
0xce: {  	[dreg:$0x0] =	wrdreg $0xFFFFFFFF;
	(pc) =	sbr.abs _section_cstart, $3  }
0xcf: {  	[dreg:$0x1] =	wrdreg $0xFFFFFFFF  }
0xd0: {  	_ =	task.clear_ibuf [dreg:s22], $0x2FFFF;
	_ =	strace $0x9FFFFFFF  }
0xd1: {  	(tm) =	ssettm $0x7FFFFFFF  }
tec
execute0_lowered:
.L_overlay_start_1:
0x0: {  	(tag) =	ssettag $0x1  }
0x1: {  	s4 =	rddreg [dreg:$0x0]  }
0x2: {  	s1 =	rddreg [dreg:$0x1]  }
0x3: {  	s2 =	simm.s32 $0x0;
	s3 =	stileid.u32;
	s7 =	srdreg.scid  }
0x4: {  	s17 =	simm.s32 $0x400;
	s18 =	simm.s32 $0x800;
	s5 =	smul.u32 $0x4E200, s3  }
0x5: {  	s19 =	simm.s32 $0x18100;
	s20 =	simm.s32 $0xC8;
	s6 =	smul.u32 $0x4E2, s3  }
0x6: {  	s22 =	simm.s32 $0x8;
	s23 =	simm.s32 $0x100;
	s26 =	smul.u32 $0x50000, s3  }
0x7: {  	s24 =	simm.s32 $0x80;
	[smem:$0x7FF] =	sst s2;
	s8 =	smul.u32 $0x27000, s3  }
0x8: {  	s9 =	sand.u32 $0x1, s7;
	s11 =	sadd.s32 $0x148200, s4;
	s15 =	smul.u32 $0x4E000, s3  }
0x9: {  	s25 =	sadd.s32 $0x138000, s1;
	p0 =	sne.s32 s3, $0x0;
	_ =	strace $0x80000056  }
0xa: {  	s28 =	ssub.s32 $0x2, s9;
	s14 =	sshll.u32 s9, $0xA;
	s16 =	sshll.u32 s9, $0x7  }
0xb: {  	s25 =	sshrl.u32 @!p0 s25, $0x3;
	s10 =	sadd.s32 s5, s4;
	s13 =	sadd.s32 s6, s4  }
0xc: {  	s29 =	sshrl.u32 s28, $0x1;
	s30 =	sshrl.u32 s26, $0x2;
	s14 =	sor.u32 s14, s8  }
0xd: {  	s15 =	sshrl.u32 s15, $0x2;
	s26 =	simm.s32 $0x0;
	s12 =	ssub.s32 s28, s29  }
0xe: {  	s4 =	sadd.s32 s30, s1;
	s14 =	sshrl.u32 s14, $0x3;
	s21 =	sadd.s32 s15, s1  }
0xf: {  	s31 =	sadd.s32 s16, s10;
	s13 =	sadd.s32 $0x196400, s13;
	s15 =	simm.s32 $0x1  }
0x10: {  	s5 =	sadd.s32 $0x4000, s4;
	s6 =	sadd.s32 $0x8000, s4;
	s7 =	sadd.s32 $0xC000, s4  }
0x11: {  	s8 =	sadd.s32 $0x10000, s4;
	s9 =	sadd.s32 s11, s14;
	s11 =	sadd.s32 s16, s11  }
0x12: {  	s14 =	simm.s32 $0x14000;
	s16 =	simm.s32 $0x18000;
	s21 =	sshrl.u32 s21, $0x3  }
0x13: {  	v0 =	vimm.f32 $0.0e+00;
	s10 =	sadd.s32 $0x4E000, s11;
	s11 =	smax.u32 s12, $0x1;
	s12 =	sadd.s32 $0x1041400, s31  }
.LBB2_1:
0x14: {  	s28 =	simm.s32 $0x0;
	s29 =	simm.s32 $0x200  }
.LBB2_2:
0x15: {  	p1 =	sne.s32 s29, $0xFE00;
	[tilespmem:s28+$0x14070] =	vst v0  }
0x16: {  	[tilespmem:s28+$0x14000] =	vst v0  }
0x17: {  	[tilespmem:s28+$0x14010] =	vst v0  }
.Ltmp0:
0x18: {  	[tilespmem:s28+$0x14020] =	vst v0;
	(pc) =	sbr.rel @p1 .LBB2_2-.Ltmp0, $4  }
0x19: {  	[tilespmem:s28+$0x14030] =	vst v0  }
0x1a: {  	[tilespmem:s28+$0x14040] =	vst v0  }
0x1b: {  	[tilespmem:s28+$0x14050] =	vst v0  }
0x1c: {  	[tilespmem:s28+$0x14060] =	vst v0;
	s28 =	sshra.s32 s29, $0x2;
	s29 =	sadd.s32 $0x200, s29  }
0x1d: {  	[tilespmem:s28+$0x14070] =	vst v0  }
0x1e: {  	[tilespmem:s28+$0x14000] =	vst v0  }
0x1f: {  	[tilespmem:s28+$0x14010] =	vst v0  }
0x20: {  	[tilespmem:s28+$0x14020] =	vst v0  }
0x21: {  	[tilespmem:s28+$0x14030] =	vst v0  }
0x22: {  	[tilespmem:s28+$0x14040] =	vst v0  }
0x23: {  	[tilespmem:s28+$0x14050] =	vst v0  }
0x24: {  	[tilespmem:s28+$0x14060] =	vst v0  }
0x25: {  	[spmem:s4] =	stream.linear.scatter [tilespmem:s14], [sflag:$0x1], $0x4000, $0x38;
	[tilespmem:$0x1E500] =	vst v63  }
0x26: {  	_ =	swait.ge [sflag:s15], $0x4000  }
0x27: {  	[sflag:s15] =	ssyncset.done $0x0  }
0x28: {  	[sflag:s15] =	ssyncadd.s32 $0xFFFFC000  }
0x29: {  	[spmem:s5] =	stream.linear.scatter [tilespmem:s14], [sflag:$0x1], $0x4000, $0x38;
	[tilespmem:$0x1E500] =	vst v63  }
0x2a: {  	_ =	swait.ge [sflag:s15], $0x4000  }
0x2b: {  	[sflag:s15] =	ssyncset.done $0x0  }
0x2c: {  	[sflag:s15] =	ssyncadd.s32 $0xFFFFC000  }
0x2d: {  	[spmem:s6] =	stream.linear.scatter [tilespmem:s14], [sflag:$0x1], $0x4000, $0x38;
	[tilespmem:$0x1E500] =	vst v63  }
0x2e: {  	_ =	swait.ge [sflag:s15], $0x4000  }
0x2f: {  	[sflag:s15] =	ssyncset.done $0x0  }
0x30: {  	[sflag:s15] =	ssyncadd.s32 $0xFFFFC000  }
0x31: {  	[spmem:s7] =	stream.linear.scatter [tilespmem:s14], [sflag:$0x1], $0x4000, $0x38;
	[tilespmem:$0x1E500] =	vst v63  }
0x32: {  	_ =	swait.ge [sflag:s15], $0x4000  }
0x33: {  	[sflag:s15] =	ssyncset.done $0x0  }
0x34: {  	[sflag:s15] =	ssyncadd.s32 $0xFFFFC000  }
0x35: {  	[spmem:s8] =	stream.linear.scatter [tilespmem:s14], [sflag:$0x1], $0x4000, $0x38;
	[tilespmem:$0x1E500] =	vst v63  }
0x36: {  	_ =	swait.ge [sflag:s15], $0x4000  }
0x37: {  	[sflag:s15] =	ssyncset.done $0x0  }
0x38: {  	[sflag:s15] =	ssyncadd.s32 $0xFFFFC000  }
0x39: {  	s28 =	sadd.s32 $0x0, s13;
	[bflag:$0x0] =	sbarrier.arrive $0xFFFF  }
0x3a: {  	[tilespmem:s16], [sflag:$0x1] =	stream.linear.gather [hbm4b:s28+s2], $0xC8, $0x38;
	[tilespmem:$0x1E500] =	vst v63  }
0x3b: {  	_ =	swait.ge [sflag:s15], $0xC8  }
0x3c: {  	[sflag:s15] =	ssyncset.done $0x0  }
0x3d: {  	[sflag:s15] =	ssyncadd.s32 $0xFFFFFF38  }
0x3e: {  	[tilespmem:s19], [sflag:$0x1] =	stream.strided.gather [hbm4b:s12+s17], $0x6400, s18, s17, $0x38;
	[tilespmem:$0x1E500] =	vst v63  }
0x3f: {  	_ =	swait.ge [sflag:s15], $0x6400  }
0x40: {  	[sflag:s15] =	ssyncset.done $0x0  }
0x41: {  	[sflag:s15] =	ssyncadd.s32 $0xFFFF9C00  }
0x42: {  	[spmem:s1] =	stream.indirect.scatter.add.f32 [tilespmem:s19], [sflag:$0x1], $0x80, s16, s20, $0xb8;
	[tilespmem:$0x1E500] =	vst v63  }
0x43: {  	s29 =	simm.s32 $0x19;
	_ =	swait.ge [sflag:s15], $0x6400  }
0x44: {  	s30 =	simm.s32 $0x32;
	s28 =	sadd.s32 $0x1900, s12;
	[sflag:s15] =	ssyncset.done $0x0  }
.LBB2_4:
0x45: {  	s31 =	sadd.s32 s29, s13  }
0x46: {  	[sflag:s15] =	ssyncadd.s32 $0xFFFF9C00;
	s29 =	smov.u32 s30;
	s0 =	sadd.s32 $0x19, s30  }
0x47: {  	[tilespmem:s16], [sflag:$0x1] =	stream.linear.gather [hbm4b:s31+s2], $0xC8, $0x38;
	[tilespmem:$0x1E500] =	vst v63  }
0x48: {  	p1 =	sne.s32 s30, $0x4C9;
	_ =	swait.ge [sflag:s15], $0xC8  }
0x49: {  	[sflag:s15] =	ssyncset.done $0x0  }
0x4a: {  	[sflag:s15] =	ssyncadd.s32 $0xFFFFFF38  }
0x4b: {  	[tilespmem:s19], [sflag:$0x1] =	stream.strided.gather [hbm4b:s28+s17], $0x6400, s18, s17, $0x38;
	[tilespmem:$0x1E500] =	vst v63  }
0x4c: {  	_ =	swait.ge [sflag:s15], $0x6400  }
.Ltmp1:
0x4d: {  	[sflag:s15] =	ssyncset.done $0x0;
	(pc) =	sbr.rel @p1 .LBB2_4-.Ltmp1, $4  }
0x4e: {  	[sflag:s15] =	ssyncadd.s32 $0xFFFF9C00  }
0x4f: {  	[spmem:s1] =	stream.indirect.scatter.add.f32 [tilespmem:s19], [sflag:$0x1], $0x80, s16, s20, $0xb8;
	[tilespmem:$0x1E500] =	vst v63  }
0x50: {  	_ =	swait.ge [sflag:s15], $0x6400  }
0x51: {  	s30 =	smov.u32 s0;
	s28 =	sadd.s32 $0x1900, s28;
	[sflag:s15] =	ssyncset.done $0x0  }
0x52: {  	s0 =	sadd.s32 s29, s13;
	[sflag:s15] =	ssyncadd.s32 $0xFFFF9C00  }
0x53: {  	[tilespmem:s16], [sflag:$0x1] =	stream.linear.gather [hbm4b:s0+s2], $0xC8, $0x38;
	[tilespmem:$0x1E500] =	vst v63  }
0x54: {  	_ =	swait.ge [sflag:s15], $0xC8  }
0x55: {  	[sflag:s15] =	ssyncset.done $0x0  }
0x56: {  	[sflag:s15] =	ssyncadd.s32 $0xFFFFFF38  }
0x57: {  	[tilespmem:s19], [sflag:$0x1] =	stream.strided.gather [hbm4b:s28+s17], $0x6400, s18, s17, $0x38;
	[tilespmem:$0x1E500] =	vst v63  }
0x58: {  	_ =	swait.ge [sflag:s15], $0x6400  }
0x59: {  	[sflag:s15] =	ssyncset.done $0x0  }
0x5a: {  	[sflag:s15] =	ssyncadd.s32 $0xFFFF9C00  }
0x5b: {  	[spmem:s1] =	stream.indirect.scatter.add.f32 [tilespmem:s19], [sflag:$0x1], $0x80, s16, s20, $0xb8;
	[tilespmem:$0x1E500] =	vst v63  }
0x5c: {  	_ =	swait.ge [sflag:s15], $0x6400  }
0x5d: {  	[sflag:s15] =	ssyncset.done $0x0  }
0x5e: {  	s31 =	sshll.u32 s3, $0x6;
	[sflag:s15] =	ssyncadd.s32 $0xFFFF9C00  }
0x5f: {  	s0 =	sor.u32 $0x1C01, s31;
	[bflag:$0x0] =	sbarrier.arrive $0xFFFF  }
0x60: {  	[hbm:s9@s23], [sflag:s0] =	dma.strided [spmem:s21@s24], $0x2700, s22, $0x10   }
0x61: {  	s29 =	simm.s32 @!p0 $0x100;
	_ =	swait.ge [sflag:s15], $0x2700  }
0x62: {  	s30 =	simm.s32 @!p0 $0x80;
	s26 =	sadd.s32 $0x1, s26;
	[sflag:s15] =	ssyncset.done $0x0  }
0x63: {  	p1 =	sne.s32 s26, s11;
	s28 =	simm.s32 @!p0 $0x8;
	[sflag:s15] =	ssyncadd.s32 $0xFFFFD900  }
0x64: {  	[hbm:s10@s29], [sflag:s0] =	dma.strided @!p0 [spmem:s25@s30], $0x100, s28, $0x10   }
.Ltmp2:
0x65: {  	_ = 	snop;
	(pc) =	sbr.rel @p1 .LBB2_1-.Ltmp2, $4  }
0x66: {  	s0 =	simm.s32 @!p0 $0x1  }
0x67: {  	_ =	swait.ge @!p0 [sflag:s0], $0x100  }
0x68: {  	[sflag:s0] =	ssyncset.done @!p0 $0x0  }
0x69: {  	[sflag:s0] =	ssyncadd.s32 @!p0 $0xFFFFFF00  }
0x6a: {  	_ =	sfence.sel $0x180000  }
0x6b: {  	[bflag:$0x0] =	sbarrier.arrive $0xFFFF  }
0x6c: {  	_ =	strace $0x90000056  }
0x6d: {  	[bflag:$0x2] =	sbarrier.arrive $0xFFFF  }
0x6e: {  	s0 =	rddreg [dreg:$0x2]  }
0x6f: {  	s0 =	sadd.s32 @!p0 $0x100000, s0  }
0x70: {  	[sflag:s0] =	ssyncadd.tile.s32 @!p0 $0x1;
	_ =	shalt  }
.Lfunc_end2:
_tile_overlayer_lowered:
.L_overlay_start_2:
0x71: {  	(tag) =	ssettag $0x2  }
0x72: {  	s0 =	rddreg [dreg:$0x0];
	s2 =	stileid.u32  }
0x73: {  	s1 =	rddreg [dreg:$0x1];
	p0 =	sne.s32 s2, $0x0  }
0x74: {  	s3 =	rddreg [dreg:$0x2];
	[bflag:$0x3] =	sbarrier.arrive $0xFFFF;
	s2 =	simm.s32 @!p0 $0x1C01  }
0x75: {  	[timem:s3], [sflag:s2] =	dma.local @!p0 [hbm:s0], s1  }
0x76: {  	s0 =	simm.s32 @!p0 $0x1  }
0x77: {  	_ =	swait.ge @!p0 [sflag:s0], s1  }
0x78: {  	s1 =	ssub.s32 @!p0 $0x0, s1;
	[sflag:s0] =	ssyncset.done @!p0 $0x0  }
0x79: {  	[sflag:s0] =	ssyncadd.s32 @!p0 s1  }
0x7a: {  	[bflag:$0x3] =	sbarrier.arrive $0xFFFF  }
0x7b: {  	_ =	shalt  }

// kernel: kernel.30.cloned.1.call-start
scs
__scs_entry_jumppad:
0x0: {  	(pc) =	sbr.rel $0x88, $3  }
0x1: {  	(tag) =	ssettag $0x0;
	lr =	simm.s32 $0x1  }
0x2: {  	[smem:$0x3F73] =	sst lr;
	_ =	strace $0xD0000000  }
0x3: {  	_ = 	snop  }
0x4: {  	_ = 	snop  }
0x5: {  	_ = 	snop  }
0x6: {  	_ = 	snop  }
0x7: {  	_ = 	snop  }
__scs_overlays_trampoline_lowered:
0x8: {  	[smem:$0x3F82] =	sst s0  }
0x9: {  	[smem:$0x3F83] =	sst s1  }
0xa: {  	[smem:$0x3F84] =	sst s2  }
0xb: {  	[smem:$0x3F85] =	sst s3  }
0xc: {  	[smem:$0x3F86] =	sst s4  }
0xd: {  	[smem:$0x3F87] =	sst s5  }
0xe: {  	[smem:$0x3F88] =	sst s6  }
0xf: {  	[smem:$0x3F89] =	sst s7  }
0x10: {  	[smem:$0x3F8A] =	sst s8  }
0x11: {  	[smem:$0x3F8B] =	sst s9;
	s0 =	simm.s32 @!p0 $0x0  }
0x12: {  	s1 =	sld [smem:$0x3F71];
	s0 =	simm.s32 @p0 $0x1  }
0x13: {  	[smem:$0x3F8C] =	sst s0;
	s0 =	simm.s32 @!p1 $0x0  }
0x14: {  	s2 =	sld [smem:$0x3F70];
	s0 =	simm.s32 @p1 $0x1  }
0x15: {  	[smem:$0x3F8D] =	sst s0;
	s0 =	simm.s32 @!p2 $0x0  }
0x16: {  	s3 =	sld [smem:$0x3FDB];
	s0 =	simm.s32 @p2 $0x1  }
0x17: {  	s4 =	simm.s32 $0x1BF5;
	[smem:$0x3F8F] =	sst s0  }
0x18: {  	s0 =	sld [smem:$0x3F72];
	_ =	swait.ge [sflag:s4], $0x0  }
0x19: {  	s7 =	sld [smem:$0x3F73]  }
0x1a: {  	s8 =	sadd.s32 $0xFFFFE003, lr  }
0x1b: {  	s9 =	sadd.s32 $0xFFFFFEF7, lr;
	s5 =	simm.s32 $0xFFFFFFFF;
	p2 =	slt.u32 s8, $0xFFFFF086  }
0x1c: {  	p1 =	slt.u32 s9, $0xF7A;
	s5 =	simm.s32 @!p2 $0x0  }
0x1d: {  	s5 =	simm.s32 @p1 $0x1;
	p0 =	seq.s32 s7, s2  }
0x1e: {  	s7 =	smul.u32 @!p0 $0xF7A, s2;
	p2 =	seq.s32 @!p0 s5, $0x0  }
0x1f: {  	s9 =	smul.u32 $0xF7A, s1;
	s8 =	simm.s32 @!p0 $0x1BF5;
	p2 =	por !p2, p0  }
0x20: {  	[sflag:s8] =	ssyncset.s32 @!p0 $0xFFFFF086;
	s6 =	sadd.s32 @!p0 s3, s7;
	s7 =	simm.s32 @!p0 $0x108  }
0x21: {  	s3 =	sadd.s32 s3, s9;
	s6 =	sadd.s32 @!p0 $0x88, s6;
	s7 =	simm.s32 @p2 $0x1082  }
0x22: {  	[simem:s7], [sflag:s8] =	dma.local @!p0 [hbm:s6], $0xF7A  }
0x23: {  	s9 =	sor.u32 $0xD0000000, s2;
	s6 =	simm.s32 $0x108;
	_ =	swait.ge @!p0 [sflag:s8], $0x0  }
0x24: {  	s3 =	sadd.s32 $0x88, s3;
	s6 =	simm.s32 @!p1 $0x1082;
	[sflag:s4] =	ssyncset.s32 $0xFFFFF086  }
0x25: {  	[simem:s6], [sflag:s4] =	dma.local [hbm:s3], $0xF7A  }
0x26: {  	[smem:$0x3F73] =	sst s1;
	(tag) =	ssettag s2;
	_ =	strace s9  }
0x27: {  	s1 =	sld [smem:$0x3F83]  }
0x28: {  	s2 =	sld [smem:$0x3F84]  }
0x29: {  	s4 =	sld [smem:$0x3F86]  }
0x2a: {  	p0 =	seq.s32 s5, $0x0;
	s5 =	sld [smem:$0x3F87]  }
0x2b: {  	s6 =	sld [smem:$0x3F88]  }
0x2c: {  	s7 =	sld [smem:$0x3F89]  }
0x2d: {  	s3 =	simm.s32 $0x108;
	s8 =	sld [smem:$0x3F8A]  }
0x2e: {  	s3 =	simm.s32 @!p0 $0x1082;
	s9 =	sld [smem:$0x3F8B]  }
0x2f: {  	lr =	sadd.s32 s0, s3;
	s0 =	sld [smem:$0x3F82]  }
0x30: {  	s3 =	sld [smem:$0x3F85]  }
0x31: {  	[smem:$0x3F8E] =	sst s10  }
0x32: {  	s10 =	sld [smem:$0x3F8C];
	_ =	sdelay $0x3  }
0x33: {  	p0 =	seq.s32 s10, $0x1;
	s10 =	sld [smem:$0x3F8E];
	_ =	sdelay $0x3  }
0x34: {  	[smem:$0x3F8E] =	sst s10  }
0x35: {  	s10 =	sld [smem:$0x3F8D];
	_ =	sdelay $0x3  }
0x36: {  	p1 =	seq.s32 s10, $0x1;
	s10 =	sld [smem:$0x3F8E];
	_ =	sdelay $0x3  }
0x37: {  	[smem:$0x3F8E] =	sst s10  }
0x38: {  	s10 =	sld [smem:$0x3F8F]  }
0x39: {  	_ = 	snop;
	(pc) =	sbr.ind lr, $3  }
0x3a: {  	_ = 	snop  }
0x3b: {  	_ = 	snop  }
0x3c: {  	p2 =	seq.s32 s10, $0x1;
	s10 =	sld [smem:$0x3F8E]  }
0x3d: {  	_ =	shalt  }
0x3e: {  	_ =	shalt  }
0x3f: {  	_ =	shalt  }
0x40: {  	_ =	shalt  }
0x41: {  	_ =	shalt  }
0x42: {  	_ =	shalt  }
0x43: {  	_ =	shalt  }
0x44: {  	_ =	shalt  }
0x45: {  	_ =	shalt  }
0x46: {  	_ =	shalt  }
0x47: {  	_ =	shalt  }
0x48: {  	_ =	shalt  }
0x49: {  	_ =	shalt  }
0x4a: {  	_ =	shalt  }
0x4b: {  	_ =	shalt  }
0x4c: {  	_ =	shalt  }
0x4d: {  	_ =	shalt  }
0x4e: {  	_ =	shalt  }
0x4f: {  	_ =	shalt  }
0x50: {  	_ =	shalt  }
0x51: {  	_ =	shalt  }
0x52: {  	_ =	shalt  }
0x53: {  	_ =	shalt  }
0x54: {  	_ =	shalt  }
0x55: {  	_ =	shalt  }
0x56: {  	_ =	shalt  }
0x57: {  	_ =	shalt  }
0x58: {  	_ =	shalt  }
0x59: {  	_ =	shalt  }
0x5a: {  	_ =	shalt  }
0x5b: {  	_ =	shalt  }
0x5c: {  	_ =	shalt  }
0x5d: {  	_ =	shalt  }
0x5e: {  	_ =	shalt  }
0x5f: {  	_ =	shalt  }
0x60: {  	_ =	shalt  }
0x61: {  	_ =	shalt  }
0x62: {  	_ =	shalt  }
0x63: {  	_ =	shalt  }
0x64: {  	_ =	shalt  }
0x65: {  	_ =	shalt  }
0x66: {  	_ =	shalt  }
0x67: {  	_ =	shalt  }
0x68: {  	_ =	shalt  }
0x69: {  	_ =	shalt  }
0x6a: {  	_ =	shalt  }
0x6b: {  	_ =	shalt  }
0x6c: {  	_ =	shalt  }
0x6d: {  	_ =	shalt  }
0x6e: {  	_ =	shalt  }
0x6f: {  	_ =	shalt  }
0x70: {  	_ =	shalt  }
0x71: {  	_ =	shalt  }
0x72: {  	_ =	shalt  }
0x73: {  	_ =	shalt  }
0x74: {  	_ =	shalt  }
0x75: {  	_ =	shalt  }
0x76: {  	_ =	shalt  }
0x77: {  	_ =	shalt  }
0x78: {  	_ =	shalt  }
0x79: {  	_ =	shalt  }
0x7a: {  	_ =	shalt  }
0x7b: {  	_ =	shalt  }
0x7c: {  	_ =	shalt  }
0x7d: {  	_ =	shalt  }
0x7e: {  	_ =	shalt  }
0x7f: {  	_ =	shalt  }
0x80: {  	_ =	shalt  }
0x81: {  	_ =	shalt  }
0x82: {  	_ =	shalt  }
0x83: {  	_ =	shalt  }
0x84: {  	_ =	shalt  }
0x85: {  	_ =	shalt  }
0x86: {  	_ =	shalt  }
0x87: {  	_ =	shalt  }
.Lfunc_end0:
.L_simem_size_0:
called_computation.5_lowered:
.L_overlay_start_0:
0x88: {  	s2 =	sld [smem:$0x3FD9]  }
0x89: {  	s3 =	sld [smem:$0x3FFE];
	_ =	sdelay $0x1  }
0x8a: {  	s1 =	srdreg.scid  }
0x8b: {  	s0 =	sand.u32 $0x1, s1  }
0x8c: {  	s16 =	sshll.u32 s0, $0xA;
	s2 =	sadd.s32 s3, s2  }
0x8d: {  	s2 =	sadd.s32 s2, s16  }
0x8e: {  	[smem:$0x3F9A] =	sst s2  }
0x8f: {  	_ = 	snop  }
0x90: {  	(tm) =	ssettm $0x1  }
0x91: {  	s17 =	sld [smem:$0x3FFB];
	_ =	sdelay $0x3  }
0x92: {  	_ =	strace s17  }
0x93: {  	s2 =	sld [smem:$0x3FFC];
	_ =	sdelay $0x3  }
0x94: {  	_ =	strace s2  }
0x95: {  	s2 =	sld [smem:$0x3FFD];
	_ =	sdelay $0x3  }
0x96: {  	_ =	strace s2  }
0x97: {  	_ =	strace $0x8FFFFFFF  }
0x98: {  	s18 =	sld [smem:$0x3FDB];
	_ =	sdelay $0x1  }
0x99: {  	s19 =	simm.s32 $_scs_section_size  }
0x9a: {  	s4 =	simm.s32 $_size__tile_overlayer_lowered;
	s5 =	simm.s32 $_tile_overlayer_lowered  }
0x9b: {  	s22 =	simm.s32 $0x1BFF;
	s21 =	sshll.u32 s5, $0x1;
	s2 =	sadd.s32 s19, s18  }
0x9c: {  	s6 =	simm.s32 $0x0;
	s20 =	sshll.u32 s4, $0x1;
	s4 =	sadd.s32 s21, s2  }
0x9d: {  	[timem:s6], [sflag:s22] =	dma.local [hbm:s4], s20  }
0x9e: {  	_ =	swait.ge [sflag:s22], s20  }
0x9f: {  	s3 =	ssub.s32 $0x0, s20;
	[sflag:s22] =	ssyncset.done $0x0  }
0xa0: {  	[sflag:s22] =	ssyncadd.s32 s3;
	_ =	sdelay $0x1  }
0xa1: {  	s23 =	simm.s32 $0x1B8B  }
0xa2: {  	_ =	swait.ge [sflag:s23], $0x1  }
0xa3: {  	[sflag:s23] =	ssyncset.done $0x0  }
0xa4: {  	s25 =	simm.s32 $0x1B8E;
	s24 =	sld [smem:$0x3FFE];
	[sflag:s23] =	ssyncadd.s32 $0xFFFFFFFF  }
0xa5: {  	s26 =	simm.s32 $execute0_lowered;
	[smem:$0x3FD2] =	sst s25  }
0xa6: {  	s4 =	sshll.u32 s26, $0x1;
	_ =	strace $0x80000052;
	[dreg:$0x1] =	wrdreg $0xFFFFFFFF  }
0xa7: {  	s28 =	simm.s32 $_size_execute0_lowered;
	s2 =	sadd.s32 s2, s4;
	[dreg:$0x0] =	wrdreg $0x0  }
0xa8: {  	s4 =	sshll.u32 s28, $0x1;
	[dreg:$0x2] =	wrdreg s2  }
0xa9: {  	[dreg:$0x3] =	wrdreg s4  }
0xaa: {  	[dreg:$0x4] =	wrdreg $0xC0  }
0xab: {  	_ =	task [dreg:s6], $0x5FFFF  }
0xac: {  	[dreg:$0x1] =	wrdreg $0xFFFFFFFF  }
0xad: {  	[dreg:$0x0] =	wrdreg $0x60  }
0xae: {  	[dreg:$0x2] =	wrdreg s24  }
0xaf: {  	[dreg:$0x3] =	wrdreg $0xA  }
0xb0: {  	_ =	task.clear_ibuf [dreg:s6], $0x4FFFF;
	_ =	strace $0x90000052  }
0xb1: {  	s29 =	simm.s32 $0xA;
	_ =	strace $0x80000054  }
0xb2: {  	_ =	swait.ge [sflag:s29], $0x1  }
0xb3: {  	[sflag:s29] =	ssyncadd.s32 $0xFFFFFFFF  }
0xb4: {  	_ =	strace $0x90000054  }
0xb5: {  	_ =	sfence  }
0xb6: {  	s30 =	sld [smem:$0x0];
	_ =	sdelay $0x2  }
0xb7: {  	s31 =	sshll.u32 s1, $0xD;
	s1 =	sshrl.u32 s1, $0x2  }
0xb8: {  	s3 =	sand.u32 $0x4000, s31;
	s1 =	sadd.s32 s1, s30  }
0xb9: {  	s0 =	sor.u32 s3, s0;
	s1 =	sshll.u32 s1, $0x11  }
0xba: {  	s0 =	sor.u32 s1, s0  }
0xbb: {  	s0 =	sadd.s32 $0x8F2B, s0  }
0xbc: {  	[sflag:s0] =	ssyncadd.remote.s32 $0x1  }
0xbd: {  	_ =	sfence.sel $0xFFFF  }
0xbe: {  	[dreg:$0x0] =	wrdreg $0xFFFFFFFF;
	(pc) =	sbr.abs _section_cstart, $3  }
0xbf: {  	[dreg:$0x1] =	wrdreg $0xFFFFFFFF  }
0xc0: {  	_ =	task.clear_ibuf [dreg:s6], $0x2FFFF;
	_ =	strace $0x9FFFFFFF  }
0xc1: {  	(tm) =	ssettm $0x7FFFFFFF  }
tec
execute0_lowered:
.L_overlay_start_1:
0x0: {  	(tag) =	ssettag $0x1  }
0x1: {  	v1 =	vimm.s32 $0x2B80  }
0x2: {  	vm0 =	vcmask $0x300;
	v2 =	vimm.s32 $0xA380;
	vm1 =	vcmask $0x704  }
0x3: {  	vm15 =	vcmask $0xB08;
	v1 =	vsel vm0, $0x0, v1;
	v2 =	vsel vm0, $0x0, v2  }
0x4: {  	vm4 =	vcmask $0xF0C;
	v1 =	vsel vm1, $0x80, v1;
	v2 =	vsel vm1, $0x80, v2  }
0x5: {  	vm5 =	vcmask $0x1310;
	v1 =	vsel vm15, $0x100, v1;
	v2 =	vsel vm15, $0x100, v2  }
0x6: {  	vm6 =	vcmask $0x1714;
	v1 =	vsel vm4, $0x180, v1;
	v2 =	vsel vm4, $0x180, v2  }
0x7: {  	s0 =	srdreg.scid;
	vm7 =	vcmask $0x1B18;
	v1 =	vsel vm5, $0x200, v1;
	v2 =	vsel vm5, $0x200, v2  }
0x8: {  	s5 =	rddreg [dreg:$0x0];
	vm8 =	vcmask $0x1F1C;
	s4 =	sand.u32 $0x1, s0;
	v1 =	vsel vm6, $0x280, v1;
	v2 =	vsel vm6, $0x280, v2  }
0x9: {  	s1 =	rddreg [dreg:$0x1];
	vm9 =	vcmask $0x2320;
	s0 =	smul.u32 $0xFFFFEC00, s4;
	v1 =	vsel vm7, $0x300, v1;
	v2 =	vsel vm7, $0x300, v2  }
0xa: {  	s2 =	simm.s32 $0x0;
	vm10 =	vcmask $0x2724;
	s9 =	simm.s32 $0x1;
	s10 =	simm.s32 $0x138800;
	v1 =	vsel vm8, $0x380, v1;
	v2 =	vsel vm8, $0x380, v2  }
0xb: {  	s11 =	simm.s32 $0x14500;
	s7 =	smul.u32 $0xA000, s4;
	v0 =	vmov s0;
	s0 =	stileid.u32;
	v1 =	vsel vm9, $0x2800, v1;
	v2 =	vsel vm9, $0xA000, v2  }
0xc: {  	vm11 =	vcmask $0x2B28;
	s12 =	simm.s32 $0xA000;
	s13 =	simm.s32 $0x14000;
	s6 =	smul.u32 $0x28000, s0;
	v1 =	vsel vm10, $0x2880, v1;
	v2 =	vsel vm10, $0xA080, v2  }
0xd: {  	vm12 =	vcmask $0x2F2C;
	s14 =	simm.s32 $0x0;
	[smem:$0x7FF] =	sst s2;
	s3 =	sadd.s32 $0xB5F400, s5;
	v1 =	vsel vm11, $0x2900, v1;
	v2 =	vsel vm11, $0xA100, v2  }
0xe: {  	vm13 =	vcmask $0x3330;
	_ =	strace $0x80000053;
	s31 =	ssub.s32 $0x2, s4;
	s6 =	sadd.s32 s7, s6;
	v1 =	vsel vm12, $0x2980, v1;
	v2 =	vsel vm12, $0xA180, v2  }
0xf: {  	vm14 =	vcmask $0x3734;
	s4 =	sadd.s32 $0x196400, s5;
	s8 =	sshrl.u32 s31, $0x1;
	s6 =	sshrl.u32 s6, $0x3;
	v1 =	vsel vm13, $0x2A00, v1;
	v2 =	vsel vm13, $0xA200, v2  }
0x10: {  	vm15 =	vcmask $0x3B38;
	s7 =	ssub.s32 s31, s8;
	s8 =	simm.s32 $0x2800;
	s6 =	sadd.s32 s6, s5;
	v3 =	vsel vm14, $0x2A80, v1;
	v4 =	vsel vm14, $0xA280, v2  }
0x11: {  	s7 =	smax.u32 s7, $0x1;
	s5 =	smul.u32 $0x271000, s0;
	s6 =	sadd.s32 $0xF8200, s6;
	v1 =	vimm.f32 $-Inf;
	v2 =	vsel vm15, $0x2B00, v3;
	v3 =	vsel vm15, $0xA300, v4  }
.LBB2_1:
0x12: {  	s15 =	sand.u32 $0x70, s2;
	s16 =	sand.u32 $0xFC00, s2  }
0x13: {  	s15 =	sor.u32 s15, s16  }
0x14: {  	[tilespmem:s15+$0x80] =	vst v1  }
0x15: {  	[tilespmem:s15+$0x100] =	vst v1  }
0x16: {  	s19 =	sand.u32 $0x7, s2;
	[tilespmem:s15+$0x180] =	vst v1  }
0x17: {  	s17 =	simm.s32 $0x10;
	s18 =	simm.s32 $0x0;
	s16 =	simm.s32 $0x0;
	[tilespmem:s15+$0x200] =	vst v1  }
.LBB2_2:
0x18: {  	p0 =	sne.s32 s17, $0x13F0;
	s19 =	sshll.u32 s19, $0x4;
	[tilespmem:s15+$0x280] =	vst v1  }
0x19: {  	s19 =	sadd.s32 s19, s16;
	[tilespmem:s15+$0x300] =	vst v1  }
0x1a: {  	[tilespmem:s15+$0x0] =	vst v1;
	s19 =	sor.u32 $0x380, s19  }
0x1b: {  	[tilespmem:s19+$0x0] =	vst v1  }
0x1c: {  	[tilespmem:s15+$0xA000] =	vst v1  }
0x1d: {  	[tilespmem:s15+$0xA080] =	vst v1  }
0x1e: {  	[tilespmem:s15+$0xA100] =	vst v1  }
0x1f: {  	[tilespmem:s15+$0xA180] =	vst v1  }
0x20: {  	[tilespmem:s15+$0xA200] =	vst v1  }
0x21: {  	s16 =	sadd.s32 $0x80, s16;
	[tilespmem:s15+$0xA280] =	vst v1  }
0x22: {  	s20 =	sand.u32 $0xFC00, s16;
	s19 =	sand.u32 $0x70, s17;
	[tilespmem:s15+$0xA300] =	vst v1  }
.Ltmp0:
0x23: {  	[tilespmem:s15+$0xA380] =	vst v1;
	s15 =	sor.u32 s19, s20;
	(pc) =	sbr.rel @p0 .LBB2_2-.Ltmp0, $4  }
0x24: {  	[tilespmem:s15+$0x80] =	vst v1  }
0x25: {  	[tilespmem:s15+$0x100] =	vst v1  }
0x26: {  	s18 =	sadd.s32 $0x1, s18;
	[tilespmem:s15+$0x180] =	vst v1  }
0x27: {  	s17 =	sadd.s32 $0x10, s17;
	s19 =	sand.u32 $0x7, s18;
	[tilespmem:s15+$0x200] =	vst v1  }
0x28: {  	s17 =	sshll.u32 s19, $0x4;
	[tilespmem:s15+$0x280] =	vst v1  }
0x29: {  	[tilespmem:s15+$0x300] =	vst v1;
	s16 =	sadd.s32 s17, s16  }
0x2a: {  	[tilespmem:s15+$0x0] =	vst v1;
	s16 =	sor.u32 $0x380, s16  }
0x2b: {  	[tilespmem:s16+$0x0] =	vst v1  }
0x2c: {  	[tilespmem:s15+$0xA000] =	vst v1  }
0x2d: {  	[tilespmem:s15+$0xA080] =	vst v1  }
0x2e: {  	[tilespmem:s15+$0xA100] =	vst v1  }
0x2f: {  	[tilespmem:s15+$0xA180] =	vst v1  }
0x30: {  	[tilespmem:s15+$0xA200] =	vst v1  }
0x31: {  	[tilespmem:s15+$0xA280] =	vst v1  }
0x32: {  	[tilespmem:s15+$0xA300] =	vst v1  }
0x33: {  	[tilespmem:s15+$0xA380] =	vst v1;
	s15 =	simm.s32 $0x0  }
.LBB2_4:
0x34: {  	s16 =	smul.u32 $0xA0, s15;
	_ =	sdelay $0x1  }
0x35: {  	s18 =	smul.u32 $0x2800, s15;
	s17 =	sadd.s32 s4, s16;
	s16 =	simm.s32 $0x14000  }
0x36: {  	[tilespmem:s16], [sflag:$0x1] =	stream.linear.gather [hbm4b:s17+s2], $0x500, $0x38;
	[tilespmem:$0x19500] =	vst v63  }
0x37: {  	s31 =	sadd.s32 s5, s18;
	_ =	swait.ge [sflag:s9], $0x500  }
0x38: {  	s17 =	sshrl.u32 s31, $0x3;
	[sflag:s9] =	ssyncset.done $0x0  }
0x39: {  	s17 =	sadd.s32 s3, s17;
	[sflag:s9] =	ssyncadd.s32 $0xFFFFFB00  }
0x3a: {  	[tilespmem:s11], [sflag:$0x1] =	stream.strided.gather [hbm4b:s17+s8], $0x5000, s10, s8, $0x38;
	[tilespmem:$0x19500] =	vst v63  }
0x3b: {  	_ =	swait.ge [sflag:s9], $0x5000  }
0x3c: {  	[sflag:s9] =	ssyncset.done $0x0  }
0x3d: {  	s17 =	simm.s32 $0xF;
	[sflag:s9] =	ssyncadd.s32 $0xFFFFB000  }
.LBB2_5:
0x3e: {  	v4 =	vld [tilespmem:s16+$0x0];
	_ =	sdelay $0x4  }
0x3f: {  	v4 =	vadd.s32 v0, v4  }
0x40: {  	(v2sf) =	vpush v4, $0x0;
	_ =	sdelay $0xe  }
0x41: {  	s18 =	spop (v2sf)  }
0x42: {  	p0 =	sgt.u32 s18, $0x13FF  }
0x43: {  	s18 =	sadd.s32 @!p0 $0xFFFFFFF1, s17  }
0x44: {  	(v2sf) =	vpush v4, $0x1;
	v5 =	vbroadcast @!p0 v4, $0x0;
	v6 =	vmov @!p0 s18  }
0x45: {  	v7 =	vshll.u32 @!p0 v6, $0x3  }
0x46: {  	v6 =	vand.u32 @!p0 $0x70, v6;
	v8 =	vshll.u32 @!p0 v5, $0x3;
	v7 =	vand.u32 @!p0 $0x3C00, v7  }
0x47: {  	v5 =	vand.u32 @!p0 $0x7F, v5;
	v6 =	vor.u32 @!p0 v6, v7;
	v7 =	vand.u32 @!p0 $0xFFFFFC00, v8  }
0x48: {  	v6 =	vadd.s32 @!p0 v2, v6;
	v5 =	vor.u32 @!p0 v5, v7  }
0x49: {  	v5 =	vadd.s32 @!p0 v3, v5;
	_ =	sdelay $0x3  }
0x4a: {  	v6 =	vld.idx.msk @!p0 [tilespmem:v6+s11+$0x0], $0xffff  }
0x4b: {  	v7 =	vld.idx.msk @!p0 [tilespmem:v5+s2+$0x0], $0xffff;
	_ =	sdelay $0x4  }
0x4c: {  	s29 =	spop (v2sf);
	v6 =	vmax.f32 @!p0 v7, v6  }
0x4d: {  	[tilespmem:v5+s2+$0x0] =	vst.idx.msk @!p0 $0xffff, v6;
	p0 =	sgt.u32 s29, $0x13FF  }
0x4e: {  	s18 =	sadd.s32 @!p0 $0xFFFFFFF2, s17  }
0x4f: {  	(v2sf) =	vpush v4, $0x2;
	v5 =	vbroadcast @!p0 v4, $0x1;
	v6 =	vmov @!p0 s18  }
0x50: {  	v7 =	vshll.u32 @!p0 v6, $0x3  }
0x51: {  	v6 =	vand.u32 @!p0 $0x71, v6;
	v8 =	vshll.u32 @!p0 v5, $0x3;
	v7 =	vand.u32 @!p0 $0x3C00, v7  }
0x52: {  	v5 =	vand.u32 @!p0 $0x7F, v5;
	v6 =	vor.u32 @!p0 v6, v7;
	v7 =	vand.u32 @!p0 $0xFFFFFC00, v8  }
0x53: {  	v6 =	vadd.s32 @!p0 v2, v6;
	v5 =	vor.u32 @!p0 v5, v7  }
0x54: {  	v5 =	vadd.s32 @!p0 v3, v5;
	_ =	sdelay $0x3  }
0x55: {  	v6 =	vld.idx.msk @!p0 [tilespmem:v6+s11+$0x0], $0xffff  }
0x56: {  	v7 =	vld.idx.msk @!p0 [tilespmem:v5+s2+$0x0], $0xffff;
	_ =	sdelay $0x4  }
0x57: {  	s30 =	spop (v2sf);
	v6 =	vmax.f32 @!p0 v7, v6  }
0x58: {  	[tilespmem:v5+s2+$0x0] =	vst.idx.msk @!p0 $0xffff, v6;
	p0 =	sgt.u32 s30, $0x13FF  }
0x59: {  	s18 =	sadd.s32 @!p0 $0xFFFFFFF3, s17  }
0x5a: {  	(v2sf) =	vpush v4, $0x3;
	v5 =	vbroadcast @!p0 v4, $0x2;
	v6 =	vmov @!p0 s18  }
0x5b: {  	v7 =	vshll.u32 @!p0 v6, $0x3  }
0x5c: {  	v6 =	vand.u32 @!p0 $0x72, v6;
	v8 =	vshll.u32 @!p0 v5, $0x3;
	v7 =	vand.u32 @!p0 $0x3C00, v7  }
0x5d: {  	v5 =	vand.u32 @!p0 $0x7F, v5;
	v6 =	vor.u32 @!p0 v6, v7;
	v7 =	vand.u32 @!p0 $0xFFFFFC00, v8  }
0x5e: {  	v6 =	vadd.s32 @!p0 v2, v6;
	v5 =	vor.u32 @!p0 v5, v7  }
0x5f: {  	v5 =	vadd.s32 @!p0 v3, v5;
	_ =	sdelay $0x3  }
0x60: {  	v6 =	vld.idx.msk @!p0 [tilespmem:v6+s11+$0x0], $0xffff  }
0x61: {  	v7 =	vld.idx.msk @!p0 [tilespmem:v5+s2+$0x0], $0xffff;
	_ =	sdelay $0x4  }
0x62: {  	s31 =	spop (v2sf);
	v6 =	vmax.f32 @!p0 v7, v6  }
0x63: {  	[tilespmem:v5+s2+$0x0] =	vst.idx.msk @!p0 $0xffff, v6;
	p0 =	sgt.u32 s31, $0x13FF  }
0x64: {  	s18 =	sadd.s32 @!p0 $0xFFFFFFF4, s17  }
0x65: {  	(v2sf) =	vpush v4, $0x4;
	v5 =	vbroadcast @!p0 v4, $0x3;
	v6 =	vmov @!p0 s18  }
0x66: {  	v7 =	vshll.u32 @!p0 v6, $0x3  }
0x67: {  	v6 =	vand.u32 @!p0 $0x73, v6;
	v8 =	vshll.u32 @!p0 v5, $0x3;
	v7 =	vand.u32 @!p0 $0x3C00, v7  }
0x68: {  	v5 =	vand.u32 @!p0 $0x7F, v5;
	v6 =	vor.u32 @!p0 v6, v7;
	v7 =	vand.u32 @!p0 $0xFFFFFC00, v8  }
0x69: {  	v6 =	vadd.s32 @!p0 v2, v6;
	v5 =	vor.u32 @!p0 v5, v7  }
0x6a: {  	v5 =	vadd.s32 @!p0 v3, v5;
	_ =	sdelay $0x3  }
0x6b: {  	v6 =	vld.idx.msk @!p0 [tilespmem:v6+s11+$0x0], $0xffff  }
0x6c: {  	v7 =	vld.idx.msk @!p0 [tilespmem:v5+s2+$0x0], $0xffff;
	_ =	sdelay $0x4  }
0x6d: {  	s19 =	spop (v2sf);
	v6 =	vmax.f32 @!p0 v7, v6  }
0x6e: {  	[tilespmem:v5+s2+$0x0] =	vst.idx.msk @!p0 $0xffff, v6;
	p0 =	sgt.u32 s19, $0x13FF  }
0x6f: {  	s18 =	sadd.s32 @!p0 $0xFFFFFFF5, s17  }
0x70: {  	(v2sf) =	vpush v4, $0x5;
	v5 =	vbroadcast @!p0 v4, $0x4;
	v6 =	vmov @!p0 s18  }
0x71: {  	v7 =	vshll.u32 @!p0 v6, $0x3  }
0x72: {  	v6 =	vand.u32 @!p0 $0x74, v6;
	v8 =	vshll.u32 @!p0 v5, $0x3;
	v7 =	vand.u32 @!p0 $0x3C00, v7  }
0x73: {  	v5 =	vand.u32 @!p0 $0x7F, v5;
	v6 =	vor.u32 @!p0 v6, v7;
	v7 =	vand.u32 @!p0 $0xFFFFFC00, v8  }
0x74: {  	v6 =	vadd.s32 @!p0 v2, v6;
	v5 =	vor.u32 @!p0 v5, v7  }
0x75: {  	v5 =	vadd.s32 @!p0 v3, v5;
	_ =	sdelay $0x3  }
0x76: {  	v6 =	vld.idx.msk @!p0 [tilespmem:v6+s11+$0x0], $0xffff  }
0x77: {  	v7 =	vld.idx.msk @!p0 [tilespmem:v5+s2+$0x0], $0xffff;
	_ =	sdelay $0x4  }
0x78: {  	s20 =	spop (v2sf);
	v6 =	vmax.f32 @!p0 v7, v6  }
0x79: {  	[tilespmem:v5+s2+$0x0] =	vst.idx.msk @!p0 $0xffff, v6;
	p0 =	sgt.u32 s20, $0x13FF  }
0x7a: {  	s18 =	sadd.s32 @!p0 $0xFFFFFFF6, s17  }
0x7b: {  	(v2sf) =	vpush v4, $0x6;
	v5 =	vbroadcast @!p0 v4, $0x5;
	v6 =	vmov @!p0 s18  }
0x7c: {  	v7 =	vshll.u32 @!p0 v6, $0x3  }
0x7d: {  	v6 =	vand.u32 @!p0 $0x75, v6;
	v8 =	vshll.u32 @!p0 v5, $0x3;
	v7 =	vand.u32 @!p0 $0x3C00, v7  }
0x7e: {  	v5 =	vand.u32 @!p0 $0x7F, v5;
	v6 =	vor.u32 @!p0 v6, v7;
	v7 =	vand.u32 @!p0 $0xFFFFFC00, v8  }
0x7f: {  	v6 =	vadd.s32 @!p0 v2, v6;
	v5 =	vor.u32 @!p0 v5, v7  }
0x80: {  	v5 =	vadd.s32 @!p0 v3, v5;
	_ =	sdelay $0x3  }
0x81: {  	v6 =	vld.idx.msk @!p0 [tilespmem:v6+s11+$0x0], $0xffff  }
0x82: {  	v7 =	vld.idx.msk @!p0 [tilespmem:v5+s2+$0x0], $0xffff;
	_ =	sdelay $0x4  }
0x83: {  	s21 =	spop (v2sf);
	v6 =	vmax.f32 @!p0 v7, v6  }
0x84: {  	[tilespmem:v5+s2+$0x0] =	vst.idx.msk @!p0 $0xffff, v6;
	p0 =	sgt.u32 s21, $0x13FF  }
0x85: {  	s18 =	sadd.s32 @!p0 $0xFFFFFFF7, s17  }
0x86: {  	(v2sf) =	vpush v4, $0x7;
	v5 =	vbroadcast @!p0 v4, $0x6;
	v6 =	vmov @!p0 s18  }
0x87: {  	v7 =	vshll.u32 @!p0 v6, $0x3  }
0x88: {  	v6 =	vand.u32 @!p0 $0x76, v6;
	v8 =	vshll.u32 @!p0 v5, $0x3;
	v7 =	vand.u32 @!p0 $0x3C00, v7  }
0x89: {  	v5 =	vand.u32 @!p0 $0x7F, v5;
	v6 =	vor.u32 @!p0 v6, v7;
	v7 =	vand.u32 @!p0 $0xFFFFFC00, v8  }
0x8a: {  	v6 =	vadd.s32 @!p0 v2, v6;
	v5 =	vor.u32 @!p0 v5, v7  }
0x8b: {  	v5 =	vadd.s32 @!p0 v3, v5;
	_ =	sdelay $0x3  }
0x8c: {  	v6 =	vld.idx.msk @!p0 [tilespmem:v6+s11+$0x0], $0xffff  }
0x8d: {  	v7 =	vld.idx.msk @!p0 [tilespmem:v5+s2+$0x0], $0xffff;
	_ =	sdelay $0x4  }
0x8e: {  	s22 =	spop (v2sf);
	v6 =	vmax.f32 @!p0 v7, v6  }
0x8f: {  	[tilespmem:v5+s2+$0x0] =	vst.idx.msk @!p0 $0xffff, v6;
	p0 =	sgt.u32 s22, $0x13FF  }
0x90: {  	s18 =	sadd.s32 @!p0 $0xFFFFFFF8, s17  }
0x91: {  	(v2sf) =	vpush v4, $0x8;
	v5 =	vbroadcast @!p0 v4, $0x7;
	v6 =	vmov @!p0 s18  }
0x92: {  	v7 =	vshll.u32 @!p0 v6, $0x3  }
0x93: {  	v6 =	vand.u32 @!p0 $0x77, v6;
	v8 =	vshll.u32 @!p0 v5, $0x3;
	v7 =	vand.u32 @!p0 $0x3C00, v7  }
0x94: {  	v5 =	vand.u32 @!p0 $0x7F, v5;
	v6 =	vor.u32 @!p0 v6, v7;
	v7 =	vand.u32 @!p0 $0xFFFFFC00, v8  }
0x95: {  	v6 =	vadd.s32 @!p0 v2, v6;
	v5 =	vor.u32 @!p0 v5, v7  }
0x96: {  	v5 =	vadd.s32 @!p0 v3, v5;
	_ =	sdelay $0x3  }
0x97: {  	v6 =	vld.idx.msk @!p0 [tilespmem:v6+s11+$0x0], $0xffff  }
0x98: {  	v7 =	vld.idx.msk @!p0 [tilespmem:v5+s2+$0x0], $0xffff;
	_ =	sdelay $0x4  }
0x99: {  	s23 =	spop (v2sf);
	v6 =	vmax.f32 @!p0 v7, v6  }
0x9a: {  	[tilespmem:v5+s2+$0x0] =	vst.idx.msk @!p0 $0xffff, v6;
	p0 =	sgt.u32 s23, $0x13FF  }
0x9b: {  	s18 =	sadd.s32 @!p0 $0xFFFFFFF9, s17  }
0x9c: {  	(v2sf) =	vpush v4, $0x9;
	v5 =	vbroadcast @!p0 v4, $0x8;
	v6 =	vmov @!p0 s18  }
0x9d: {  	v7 =	vshll.u32 @!p0 v6, $0x3  }
0x9e: {  	v6 =	vand.u32 @!p0 $0x78, v6;
	v8 =	vshll.u32 @!p0 v5, $0x3;
	v7 =	vand.u32 @!p0 $0x3C00, v7  }
0x9f: {  	v5 =	vand.u32 @!p0 $0x7F, v5;
	v6 =	vor.u32 @!p0 v6, v7;
	v7 =	vand.u32 @!p0 $0xFFFFFC00, v8  }
0xa0: {  	v6 =	vadd.s32 @!p0 v2, v6;
	v5 =	vor.u32 @!p0 v5, v7  }
0xa1: {  	v5 =	vadd.s32 @!p0 v3, v5;
	_ =	sdelay $0x3  }
0xa2: {  	v6 =	vld.idx.msk @!p0 [tilespmem:v6+s11+$0x0], $0xffff  }
0xa3: {  	v7 =	vld.idx.msk @!p0 [tilespmem:v5+s2+$0x0], $0xffff;
	_ =	sdelay $0x4  }
0xa4: {  	s24 =	spop (v2sf);
	v6 =	vmax.f32 @!p0 v7, v6  }
0xa5: {  	[tilespmem:v5+s2+$0x0] =	vst.idx.msk @!p0 $0xffff, v6;
	p0 =	sgt.u32 s24, $0x13FF  }
0xa6: {  	s18 =	sadd.s32 @!p0 $0xFFFFFFFA, s17  }
0xa7: {  	(v2sf) =	vpush v4, $0xA;
	v5 =	vbroadcast @!p0 v4, $0x9;
	v6 =	vmov @!p0 s18  }
0xa8: {  	v7 =	vshll.u32 @!p0 v6, $0x3  }
0xa9: {  	v6 =	vand.u32 @!p0 $0x79, v6;
	v8 =	vshll.u32 @!p0 v5, $0x3;
	v7 =	vand.u32 @!p0 $0x3C00, v7  }
0xaa: {  	v5 =	vand.u32 @!p0 $0x7F, v5;
	v6 =	vor.u32 @!p0 v6, v7;
	v7 =	vand.u32 @!p0 $0xFFFFFC00, v8  }
0xab: {  	v6 =	vadd.s32 @!p0 v2, v6;
	v5 =	vor.u32 @!p0 v5, v7  }
0xac: {  	v5 =	vadd.s32 @!p0 v3, v5;
	_ =	sdelay $0x3  }
0xad: {  	v6 =	vld.idx.msk @!p0 [tilespmem:v6+s11+$0x0], $0xffff  }
0xae: {  	v7 =	vld.idx.msk @!p0 [tilespmem:v5+s2+$0x0], $0xffff;
	_ =	sdelay $0x4  }
0xaf: {  	s25 =	spop (v2sf);
	v6 =	vmax.f32 @!p0 v7, v6  }
0xb0: {  	[tilespmem:v5+s2+$0x0] =	vst.idx.msk @!p0 $0xffff, v6;
	p0 =	sgt.u32 s25, $0x13FF  }
0xb1: {  	s18 =	sadd.s32 @!p0 $0xFFFFFFFB, s17  }
0xb2: {  	(v2sf) =	vpush v4, $0xB;
	v5 =	vbroadcast @!p0 v4, $0xA;
	v6 =	vmov @!p0 s18  }
0xb3: {  	v7 =	vshll.u32 @!p0 v6, $0x3  }
0xb4: {  	v6 =	vand.u32 @!p0 $0x7A, v6;
	v8 =	vshll.u32 @!p0 v5, $0x3;
	v7 =	vand.u32 @!p0 $0x3C00, v7  }
0xb5: {  	v5 =	vand.u32 @!p0 $0x7F, v5;
	v6 =	vor.u32 @!p0 v6, v7;
	v7 =	vand.u32 @!p0 $0xFFFFFC00, v8  }
0xb6: {  	v6 =	vadd.s32 @!p0 v2, v6;
	v5 =	vor.u32 @!p0 v5, v7  }
0xb7: {  	v5 =	vadd.s32 @!p0 v3, v5;
	_ =	sdelay $0x3  }
0xb8: {  	v6 =	vld.idx.msk @!p0 [tilespmem:v6+s11+$0x0], $0xffff  }
0xb9: {  	v7 =	vld.idx.msk @!p0 [tilespmem:v5+s2+$0x0], $0xffff;
	_ =	sdelay $0x4  }
0xba: {  	s26 =	spop (v2sf);
	v6 =	vmax.f32 @!p0 v7, v6  }
0xbb: {  	[tilespmem:v5+s2+$0x0] =	vst.idx.msk @!p0 $0xffff, v6;
	p0 =	sgt.u32 s26, $0x13FF  }
0xbc: {  	s18 =	sadd.s32 @!p0 $0xFFFFFFFC, s17  }
0xbd: {  	(v2sf) =	vpush v4, $0xC;
	v5 =	vbroadcast @!p0 v4, $0xB;
	v6 =	vmov @!p0 s18  }
0xbe: {  	v7 =	vshll.u32 @!p0 v6, $0x3  }
0xbf: {  	v6 =	vand.u32 @!p0 $0x7B, v6;
	v8 =	vshll.u32 @!p0 v5, $0x3;
	v7 =	vand.u32 @!p0 $0x3C00, v7  }
0xc0: {  	v5 =	vand.u32 @!p0 $0x7F, v5;
	v6 =	vor.u32 @!p0 v6, v7;
	v7 =	vand.u32 @!p0 $0xFFFFFC00, v8  }
0xc1: {  	v6 =	vadd.s32 @!p0 v2, v6;
	v5 =	vor.u32 @!p0 v5, v7  }
0xc2: {  	v5 =	vadd.s32 @!p0 v3, v5;
	_ =	sdelay $0x3  }
0xc3: {  	v6 =	vld.idx.msk @!p0 [tilespmem:v6+s11+$0x0], $0xffff  }
0xc4: {  	v7 =	vld.idx.msk @!p0 [tilespmem:v5+s2+$0x0], $0xffff;
	_ =	sdelay $0x4  }
0xc5: {  	s28 =	spop (v2sf);
	v6 =	vmax.f32 @!p0 v7, v6  }
0xc6: {  	[tilespmem:v5+s2+$0x0] =	vst.idx.msk @!p0 $0xffff, v6;
	p0 =	sgt.u32 s28, $0x13FF  }
0xc7: {  	s18 =	sadd.s32 @!p0 $0xFFFFFFFD, s17  }
0xc8: {  	(v2sf) =	vpush v4, $0xD;
	v5 =	vbroadcast @!p0 v4, $0xC;
	v6 =	vmov @!p0 s18  }
0xc9: {  	v7 =	vshll.u32 @!p0 v6, $0x3  }
0xca: {  	v6 =	vand.u32 @!p0 $0x7C, v6;
	v8 =	vshll.u32 @!p0 v5, $0x3;
	v7 =	vand.u32 @!p0 $0x3C00, v7  }
0xcb: {  	v5 =	vand.u32 @!p0 $0x7F, v5;
	v6 =	vor.u32 @!p0 v6, v7;
	v7 =	vand.u32 @!p0 $0xFFFFFC00, v8  }
0xcc: {  	v6 =	vadd.s32 @!p0 v2, v6;
	v5 =	vor.u32 @!p0 v5, v7  }
0xcd: {  	v5 =	vadd.s32 @!p0 v3, v5;
	_ =	sdelay $0x3  }
0xce: {  	v6 =	vld.idx.msk @!p0 [tilespmem:v6+s11+$0x0], $0xffff  }
0xcf: {  	v7 =	vld.idx.msk @!p0 [tilespmem:v5+s2+$0x0], $0xffff;
	_ =	sdelay $0x4  }
0xd0: {  	s29 =	spop (v2sf);
	v6 =	vmax.f32 @!p0 v7, v6  }
0xd1: {  	[tilespmem:v5+s2+$0x0] =	vst.idx.msk @!p0 $0xffff, v6;
	p0 =	sgt.u32 s29, $0x13FF  }
0xd2: {  	s18 =	sadd.s32 @!p0 $0xFFFFFFFE, s17  }
0xd3: {  	(v2sf) =	vpush v4, $0xE;
	v5 =	vbroadcast @!p0 v4, $0xD;
	v6 =	vmov @!p0 s18  }
0xd4: {  	v7 =	vshll.u32 @!p0 v6, $0x3  }
0xd5: {  	v6 =	vand.u32 @!p0 $0x7D, v6;
	v8 =	vshll.u32 @!p0 v5, $0x3;
	v7 =	vand.u32 @!p0 $0x3C00, v7  }
0xd6: {  	v5 =	vand.u32 @!p0 $0x7F, v5;
	v6 =	vor.u32 @!p0 v6, v7;
	v7 =	vand.u32 @!p0 $0xFFFFFC00, v8  }
0xd7: {  	v6 =	vadd.s32 @!p0 v2, v6;
	v5 =	vor.u32 @!p0 v5, v7  }
0xd8: {  	v5 =	vadd.s32 @!p0 v3, v5;
	_ =	sdelay $0x3  }
0xd9: {  	v6 =	vld.idx.msk @!p0 [tilespmem:v6+s11+$0x0], $0xffff  }
0xda: {  	v7 =	vld.idx.msk @!p0 [tilespmem:v5+s2+$0x0], $0xffff;
	_ =	sdelay $0x4  }
0xdb: {  	s30 =	spop (v2sf);
	v6 =	vmax.f32 @!p0 v7, v6  }
0xdc: {  	[tilespmem:v5+s2+$0x0] =	vst.idx.msk @!p0 $0xffff, v6;
	p0 =	sgt.u32 s30, $0x13FF  }
0xdd: {  	s18 =	sadd.s32 @!p0 $0xFFFFFFFF, s17  }
0xde: {  	(v2sf) =	vpush v4, $0xF;
	v5 =	vbroadcast @!p0 v4, $0xE;
	v6 =	vmov @!p0 s18  }
0xdf: {  	v7 =	vshll.u32 @!p0 v6, $0x3  }
0xe0: {  	v6 =	vand.u32 @!p0 $0x7E, v6;
	v8 =	vshll.u32 @!p0 v5, $0x3;
	v7 =	vand.u32 @!p0 $0x3C00, v7  }
0xe1: {  	v5 =	vand.u32 @!p0 $0x7F, v5;
	v6 =	vor.u32 @!p0 v6, v7;
	v7 =	vand.u32 @!p0 $0xFFFFFC00, v8  }
0xe2: {  	v6 =	vadd.s32 @!p0 v2, v6;
	v5 =	vor.u32 @!p0 v5, v7  }
0xe3: {  	v5 =	vadd.s32 @!p0 v3, v5;
	_ =	sdelay $0x3  }
0xe4: {  	v6 =	vld.idx.msk @!p0 [tilespmem:v6+s11+$0x0], $0xffff  }
0xe5: {  	v7 =	vld.idx.msk @!p0 [tilespmem:v5+s2+$0x0], $0xffff;
	_ =	sdelay $0x4  }
0xe6: {  	s31 =	spop (v2sf);
	v6 =	vmax.f32 @!p0 v7, v6  }
0xe7: {  	[tilespmem:v5+s2+$0x0] =	vst.idx.msk @!p0 $0xffff, v6;
	p0 =	sgt.u32 s31, $0x13FF  }
0xe8: {  	v4 =	vbroadcast @!p0 v4, $0xF;
	v5 =	vmov @!p0 s17  }
0xe9: {  	v6 =	vshll.u32 @!p0 v5, $0x3  }
0xea: {  	v5 =	vand.u32 @!p0 $0x7F, v5;
	v6 =	vand.u32 @!p0 $0x3C00, v6;
	v7 =	vshll.u32 @!p0 v4, $0x3  }
0xeb: {  	v4 =	vand.u32 @!p0 $0x7F, v4;
	v5 =	vor.u32 @!p0 v5, v6;
	v6 =	vand.u32 @!p0 $0xFFFFFC00, v7  }
0xec: {  	v5 =	vadd.s32 @!p0 v2, v5;
	v4 =	vor.u32 @!p0 v4, v6  }
0xed: {  	v4 =	vadd.s32 @!p0 v3, v4;
	_ =	sdelay $0x3  }
0xee: {  	v5 =	vld.idx.msk @!p0 [tilespmem:v5+s11+$0x0], $0xffff  }
0xef: {  	v6 =	vld.idx.msk @!p0 [tilespmem:v4+s2+$0x0], $0xffff;
	_ =	sdelay $0x4  }
0xf0: {  	s17 =	sadd.s32 $0x10, s17;
	v5 =	vmax.f32 @!p0 v6, v5  }
0xf1: {  	[tilespmem:v4+s2+$0x0] =	vst.idx.msk @!p0 $0xffff, v5;
	p0 =	sne.s32 s17, $0x50F  }
.Ltmp1:
0xf2: {  	_ = 	snop;
	(pc) =	sbr.rel @p0 .LBB2_5-.Ltmp1, $2  }
0xf3: {  	_ =	sdelay $0x2  }
0xf4: {  	s16 =	sadd.s32 $0x10, s16  }
0xf5: {  	s15 =	sadd.s32 $0x1, s15  }
0xf6: {  	p0 =	sne.s32 s15, $0x7D  }
.Ltmp2:
0xf7: {  	_ = 	snop;
	(pc) =	sbr.rel @p0 .LBB2_4-.Ltmp2, $1  }
0xf8: {  	_ =	sdelay $0x3  }
0xf9: {  	s14 =	sadd.s32 $0x1, s14  }
0xfa: {  	p0 =	sne.s32 s14, s7  }
.Ltmp3:
0xfb: {  	_ = 	snop;
	(pc) =	sbr.rel @p0 .LBB2_1-.Ltmp3, $4  }
0xfc: {  	[hbm4b:s6+s12] =	stream.strided.scatter [tilespmem:s2], [sflag:$0x1], $0x14000, s13, s12, $0x38;
	[tilespmem:$0x19500] =	vst v63  }
0xfd: {  	_ =	swait.ge [sflag:s9], $0x14000  }
0xfe: {  	[sflag:s9] =	ssyncset.done $0x0  }
0xff: {  	[sflag:s9] =	ssyncadd.s32 $0xFFFEC000  }
0x100: {  	_ =	sfence.sel $0x180000  }
0x101: {  	[bflag:$0x0] =	sbarrier.arrive $0xFFFF  }
0x102: {  	p0 =	sne.s32 s0, $0x0;
	_ =	strace $0x90000053  }
0x103: {  	s0 =	sadd.s32 @!p0 $0x100000, s1;
	[bflag:$0x2] =	sbarrier.arrive $0xFFFF  }
0x104: {  	[sflag:s0] =	ssyncadd.tile.s32 @!p0 $0x1;
	_ =	shalt  }
.Lfunc_end2:
_tile_overlayer_lowered:
.L_overlay_start_2:
0x105: {  	(tag) =	ssettag $0x2  }
0x106: {  	s0 =	rddreg [dreg:$0x0];
	s2 =	stileid.u32  }
0x107: {  	s1 =	rddreg [dreg:$0x1];
	p0 =	sne.s32 s2, $0x0  }
0x108: {  	s3 =	rddreg [dreg:$0x2];
	[bflag:$0x3] =	sbarrier.arrive $0xFFFF;
	s2 =	simm.s32 @!p0 $0x1C01  }
0x109: {  	[timem:s3], [sflag:s2] =	dma.local @!p0 [hbm:s0], s1  }
0x10a: {  	s0 =	simm.s32 @!p0 $0x1  }
0x10b: {  	_ =	swait.ge @!p0 [sflag:s0], s1  }
0x10c: {  	s1 =	ssub.s32 @!p0 $0x0, s1;
	[sflag:s0] =	ssyncset.done @!p0 $0x0  }
0x10d: {  	[sflag:s0] =	ssyncadd.s32 @!p0 s1  }
0x10e: {  	[bflag:$0x3] =	sbarrier.arrive $0xFFFF  }
0x10f: {  	_ =	shalt  }

</sc_bundles>
